<compile_context>
chip_gen: v7x
topology: tpu7x:2x2x1
jax: 0.10.2.dev20260603
libtpu: 0.0.44.dev20260713+nightly
codegen_flags: <defaults>
</compile_context>

<pallas_src>
import functools

import jax
import jax.numpy as jnp
from jax import lax
from jax.experimental import pallas as pl
from jax.experimental.pallas import tpu as pltpu
from jax.experimental.pallas import tpu_sc as plsc

_MIX = 0.8
_K = 3
_BM = 512
_NC, _NS = 2, 16
_NW = _NC * _NS
_CH = 8


def _simtopk_body(lat_ref, rand_ref, idx_ref, hn_ref):
    i = pl.program_id(0)
    b = lat_ref.shape[0]

    @pl.when(i == 0)
    def _():
        h = lat_ref[...]
        norm = jnp.sqrt(jnp.sum(h * h, axis=1, keepdims=True))
        hn_ref[...] = h / jnp.maximum(norm, 1e-12)

    lhs = hn_ref[pl.ds(i * _BM, _BM), :]
    sim = lax.dot_general(
        lhs, hn_ref[...], (((1,), (1,)), ((), ())),
        preferred_element_type=jnp.float32,
    )
    rowg = i * _BM + lax.broadcasted_iota(jnp.int32, (_BM, b), 0)
    colg = lax.broadcasted_iota(jnp.int32, (_BM, b), 1)
    sim = jnp.where(rowg == colg, jnp.float32(-9e15), sim)

    nt = b // 128
    m1 = sim[:, 0:128]
    ninf = jnp.full((_BM, 128), -jnp.inf, jnp.float32)
    m2 = ninf
    m3 = ninf
    for q in range(1, nt):
        t = sim[:, q * 128:(q + 1) * 128]
        lo1 = jnp.minimum(m1, t)
        m1 = jnp.maximum(m1, t)
        lo2 = jnp.minimum(m2, lo1)
        m2 = jnp.maximum(m2, lo1)
        m3 = jnp.maximum(m3, lo2)
    cat = jnp.concatenate([m1, m2, m3], axis=1)
    v1 = jnp.max(cat, axis=1, keepdims=True)
    c2 = jnp.where(cat == v1, -jnp.inf, cat)
    v2 = jnp.max(c2, axis=1, keepdims=True)
    c3 = jnp.where(c2 == v2, -jnp.inf, c2)
    v3 = jnp.max(c3, axis=1, keepdims=True)
    r = rand_ref[...]
    v = jnp.where(r == 0, v1, jnp.where(r == 1, v2, v3))
    cand = jnp.where(sim == v, colg, b)
    idx_ref[...] = jnp.min(cand, axis=1, keepdims=True)


def _sc_gathermix(x_hbm, idx_hbm, out_hbm, idx_v, xn_v, xo_v, yy_v,
                  sem_in, sem_out):
    nch_total = idx_hbm.shape[0]
    nch = nch_total // _NW
    wid = lax.axis_index("s") * _NC + lax.axis_index("c")
    base = wid * (nch * _CH)

    pltpu.sync_copy(idx_hbm.at[pl.ds(wid * nch, nch)], idx_v)

    def start(c):
        s = c % 2
        rb = pl.multiple_of(base + c * _CH, 8)
        hn = pltpu.async_copy(x_hbm.at[idx_v.at[c]], xn_v.at[s], sem_in)
        ho = pltpu.async_copy(x_hbm.at[pl.ds(rb, _CH)], xo_v.at[s], sem_in)
        return hn, ho

    def mix(s):
        def row(r, _):
            def col(j, _):
                sl = pl.ds(j * 16, 16)
                yy_v[s, r, sl] = (_MIX * xo_v[s, r, sl]
                                  + (1.0 - _MIX) * xn_v[s, r, sl])
                return 0
            return lax.fori_loop(0, xn_v.shape[2] // 16, col, 0)
        lax.fori_loop(0, _CH, row, 0)

    h = start(0)
    so = [None, None]
    for c in range(nch):
        s = c % 2
        nh = start(c + 1) if c + 1 < nch else None
        h[0].wait()
        h[1].wait()
        if so[s] is not None:
            so[s].wait()
        mix(s)
        rb = pl.multiple_of(base + c * _CH, 8)
        so[s] = pltpu.async_copy(yy_v.at[s], out_hbm.at[pl.ds(rb, _CH)],
                                 sem_out)
        h = nh
    for hh in so:
        if hh is not None:
            hh.wait()


def kernel(x, latent):
    b, d = x.shape

    rkey = jax.random.fold_in(jax.random.key(0), 123)
    rand_idx = jax.random.randint(rkey, (b,), 0, _K).astype(jnp.int32)

    idx2d = pl.pallas_call(
        _simtopk_body,
        grid=(b // _BM,),
        in_specs=[
            pl.BlockSpec(latent.shape, lambda i: (0, 0)),
            pl.BlockSpec((_BM, 1), lambda i: (i, 0)),
        ],
        out_specs=pl.BlockSpec((_BM, 1), lambda i: (i, 0)),
        out_shape=jax.ShapeDtypeStruct((b, 1), jnp.int32),
        scratch_shapes=[pltpu.VMEM(latent.shape, jnp.float32)],
        compiler_params=pltpu.CompilerParams(
            dimension_semantics=("arbitrary",),
        ),
    )(latent, rand_idx.reshape(b, 1))
    nbr = idx2d.reshape(b // _CH, _CH)

    gathermix = pl.kernel(
        _sc_gathermix,
        out_type=jax.ShapeDtypeStruct((b, d), jnp.float32),
        mesh=plsc.VectorSubcoreMesh(
            core_axis_name="c", subcore_axis_name="s",
            num_cores=_NC, num_subcores=_NS,
        ),
        scratch_types=[
            pltpu.VMEM((b // _CH // _NW, _CH), jnp.int32),
            pltpu.VMEM((2, _CH, d), jnp.float32),
            pltpu.VMEM((2, _CH, d), jnp.float32),
            pltpu.VMEM((2, _CH, d), jnp.float32),
            pltpu.SemaphoreType.DMA,
            pltpu.SemaphoreType.DMA,
        ],
    )
    return gathermix(x, nbr)

# --- scband reference (transcript-rebuilt; emitter-appended) ---
"""Pipeline reference for scband-neighborhood-augmenter-21414706938291 (READ-ONLY COPY).

The authoritative reference and input builder live on the scoring server;
editing this copy changes nothing except your own understanding.
"""

import jax, jax.numpy as jnp
import numpy as np

MODE = 'mixup'
MIX_RATIO = 0.8
K_NEIGHBORS = 3


def setup_inputs(seed: int = 0) -> dict:
    key = jax.random.key(seed)
    k1, k2 = jax.random.split(key)
    x = jax.random.uniform(k1, (4096, 2048), dtype=jnp.float32)
    latent = jax.random.normal(k2, (4096, 256), dtype=jnp.float32)
    return {"x": x, "latent": latent}


def reference(x, latent):
    batch_size = x.shape[0]
    k = min(K_NEIGHBORS, batch_size - 1)
    if k == 0:
        return x
    # latent is detached in the torch module
    h = jax.lax.stop_gradient(latent)
    # F.normalize(h, dim=1): h / max(||h||, eps)
    norm = jnp.linalg.norm(h, axis=1, keepdims=True)
    h_norm = h / jnp.maximum(norm, 1e-12)
    sim = jnp.matmul(h_norm, h_norm.T)
    mask_self = jnp.eye(batch_size, dtype=bool)
    sim = jnp.where(mask_self, jnp.float32(-9e15), sim)
    _, topk_idx = jax.lax.top_k(sim, k)
    rkey = jax.random.fold_in(jax.random.key(0), 123)
    rand_idx = jax.random.randint(rkey, (batch_size,), 0, k)
    neighbor_idx = topk_idx[jnp.arange(batch_size), rand_idx]
    x_neighbor = x[neighbor_idx]
    # mode == 'mixup'
    x_aug = MIX_RATIO * x + (1.0 - MIX_RATIO) * x_neighbor
    return x_aug

if __name__ == "__main__":
    import jax
    _d = setup_inputs()
    print(jax.jit(kernel)(*tuple(_d.values())))

</pallas_src>

<mosaic_0001>
#map = affine_map<(d0, d1) -> (0, 0)>
module attributes {stable_mosaic.version = 14 : i64} {
  func.func @_sc_gathermix(%arg0: i32, %arg1: i32, %arg2: memref<4096x2048xf32, #tpu.memory_space<hbm>>, %arg3: memref<512x8xi32, #tpu.memory_space<hbm>>, %arg4: memref<4096x2048xf32, #tpu.memory_space<hbm>>, %arg5: memref<16x8xi32, #tpu.memory_space<vmem>>, %arg6: memref<2x8x2048xf32, #tpu.memory_space<vmem>>, %arg7: memref<2x8x2048xf32, #tpu.memory_space<vmem>>, %arg8: memref<2x8x2048xf32, #tpu.memory_space<vmem>>, %arg9: memref<!tpu.dma_semaphore, #tpu.memory_space<semaphore_mem>>, %arg10: memref<!tpu.dma_semaphore, #tpu.memory_space<semaphore_mem>>) attributes {dimension_semantics = [#tpu.dimension_semantics<core_parallel>, #tpu.dimension_semantics<subcore_parallel>], iteration_bounds = array<i64: 2, 16>, scalar_prefetch = 0 : i64, scratch_operands = 6 : i64, tpu.core_type = #tpu.core_type<sc_vector_subcore>, window_params = [{transform_indices = #map}, {transform_indices = #map}, {transform_indices = #map}]} {
    %mul3A = arith.constant 2 : i32
    %mul3A_0 = arith.muli %arg1, %mul3A : i32
    %add3A = arith.addi %mul3A_0, %arg0 : i32
    %mul3A_1 = arith.constant 128 : i32
    %mul3A_2 = arith.muli %add3A, %mul3A_1 : i32
    %mul3A_3 = arith.constant 16 : i32
    %mul3A_4 = arith.muli %add3A, %mul3A_3 : i32
    "tpu.region"() ({
      %run_scoped3A = tpu.sem_alloc : memref<!tpu.dma_semaphore, #tpu.memory_space<semaphore_mem>>
      %dma_start3A_1425 = arith.constant 0 : i32
      %dma_start3A_1426 = tpu.memref_slice %arg3[%mul3A_4, %dma_start3A_1425] : memref<512x8xi32, #tpu.memory_space<hbm>> -> memref<16x8xi32, #tpu.memory_space<hbm>>
      %dma_start3A_1427 = arith.constant 0 : i32
      %dma_start3A_1428 = tpu.memref_slice %arg3[%mul3A_4, %dma_start3A_1427] : memref<512x8xi32, #tpu.memory_space<hbm>> -> memref<16x8xi32, #tpu.memory_space<hbm>>
      tpu.enqueue_dma source(%dma_start3A_1428 : memref<16x8xi32, #tpu.memory_space<hbm>>) target(%arg5 : memref<16x8xi32, #tpu.memory_space<vmem>>) target_semaphore(%run_scoped3A : memref<!tpu.dma_semaphore, #tpu.memory_space<semaphore_mem>>)
      %dma_wait3A_1429 = arith.constant 0 : i32
      %dma_wait3A_1430 = tpu.memref_slice %arg3[%mul3A_4, %dma_wait3A_1429] : memref<512x8xi32, #tpu.memory_space<hbm>> -> memref<16x8xi32, #tpu.memory_space<hbm>>
      %dma_wait3A_1431 = arith.constant 0 : i32
      %dma_wait3A_1432 = tpu.memref_slice %arg3[%mul3A_4, %dma_wait3A_1431] : memref<512x8xi32, #tpu.memory_space<hbm>> -> memref<16x8xi32, #tpu.memory_space<hbm>>
      tpu.wait_dma2 semaphore(%run_scoped3A : memref<!tpu.dma_semaphore, #tpu.memory_space<semaphore_mem>>) src(%dma_wait3A_1432 : memref<16x8xi32, #tpu.memory_space<hbm>>) dst(%arg5 : memref<16x8xi32, #tpu.memory_space<vmem>>)
      tpu.yield
    }) : () -> ()
    %add3A_5 = arith.constant 0 : i32
    %add3A_6 = arith.addi %mul3A_2, %add3A_5 : i32
    %multiple_of3A = tpu.assume_multiple %add3A_6, 8 : i32
    %dma_start3A = arith.constant 0 : i32
    %dma_start3A_7 = arith.constant 0 : i32
    %dma_start3A_8 = arith.constant 0 : i32
    %dma_start3A_9 = arith.constant 0 : i32
    %dma_start3A_10 = tpu.memref_slice %arg6[%dma_start3A_7, %dma_start3A_8, %dma_start3A_9] : memref<2x8x2048xf32, #tpu.memory_space<vmem>> -> memref<1x8x2048xf32, #tpu.memory_space<vmem>>
    %dma_start3A_11 = tpu.memref_squeeze %dma_start3A_10 : memref<1x8x2048xf32, #tpu.memory_space<vmem>> -> memref<8x2048xf32, #tpu.memory_space<vmem>>
    %dma_start3A_12 = arith.constant 0 : i32
    %dma_start3A_13 = tpu.memref_slice %arg5[%dma_start3A, %dma_start3A_12] : memref<16x8xi32, #tpu.memory_space<vmem>> -> memref<1x8xi32, #tpu.memory_space<vmem>>
    %dma_start3A_14 = tpu.memref_squeeze %dma_start3A_13 : memref<1x8xi32, #tpu.memory_space<vmem>> -> memref<8xi32, #tpu.memory_space<vmem>>
    %dma_start3A_15 = arith.constant 0 : i32
    %dma_start3A_16 = arith.constant 0 : i32
    %dma_start3A_17 = tpu.memref_slice %arg2[%dma_start3A_15, %dma_start3A_16] : memref<4096x2048xf32, #tpu.memory_space<hbm>> -> memref<4096x2048xf32, #tpu.memory_space<hbm>>
    tpu.enqueue_indirect_dma source(%dma_start3A_17 : memref<4096x2048xf32, #tpu.memory_space<hbm>>) target(%dma_start3A_11 : memref<8x2048xf32, #tpu.memory_space<vmem>>) offsets(%dma_start3A_14 : memref<8xi32, #tpu.memory_space<vmem>>) semaphore(%arg9 : memref<!tpu.dma_semaphore, #tpu.memory_space<semaphore_mem>>)
    %dma_start3A_18 = arith.constant 0 : i32
    %dma_start3A_19 = arith.constant 0 : i32
    %dma_start3A_20 = arith.constant 0 : i32
    %dma_start3A_21 = tpu.memref_slice %arg7[%dma_start3A_18, %dma_start3A_19, %dma_start3A_20] : memref<2x8x2048xf32, #tpu.memory_space<vmem>> -> memref<1x8x2048xf32, #tpu.memory_space<vmem>>
    %dma_start3A_22 = tpu.memref_squeeze %dma_start3A_21 : memref<1x8x2048xf32, #tpu.memory_space<vmem>> -> memref<8x2048xf32, #tpu.memory_space<vmem>>
    %dma_start3A_23 = arith.constant 0 : i32
    %dma_start3A_24 = tpu.memref_slice %arg2[%multiple_of3A, %dma_start3A_23] : memref<4096x2048xf32, #tpu.memory_space<hbm>> -> memref<8x2048xf32, #tpu.memory_space<hbm>>
    %dma_start3A_25 = arith.constant 0 : i32
    %dma_start3A_26 = arith.constant 0 : i32
    %dma_start3A_27 = tpu.memref_slice %arg7[%dma_start3A_18, %dma_start3A_25, %dma_start3A_26] : memref<2x8x2048xf32, #tpu.memory_space<vmem>> -> memref<1x8x2048xf32, #tpu.memory_space<vmem>>
    %dma_start3A_28 = tpu.memref_squeeze %dma_start3A_27 : memref<1x8x2048xf32, #tpu.memory_space<vmem>> -> memref<8x2048xf32, #tpu.memory_space<vmem>>
    %dma_start3A_29 = arith.constant 0 : i32
    %dma_start3A_30 = tpu.memref_slice %arg2[%multiple_of3A, %dma_start3A_29] : memref<4096x2048xf32, #tpu.memory_space<hbm>> -> memref<8x2048xf32, #tpu.memory_space<hbm>>
    tpu.enqueue_dma source(%dma_start3A_30 : memref<8x2048xf32, #tpu.memory_space<hbm>>) target(%dma_start3A_28 : memref<8x2048xf32, #tpu.memory_space<vmem>>) target_semaphore(%arg9 : memref<!tpu.dma_semaphore, #tpu.memory_space<semaphore_mem>>)
    %add3A_31 = arith.constant 8 : i32
    %add3A_32 = arith.addi %mul3A_2, %add3A_31 : i32
    %multiple_of3A_33 = tpu.assume_multiple %add3A_32, 8 : i32
    %dma_start3A_34 = arith.constant 1 : i32
    %dma_start3A_35 = arith.constant 1 : i32
    %dma_start3A_36 = arith.constant 0 : i32
    %dma_start3A_37 = arith.constant 0 : i32
    %dma_start3A_38 = tpu.memref_slice %arg6[%dma_start3A_35, %dma_start3A_36, %dma_start3A_37] : memref<2x8x2048xf32, #tpu.memory_space<vmem>> -> memref<1x8x2048xf32, #tpu.memory_space<vmem>>
    %dma_start3A_39 = tpu.memref_squeeze %dma_start3A_38 : memref<1x8x2048xf32, #tpu.memory_space<vmem>> -> memref<8x2048xf32, #tpu.memory_space<vmem>>
    %dma_start3A_40 = arith.constant 0 : i32
    %dma_start3A_41 = tpu.memref_slice %arg5[%dma_start3A_34, %dma_start3A_40] : memref<16x8xi32, #tpu.memory_space<vmem>> -> memref<1x8xi32, #tpu.memory_space<vmem>>
    %dma_start3A_42 = tpu.memref_squeeze %dma_start3A_41 : memref<1x8xi32, #tpu.memory_space<vmem>> -> memref<8xi32, #tpu.memory_space<vmem>>
    %dma_start3A_43 = arith.constant 0 : i32
    %dma_start3A_44 = arith.constant 0 : i32
    %dma_start3A_45 = tpu.memref_slice %arg2[%dma_start3A_43, %dma_start3A_44] : memref<4096x2048xf32, #tpu.memory_space<hbm>> -> memref<4096x2048xf32, #tpu.memory_space<hbm>>
    tpu.enqueue_indirect_dma source(%dma_start3A_45 : memref<4096x2048xf32, #tpu.memory_space<hbm>>) target(%dma_start3A_39 : memref<8x2048xf32, #tpu.memory_space<vmem>>) offsets(%dma_start3A_42 : memref<8xi32, #tpu.memory_space<vmem>>) semaphore(%arg9 : memref<!tpu.dma_semaphore, #tpu.memory_space<semaphore_mem>>)
    %dma_start3A_46 = arith.constant 1 : i32
    %dma_start3A_47 = arith.constant 0 : i32
    %dma_start3A_48 = arith.constant 0 : i32
    %dma_start3A_49 = tpu.memref_slice %arg7[%dma_start3A_46, %dma_start3A_47, %dma_start3A_48] : memref<2x8x2048xf32, #tpu.memory_space<vmem>> -> memref<1x8x2048xf32, #tpu.memory_space<vmem>>
    %dma_start3A_50 = tpu.memref_squeeze %dma_start3A_49 : memref<1x8x2048xf32, #tpu.memory_space<vmem>> -> memref<8x2048xf32, #tpu.memory_space<vmem>>
    %dma_start3A_51 = arith.constant 0 : i32
    %dma_start3A_52 = tpu.memref_slice %arg2[%multiple_of3A_33, %dma_start3A_51] : memref<4096x2048xf32, #tpu.memory_space<hbm>> -> memref<8x2048xf32, #tpu.memory_space<hbm>>
    %dma_start3A_53 = arith.constant 0 : i32
    %dma_start3A_54 = arith.constant 0 : i32
    %dma_start3A_55 = tpu.memref_slice %arg7[%dma_start3A_46, %dma_start3A_53, %dma_start3A_54] : memref<2x8x2048xf32, #tpu.memory_space<vmem>> -> memref<1x8x2048xf32, #tpu.memory_space<vmem>>
    %dma_start3A_56 = tpu.memref_squeeze %dma_start3A_55 : memref<1x8x2048xf32, #tpu.memory_space<vmem>> -> memref<8x2048xf32, #tpu.memory_space<vmem>>
    %dma_start3A_57 = arith.constant 0 : i32
    %dma_start3A_58 = tpu.memref_slice %arg2[%multiple_of3A_33, %dma_start3A_57] : memref<4096x2048xf32, #tpu.memory_space<hbm>> -> memref<8x2048xf32, #tpu.memory_space<hbm>>
    tpu.enqueue_dma source(%dma_start3A_58 : memref<8x2048xf32, #tpu.memory_space<hbm>>) target(%dma_start3A_56 : memref<8x2048xf32, #tpu.memory_space<vmem>>) target_semaphore(%arg9 : memref<!tpu.dma_semaphore, #tpu.memory_space<semaphore_mem>>)
    %dma_wait3A = arith.constant 0 : i32
    %dma_wait3A_59 = arith.constant 0 : i32
    %dma_wait3A_60 = arith.constant 0 : i32
    %dma_wait3A_61 = arith.constant 0 : i32
    %dma_wait3A_62 = tpu.memref_slice %arg6[%dma_wait3A_59, %dma_wait3A_60, %dma_wait3A_61] : memref<2x8x2048xf32, #tpu.memory_space<vmem>> -> memref<1x8x2048xf32, #tpu.memory_space<vmem>>
    %dma_wait3A_63 = tpu.memref_squeeze %dma_wait3A_62 : memref<1x8x2048xf32, #tpu.memory_space<vmem>> -> memref<8x2048xf32, #tpu.memory_space<vmem>>
    %dma_wait3A_64 = arith.constant 0 : i32
    %dma_wait3A_65 = tpu.memref_slice %arg5[%dma_wait3A, %dma_wait3A_64] : memref<16x8xi32, #tpu.memory_space<vmem>> -> memref<1x8xi32, #tpu.memory_space<vmem>>
    %dma_wait3A_66 = tpu.memref_squeeze %dma_wait3A_65 : memref<1x8xi32, #tpu.memory_space<vmem>> -> memref<8xi32, #tpu.memory_space<vmem>>
    %dma_wait3A_67 = arith.constant 0 : i32
    %dma_wait3A_68 = arith.constant 0 : i32
    %dma_wait3A_69 = tpu.memref_slice %arg2[%dma_wait3A_67, %dma_wait3A_68] : memref<4096x2048xf32, #tpu.memory_space<hbm>> -> memref<4096x2048xf32, #tpu.memory_space<hbm>>
    tpu.wait_indirect_dma semaphore(%arg9 : memref<!tpu.dma_semaphore, #tpu.memory_space<semaphore_mem>>) src(%dma_wait3A_69 : memref<4096x2048xf32, #tpu.memory_space<hbm>>) dst(%dma_wait3A_63 : memref<8x2048xf32, #tpu.memory_space<vmem>>)
    %dma_wait3A_70 = arith.constant 0 : i32
    %dma_wait3A_71 = arith.constant 0 : i32
    %dma_wait3A_72 = arith.constant 0 : i32
    %dma_wait3A_73 = tpu.memref_slice %arg7[%dma_wait3A_70, %dma_wait3A_71, %dma_wait3A_72] : memref<2x8x2048xf32, #tpu.memory_space<vmem>> -> memref<1x8x2048xf32, #tpu.memory_space<vmem>>
    %dma_wait3A_74 = tpu.memref_squeeze %dma_wait3A_73 : memref<1x8x2048xf32, #tpu.memory_space<vmem>> -> memref<8x2048xf32, #tpu.memory_space<vmem>>
    %dma_wait3A_75 = arith.constant 0 : i32
    %dma_wait3A_76 = tpu.memref_slice %arg2[%multiple_of3A, %dma_wait3A_75] : memref<4096x2048xf32, #tpu.memory_space<hbm>> -> memref<8x2048xf32, #tpu.memory_space<hbm>>
    %dma_wait3A_77 = arith.constant 0 : i32
    %dma_wait3A_78 = arith.constant 0 : i32
    %dma_wait3A_79 = tpu.memref_slice %arg7[%dma_wait3A_70, %dma_wait3A_77, %dma_wait3A_78] : memref<2x8x2048xf32, #tpu.memory_space<vmem>> -> memref<1x8x2048xf32, #tpu.memory_space<vmem>>
    %dma_wait3A_80 = tpu.memref_squeeze %dma_wait3A_79 : memref<1x8x2048xf32, #tpu.memory_space<vmem>> -> memref<8x2048xf32, #tpu.memory_space<vmem>>
    %dma_wait3A_81 = arith.constant 0 : i32
    %dma_wait3A_82 = tpu.memref_slice %arg2[%multiple_of3A, %dma_wait3A_81] : memref<4096x2048xf32, #tpu.memory_space<hbm>> -> memref<8x2048xf32, #tpu.memory_space<hbm>>
    tpu.wait_dma2 semaphore(%arg9 : memref<!tpu.dma_semaphore, #tpu.memory_space<semaphore_mem>>) src(%dma_wait3A_82 : memref<8x2048xf32, #tpu.memory_space<hbm>>) dst(%dma_wait3A_80 : memref<8x2048xf32, #tpu.memory_space<vmem>>)
    %scan3A = arith.constant 0 : i32
    %scan3A_83 = arith.constant 0 : i32
    %scan3A_84 = arith.constant 8 : i32
    %scan3A_85 = arith.addi %scan3A_83, %scan3A_84 : i32
    %scan3A_86 = arith.constant 1 : i32
    %scan3A_87 = scf.for %scan3A_1425 = %scan3A_83 to %scan3A_85 step %scan3A_86 iter_args(%scan3A_1426 = %scan3A) -> (i32)  : i32 {
      %scan3A_1427 = arith.constant 0 : i32
      %scan3A_1428 = arith.constant 0 : i32
      %scan3A_1429 = arith.constant 128 : i32
      %scan3A_1430 = arith.addi %scan3A_1428, %scan3A_1429 : i32
      %scan3A_1431 = arith.constant 1 : i32
      %scan3A_1432 = scf.for %scan3A_1434 = %scan3A_1428 to %scan3A_1430 step %scan3A_1431 iter_args(%scan3A_1435 = %scan3A_1427) -> (i32)  : i32 {
        %mul3A_1436 = arith.constant 16 : i32
        %mul3A_1437 = arith.muli %scan3A_1434, %mul3A_1436 : i32
        %get3A = arith.constant 0 : i32
        %get3A_1438 = arith.index_cast %get3A : i32 to index
        %get3A_1439 = arith.index_cast %scan3A_1425 : i32 to index
        %get3A_1440 = arith.index_cast %mul3A_1437 : i32 to index
        %get3A_1441 = tpu.vector_load %arg7[%get3A_1438, %get3A_1439, %get3A_1440] {strides = array<i32>} : memref<2x8x2048xf32, #tpu.memory_space<vmem>>, vector<1x1x16xf32>,
        %get3A_1442 = vector.shape_cast %get3A_1441 : vector<1x1x16xf32> to vector<16xf32>
        %mul3A_1443 = arith.constant 8.000000e-01 : f32
        %mul3A_1444 = vector.broadcast %mul3A_1443 : f32 to vector<16xf32>
        %mul3A_1445 = arith.mulf %mul3A_1444, %get3A_1442 : vector<16xf32>
        %get3A_1446 = arith.constant 0 : i32
        %get3A_1447 = arith.index_cast %get3A_1446 : i32 to index
        %get3A_1448 = arith.index_cast %scan3A_1425 : i32 to index
        %get3A_1449 = arith.index_cast %mul3A_1437 : i32 to index
        %get3A_1450 = tpu.vector_load %arg6[%get3A_1447, %get3A_1448, %get3A_1449] {strides = array<i32>} : memref<2x8x2048xf32, #tpu.memory_space<vmem>>, vector<1x1x16xf32>,
        %get3A_1451 = vector.shape_cast %get3A_1450 : vector<1x1x16xf32> to vector<16xf32>
        %mul3A_1452 = arith.constant 2.000000e-01 : f32
        %mul3A_1453 = vector.broadcast %mul3A_1452 : f32 to vector<16xf32>
        %mul3A_1454 = arith.mulf %mul3A_1453, %get3A_1451 : vector<16xf32>
        %add3A_1455 = arith.addf %mul3A_1445, %mul3A_1454 : vector<16xf32>
        %swap3A = arith.constant 0 : i32
        %swap3A_1456 = arith.index_cast %swap3A : i32 to index
        %swap3A_1457 = arith.index_cast %scan3A_1425 : i32 to index
        %swap3A_1458 = arith.index_cast %mul3A_1437 : i32 to index
        %swap3A_1459 = tpu.vector_load %arg8[%swap3A_1456, %swap3A_1457, %swap3A_1458] {strides = array<i32>} : memref<2x8x2048xf32, #tpu.memory_space<vmem>>, vector<1x1x16xf32>,
        %swap3A_1460 = vector.shape_cast %swap3A_1459 : vector<1x1x16xf32> to vector<16xf32>
        %swap3A_1461 = vector.shape_cast %add3A_1455 : vector<16xf32> to vector<1x1x16xf32>
        tpu.vector_store %arg8[%swap3A_1456, %swap3A_1457, %swap3A_1458], %swap3A_1461 {strides = array<i32>} : memref<2x8x2048xf32, #tpu.memory_space<vmem>>, vector<1x1x16xf32>,
        %scan3A_1462 = arith.constant 0 : i32
        scf.yield %scan3A_1462 : i32
      }
      %scan3A_1433 = arith.constant 128 : i32
      scf.yield %scan3A_1432 : i32
    }
    %scan3A_88 = arith.constant 8 : i32
    %add3A_89 = arith.constant 0 : i32
    %add3A_90 = arith.addi %mul3A_2, %add3A_89 : i32
    %multiple_of3A_91 = tpu.assume_multiple %add3A_90, 8 : i32
    %dma_start3A_92 = arith.constant 0 : i32
    %dma_start3A_93 = arith.constant 0 : i32
    %dma_start3A_94 = arith.constant 0 : i32
    %dma_start3A_95 = tpu.memref_slice %arg8[%dma_start3A_92, %dma_start3A_93, %dma_start3A_94] : memref<2x8x2048xf32, #tpu.memory_space<vmem>> -> memref<1x8x2048xf32, #tpu.memory_space<vmem>>
    %dma_start3A_96 = tpu.memref_squeeze %dma_start3A_95 : memref<1x8x2048xf32, #tpu.memory_space<vmem>> -> memref<8x2048xf32, #tpu.memory_space<vmem>>
    %dma_start3A_97 = arith.constant 0 : i32
    %dma_start3A_98 = tpu.memref_slice %arg4[%multiple_of3A_91, %dma_start3A_97] : memref<4096x2048xf32, #tpu.memory_space<hbm>> -> memref<8x2048xf32, #tpu.memory_space<hbm>>
    %dma_start3A_99 = arith.constant 0 : i32
    %dma_start3A_100 = tpu.memref_slice %arg4[%multiple_of3A_91, %dma_start3A_99] : memref<4096x2048xf32, #tpu.memory_space<hbm>> -> memref<8x2048xf32, #tpu.memory_space<hbm>>
    %dma_start3A_101 = arith.constant 0 : i32
    %dma_start3A_102 = arith.constant 0 : i32
    %dma_start3A_103 = tpu.memref_slice %arg8[%dma_start3A_92, %dma_start3A_101, %dma_start3A_102] : memref<2x8x2048xf32, #tpu.memory_space<vmem>> -> memref<1x8x2048xf32, #tpu.memory_space<vmem>>
    %dma_start3A_104 = tpu.memref_squeeze %dma_start3A_103 : memref<1x8x2048xf32, #tpu.memory_space<vmem>> -> memref<8x2048xf32, #tpu.memory_space<vmem>>
    tpu.enqueue_dma source(%dma_start3A_104 : memref<8x2048xf32, #tpu.memory_space<vmem>>) target(%dma_start3A_100 : memref<8x2048xf32, #tpu.memory_space<hbm>>) target_semaphore(%arg10 : memref<!tpu.dma_semaphore, #tpu.memory_space<semaphore_mem>>)
    %add3A_105 = arith.constant 16 : i32
    %add3A_106 = arith.addi %mul3A_2, %add3A_105 : i32
    %multiple_of3A_107 = tpu.assume_multiple %add3A_106, 8 : i32
    %dma_start3A_108 = arith.constant 2 : i32
    %dma_start3A_109 = arith.constant 0 : i32
    %dma_start3A_110 = arith.constant 0 : i32
    %dma_start3A_111 = arith.constant 0 : i32
    %dma_start3A_112 = tpu.memref_slice %arg6[%dma_start3A_109, %dma_start3A_110, %dma_start3A_111] : memref<2x8x2048xf32, #tpu.memory_space<vmem>> -> memref<1x8x2048xf32, #tpu.memory_space<vmem>>
    %dma_start3A_113 = tpu.memref_squeeze %dma_start3A_112 : memref<1x8x2048xf32, #tpu.memory_space<vmem>> -> memref<8x2048xf32, #tpu.memory_space<vmem>>
    %dma_start3A_114 = arith.constant 0 : i32
    %dma_start3A_115 = tpu.memref_slice %arg5[%dma_start3A_108, %dma_start3A_114] : memref<16x8xi32, #tpu.memory_space<vmem>> -> memref<1x8xi32, #tpu.memory_space<vmem>>
    %dma_start3A_116 = tpu.memref_squeeze %dma_start3A_115 : memref<1x8xi32, #tpu.memory_space<vmem>> -> memref<8xi32, #tpu.memory_space<vmem>>
    %dma_start3A_117 = arith.constant 0 : i32
    %dma_start3A_118 = arith.constant 0 : i32
    %dma_start3A_119 = tpu.memref_slice %arg2[%dma_start3A_117, %dma_start3A_118] : memref<4096x2048xf32, #tpu.memory_space<hbm>> -> memref<4096x2048xf32, #tpu.memory_space<hbm>>
    tpu.enqueue_indirect_dma source(%dma_start3A_119 : memref<4096x2048xf32, #tpu.memory_space<hbm>>) target(%dma_start3A_113 : memref<8x2048xf32, #tpu.memory_space<vmem>>) offsets(%dma_start3A_116 : memref<8xi32, #tpu.memory_space<vmem>>) semaphore(%arg9 : memref<!tpu.dma_semaphore, #tpu.memory_space<semaphore_mem>>)
    %dma_start3A_120 = arith.constant 0 : i32
    %dma_start3A_121 = arith.constant 0 : i32
    %dma_start3A_122 = arith.constant 0 : i32
    %dma_start3A_123 = tpu.memref_slice %arg7[%dma_start3A_120, %dma_start3A_121, %dma_start3A_122] : memref<2x8x2048xf32, #tpu.memory_space<vmem>> -> memref<1x8x2048xf32, #tpu.memory_space<vmem>>
    %dma_start3A_124 = tpu.memref_squeeze %dma_start3A_123 : memref<1x8x2048xf32, #tpu.memory_space<vmem>> -> memref<8x2048xf32, #tpu.memory_space<vmem>>
    %dma_start3A_125 = arith.constant 0 : i32
    %dma_start3A_126 = tpu.memref_slice %arg2[%multiple_of3A_107, %dma_start3A_125] : memref<4096x2048xf32, #tpu.memory_space<hbm>> -> memref<8x2048xf32, #tpu.memory_space<hbm>>
    %dma_start3A_127 = arith.constant 0 : i32
    %dma_start3A_128 = arith.constant 0 : i32
    %dma_start3A_129 = tpu.memref_slice %arg7[%dma_start3A_120, %dma_start3A_127, %dma_start3A_128] : memref<2x8x2048xf32, #tpu.memory_space<vmem>> -> memref<1x8x2048xf32, #tpu.memory_space<vmem>>
    %dma_start3A_130 = tpu.memref_squeeze %dma_start3A_129 : memref<1x8x2048xf32, #tpu.memory_space<vmem>> -> memref<8x2048xf32, #tpu.memory_space<vmem>>
    %dma_start3A_131 = arith.constant 0 : i32
    %dma_start3A_132 = tpu.memref_slice %arg2[%multiple_of3A_107, %dma_start3A_131] : memref<4096x2048xf32, #tpu.memory_space<hbm>> -> memref<8x2048xf32, #tpu.memory_space<hbm>>
    tpu.enqueue_dma source(%dma_start3A_132 : memref<8x2048xf32, #tpu.memory_space<hbm>>) target(%dma_start3A_130 : memref<8x2048xf32, #tpu.memory_space<vmem>>) target_semaphore(%arg9 : memref<!tpu.dma_semaphore, #tpu.memory_space<semaphore_mem>>)
    %dma_wait3A_133 = arith.constant 1 : i32
    %dma_wait3A_134 = arith.constant 1 : i32
    %dma_wait3A_135 = arith.constant 0 : i32
    %dma_wait3A_136 = arith.constant 0 : i32
    %dma_wait3A_137 = tpu.memref_slice %arg6[%dma_wait3A_134, %dma_wait3A_135, %dma_wait3A_136] : memref<2x8x2048xf32, #tpu.memory_space<vmem>> -> memref<1x8x2048xf32, #tpu.memory_space<vmem>>
    %dma_wait3A_138 = tpu.memref_squeeze %dma_wait3A_137 : memref<1x8x2048xf32, #tpu.memory_space<vmem>> -> memref<8x2048xf32, #tpu.memory_space<vmem>>
    %dma_wait3A_139 = arith.constant 0 : i32
    %dma_wait3A_140 = tpu.memref_slice %arg5[%dma_wait3A_133, %dma_wait3A_139] : memref<16x8xi32, #tpu.memory_space<vmem>> -> memref<1x8xi32, #tpu.memory_space<vmem>>
    %dma_wait3A_141 = tpu.memref_squeeze %dma_wait3A_140 : memref<1x8xi32, #tpu.memory_space<vmem>> -> memref<8xi32, #tpu.memory_space<vmem>>
    %dma_wait3A_142 = arith.constant 0 : i32
    %dma_wait3A_143 = arith.constant 0 : i32
    %dma_wait3A_144 = tpu.memref_slice %arg2[%dma_wait3A_142, %dma_wait3A_143] : memref<4096x2048xf32, #tpu.memory_space<hbm>> -> memref<4096x2048xf32, #tpu.memory_space<hbm>>
    tpu.wait_indirect_dma semaphore(%arg9 : memref<!tpu.dma_semaphore, #tpu.memory_space<semaphore_mem>>) src(%dma_wait3A_144 : memref<4096x2048xf32, #tpu.memory_space<hbm>>) dst(%dma_wait3A_138 : memref<8x2048xf32, #tpu.memory_space<vmem>>)
    %dma_wait3A_145 = arith.constant 1 : i32
    %dma_wait3A_146 = arith.constant 0 : i32
    %dma_wait3A_147 = arith.constant 0 : i32
    %dma_wait3A_148 = tpu.memref_slice %arg7[%dma_wait3A_145, %dma_wait3A_146, %dma_wait3A_147] : memref<2x8x2048xf32, #tpu.memory_space<vmem>> -> memref<1x8x2048xf32, #tpu.memory_space<vmem>>
    %dma_wait3A_149 = tpu.memref_squeeze %dma_wait3A_148 : memref<1x8x2048xf32, #tpu.memory_space<vmem>> -> memref<8x2048xf32, #tpu.memory_space<vmem>>
    %dma_wait3A_150 = arith.constant 0 : i32
    %dma_wait3A_151 = tpu.memref_slice %arg2[%multiple_of3A_33, %dma_wait3A_150] : memref<4096x2048xf32, #tpu.memory_space<hbm>> -> memref<8x2048xf32, #tpu.memory_space<hbm>>
    %dma_wait3A_152 = arith.constant 0 : i32
    %dma_wait3A_153 = arith.constant 0 : i32
    %dma_wait3A_154 = tpu.memref_slice %arg7[%dma_wait3A_145, %dma_wait3A_152, %dma_wait3A_153] : memref<2x8x2048xf32, #tpu.memory_space<vmem>> -> memref<1x8x2048xf32, #tpu.memory_space<vmem>>
    %dma_wait3A_155 = tpu.memref_squeeze %dma_wait3A_154 : memref<1x8x2048xf32, #tpu.memory_space<vmem>> -> memref<8x2048xf32, #tpu.memory_space<vmem>>
    %dma_wait3A_156 = arith.constant 0 : i32
    %dma_wait3A_157 = tpu.memref_slice %arg2[%multiple_of3A_33, %dma_wait3A_156] : memref<4096x2048xf32, #tpu.memory_space<hbm>> -> memref<8x2048xf32, #tpu.memory_space<hbm>>
    tpu.wait_dma2 semaphore(%arg9 : memref<!tpu.dma_semaphore, #tpu.memory_space<semaphore_mem>>) src(%dma_wait3A_157 : memref<8x2048xf32, #tpu.memory_space<hbm>>) dst(%dma_wait3A_155 : memref<8x2048xf32, #tpu.memory_space<vmem>>)
    %scan3A_158 = arith.constant 0 : i32
    %scan3A_159 = arith.constant 0 : i32
    %scan3A_160 = arith.constant 8 : i32
    %scan3A_161 = arith.addi %scan3A_159, %scan3A_160 : i32
    %scan3A_162 = arith.constant 1 : i32
    %scan3A_163 = scf.for %scan3A_1425 = %scan3A_159 to %scan3A_161 step %scan3A_162 iter_args(%scan3A_1426 = %scan3A_158) -> (i32)  : i32 {
      %scan3A_1427 = arith.constant 0 : i32
      %scan3A_1428 = arith.constant 0 : i32
      %scan3A_1429 = arith.constant 128 : i32
      %scan3A_1430 = arith.addi %scan3A_1428, %scan3A_1429 : i32
      %scan3A_1431 = arith.constant 1 : i32
      %scan3A_1432 = scf.for %scan3A_1434 = %scan3A_1428 to %scan3A_1430 step %scan3A_1431 iter_args(%scan3A_1435 = %scan3A_1427) -> (i32)  : i32 {
        %mul3A_1436 = arith.constant 16 : i32
        %mul3A_1437 = arith.muli %scan3A_1434, %mul3A_1436 : i32
        %get3A = arith.constant 1 : i32
        %get3A_1438 = arith.index_cast %get3A : i32 to index
        %get3A_1439 = arith.index_cast %scan3A_1425 : i32 to index
        %get3A_1440 = arith.index_cast %mul3A_1437 : i32 to index
        %get3A_1441 = tpu.vector_load %arg7[%get3A_1438, %get3A_1439, %get3A_1440] {strides = array<i32>} : memref<2x8x2048xf32, #tpu.memory_space<vmem>>, vector<1x1x16xf32>,
        %get3A_1442 = vector.shape_cast %get3A_1441 : vector<1x1x16xf32> to vector<16xf32>
        %mul3A_1443 = arith.constant 8.000000e-01 : f32
        %mul3A_1444 = vector.broadcast %mul3A_1443 : f32 to vector<16xf32>
        %mul3A_1445 = arith.mulf %mul3A_1444, %get3A_1442 : vector<16xf32>
        %get3A_1446 = arith.constant 1 : i32
        %get3A_1447 = arith.index_cast %get3A_1446 : i32 to index
        %get3A_1448 = arith.index_cast %scan3A_1425 : i32 to index
        %get3A_1449 = arith.index_cast %mul3A_1437 : i32 to index
        %get3A_1450 = tpu.vector_load %arg6[%get3A_1447, %get3A_1448, %get3A_1449] {strides = array<i32>} : memref<2x8x2048xf32, #tpu.memory_space<vmem>>, vector<1x1x16xf32>,
        %get3A_1451 = vector.shape_cast %get3A_1450 : vector<1x1x16xf32> to vector<16xf32>
        %mul3A_1452 = arith.constant 2.000000e-01 : f32
        %mul3A_1453 = vector.broadcast %mul3A_1452 : f32 to vector<16xf32>
        %mul3A_1454 = arith.mulf %mul3A_1453, %get3A_1451 : vector<16xf32>
        %add3A_1455 = arith.addf %mul3A_1445, %mul3A_1454 : vector<16xf32>
        %swap3A = arith.constant 1 : i32
        %swap3A_1456 = arith.index_cast %swap3A : i32 to index
        %swap3A_1457 = arith.index_cast %scan3A_1425 : i32 to index
        %swap3A_1458 = arith.index_cast %mul3A_1437 : i32 to index
        %swap3A_1459 = tpu.vector_load %arg8[%swap3A_1456, %swap3A_1457, %swap3A_1458] {strides = array<i32>} : memref<2x8x2048xf32, #tpu.memory_space<vmem>>, vector<1x1x16xf32>,
        %swap3A_1460 = vector.shape_cast %swap3A_1459 : vector<1x1x16xf32> to vector<16xf32>
        %swap3A_1461 = vector.shape_cast %add3A_1455 : vector<16xf32> to vector<1x1x16xf32>
        tpu.vector_store %arg8[%swap3A_1456, %swap3A_1457, %swap3A_1458], %swap3A_1461 {strides = array<i32>} : memref<2x8x2048xf32, #tpu.memory_space<vmem>>, vector<1x1x16xf32>,
        %scan3A_1462 = arith.constant 0 : i32
        scf.yield %scan3A_1462 : i32
      }
      %scan3A_1433 = arith.constant 128 : i32
      scf.yield %scan3A_1432 : i32
    }
    %scan3A_164 = arith.constant 8 : i32
    %add3A_165 = arith.constant 8 : i32
    %add3A_166 = arith.addi %mul3A_2, %add3A_165 : i32
    %multiple_of3A_167 = tpu.assume_multiple %add3A_166, 8 : i32
    %dma_start3A_168 = arith.constant 1 : i32
    %dma_start3A_169 = arith.constant 0 : i32
    %dma_start3A_170 = arith.constant 0 : i32
    %dma_start3A_171 = tpu.memref_slice %arg8[%dma_start3A_168, %dma_start3A_169, %dma_start3A_170] : memref<2x8x2048xf32, #tpu.memory_space<vmem>> -> memref<1x8x2048xf32, #tpu.memory_space<vmem>>
    %dma_start3A_172 = tpu.memref_squeeze %dma_start3A_171 : memref<1x8x2048xf32, #tpu.memory_space<vmem>> -> memref<8x2048xf32, #tpu.memory_space<vmem>>
    %dma_start3A_173 = arith.constant 0 : i32
    %dma_start3A_174 = tpu.memref_slice %arg4[%multiple_of3A_167, %dma_start3A_173] : memref<4096x2048xf32, #tpu.memory_space<hbm>> -> memref<8x2048xf32, #tpu.memory_space<hbm>>
    %dma_start3A_175 = arith.constant 0 : i32
    %dma_start3A_176 = tpu.memref_slice %arg4[%multiple_of3A_167, %dma_start3A_175] : memref<4096x2048xf32, #tpu.memory_space<hbm>> -> memref<8x2048xf32, #tpu.memory_space<hbm>>
    %dma_start3A_177 = arith.constant 0 : i32
    %dma_start3A_178 = arith.constant 0 : i32
    %dma_start3A_179 = tpu.memref_slice %arg8[%dma_start3A_168, %dma_start3A_177, %dma_start3A_178] : memref<2x8x2048xf32, #tpu.memory_space<vmem>> -> memref<1x8x2048xf32, #tpu.memory_space<vmem>>
    %dma_start3A_180 = tpu.memref_squeeze %dma_start3A_179 : memref<1x8x2048xf32, #tpu.memory_space<vmem>> -> memref<8x2048xf32, #tpu.memory_space<vmem>>
    tpu.enqueue_dma source(%dma_start3A_180 : memref<8x2048xf32, #tpu.memory_space<vmem>>) target(%dma_start3A_176 : memref<8x2048xf32, #tpu.memory_space<hbm>>) target_semaphore(%arg10 : memref<!tpu.dma_semaphore, #tpu.memory_space<semaphore_mem>>)
    %add3A_181 = arith.constant 24 : i32
    %add3A_182 = arith.addi %mul3A_2, %add3A_181 : i32
    %multiple_of3A_183 = tpu.assume_multiple %add3A_182, 8 : i32
    %dma_start3A_184 = arith.constant 3 : i32
    %dma_start3A_185 = arith.constant 1 : i32
    %dma_start3A_186 = arith.constant 0 : i32
    %dma_start3A_187 = arith.constant 0 : i32
    %dma_start3A_188 = tpu.memref_slice %arg6[%dma_start3A_185, %dma_start3A_186, %dma_start3A_187] : memref<2x8x2048xf32, #tpu.memory_space<vmem>> -> memref<1x8x2048xf32, #tpu.memory_space<vmem>>
    %dma_start3A_189 = tpu.memref_squeeze %dma_start3A_188 : memref<1x8x2048xf32, #tpu.memory_space<vmem>> -> memref<8x2048xf32, #tpu.memory_space<vmem>>
    %dma_start3A_190 = arith.constant 0 : i32
    %dma_start3A_191 = tpu.memref_slice %arg5[%dma_start3A_184, %dma_start3A_190] : memref<16x8xi32, #tpu.memory_space<vmem>> -> memref<1x8xi32, #tpu.memory_space<vmem>>
    %dma_start3A_192 = tpu.memref_squeeze %dma_start3A_191 : memref<1x8xi32, #tpu.memory_space<vmem>> -> memref<8xi32, #tpu.memory_space<vmem>>
    %dma_start3A_193 = arith.constant 0 : i32
    %dma_start3A_194 = arith.constant 0 : i32
    %dma_start3A_195 = tpu.memref_slice %arg2[%dma_start3A_193, %dma_start3A_194] : memref<4096x2048xf32, #tpu.memory_space<hbm>> -> memref<4096x2048xf32, #tpu.memory_space<hbm>>
    tpu.enqueue_indirect_dma source(%dma_start3A_195 : memref<4096x2048xf32, #tpu.memory_space<hbm>>) target(%dma_start3A_189 : memref<8x2048xf32, #tpu.memory_space<vmem>>) offsets(%dma_start3A_192 : memref<8xi32, #tpu.memory_space<vmem>>) semaphore(%arg9 : memref<!tpu.dma_semaphore, #tpu.memory_space<semaphore_mem>>)
    %dma_start3A_196 = arith.constant 1 : i32
    %dma_start3A_197 = arith.constant 0 : i32
    %dma_start3A_198 = arith.constant 0 : i32
    %dma_start3A_199 = tpu.memref_slice %arg7[%dma_start3A_196, %dma_start3A_197, %dma_start3A_198] : memref<2x8x2048xf32, #tpu.memory_space<vmem>> -> memref<1x8x2048xf32, #tpu.memory_space<vmem>>
    %dma_start3A_200 = tpu.memref_squeeze %dma_start3A_199 : memref<1x8x2048xf32, #tpu.memory_space<vmem>> -> memref<8x2048xf32, #tpu.memory_space<vmem>>
    %dma_start3A_201 = arith.constant 0 : i32
    %dma_start3A_202 = tpu.memref_slice %arg2[%multiple_of3A_183, %dma_start3A_201] : memref<4096x2048xf32, #tpu.memory_space<hbm>> -> memref<8x2048xf32, #tpu.memory_space<hbm>>
    %dma_start3A_203 = arith.constant 0 : i32
    %dma_start3A_204 = arith.constant 0 : i32
    %dma_start3A_205 = tpu.memref_slice %arg7[%dma_start3A_196, %dma_start3A_203, %dma_start3A_204] : memref<2x8x2048xf32, #tpu.memory_space<vmem>> -> memref<1x8x2048xf32, #tpu.memory_space<vmem>>
    %dma_start3A_206 = tpu.memref_squeeze %dma_start3A_205 : memref<1x8x2048xf32, #tpu.memory_space<vmem>> -> memref<8x2048xf32, #tpu.memory_space<vmem>>
    %dma_start3A_207 = arith.constant 0 : i32
    %dma_start3A_208 = tpu.memref_slice %arg2[%multiple_of3A_183, %dma_start3A_207] : memref<4096x2048xf32, #tpu.memory_space<hbm>> -> memref<8x2048xf32, #tpu.memory_space<hbm>>
    tpu.enqueue_dma source(%dma_start3A_208 : memref<8x2048xf32, #tpu.memory_space<hbm>>) target(%dma_start3A_206 : memref<8x2048xf32, #tpu.memory_space<vmem>>) target_semaphore(%arg9 : memref<!tpu.dma_semaphore, #tpu.memory_space<semaphore_mem>>)
    %dma_wait3A_209 = arith.constant 2 : i32
    %dma_wait3A_210 = arith.constant 0 : i32
    %dma_wait3A_211 = arith.constant 0 : i32
    %dma_wait3A_212 = arith.constant 0 : i32
    %dma_wait3A_213 = tpu.memref_slice %arg6[%dma_wait3A_210, %dma_wait3A_211, %dma_wait3A_212] : memref<2x8x2048xf32, #tpu.memory_space<vmem>> -> memref<1x8x2048xf32, #tpu.memory_space<vmem>>
    %dma_wait3A_214 = tpu.memref_squeeze %dma_wait3A_213 : memref<1x8x2048xf32, #tpu.memory_space<vmem>> -> memref<8x2048xf32, #tpu.memory_space<vmem>>
    %dma_wait3A_215 = arith.constant 0 : i32
    %dma_wait3A_216 = tpu.memref_slice %arg5[%dma_wait3A_209, %dma_wait3A_215] : memref<16x8xi32, #tpu.memory_space<vmem>> -> memref<1x8xi32, #tpu.memory_space<vmem>>
    %dma_wait3A_217 = tpu.memref_squeeze %dma_wait3A_216 : memref<1x8xi32, #tpu.memory_space<vmem>> -> memref<8xi32, #tpu.memory_space<vmem>>
    %dma_wait3A_218 = arith.constant 0 : i32
    %dma_wait3A_219 = arith.constant 0 : i32
    %dma_wait3A_220 = tpu.memref_slice %arg2[%dma_wait3A_218, %dma_wait3A_219] : memref<4096x2048xf32, #tpu.memory_space<hbm>> -> memref<4096x2048xf32, #tpu.memory_space<hbm>>
    tpu.wait_indirect_dma semaphore(%arg9 : memref<!tpu.dma_semaphore, #tpu.memory_space<semaphore_mem>>) src(%dma_wait3A_220 : memref<4096x2048xf32, #tpu.memory_space<hbm>>) dst(%dma_wait3A_214 : memref<8x2048xf32, #tpu.memory_space<vmem>>)
    %dma_wait3A_221 = arith.constant 0 : i32
    %dma_wait3A_222 = arith.constant 0 : i32
    %dma_wait3A_223 = arith.constant 0 : i32
    %dma_wait3A_224 = tpu.memref_slice %arg7[%dma_wait3A_221, %dma_wait3A_222, %dma_wait3A_223] : memref<2x8x2048xf32, #tpu.memory_space<vmem>> -> memref<1x8x2048xf32, #tpu.memory_space<vmem>>
    %dma_wait3A_225 = tpu.memref_squeeze %dma_wait3A_224 : memref<1x8x2048xf32, #tpu.memory_space<vmem>> -> memref<8x2048xf32, #tpu.memory_space<vmem>>
    %dma_wait3A_226 = arith.constant 0 : i32
    %dma_wait3A_227 = tpu.memref_slice %arg2[%multiple_of3A_107, %dma_wait3A_226] : memref<4096x2048xf32, #tpu.memory_space<hbm>> -> memref<8x2048xf32, #tpu.memory_space<hbm>>
    %dma_wait3A_228 = arith.constant 0 : i32
    %dma_wait3A_229 = arith.constant 0 : i32
    %dma_wait3A_230 = tpu.memref_slice %arg7[%dma_wait3A_221, %dma_wait3A_228, %dma_wait3A_229] : memref<2x8x2048xf32, #tpu.memory_space<vmem>> -> memref<1x8x2048xf32, #tpu.memory_space<vmem>>
    %dma_wait3A_231 = tpu.memref_squeeze %dma_wait3A_230 : memref<1x8x2048xf32, #tpu.memory_space<vmem>> -> memref<8x2048xf32, #tpu.memory_space<vmem>>
    %dma_wait3A_232 = arith.constant 0 : i32
    %dma_wait3A_233 = tpu.memref_slice %arg2[%multiple_of3A_107, %dma_wait3A_232] : memref<4096x2048xf32, #tpu.memory_space<hbm>> -> memref<8x2048xf32, #tpu.memory_space<hbm>>
    tpu.wait_dma2 semaphore(%arg9 : memref<!tpu.dma_semaphore, #tpu.memory_space<semaphore_mem>>) src(%dma_wait3A_233 : memref<8x2048xf32, #tpu.memory_space<hbm>>) dst(%dma_wait3A_231 : memref<8x2048xf32, #tpu.memory_space<vmem>>)
    %dma_wait3A_234 = arith.constant 0 : i32
    %dma_wait3A_235 = arith.constant 0 : i32
    %dma_wait3A_236 = arith.constant 0 : i32
    %dma_wait3A_237 = tpu.memref_slice %arg8[%dma_wait3A_234, %dma_wait3A_235, %dma_wait3A_236] : memref<2x8x2048xf32, #tpu.memory_space<vmem>> -> memref<1x8x2048xf32, #tpu.memory_space<vmem>>
    %dma_wait3A_238 = tpu.memref_squeeze %dma_wait3A_237 : memref<1x8x2048xf32, #tpu.memory_space<vmem>> -> memref<8x2048xf32, #tpu.memory_space<vmem>>
    %dma_wait3A_239 = arith.constant 0 : i32
    %dma_wait3A_240 = tpu.memref_slice %arg4[%multiple_of3A_91, %dma_wait3A_239] : memref<4096x2048xf32, #tpu.memory_space<hbm>> -> memref<8x2048xf32, #tpu.memory_space<hbm>>
    %dma_wait3A_241 = arith.constant 0 : i32
    %dma_wait3A_242 = tpu.memref_slice %arg4[%multiple_of3A_91, %dma_wait3A_241] : memref<4096x2048xf32, #tpu.memory_space<hbm>> -> memref<8x2048xf32, #tpu.memory_space<hbm>>
    %dma_wait3A_243 = arith.constant 0 : i32
    %dma_wait3A_244 = arith.constant 0 : i32
    %dma_wait3A_245 = tpu.memref_slice %arg8[%dma_wait3A_234, %dma_wait3A_243, %dma_wait3A_244] : memref<2x8x2048xf32, #tpu.memory_space<vmem>> -> memref<1x8x2048xf32, #tpu.memory_space<vmem>>
    %dma_wait3A_246 = tpu.memref_squeeze %dma_wait3A_245 : memref<1x8x2048xf32, #tpu.memory_space<vmem>> -> memref<8x2048xf32, #tpu.memory_space<vmem>>
    tpu.wait_dma2 semaphore(%arg10 : memref<!tpu.dma_semaphore, #tpu.memory_space<semaphore_mem>>) src(%dma_wait3A_246 : memref<8x2048xf32, #tpu.memory_space<vmem>>) dst(%dma_wait3A_242 : memref<8x2048xf32, #tpu.memory_space<hbm>>)
    %scan3A_247 = arith.constant 0 : i32
    %scan3A_248 = arith.constant 0 : i32
    %scan3A_249 = arith.constant 8 : i32
    %scan3A_250 = arith.addi %scan3A_248, %scan3A_249 : i32
    %scan3A_251 = arith.constant 1 : i32
    %scan3A_252 = scf.for %scan3A_1425 = %scan3A_248 to %scan3A_250 step %scan3A_251 iter_args(%scan3A_1426 = %scan3A_247) -> (i32)  : i32 {
      %scan3A_1427 = arith.constant 0 : i32
      %scan3A_1428 = arith.constant 0 : i32
      %scan3A_1429 = arith.constant 128 : i32
      %scan3A_1430 = arith.addi %scan3A_1428, %scan3A_1429 : i32
      %scan3A_1431 = arith.constant 1 : i32
      %scan3A_1432 = scf.for %scan3A_1434 = %scan3A_1428 to %scan3A_1430 step %scan3A_1431 iter_args(%scan3A_1435 = %scan3A_1427) -> (i32)  : i32 {
        %mul3A_1436 = arith.constant 16 : i32
        %mul3A_1437 = arith.muli %scan3A_1434, %mul3A_1436 : i32
        %get3A = arith.constant 0 : i32
        %get3A_1438 = arith.index_cast %get3A : i32 to index
        %get3A_1439 = arith.index_cast %scan3A_1425 : i32 to index
        %get3A_1440 = arith.index_cast %mul3A_1437 : i32 to index
        %get3A_1441 = tpu.vector_load %arg7[%get3A_1438, %get3A_1439, %get3A_1440] {strides = array<i32>} : memref<2x8x2048xf32, #tpu.memory_space<vmem>>, vector<1x1x16xf32>,
        %get3A_1442 = vector.shape_cast %get3A_1441 : vector<1x1x16xf32> to vector<16xf32>
        %mul3A_1443 = arith.constant 8.000000e-01 : f32
        %mul3A_1444 = vector.broadcast %mul3A_1443 : f32 to vector<16xf32>
        %mul3A_1445 = arith.mulf %mul3A_1444, %get3A_1442 : vector<16xf32>
        %get3A_1446 = arith.constant 0 : i32
        %get3A_1447 = arith.index_cast %get3A_1446 : i32 to index
        %get3A_1448 = arith.index_cast %scan3A_1425 : i32 to index
        %get3A_1449 = arith.index_cast %mul3A_1437 : i32 to index
        %get3A_1450 = tpu.vector_load %arg6[%get3A_1447, %get3A_1448, %get3A_1449] {strides = array<i32>} : memref<2x8x2048xf32, #tpu.memory_space<vmem>>, vector<1x1x16xf32>,
        %get3A_1451 = vector.shape_cast %get3A_1450 : vector<1x1x16xf32> to vector<16xf32>
        %mul3A_1452 = arith.constant 2.000000e-01 : f32
        %mul3A_1453 = vector.broadcast %mul3A_1452 : f32 to vector<16xf32>
        %mul3A_1454 = arith.mulf %mul3A_1453, %get3A_1451 : vector<16xf32>
        %add3A_1455 = arith.addf %mul3A_1445, %mul3A_1454 : vector<16xf32>
        %swap3A = arith.constant 0 : i32
        %swap3A_1456 = arith.index_cast %swap3A : i32 to index
        %swap3A_1457 = arith.index_cast %scan3A_1425 : i32 to index
        %swap3A_1458 = arith.index_cast %mul3A_1437 : i32 to index
        %swap3A_1459 = tpu.vector_load %arg8[%swap3A_1456, %swap3A_1457, %swap3A_1458] {strides = array<i32>} : memref<2x8x2048xf32, #tpu.memory_space<vmem>>, vector<1x1x16xf32>,
        %swap3A_1460 = vector.shape_cast %swap3A_1459 : vector<1x1x16xf32> to vector<16xf32>
        %swap3A_1461 = vector.shape_cast %add3A_1455 : vector<16xf32> to vector<1x1x16xf32>
        tpu.vector_store %arg8[%swap3A_1456, %swap3A_1457, %swap3A_1458], %swap3A_1461 {strides = array<i32>} : memref<2x8x2048xf32, #tpu.memory_space<vmem>>, vector<1x1x16xf32>,
        %scan3A_1462 = arith.constant 0 : i32
        scf.yield %scan3A_1462 : i32
      }
      %scan3A_1433 = arith.constant 128 : i32
      scf.yield %scan3A_1432 : i32
    }
    %scan3A_253 = arith.constant 8 : i32
    %add3A_254 = arith.constant 16 : i32
    %add3A_255 = arith.addi %mul3A_2, %add3A_254 : i32
    %multiple_of3A_256 = tpu.assume_multiple %add3A_255, 8 : i32
    %dma_start3A_257 = arith.constant 0 : i32
    %dma_start3A_258 = arith.constant 0 : i32
    %dma_start3A_259 = arith.constant 0 : i32
    %dma_start3A_260 = tpu.memref_slice %arg8[%dma_start3A_257, %dma_start3A_258, %dma_start3A_259] : memref<2x8x2048xf32, #tpu.memory_space<vmem>> -> memref<1x8x2048xf32, #tpu.memory_space<vmem>>
    %dma_start3A_261 = tpu.memref_squeeze %dma_start3A_260 : memref<1x8x2048xf32, #tpu.memory_space<vmem>> -> memref<8x2048xf32, #tpu.memory_space<vmem>>
    %dma_start3A_262 = arith.constant 0 : i32
    %dma_start3A_263 = tpu.memref_slice %arg4[%multiple_of3A_256, %dma_start3A_262] : memref<4096x2048xf32, #tpu.memory_space<hbm>> -> memref<8x2048xf32, #tpu.memory_space<hbm>>
    %dma_start3A_264 = arith.constant 0 : i32
    %dma_start3A_265 = tpu.memref_slice %arg4[%multiple_of3A_256, %dma_start3A_264] : memref<4096x2048xf32, #tpu.memory_space<hbm>> -> memref<8x2048xf32, #tpu.memory_space<hbm>>
    %dma_start3A_266 = arith.constant 0 : i32
    %dma_start3A_267 = arith.constant 0 : i32
    %dma_start3A_268 = tpu.memref_slice %arg8[%dma_start3A_257, %dma_start3A_266, %dma_start3A_267] : memref<2x8x2048xf32, #tpu.memory_space<vmem>> -> memref<1x8x2048xf32, #tpu.memory_space<vmem>>
    %dma_start3A_269 = tpu.memref_squeeze %dma_start3A_268 : memref<1x8x2048xf32, #tpu.memory_space<vmem>> -> memref<8x2048xf32, #tpu.memory_space<vmem>>
    tpu.enqueue_dma source(%dma_start3A_269 : memref<8x2048xf32, #tpu.memory_space<vmem>>) target(%dma_start3A_265 : memref<8x2048xf32, #tpu.memory_space<hbm>>) target_semaphore(%arg10 : memref<!tpu.dma_semaphore, #tpu.memory_space<semaphore_mem>>)
    %add3A_270 = arith.constant 32 : i32
    %add3A_271 = arith.addi %mul3A_2, %add3A_270 : i32
    %multiple_of3A_272 = tpu.assume_multiple %add3A_271, 8 : i32
    %dma_start3A_273 = arith.constant 4 : i32
    %dma_start3A_274 = arith.constant 0 : i32
    %dma_start3A_275 = arith.constant 0 : i32
    %dma_start3A_276 = arith.constant 0 : i32
    %dma_start3A_277 = tpu.memref_slice %arg6[%dma_start3A_274, %dma_start3A_275, %dma_start3A_276] : memref<2x8x2048xf32, #tpu.memory_space<vmem>> -> memref<1x8x2048xf32, #tpu.memory_space<vmem>>
    %dma_start3A_278 = tpu.memref_squeeze %dma_start3A_277 : memref<1x8x2048xf32, #tpu.memory_space<vmem>> -> memref<8x2048xf32, #tpu.memory_space<vmem>>
    %dma_start3A_279 = arith.constant 0 : i32
    %dma_start3A_280 = tpu.memref_slice %arg5[%dma_start3A_273, %dma_start3A_279] : memref<16x8xi32, #tpu.memory_space<vmem>> -> memref<1x8xi32, #tpu.memory_space<vmem>>
    %dma_start3A_281 = tpu.memref_squeeze %dma_start3A_280 : memref<1x8xi32, #tpu.memory_space<vmem>> -> memref<8xi32, #tpu.memory_space<vmem>>
    %dma_start3A_282 = arith.constant 0 : i32
    %dma_start3A_283 = arith.constant 0 : i32
    %dma_start3A_284 = tpu.memref_slice %arg2[%dma_start3A_282, %dma_start3A_283] : memref<4096x2048xf32, #tpu.memory_space<hbm>> -> memref<4096x2048xf32, #tpu.memory_space<hbm>>
    tpu.enqueue_indirect_dma source(%dma_start3A_284 : memref<4096x2048xf32, #tpu.memory_space<hbm>>) target(%dma_start3A_278 : memref<8x2048xf32, #tpu.memory_space<vmem>>) offsets(%dma_start3A_281 : memref<8xi32, #tpu.memory_space<vmem>>) semaphore(%arg9 : memref<!tpu.dma_semaphore, #tpu.memory_space<semaphore_mem>>)
    %dma_start3A_285 = arith.constant 0 : i32
    %dma_start3A_286 = arith.constant 0 : i32
    %dma_start3A_287 = arith.constant 0 : i32
    %dma_start3A_288 = tpu.memref_slice %arg7[%dma_start3A_285, %dma_start3A_286, %dma_start3A_287] : memref<2x8x2048xf32, #tpu.memory_space<vmem>> -> memref<1x8x2048xf32, #tpu.memory_space<vmem>>
    %dma_start3A_289 = tpu.memref_squeeze %dma_start3A_288 : memref<1x8x2048xf32, #tpu.memory_space<vmem>> -> memref<8x2048xf32, #tpu.memory_space<vmem>>
    %dma_start3A_290 = arith.constant 0 : i32
    %dma_start3A_291 = tpu.memref_slice %arg2[%multiple_of3A_272, %dma_start3A_290] : memref<4096x2048xf32, #tpu.memory_space<hbm>> -> memref<8x2048xf32, #tpu.memory_space<hbm>>
    %dma_start3A_292 = arith.constant 0 : i32
    %dma_start3A_293 = arith.constant 0 : i32
    %dma_start3A_294 = tpu.memref_slice %arg7[%dma_start3A_285, %dma_start3A_292, %dma_start3A_293] : memref<2x8x2048xf32, #tpu.memory_space<vmem>> -> memref<1x8x2048xf32, #tpu.memory_space<vmem>>
    %dma_start3A_295 = tpu.memref_squeeze %dma_start3A_294 : memref<1x8x2048xf32, #tpu.memory_space<vmem>> -> memref<8x2048xf32, #tpu.memory_space<vmem>>
    %dma_start3A_296 = arith.constant 0 : i32
    %dma_start3A_297 = tpu.memref_slice %arg2[%multiple_of3A_272, %dma_start3A_296] : memref<4096x2048xf32, #tpu.memory_space<hbm>> -> memref<8x2048xf32, #tpu.memory_space<hbm>>
    tpu.enqueue_dma source(%dma_start3A_297 : memref<8x2048xf32, #tpu.memory_space<hbm>>) target(%dma_start3A_295 : memref<8x2048xf32, #tpu.memory_space<vmem>>) target_semaphore(%arg9 : memref<!tpu.dma_semaphore, #tpu.memory_space<semaphore_mem>>)
    %dma_wait3A_298 = arith.constant 3 : i32
    %dma_wait3A_299 = arith.constant 1 : i32
    %dma_wait3A_300 = arith.constant 0 : i32
    %dma_wait3A_301 = arith.constant 0 : i32
    %dma_wait3A_302 = tpu.memref_slice %arg6[%dma_wait3A_299, %dma_wait3A_300, %dma_wait3A_301] : memref<2x8x2048xf32, #tpu.memory_space<vmem>> -> memref<1x8x2048xf32, #tpu.memory_space<vmem>>
    %dma_wait3A_303 = tpu.memref_squeeze %dma_wait3A_302 : memref<1x8x2048xf32, #tpu.memory_space<vmem>> -> memref<8x2048xf32, #tpu.memory_space<vmem>>
    %dma_wait3A_304 = arith.constant 0 : i32
    %dma_wait3A_305 = tpu.memref_slice %arg5[%dma_wait3A_298, %dma_wait3A_304] : memref<16x8xi32, #tpu.memory_space<vmem>> -> memref<1x8xi32, #tpu.memory_space<vmem>>
    %dma_wait3A_306 = tpu.memref_squeeze %dma_wait3A_305 : memref<1x8xi32, #tpu.memory_space<vmem>> -> memref<8xi32, #tpu.memory_space<vmem>>
    %dma_wait3A_307 = arith.constant 0 : i32
    %dma_wait3A_308 = arith.constant 0 : i32
    %dma_wait3A_309 = tpu.memref_slice %arg2[%dma_wait3A_307, %dma_wait3A_308] : memref<4096x2048xf32, #tpu.memory_space<hbm>> -> memref<4096x2048xf32, #tpu.memory_space<hbm>>
    tpu.wait_indirect_dma semaphore(%arg9 : memref<!tpu.dma_semaphore, #tpu.memory_space<semaphore_mem>>) src(%dma_wait3A_309 : memref<4096x2048xf32, #tpu.memory_space<hbm>>) dst(%dma_wait3A_303 : memref<8x2048xf32, #tpu.memory_space<vmem>>)
    %dma_wait3A_310 = arith.constant 1 : i32
    %dma_wait3A_311 = arith.constant 0 : i32
    %dma_wait3A_312 = arith.constant 0 : i32
    %dma_wait3A_313 = tpu.memref_slice %arg7[%dma_wait3A_310, %dma_wait3A_311, %dma_wait3A_312] : memref<2x8x2048xf32, #tpu.memory_space<vmem>> -> memref<1x8x2048xf32, #tpu.memory_space<vmem>>
    %dma_wait3A_314 = tpu.memref_squeeze %dma_wait3A_313 : memref<1x8x2048xf32, #tpu.memory_space<vmem>> -> memref<8x2048xf32, #tpu.memory_space<vmem>>
    %dma_wait3A_315 = arith.constant 0 : i32
    %dma_wait3A_316 = tpu.memref_slice %arg2[%multiple_of3A_183, %dma_wait3A_315] : memref<4096x2048xf32, #tpu.memory_space<hbm>> -> memref<8x2048xf32, #tpu.memory_space<hbm>>
    %dma_wait3A_317 = arith.constant 0 : i32
    %dma_wait3A_318 = arith.constant 0 : i32
    %dma_wait3A_319 = tpu.memref_slice %arg7[%dma_wait3A_310, %dma_wait3A_317, %dma_wait3A_318] : memref<2x8x2048xf32, #tpu.memory_space<vmem>> -> memref<1x8x2048xf32, #tpu.memory_space<vmem>>
    %dma_wait3A_320 = tpu.memref_squeeze %dma_wait3A_319 : memref<1x8x2048xf32, #tpu.memory_space<vmem>> -> memref<8x2048xf32, #tpu.memory_space<vmem>>
    %dma_wait3A_321 = arith.constant 0 : i32
    %dma_wait3A_322 = tpu.memref_slice %arg2[%multiple_of3A_183, %dma_wait3A_321] : memref<4096x2048xf32, #tpu.memory_space<hbm>> -> memref<8x2048xf32, #tpu.memory_space<hbm>>
    tpu.wait_dma2 semaphore(%arg9 : memref<!tpu.dma_semaphore, #tpu.memory_space<semaphore_mem>>) src(%dma_wait3A_322 : memref<8x2048xf32, #tpu.memory_space<hbm>>) dst(%dma_wait3A_320 : memref<8x2048xf32, #tpu.memory_space<vmem>>)
    %dma_wait3A_323 = arith.constant 1 : i32
    %dma_wait3A_324 = arith.constant 0 : i32
    %dma_wait3A_325 = arith.constant 0 : i32
    %dma_wait3A_326 = tpu.memref_slice %arg8[%dma_wait3A_323, %dma_wait3A_324, %dma_wait3A_325] : memref<2x8x2048xf32, #tpu.memory_space<vmem>> -> memref<1x8x2048xf32, #tpu.memory_space<vmem>>
    %dma_wait3A_327 = tpu.memref_squeeze %dma_wait3A_326 : memref<1x8x2048xf32, #tpu.memory_space<vmem>> -> memref<8x2048xf32, #tpu.memory_space<vmem>>
    %dma_wait3A_328 = arith.constant 0 : i32
    %dma_wait3A_329 = tpu.memref_slice %arg4[%multiple_of3A_167, %dma_wait3A_328] : memref<4096x2048xf32, #tpu.memory_space<hbm>> -> memref<8x2048xf32, #tpu.memory_space<hbm>>
    %dma_wait3A_330 = arith.constant 0 : i32
    %dma_wait3A_331 = tpu.memref_slice %arg4[%multiple_of3A_167, %dma_wait3A_330] : memref<4096x2048xf32, #tpu.memory_space<hbm>> -> memref<8x2048xf32, #tpu.memory_space<hbm>>
    %dma_wait3A_332 = arith.constant 0 : i32
    %dma_wait3A_333 = arith.constant 0 : i32
    %dma_wait3A_334 = tpu.memref_slice %arg8[%dma_wait3A_323, %dma_wait3A_332, %dma_wait3A_333] : memref<2x8x2048xf32, #tpu.memory_space<vmem>> -> memref<1x8x2048xf32, #tpu.memory_space<vmem>>
    %dma_wait3A_335 = tpu.memref_squeeze %dma_wait3A_334 : memref<1x8x2048xf32, #tpu.memory_space<vmem>> -> memref<8x2048xf32, #tpu.memory_space<vmem>>
    tpu.wait_dma2 semaphore(%arg10 : memref<!tpu.dma_semaphore, #tpu.memory_space<semaphore_mem>>) src(%dma_wait3A_335 : memref<8x2048xf32, #tpu.memory_space<vmem>>) dst(%dma_wait3A_331 : memref<8x2048xf32, #tpu.memory_space<hbm>>)
    %scan3A_336 = arith.constant 0 : i32
    %scan3A_337 = arith.constant 0 : i32
    %scan3A_338 = arith.constant 8 : i32
    %scan3A_339 = arith.addi %scan3A_337, %scan3A_338 : i32
    %scan3A_340 = arith.constant 1 : i32
    %scan3A_341 = scf.for %scan3A_1425 = %scan3A_337 to %scan3A_339 step %scan3A_340 iter_args(%scan3A_1426 = %scan3A_336) -> (i32)  : i32 {
      %scan3A_1427 = arith.constant 0 : i32
      %scan3A_1428 = arith.constant 0 : i32
      %scan3A_1429 = arith.constant 128 : i32
      %scan3A_1430 = arith.addi %scan3A_1428, %scan3A_1429 : i32
      %scan3A_1431 = arith.constant 1 : i32
      %scan3A_1432 = scf.for %scan3A_1434 = %scan3A_1428 to %scan3A_1430 step %scan3A_1431 iter_args(%scan3A_1435 = %scan3A_1427) -> (i32)  : i32 {
        %mul3A_1436 = arith.constant 16 : i32
        %mul3A_1437 = arith.muli %scan3A_1434, %mul3A_1436 : i32
        %get3A = arith.constant 1 : i32
        %get3A_1438 = arith.index_cast %get3A : i32 to index
        %get3A_1439 = arith.index_cast %scan3A_1425 : i32 to index
        %get3A_1440 = arith.index_cast %mul3A_1437 : i32 to index
        %get3A_1441 = tpu.vector_load %arg7[%get3A_1438, %get3A_1439, %get3A_1440] {strides = array<i32>} : memref<2x8x2048xf32, #tpu.memory_space<vmem>>, vector<1x1x16xf32>,
        %get3A_1442 = vector.shape_cast %get3A_1441 : vector<1x1x16xf32> to vector<16xf32>
        %mul3A_1443 = arith.constant 8.000000e-01 : f32
        %mul3A_1444 = vector.broadcast %mul3A_1443 : f32 to vector<16xf32>
        %mul3A_1445 = arith.mulf %mul3A_1444, %get3A_1442 : vector<16xf32>
        %get3A_1446 = arith.constant 1 : i32
        %get3A_1447 = arith.index_cast %get3A_1446 : i32 to index
        %get3A_1448 = arith.index_cast %scan3A_1425 : i32 to index
        %get3A_1449 = arith.index_cast %mul3A_1437 : i32 to index
        %get3A_1450 = tpu.vector_load %arg6[%get3A_1447, %get3A_1448, %get3A_1449] {strides = array<i32>} : memref<2x8x2048xf32, #tpu.memory_space<vmem>>, vector<1x1x16xf32>,
        %get3A_1451 = vector.shape_cast %get3A_1450 : vector<1x1x16xf32> to vector<16xf32>
        %mul3A_1452 = arith.constant 2.000000e-01 : f32
        %mul3A_1453 = vector.broadcast %mul3A_1452 : f32 to vector<16xf32>
        %mul3A_1454 = arith.mulf %mul3A_1453, %get3A_1451 : vector<16xf32>
        %add3A_1455 = arith.addf %mul3A_1445, %mul3A_1454 : vector<16xf32>
        %swap3A = arith.constant 1 : i32
        %swap3A_1456 = arith.index_cast %swap3A : i32 to index
        %swap3A_1457 = arith.index_cast %scan3A_1425 : i32 to index
        %swap3A_1458 = arith.index_cast %mul3A_1437 : i32 to index
        %swap3A_1459 = tpu.vector_load %arg8[%swap3A_1456, %swap3A_1457, %swap3A_1458] {strides = array<i32>} : memref<2x8x2048xf32, #tpu.memory_space<vmem>>, vector<1x1x16xf32>,
        %swap3A_1460 = vector.shape_cast %swap3A_1459 : vector<1x1x16xf32> to vector<16xf32>
        %swap3A_1461 = vector.shape_cast %add3A_1455 : vector<16xf32> to vector<1x1x16xf32>
        tpu.vector_store %arg8[%swap3A_1456, %swap3A_1457, %swap3A_1458], %swap3A_1461 {strides = array<i32>} : memref<2x8x2048xf32, #tpu.memory_space<vmem>>, vector<1x1x16xf32>,
        %scan3A_1462 = arith.constant 0 : i32
        scf.yield %scan3A_1462 : i32
      }
      %scan3A_1433 = arith.constant 128 : i32
      scf.yield %scan3A_1432 : i32
    }
    %scan3A_342 = arith.constant 8 : i32
    %add3A_343 = arith.constant 24 : i32
    %add3A_344 = arith.addi %mul3A_2, %add3A_343 : i32
    %multiple_of3A_345 = tpu.assume_multiple %add3A_344, 8 : i32
    %dma_start3A_346 = arith.constant 1 : i32
    %dma_start3A_347 = arith.constant 0 : i32
    %dma_start3A_348 = arith.constant 0 : i32
    %dma_start3A_349 = tpu.memref_slice %arg8[%dma_start3A_346, %dma_start3A_347, %dma_start3A_348] : memref<2x8x2048xf32, #tpu.memory_space<vmem>> -> memref<1x8x2048xf32, #tpu.memory_space<vmem>>
    %dma_start3A_350 = tpu.memref_squeeze %dma_start3A_349 : memref<1x8x2048xf32, #tpu.memory_space<vmem>> -> memref<8x2048xf32, #tpu.memory_space<vmem>>
    %dma_start3A_351 = arith.constant 0 : i32
    %dma_start3A_352 = tpu.memref_slice %arg4[%multiple_of3A_345, %dma_start3A_351] : memref<4096x2048xf32, #tpu.memory_space<hbm>> -> memref<8x2048xf32, #tpu.memory_space<hbm>>
    %dma_start3A_353 = arith.constant 0 : i32
    %dma_start3A_354 = tpu.memref_slice %arg4[%multiple_of3A_345, %dma_start3A_353] : memref<4096x2048xf32, #tpu.memory_space<hbm>> -> memref<8x2048xf32, #tpu.memory_space<hbm>>
    %dma_start3A_355 = arith.constant 0 : i32
    %dma_start3A_356 = arith.constant 0 : i32
    %dma_start3A_357 = tpu.memref_slice %arg8[%dma_start3A_346, %dma_start3A_355, %dma_start3A_356] : memref<2x8x2048xf32, #tpu.memory_space<vmem>> -> memref<1x8x2048xf32, #tpu.memory_space<vmem>>
    %dma_start3A_358 = tpu.memref_squeeze %dma_start3A_357 : memref<1x8x2048xf32, #tpu.memory_space<vmem>> -> memref<8x2048xf32, #tpu.memory_space<vmem>>
    tpu.enqueue_dma source(%dma_start3A_358 : memref<8x2048xf32, #tpu.memory_space<vmem>>) target(%dma_start3A_354 : memref<8x2048xf32, #tpu.memory_space<hbm>>) target_semaphore(%arg10 : memref<!tpu.dma_semaphore, #tpu.memory_space<semaphore_mem>>)
    %add3A_359 = arith.constant 40 : i32
    %add3A_360 = arith.addi %mul3A_2, %add3A_359 : i32
    %multiple_of3A_361 = tpu.assume_multiple %add3A_360, 8 : i32
    %dma_start3A_362 = arith.constant 5 : i32
    %dma_start3A_363 = arith.constant 1 : i32
    %dma_start3A_364 = arith.constant 0 : i32
    %dma_start3A_365 = arith.constant 0 : i32
    %dma_start3A_366 = tpu.memref_slice %arg6[%dma_start3A_363, %dma_start3A_364, %dma_start3A_365] : memref<2x8x2048xf32, #tpu.memory_space<vmem>> -> memref<1x8x2048xf32, #tpu.memory_space<vmem>>
    %dma_start3A_367 = tpu.memref_squeeze %dma_start3A_366 : memref<1x8x2048xf32, #tpu.memory_space<vmem>> -> memref<8x2048xf32, #tpu.memory_space<vmem>>
    %dma_start3A_368 = arith.constant 0 : i32
    %dma_start3A_369 = tpu.memref_slice %arg5[%dma_start3A_362, %dma_start3A_368] : memref<16x8xi32, #tpu.memory_space<vmem>> -> memref<1x8xi32, #tpu.memory_space<vmem>>
    %dma_start3A_370 = tpu.memref_squeeze %dma_start3A_369 : memref<1x8xi32, #tpu.memory_space<vmem>> -> memref<8xi32, #tpu.memory_space<vmem>>
    %dma_start3A_371 = arith.constant 0 : i32
    %dma_start3A_372 = arith.constant 0 : i32
    %dma_start3A_373 = tpu.memref_slice %arg2[%dma_start3A_371, %dma_start3A_372] : memref<4096x2048xf32, #tpu.memory_space<hbm>> -> memref<4096x2048xf32, #tpu.memory_space<hbm>>
    tpu.enqueue_indirect_dma source(%dma_start3A_373 : memref<4096x2048xf32, #tpu.memory_space<hbm>>) target(%dma_start3A_367 : memref<8x2048xf32, #tpu.memory_space<vmem>>) offsets(%dma_start3A_370 : memref<8xi32, #tpu.memory_space<vmem>>) semaphore(%arg9 : memref<!tpu.dma_semaphore, #tpu.memory_space<semaphore_mem>>)
    %dma_start3A_374 = arith.constant 1 : i32
    %dma_start3A_375 = arith.constant 0 : i32
    %dma_start3A_376 = arith.constant 0 : i32
    %dma_start3A_377 = tpu.memref_slice %arg7[%dma_start3A_374, %dma_start3A_375, %dma_start3A_376] : memref<2x8x2048xf32, #tpu.memory_space<vmem>> -> memref<1x8x2048xf32, #tpu.memory_space<vmem>>
    %dma_start3A_378 = tpu.memref_squeeze %dma_start3A_377 : memref<1x8x2048xf32, #tpu.memory_space<vmem>> -> memref<8x2048xf32, #tpu.memory_space<vmem>>
    %dma_start3A_379 = arith.constant 0 : i32
    %dma_start3A_380 = tpu.memref_slice %arg2[%multiple_of3A_361, %dma_start3A_379] : memref<4096x2048xf32, #tpu.memory_space<hbm>> -> memref<8x2048xf32, #tpu.memory_space<hbm>>
    %dma_start3A_381 = arith.constant 0 : i32
    %dma_start3A_382 = arith.constant 0 : i32
    %dma_start3A_383 = tpu.memref_slice %arg7[%dma_start3A_374, %dma_start3A_381, %dma_start3A_382] : memref<2x8x2048xf32, #tpu.memory_space<vmem>> -> memref<1x8x2048xf32, #tpu.memory_space<vmem>>
    %dma_start3A_384 = tpu.memref_squeeze %dma_start3A_383 : memref<1x8x2048xf32, #tpu.memory_space<vmem>> -> memref<8x2048xf32, #tpu.memory_space<vmem>>
    %dma_start3A_385 = arith.constant 0 : i32
    %dma_start3A_386 = tpu.memref_slice %arg2[%multiple_of3A_361, %dma_start3A_385] : memref<4096x2048xf32, #tpu.memory_space<hbm>> -> memref<8x2048xf32, #tpu.memory_space<hbm>>
    tpu.enqueue_dma source(%dma_start3A_386 : memref<8x2048xf32, #tpu.memory_space<hbm>>) target(%dma_start3A_384 : memref<8x2048xf32, #tpu.memory_space<vmem>>) target_semaphore(%arg9 : memref<!tpu.dma_semaphore, #tpu.memory_space<semaphore_mem>>)
    %dma_wait3A_387 = arith.constant 4 : i32
    %dma_wait3A_388 = arith.constant 0 : i32
    %dma_wait3A_389 = arith.constant 0 : i32
    %dma_wait3A_390 = arith.constant 0 : i32
    %dma_wait3A_391 = tpu.memref_slice %arg6[%dma_wait3A_388, %dma_wait3A_389, %dma_wait3A_390] : memref<2x8x2048xf32, #tpu.memory_space<vmem>> -> memref<1x8x2048xf32, #tpu.memory_space<vmem>>
    %dma_wait3A_392 = tpu.memref_squeeze %dma_wait3A_391 : memref<1x8x2048xf32, #tpu.memory_space<vmem>> -> memref<8x2048xf32, #tpu.memory_space<vmem>>
    %dma_wait3A_393 = arith.constant 0 : i32
    %dma_wait3A_394 = tpu.memref_slice %arg5[%dma_wait3A_387, %dma_wait3A_393] : memref<16x8xi32, #tpu.memory_space<vmem>> -> memref<1x8xi32, #tpu.memory_space<vmem>>
    %dma_wait3A_395 = tpu.memref_squeeze %dma_wait3A_394 : memref<1x8xi32, #tpu.memory_space<vmem>> -> memref<8xi32, #tpu.memory_space<vmem>>
    %dma_wait3A_396 = arith.constant 0 : i32
    %dma_wait3A_397 = arith.constant 0 : i32
    %dma_wait3A_398 = tpu.memref_slice %arg2[%dma_wait3A_396, %dma_wait3A_397] : memref<4096x2048xf32, #tpu.memory_space<hbm>> -> memref<4096x2048xf32, #tpu.memory_space<hbm>>
    tpu.wait_indirect_dma semaphore(%arg9 : memref<!tpu.dma_semaphore, #tpu.memory_space<semaphore_mem>>) src(%dma_wait3A_398 : memref<4096x2048xf32, #tpu.memory_space<hbm>>) dst(%dma_wait3A_392 : memref<8x2048xf32, #tpu.memory_space<vmem>>)
    %dma_wait3A_399 = arith.constant 0 : i32
    %dma_wait3A_400 = arith.constant 0 : i32
    %dma_wait3A_401 = arith.constant 0 : i32
    %dma_wait3A_402 = tpu.memref_slice %arg7[%dma_wait3A_399, %dma_wait3A_400, %dma_wait3A_401] : memref<2x8x2048xf32, #tpu.memory_space<vmem>> -> memref<1x8x2048xf32, #tpu.memory_space<vmem>>
    %dma_wait3A_403 = tpu.memref_squeeze %dma_wait3A_402 : memref<1x8x2048xf32, #tpu.memory_space<vmem>> -> memref<8x2048xf32, #tpu.memory_space<vmem>>
    %dma_wait3A_404 = arith.constant 0 : i32
    %dma_wait3A_405 = tpu.memref_slice %arg2[%multiple_of3A_272, %dma_wait3A_404] : memref<4096x2048xf32, #tpu.memory_space<hbm>> -> memref<8x2048xf32, #tpu.memory_space<hbm>>
    %dma_wait3A_406 = arith.constant 0 : i32
    %dma_wait3A_407 = arith.constant 0 : i32
    %dma_wait3A_408 = tpu.memref_slice %arg7[%dma_wait3A_399, %dma_wait3A_406, %dma_wait3A_407] : memref<2x8x2048xf32, #tpu.memory_space<vmem>> -> memref<1x8x2048xf32, #tpu.memory_space<vmem>>
    %dma_wait3A_409 = tpu.memref_squeeze %dma_wait3A_408 : memref<1x8x2048xf32, #tpu.memory_space<vmem>> -> memref<8x2048xf32, #tpu.memory_space<vmem>>
    %dma_wait3A_410 = arith.constant 0 : i32
    %dma_wait3A_411 = tpu.memref_slice %arg2[%multiple_of3A_272, %dma_wait3A_410] : memref<4096x2048xf32, #tpu.memory_space<hbm>> -> memref<8x2048xf32, #tpu.memory_space<hbm>>
    tpu.wait_dma2 semaphore(%arg9 : memref<!tpu.dma_semaphore, #tpu.memory_space<semaphore_mem>>) src(%dma_wait3A_411 : memref<8x2048xf32, #tpu.memory_space<hbm>>) dst(%dma_wait3A_409 : memref<8x2048xf32, #tpu.memory_space<vmem>>)
    %dma_wait3A_412 = arith.constant 0 : i32
    %dma_wait3A_413 = arith.constant 0 : i32
    %dma_wait3A_414 = arith.constant 0 : i32
    %dma_wait3A_415 = tpu.memref_slice %arg8[%dma_wait3A_412, %dma_wait3A_413, %dma_wait3A_414] : memref<2x8x2048xf32, #tpu.memory_space<vmem>> -> memref<1x8x2048xf32, #tpu.memory_space<vmem>>
    %dma_wait3A_416 = tpu.memref_squeeze %dma_wait3A_415 : memref<1x8x2048xf32, #tpu.memory_space<vmem>> -> memref<8x2048xf32, #tpu.memory_space<vmem>>
    %dma_wait3A_417 = arith.constant 0 : i32
    %dma_wait3A_418 = tpu.memref_slice %arg4[%multiple_of3A_256, %dma_wait3A_417] : memref<4096x2048xf32, #tpu.memory_space<hbm>> -> memref<8x2048xf32, #tpu.memory_space<hbm>>
    %dma_wait3A_419 = arith.constant 0 : i32
    %dma_wait3A_420 = tpu.memref_slice %arg4[%multiple_of3A_256, %dma_wait3A_419] : memref<4096x2048xf32, #tpu.memory_space<hbm>> -> memref<8x2048xf32, #tpu.memory_space<hbm>>
    %dma_wait3A_421 = arith.constant 0 : i32
    %dma_wait3A_422 = arith.constant 0 : i32
    %dma_wait3A_423 = tpu.memref_slice %arg8[%dma_wait3A_412, %dma_wait3A_421, %dma_wait3A_422] : memref<2x8x2048xf32, #tpu.memory_space<vmem>> -> memref<1x8x2048xf32, #tpu.memory_space<vmem>>
    %dma_wait3A_424 = tpu.memref_squeeze %dma_wait3A_423 : memref<1x8x2048xf32, #tpu.memory_space<vmem>> -> memref<8x2048xf32, #tpu.memory_space<vmem>>
    tpu.wait_dma2 semaphore(%arg10 : memref<!tpu.dma_semaphore, #tpu.memory_space<semaphore_mem>>) src(%dma_wait3A_424 : memref<8x2048xf32, #tpu.memory_space<vmem>>) dst(%dma_wait3A_420 : memref<8x2048xf32, #tpu.memory_space<hbm>>)
    %scan3A_425 = arith.constant 0 : i32
    %scan3A_426 = arith.constant 0 : i32
    %scan3A_427 = arith.constant 8 : i32
    %scan3A_428 = arith.addi %scan3A_426, %scan3A_427 : i32
    %scan3A_429 = arith.constant 1 : i32
    %scan3A_430 = scf.for %scan3A_1425 = %scan3A_426 to %scan3A_428 step %scan3A_429 iter_args(%scan3A_1426 = %scan3A_425) -> (i32)  : i32 {
      %scan3A_1427 = arith.constant 0 : i32
      %scan3A_1428 = arith.constant 0 : i32
      %scan3A_1429 = arith.constant 128 : i32
      %scan3A_1430 = arith.addi %scan3A_1428, %scan3A_1429 : i32
      %scan3A_1431 = arith.constant 1 : i32
      %scan3A_1432 = scf.for %scan3A_1434 = %scan3A_1428 to %scan3A_1430 step %scan3A_1431 iter_args(%scan3A_1435 = %scan3A_1427) -> (i32)  : i32 {
        %mul3A_1436 = arith.constant 16 : i32
        %mul3A_1437 = arith.muli %scan3A_1434, %mul3A_1436 : i32
        %get3A = arith.constant 0 : i32
        %get3A_1438 = arith.index_cast %get3A : i32 to index
        %get3A_1439 = arith.index_cast %scan3A_1425 : i32 to index
        %get3A_1440 = arith.index_cast %mul3A_1437 : i32 to index
        %get3A_1441 = tpu.vector_load %arg7[%get3A_1438, %get3A_1439, %get3A_1440] {strides = array<i32>} : memref<2x8x2048xf32, #tpu.memory_space<vmem>>, vector<1x1x16xf32>,
        %get3A_1442 = vector.shape_cast %get3A_1441 : vector<1x1x16xf32> to vector<16xf32>
        %mul3A_1443 = arith.constant 8.000000e-01 : f32
        %mul3A_1444 = vector.broadcast %mul3A_1443 : f32 to vector<16xf32>
        %mul3A_1445 = arith.mulf %mul3A_1444, %get3A_1442 : vector<16xf32>
        %get3A_1446 = arith.constant 0 : i32
        %get3A_1447 = arith.index_cast %get3A_1446 : i32 to index
        %get3A_1448 = arith.index_cast %scan3A_1425 : i32 to index
        %get3A_1449 = arith.index_cast %mul3A_1437 : i32 to index
        %get3A_1450 = tpu.vector_load %arg6[%get3A_1447, %get3A_1448, %get3A_1449] {strides = array<i32>} : memref<2x8x2048xf32, #tpu.memory_space<vmem>>, vector<1x1x16xf32>,
        %get3A_1451 = vector.shape_cast %get3A_1450 : vector<1x1x16xf32> to vector<16xf32>
        %mul3A_1452 = arith.constant 2.000000e-01 : f32
        %mul3A_1453 = vector.broadcast %mul3A_1452 : f32 to vector<16xf32>
        %mul3A_1454 = arith.mulf %mul3A_1453, %get3A_1451 : vector<16xf32>
        %add3A_1455 = arith.addf %mul3A_1445, %mul3A_1454 : vector<16xf32>
        %swap3A = arith.constant 0 : i32
        %swap3A_1456 = arith.index_cast %swap3A : i32 to index
        %swap3A_1457 = arith.index_cast %scan3A_1425 : i32 to index
        %swap3A_1458 = arith.index_cast %mul3A_1437 : i32 to index
        %swap3A_1459 = tpu.vector_load %arg8[%swap3A_1456, %swap3A_1457, %swap3A_1458] {strides = array<i32>} : memref<2x8x2048xf32, #tpu.memory_space<vmem>>, vector<1x1x16xf32>,
        %swap3A_1460 = vector.shape_cast %swap3A_1459 : vector<1x1x16xf32> to vector<16xf32>
        %swap3A_1461 = vector.shape_cast %add3A_1455 : vector<16xf32> to vector<1x1x16xf32>
        tpu.vector_store %arg8[%swap3A_1456, %swap3A_1457, %swap3A_1458], %swap3A_1461 {strides = array<i32>} : memref<2x8x2048xf32, #tpu.memory_space<vmem>>, vector<1x1x16xf32>,
        %scan3A_1462 = arith.constant 0 : i32
        scf.yield %scan3A_1462 : i32
      }
      %scan3A_1433 = arith.constant 128 : i32
      scf.yield %scan3A_1432 : i32
    }
    %scan3A_431 = arith.constant 8 : i32
    %add3A_432 = arith.constant 32 : i32
    %add3A_433 = arith.addi %mul3A_2, %add3A_432 : i32
    %multiple_of3A_434 = tpu.assume_multiple %add3A_433, 8 : i32
    %dma_start3A_435 = arith.constant 0 : i32
    %dma_start3A_436 = arith.constant 0 : i32
    %dma_start3A_437 = arith.constant 0 : i32
    %dma_start3A_438 = tpu.memref_slice %arg8[%dma_start3A_435, %dma_start3A_436, %dma_start3A_437] : memref<2x8x2048xf32, #tpu.memory_space<vmem>> -> memref<1x8x2048xf32, #tpu.memory_space<vmem>>
    %dma_start3A_439 = tpu.memref_squeeze %dma_start3A_438 : memref<1x8x2048xf32, #tpu.memory_space<vmem>> -> memref<8x2048xf32, #tpu.memory_space<vmem>>
    %dma_start3A_440 = arith.constant 0 : i32
    %dma_start3A_441 = tpu.memref_slice %arg4[%multiple_of3A_434, %dma_start3A_440] : memref<4096x2048xf32, #tpu.memory_space<hbm>> -> memref<8x2048xf32, #tpu.memory_space<hbm>>
    %dma_start3A_442 = arith.constant 0 : i32
    %dma_start3A_443 = tpu.memref_slice %arg4[%multiple_of3A_434, %dma_start3A_442] : memref<4096x2048xf32, #tpu.memory_space<hbm>> -> memref<8x2048xf32, #tpu.memory_space<hbm>>
    %dma_start3A_444 = arith.constant 0 : i32
    %dma_start3A_445 = arith.constant 0 : i32
    %dma_start3A_446 = tpu.memref_slice %arg8[%dma_start3A_435, %dma_start3A_444, %dma_start3A_445] : memref<2x8x2048xf32, #tpu.memory_space<vmem>> -> memref<1x8x2048xf32, #tpu.memory_space<vmem>>
    %dma_start3A_447 = tpu.memref_squeeze %dma_start3A_446 : memref<1x8x2048xf32, #tpu.memory_space<vmem>> -> memref<8x2048xf32, #tpu.memory_space<vmem>>
    tpu.enqueue_dma source(%dma_start3A_447 : memref<8x2048xf32, #tpu.memory_space<vmem>>) target(%dma_start3A_443 : memref<8x2048xf32, #tpu.memory_space<hbm>>) target_semaphore(%arg10 : memref<!tpu.dma_semaphore, #tpu.memory_space<semaphore_mem>>)
    %add3A_448 = arith.constant 48 : i32
    %add3A_449 = arith.addi %mul3A_2, %add3A_448 : i32
    %multiple_of3A_450 = tpu.assume_multiple %add3A_449, 8 : i32
    %dma_start3A_451 = arith.constant 6 : i32
    %dma_start3A_452 = arith.constant 0 : i32
    %dma_start3A_453 = arith.constant 0 : i32
    %dma_start3A_454 = arith.constant 0 : i32
    %dma_start3A_455 = tpu.memref_slice %arg6[%dma_start3A_452, %dma_start3A_453, %dma_start3A_454] : memref<2x8x2048xf32, #tpu.memory_space<vmem>> -> memref<1x8x2048xf32, #tpu.memory_space<vmem>>
    %dma_start3A_456 = tpu.memref_squeeze %dma_start3A_455 : memref<1x8x2048xf32, #tpu.memory_space<vmem>> -> memref<8x2048xf32, #tpu.memory_space<vmem>>
    %dma_start3A_457 = arith.constant 0 : i32
    %dma_start3A_458 = tpu.memref_slice %arg5[%dma_start3A_451, %dma_start3A_457] : memref<16x8xi32, #tpu.memory_space<vmem>> -> memref<1x8xi32, #tpu.memory_space<vmem>>
    %dma_start3A_459 = tpu.memref_squeeze %dma_start3A_458 : memref<1x8xi32, #tpu.memory_space<vmem>> -> memref<8xi32, #tpu.memory_space<vmem>>
    %dma_start3A_460 = arith.constant 0 : i32
    %dma_start3A_461 = arith.constant 0 : i32
    %dma_start3A_462 = tpu.memref_slice %arg2[%dma_start3A_460, %dma_start3A_461] : memref<4096x2048xf32, #tpu.memory_space<hbm>> -> memref<4096x2048xf32, #tpu.memory_space<hbm>>
    tpu.enqueue_indirect_dma source(%dma_start3A_462 : memref<4096x2048xf32, #tpu.memory_space<hbm>>) target(%dma_start3A_456 : memref<8x2048xf32, #tpu.memory_space<vmem>>) offsets(%dma_start3A_459 : memref<8xi32, #tpu.memory_space<vmem>>) semaphore(%arg9 : memref<!tpu.dma_semaphore, #tpu.memory_space<semaphore_mem>>)
    %dma_start3A_463 = arith.constant 0 : i32
    %dma_start3A_464 = arith.constant 0 : i32
    %dma_start3A_465 = arith.constant 0 : i32
    %dma_start3A_466 = tpu.memref_slice %arg7[%dma_start3A_463, %dma_start3A_464, %dma_start3A_465] : memref<2x8x2048xf32, #tpu.memory_space<vmem>> -> memref<1x8x2048xf32, #tpu.memory_space<vmem>>
    %dma_start3A_467 = tpu.memref_squeeze %dma_start3A_466 : memref<1x8x2048xf32, #tpu.memory_space<vmem>> -> memref<8x2048xf32, #tpu.memory_space<vmem>>
    %dma_start3A_468 = arith.constant 0 : i32
    %dma_start3A_469 = tpu.memref_slice %arg2[%multiple_of3A_450, %dma_start3A_468] : memref<4096x2048xf32, #tpu.memory_space<hbm>> -> memref<8x2048xf32, #tpu.memory_space<hbm>>
    %dma_start3A_470 = arith.constant 0 : i32
    %dma_start3A_471 = arith.constant 0 : i32
    %dma_start3A_472 = tpu.memref_slice %arg7[%dma_start3A_463, %dma_start3A_470, %dma_start3A_471] : memref<2x8x2048xf32, #tpu.memory_space<vmem>> -> memref<1x8x2048xf32, #tpu.memory_space<vmem>>
    %dma_start3A_473 = tpu.memref_squeeze %dma_start3A_472 : memref<1x8x2048xf32, #tpu.memory_space<vmem>> -> memref<8x2048xf32, #tpu.memory_space<vmem>>
    %dma_start3A_474 = arith.constant 0 : i32
    %dma_start3A_475 = tpu.memref_slice %arg2[%multiple_of3A_450, %dma_start3A_474] : memref<4096x2048xf32, #tpu.memory_space<hbm>> -> memref<8x2048xf32, #tpu.memory_space<hbm>>
    tpu.enqueue_dma source(%dma_start3A_475 : memref<8x2048xf32, #tpu.memory_space<hbm>>) target(%dma_start3A_473 : memref<8x2048xf32, #tpu.memory_space<vmem>>) target_semaphore(%arg9 : memref<!tpu.dma_semaphore, #tpu.memory_space<semaphore_mem>>)
    %dma_wait3A_476 = arith.constant 5 : i32
    %dma_wait3A_477 = arith.constant 1 : i32
    %dma_wait3A_478 = arith.constant 0 : i32
    %dma_wait3A_479 = arith.constant 0 : i32
    %dma_wait3A_480 = tpu.memref_slice %arg6[%dma_wait3A_477, %dma_wait3A_478, %dma_wait3A_479] : memref<2x8x2048xf32, #tpu.memory_space<vmem>> -> memref<1x8x2048xf32, #tpu.memory_space<vmem>>
    %dma_wait3A_481 = tpu.memref_squeeze %dma_wait3A_480 : memref<1x8x2048xf32, #tpu.memory_space<vmem>> -> memref<8x2048xf32, #tpu.memory_space<vmem>>
    %dma_wait3A_482 = arith.constant 0 : i32
    %dma_wait3A_483 = tpu.memref_slice %arg5[%dma_wait3A_476, %dma_wait3A_482] : memref<16x8xi32, #tpu.memory_space<vmem>> -> memref<1x8xi32, #tpu.memory_space<vmem>>
    %dma_wait3A_484 = tpu.memref_squeeze %dma_wait3A_483 : memref<1x8xi32, #tpu.memory_space<vmem>> -> memref<8xi32, #tpu.memory_space<vmem>>
    %dma_wait3A_485 = arith.constant 0 : i32
    %dma_wait3A_486 = arith.constant 0 : i32
    %dma_wait3A_487 = tpu.memref_slice %arg2[%dma_wait3A_485, %dma_wait3A_486] : memref<4096x2048xf32, #tpu.memory_space<hbm>> -> memref<4096x2048xf32, #tpu.memory_space<hbm>>
    tpu.wait_indirect_dma semaphore(%arg9 : memref<!tpu.dma_semaphore, #tpu.memory_space<semaphore_mem>>) src(%dma_wait3A_487 : memref<4096x2048xf32, #tpu.memory_space<hbm>>) dst(%dma_wait3A_481 : memref<8x2048xf32, #tpu.memory_space<vmem>>)
    %dma_wait3A_488 = arith.constant 1 : i32
    %dma_wait3A_489 = arith.constant 0 : i32
    %dma_wait3A_490 = arith.constant 0 : i32
    %dma_wait3A_491 = tpu.memref_slice %arg7[%dma_wait3A_488, %dma_wait3A_489, %dma_wait3A_490] : memref<2x8x2048xf32, #tpu.memory_space<vmem>> -> memref<1x8x2048xf32, #tpu.memory_space<vmem>>
    %dma_wait3A_492 = tpu.memref_squeeze %dma_wait3A_491 : memref<1x8x2048xf32, #tpu.memory_space<vmem>> -> memref<8x2048xf32, #tpu.memory_space<vmem>>
    %dma_wait3A_493 = arith.constant 0 : i32
    %dma_wait3A_494 = tpu.memref_slice %arg2[%multiple_of3A_361, %dma_wait3A_493] : memref<4096x2048xf32, #tpu.memory_space<hbm>> -> memref<8x2048xf32, #tpu.memory_space<hbm>>
    %dma_wait3A_495 = arith.constant 0 : i32
    %dma_wait3A_496 = arith.constant 0 : i32
    %dma_wait3A_497 = tpu.memref_slice %arg7[%dma_wait3A_488, %dma_wait3A_495, %dma_wait3A_496] : memref<2x8x2048xf32, #tpu.memory_space<vmem>> -> memref<1x8x2048xf32, #tpu.memory_space<vmem>>
    %dma_wait3A_498 = tpu.memref_squeeze %dma_wait3A_497 : memref<1x8x2048xf32, #tpu.memory_space<vmem>> -> memref<8x2048xf32, #tpu.memory_space<vmem>>
    %dma_wait3A_499 = arith.constant 0 : i32
    %dma_wait3A_500 = tpu.memref_slice %arg2[%multiple_of3A_361, %dma_wait3A_499] : memref<4096x2048xf32, #tpu.memory_space<hbm>> -> memref<8x2048xf32, #tpu.memory_space<hbm>>
    tpu.wait_dma2 semaphore(%arg9 : memref<!tpu.dma_semaphore, #tpu.memory_space<semaphore_mem>>) src(%dma_wait3A_500 : memref<8x2048xf32, #tpu.memory_space<hbm>>) dst(%dma_wait3A_498 : memref<8x2048xf32, #tpu.memory_space<vmem>>)
    %dma_wait3A_501 = arith.constant 1 : i32
    %dma_wait3A_502 = arith.constant 0 : i32
    %dma_wait3A_503 = arith.constant 0 : i32
    %dma_wait3A_504 = tpu.memref_slice %arg8[%dma_wait3A_501, %dma_wait3A_502, %dma_wait3A_503] : memref<2x8x2048xf32, #tpu.memory_space<vmem>> -> memref<1x8x2048xf32, #tpu.memory_space<vmem>>
    %dma_wait3A_505 = tpu.memref_squeeze %dma_wait3A_504 : memref<1x8x2048xf32, #tpu.memory_space<vmem>> -> memref<8x2048xf32, #tpu.memory_space<vmem>>
    %dma_wait3A_506 = arith.constant 0 : i32
    %dma_wait3A_507 = tpu.memref_slice %arg4[%multiple_of3A_345, %dma_wait3A_506] : memref<4096x2048xf32, #tpu.memory_space<hbm>> -> memref<8x2048xf32, #tpu.memory_space<hbm>>
    %dma_wait3A_508 = arith.constant 0 : i32
    %dma_wait3A_509 = tpu.memref_slice %arg4[%multiple_of3A_345, %dma_wait3A_508] : memref<4096x2048xf32, #tpu.memory_space<hbm>> -> memref<8x2048xf32, #tpu.memory_space<hbm>>
    %dma_wait3A_510 = arith.constant 0 : i32
    %dma_wait3A_511 = arith.constant 0 : i32
    %dma_wait3A_512 = tpu.memref_slice %arg8[%dma_wait3A_501, %dma_wait3A_510, %dma_wait3A_511] : memref<2x8x2048xf32, #tpu.memory_space<vmem>> -> memref<1x8x2048xf32, #tpu.memory_space<vmem>>
    %dma_wait3A_513 = tpu.memref_squeeze %dma_wait3A_512 : memref<1x8x2048xf32, #tpu.memory_space<vmem>> -> memref<8x2048xf32, #tpu.memory_space<vmem>>
    tpu.wait_dma2 semaphore(%arg10 : memref<!tpu.dma_semaphore, #tpu.memory_space<semaphore_mem>>) src(%dma_wait3A_513 : memref<8x2048xf32, #tpu.memory_space<vmem>>) dst(%dma_wait3A_509 : memref<8x2048xf32, #tpu.memory_space<hbm>>)
    %scan3A_514 = arith.constant 0 : i32
    %scan3A_515 = arith.constant 0 : i32
    %scan3A_516 = arith.constant 8 : i32
    %scan3A_517 = arith.addi %scan3A_515, %scan3A_516 : i32
    %scan3A_518 = arith.constant 1 : i32
    %scan3A_519 = scf.for %scan3A_1425 = %scan3A_515 to %scan3A_517 step %scan3A_518 iter_args(%scan3A_1426 = %scan3A_514) -> (i32)  : i32 {
      %scan3A_1427 = arith.constant 0 : i32
      %scan3A_1428 = arith.constant 0 : i32
      %scan3A_1429 = arith.constant 128 : i32
      %scan3A_1430 = arith.addi %scan3A_1428, %scan3A_1429 : i32
      %scan3A_1431 = arith.constant 1 : i32
      %scan3A_1432 = scf.for %scan3A_1434 = %scan3A_1428 to %scan3A_1430 step %scan3A_1431 iter_args(%scan3A_1435 = %scan3A_1427) -> (i32)  : i32 {
        %mul3A_1436 = arith.constant 16 : i32
        %mul3A_1437 = arith.muli %scan3A_1434, %mul3A_1436 : i32
        %get3A = arith.constant 1 : i32
        %get3A_1438 = arith.index_cast %get3A : i32 to index
        %get3A_1439 = arith.index_cast %scan3A_1425 : i32 to index
        %get3A_1440 = arith.index_cast %mul3A_1437 : i32 to index
        %get3A_1441 = tpu.vector_load %arg7[%get3A_1438, %get3A_1439, %get3A_1440] {strides = array<i32>} : memref<2x8x2048xf32, #tpu.memory_space<vmem>>, vector<1x1x16xf32>,
        %get3A_1442 = vector.shape_cast %get3A_1441 : vector<1x1x16xf32> to vector<16xf32>
        %mul3A_1443 = arith.constant 8.000000e-01 : f32
        %mul3A_1444 = vector.broadcast %mul3A_1443 : f32 to vector<16xf32>
        %mul3A_1445 = arith.mulf %mul3A_1444, %get3A_1442 : vector<16xf32>
        %get3A_1446 = arith.constant 1 : i32
        %get3A_1447 = arith.index_cast %get3A_1446 : i32 to index
        %get3A_1448 = arith.index_cast %scan3A_1425 : i32 to index
        %get3A_1449 = arith.index_cast %mul3A_1437 : i32 to index
        %get3A_1450 = tpu.vector_load %arg6[%get3A_1447, %get3A_1448, %get3A_1449] {strides = array<i32>} : memref<2x8x2048xf32, #tpu.memory_space<vmem>>, vector<1x1x16xf32>,
        %get3A_1451 = vector.shape_cast %get3A_1450 : vector<1x1x16xf32> to vector<16xf32>
        %mul3A_1452 = arith.constant 2.000000e-01 : f32
        %mul3A_1453 = vector.broadcast %mul3A_1452 : f32 to vector<16xf32>
        %mul3A_1454 = arith.mulf %mul3A_1453, %get3A_1451 : vector<16xf32>
        %add3A_1455 = arith.addf %mul3A_1445, %mul3A_1454 : vector<16xf32>
        %swap3A = arith.constant 1 : i32
        %swap3A_1456 = arith.index_cast %swap3A : i32 to index
        %swap3A_1457 = arith.index_cast %scan3A_1425 : i32 to index
        %swap3A_1458 = arith.index_cast %mul3A_1437 : i32 to index
        %swap3A_1459 = tpu.vector_load %arg8[%swap3A_1456, %swap3A_1457, %swap3A_1458] {strides = array<i32>} : memref<2x8x2048xf32, #tpu.memory_space<vmem>>, vector<1x1x16xf32>,
        %swap3A_1460 = vector.shape_cast %swap3A_1459 : vector<1x1x16xf32> to vector<16xf32>
        %swap3A_1461 = vector.shape_cast %add3A_1455 : vector<16xf32> to vector<1x1x16xf32>
        tpu.vector_store %arg8[%swap3A_1456, %swap3A_1457, %swap3A_1458], %swap3A_1461 {strides = array<i32>} : memref<2x8x2048xf32, #tpu.memory_space<vmem>>, vector<1x1x16xf32>,
        %scan3A_1462 = arith.constant 0 : i32
        scf.yield %scan3A_1462 : i32
      }
      %scan3A_1433 = arith.constant 128 : i32
      scf.yield %scan3A_1432 : i32
    }
    %scan3A_520 = arith.constant 8 : i32
    %add3A_521 = arith.constant 40 : i32
    %add3A_522 = arith.addi %mul3A_2, %add3A_521 : i32
    %multiple_of3A_523 = tpu.assume_multiple %add3A_522, 8 : i32
    %dma_start3A_524 = arith.constant 1 : i32
    %dma_start3A_525 = arith.constant 0 : i32
    %dma_start3A_526 = arith.constant 0 : i32
    %dma_start3A_527 = tpu.memref_slice %arg8[%dma_start3A_524, %dma_start3A_525, %dma_start3A_526] : memref<2x8x2048xf32, #tpu.memory_space<vmem>> -> memref<1x8x2048xf32, #tpu.memory_space<vmem>>
    %dma_start3A_528 = tpu.memref_squeeze %dma_start3A_527 : memref<1x8x2048xf32, #tpu.memory_space<vmem>> -> memref<8x2048xf32, #tpu.memory_space<vmem>>
    %dma_start3A_529 = arith.constant 0 : i32
    %dma_start3A_530 = tpu.memref_slice %arg4[%multiple_of3A_523, %dma_start3A_529] : memref<4096x2048xf32, #tpu.memory_space<hbm>> -> memref<8x2048xf32, #tpu.memory_space<hbm>>
    %dma_start3A_531 = arith.constant 0 : i32
    %dma_start3A_532 = tpu.memref_slice %arg4[%multiple_of3A_523, %dma_start3A_531] : memref<4096x2048xf32, #tpu.memory_space<hbm>> -> memref<8x2048xf32, #tpu.memory_space<hbm>>
    %dma_start3A_533 = arith.constant 0 : i32
    %dma_start3A_534 = arith.constant 0 : i32
    %dma_start3A_535 = tpu.memref_slice %arg8[%dma_start3A_524, %dma_start3A_533, %dma_start3A_534] : memref<2x8x2048xf32, #tpu.memory_space<vmem>> -> memref<1x8x2048xf32, #tpu.memory_space<vmem>>
    %dma_start3A_536 = tpu.memref_squeeze %dma_start3A_535 : memref<1x8x2048xf32, #tpu.memory_space<vmem>> -> memref<8x2048xf32, #tpu.memory_space<vmem>>
    tpu.enqueue_dma source(%dma_start3A_536 : memref<8x2048xf32, #tpu.memory_space<vmem>>) target(%dma_start3A_532 : memref<8x2048xf32, #tpu.memory_space<hbm>>) target_semaphore(%arg10 : memref<!tpu.dma_semaphore, #tpu.memory_space<semaphore_mem>>)
    %add3A_537 = arith.constant 56 : i32
    %add3A_538 = arith.addi %mul3A_2, %add3A_537 : i32
    %multiple_of3A_539 = tpu.assume_multiple %add3A_538, 8 : i32
    %dma_start3A_540 = arith.constant 7 : i32
    %dma_start3A_541 = arith.constant 1 : i32
    %dma_start3A_542 = arith.constant 0 : i32
    %dma_start3A_543 = arith.constant 0 : i32
    %dma_start3A_544 = tpu.memref_slice %arg6[%dma_start3A_541, %dma_start3A_542, %dma_start3A_543] : memref<2x8x2048xf32, #tpu.memory_space<vmem>> -> memref<1x8x2048xf32, #tpu.memory_space<vmem>>
    %dma_start3A_545 = tpu.memref_squeeze %dma_start3A_544 : memref<1x8x2048xf32, #tpu.memory_space<vmem>> -> memref<8x2048xf32, #tpu.memory_space<vmem>>
    %dma_start3A_546 = arith.constant 0 : i32
    %dma_start3A_547 = tpu.memref_slice %arg5[%dma_start3A_540, %dma_start3A_546] : memref<16x8xi32, #tpu.memory_space<vmem>> -> memref<1x8xi32, #tpu.memory_space<vmem>>
    %dma_start3A_548 = tpu.memref_squeeze %dma_start3A_547 : memref<1x8xi32, #tpu.memory_space<vmem>> -> memref<8xi32, #tpu.memory_space<vmem>>
    %dma_start3A_549 = arith.constant 0 : i32
    %dma_start3A_550 = arith.constant 0 : i32
    %dma_start3A_551 = tpu.memref_slice %arg2[%dma_start3A_549, %dma_start3A_550] : memref<4096x2048xf32, #tpu.memory_space<hbm>> -> memref<4096x2048xf32, #tpu.memory_space<hbm>>
    tpu.enqueue_indirect_dma source(%dma_start3A_551 : memref<4096x2048xf32, #tpu.memory_space<hbm>>) target(%dma_start3A_545 : memref<8x2048xf32, #tpu.memory_space<vmem>>) offsets(%dma_start3A_548 : memref<8xi32, #tpu.memory_space<vmem>>) semaphore(%arg9 : memref<!tpu.dma_semaphore, #tpu.memory_space<semaphore_mem>>)
    %dma_start3A_552 = arith.constant 1 : i32
    %dma_start3A_553 = arith.constant 0 : i32
    %dma_start3A_554 = arith.constant 0 : i32
    %dma_start3A_555 = tpu.memref_slice %arg7[%dma_start3A_552, %dma_start3A_553, %dma_start3A_554] : memref<2x8x2048xf32, #tpu.memory_space<vmem>> -> memref<1x8x2048xf32, #tpu.memory_space<vmem>>
    %dma_start3A_556 = tpu.memref_squeeze %dma_start3A_555 : memref<1x8x2048xf32, #tpu.memory_space<vmem>> -> memref<8x2048xf32, #tpu.memory_space<vmem>>
    %dma_start3A_557 = arith.constant 0 : i32
    %dma_start3A_558 = tpu.memref_slice %arg2[%multiple_of3A_539, %dma_start3A_557] : memref<4096x2048xf32, #tpu.memory_space<hbm>> -> memref<8x2048xf32, #tpu.memory_space<hbm>>
    %dma_start3A_559 = arith.constant 0 : i32
    %dma_start3A_560 = arith.constant 0 : i32
    %dma_start3A_561 = tpu.memref_slice %arg7[%dma_start3A_552, %dma_start3A_559, %dma_start3A_560] : memref<2x8x2048xf32, #tpu.memory_space<vmem>> -> memref<1x8x2048xf32, #tpu.memory_space<vmem>>
    %dma_start3A_562 = tpu.memref_squeeze %dma_start3A_561 : memref<1x8x2048xf32, #tpu.memory_space<vmem>> -> memref<8x2048xf32, #tpu.memory_space<vmem>>
    %dma_start3A_563 = arith.constant 0 : i32
    %dma_start3A_564 = tpu.memref_slice %arg2[%multiple_of3A_539, %dma_start3A_563] : memref<4096x2048xf32, #tpu.memory_space<hbm>> -> memref<8x2048xf32, #tpu.memory_space<hbm>>
    tpu.enqueue_dma source(%dma_start3A_564 : memref<8x2048xf32, #tpu.memory_space<hbm>>) target(%dma_start3A_562 : memref<8x2048xf32, #tpu.memory_space<vmem>>) target_semaphore(%arg9 : memref<!tpu.dma_semaphore, #tpu.memory_space<semaphore_mem>>)
    %dma_wait3A_565 = arith.constant 6 : i32
    %dma_wait3A_566 = arith.constant 0 : i32
    %dma_wait3A_567 = arith.constant 0 : i32
    %dma_wait3A_568 = arith.constant 0 : i32
    %dma_wait3A_569 = tpu.memref_slice %arg6[%dma_wait3A_566, %dma_wait3A_567, %dma_wait3A_568] : memref<2x8x2048xf32, #tpu.memory_space<vmem>> -> memref<1x8x2048xf32, #tpu.memory_space<vmem>>
    %dma_wait3A_570 = tpu.memref_squeeze %dma_wait3A_569 : memref<1x8x2048xf32, #tpu.memory_space<vmem>> -> memref<8x2048xf32, #tpu.memory_space<vmem>>
    %dma_wait3A_571 = arith.constant 0 : i32
    %dma_wait3A_572 = tpu.memref_slice %arg5[%dma_wait3A_565, %dma_wait3A_571] : memref<16x8xi32, #tpu.memory_space<vmem>> -> memref<1x8xi32, #tpu.memory_space<vmem>>
    %dma_wait3A_573 = tpu.memref_squeeze %dma_wait3A_572 : memref<1x8xi32, #tpu.memory_space<vmem>> -> memref<8xi32, #tpu.memory_space<vmem>>
    %dma_wait3A_574 = arith.constant 0 : i32
    %dma_wait3A_575 = arith.constant 0 : i32
    %dma_wait3A_576 = tpu.memref_slice %arg2[%dma_wait3A_574, %dma_wait3A_575] : memref<4096x2048xf32, #tpu.memory_space<hbm>> -> memref<4096x2048xf32, #tpu.memory_space<hbm>>
    tpu.wait_indirect_dma semaphore(%arg9 : memref<!tpu.dma_semaphore, #tpu.memory_space<semaphore_mem>>) src(%dma_wait3A_576 : memref<4096x2048xf32, #tpu.memory_space<hbm>>) dst(%dma_wait3A_570 : memref<8x2048xf32, #tpu.memory_space<vmem>>)
    %dma_wait3A_577 = arith.constant 0 : i32
    %dma_wait3A_578 = arith.constant 0 : i32
    %dma_wait3A_579 = arith.constant 0 : i32
    %dma_wait3A_580 = tpu.memref_slice %arg7[%dma_wait3A_577, %dma_wait3A_578, %dma_wait3A_579] : memref<2x8x2048xf32, #tpu.memory_space<vmem>> -> memref<1x8x2048xf32, #tpu.memory_space<vmem>>
    %dma_wait3A_581 = tpu.memref_squeeze %dma_wait3A_580 : memref<1x8x2048xf32, #tpu.memory_space<vmem>> -> memref<8x2048xf32, #tpu.memory_space<vmem>>
    %dma_wait3A_582 = arith.constant 0 : i32
    %dma_wait3A_583 = tpu.memref_slice %arg2[%multiple_of3A_450, %dma_wait3A_582] : memref<4096x2048xf32, #tpu.memory_space<hbm>> -> memref<8x2048xf32, #tpu.memory_space<hbm>>
    %dma_wait3A_584 = arith.constant 0 : i32
    %dma_wait3A_585 = arith.constant 0 : i32
    %dma_wait3A_586 = tpu.memref_slice %arg7[%dma_wait3A_577, %dma_wait3A_584, %dma_wait3A_585] : memref<2x8x2048xf32, #tpu.memory_space<vmem>> -> memref<1x8x2048xf32, #tpu.memory_space<vmem>>
    %dma_wait3A_587 = tpu.memref_squeeze %dma_wait3A_586 : memref<1x8x2048xf32, #tpu.memory_space<vmem>> -> memref<8x2048xf32, #tpu.memory_space<vmem>>
    %dma_wait3A_588 = arith.constant 0 : i32
    %dma_wait3A_589 = tpu.memref_slice %arg2[%multiple_of3A_450, %dma_wait3A_588] : memref<4096x2048xf32, #tpu.memory_space<hbm>> -> memref<8x2048xf32, #tpu.memory_space<hbm>>
    tpu.wait_dma2 semaphore(%arg9 : memref<!tpu.dma_semaphore, #tpu.memory_space<semaphore_mem>>) src(%dma_wait3A_589 : memref<8x2048xf32, #tpu.memory_space<hbm>>) dst(%dma_wait3A_587 : memref<8x2048xf32, #tpu.memory_space<vmem>>)
    %dma_wait3A_590 = arith.constant 0 : i32
    %dma_wait3A_591 = arith.constant 0 : i32
    %dma_wait3A_592 = arith.constant 0 : i32
    %dma_wait3A_593 = tpu.memref_slice %arg8[%dma_wait3A_590, %dma_wait3A_591, %dma_wait3A_592] : memref<2x8x2048xf32, #tpu.memory_space<vmem>> -> memref<1x8x2048xf32, #tpu.memory_space<vmem>>
    %dma_wait3A_594 = tpu.memref_squeeze %dma_wait3A_593 : memref<1x8x2048xf32, #tpu.memory_space<vmem>> -> memref<8x2048xf32, #tpu.memory_space<vmem>>
    %dma_wait3A_595 = arith.constant 0 : i32
    %dma_wait3A_596 = tpu.memref_slice %arg4[%multiple_of3A_434, %dma_wait3A_595] : memref<4096x2048xf32, #tpu.memory_space<hbm>> -> memref<8x2048xf32, #tpu.memory_space<hbm>>
    %dma_wait3A_597 = arith.constant 0 : i32
    %dma_wait3A_598 = tpu.memref_slice %arg4[%multiple_of3A_434, %dma_wait3A_597] : memref<4096x2048xf32, #tpu.memory_space<hbm>> -> memref<8x2048xf32, #tpu.memory_space<hbm>>
    %dma_wait3A_599 = arith.constant 0 : i32
    %dma_wait3A_600 = arith.constant 0 : i32
    %dma_wait3A_601 = tpu.memref_slice %arg8[%dma_wait3A_590, %dma_wait3A_599, %dma_wait3A_600] : memref<2x8x2048xf32, #tpu.memory_space<vmem>> -> memref<1x8x2048xf32, #tpu.memory_space<vmem>>
    %dma_wait3A_602 = tpu.memref_squeeze %dma_wait3A_601 : memref<1x8x2048xf32, #tpu.memory_space<vmem>> -> memref<8x2048xf32, #tpu.memory_space<vmem>>
    tpu.wait_dma2 semaphore(%arg10 : memref<!tpu.dma_semaphore, #tpu.memory_space<semaphore_mem>>) src(%dma_wait3A_602 : memref<8x2048xf32, #tpu.memory_space<vmem>>) dst(%dma_wait3A_598 : memref<8x2048xf32, #tpu.memory_space<hbm>>)
    %scan3A_603 = arith.constant 0 : i32
    %scan3A_604 = arith.constant 0 : i32
    %scan3A_605 = arith.constant 8 : i32
    %scan3A_606 = arith.addi %scan3A_604, %scan3A_605 : i32
    %scan3A_607 = arith.constant 1 : i32
    %scan3A_608 = scf.for %scan3A_1425 = %scan3A_604 to %scan3A_606 step %scan3A_607 iter_args(%scan3A_1426 = %scan3A_603) -> (i32)  : i32 {
      %scan3A_1427 = arith.constant 0 : i32
      %scan3A_1428 = arith.constant 0 : i32
      %scan3A_1429 = arith.constant 128 : i32
      %scan3A_1430 = arith.addi %scan3A_1428, %scan3A_1429 : i32
      %scan3A_1431 = arith.constant 1 : i32
      %scan3A_1432 = scf.for %scan3A_1434 = %scan3A_1428 to %scan3A_1430 step %scan3A_1431 iter_args(%scan3A_1435 = %scan3A_1427) -> (i32)  : i32 {
        %mul3A_1436 = arith.constant 16 : i32
        %mul3A_1437 = arith.muli %scan3A_1434, %mul3A_1436 : i32
        %get3A = arith.constant 0 : i32
        %get3A_1438 = arith.index_cast %get3A : i32 to index
        %get3A_1439 = arith.index_cast %scan3A_1425 : i32 to index
        %get3A_1440 = arith.index_cast %mul3A_1437 : i32 to index
        %get3A_1441 = tpu.vector_load %arg7[%get3A_1438, %get3A_1439, %get3A_1440] {strides = array<i32>} : memref<2x8x2048xf32, #tpu.memory_space<vmem>>, vector<1x1x16xf32>,
        %get3A_1442 = vector.shape_cast %get3A_1441 : vector<1x1x16xf32> to vector<16xf32>
        %mul3A_1443 = arith.constant 8.000000e-01 : f32
        %mul3A_1444 = vector.broadcast %mul3A_1443 : f32 to vector<16xf32>
        %mul3A_1445 = arith.mulf %mul3A_1444, %get3A_1442 : vector<16xf32>
        %get3A_1446 = arith.constant 0 : i32
        %get3A_1447 = arith.index_cast %get3A_1446 : i32 to index
        %get3A_1448 = arith.index_cast %scan3A_1425 : i32 to index
        %get3A_1449 = arith.index_cast %mul3A_1437 : i32 to index
        %get3A_1450 = tpu.vector_load %arg6[%get3A_1447, %get3A_1448, %get3A_1449] {strides = array<i32>} : memref<2x8x2048xf32, #tpu.memory_space<vmem>>, vector<1x1x16xf32>,
        %get3A_1451 = vector.shape_cast %get3A_1450 : vector<1x1x16xf32> to vector<16xf32>
        %mul3A_1452 = arith.constant 2.000000e-01 : f32
        %mul3A_1453 = vector.broadcast %mul3A_1452 : f32 to vector<16xf32>
        %mul3A_1454 = arith.mulf %mul3A_1453, %get3A_1451 : vector<16xf32>
        %add3A_1455 = arith.addf %mul3A_1445, %mul3A_1454 : vector<16xf32>
        %swap3A = arith.constant 0 : i32
        %swap3A_1456 = arith.index_cast %swap3A : i32 to index
        %swap3A_1457 = arith.index_cast %scan3A_1425 : i32 to index
        %swap3A_1458 = arith.index_cast %mul3A_1437 : i32 to index
        %swap3A_1459 = tpu.vector_load %arg8[%swap3A_1456, %swap3A_1457, %swap3A_1458] {strides = array<i32>} : memref<2x8x2048xf32, #tpu.memory_space<vmem>>, vector<1x1x16xf32>,
        %swap3A_1460 = vector.shape_cast %swap3A_1459 : vector<1x1x16xf32> to vector<16xf32>
        %swap3A_1461 = vector.shape_cast %add3A_1455 : vector<16xf32> to vector<1x1x16xf32>
        tpu.vector_store %arg8[%swap3A_1456, %swap3A_1457, %swap3A_1458], %swap3A_1461 {strides = array<i32>} : memref<2x8x2048xf32, #tpu.memory_space<vmem>>, vector<1x1x16xf32>,
        %scan3A_1462 = arith.constant 0 : i32
        scf.yield %scan3A_1462 : i32
      }
      %scan3A_1433 = arith.constant 128 : i32
      scf.yield %scan3A_1432 : i32
    }
    %scan3A_609 = arith.constant 8 : i32
    %add3A_610 = arith.constant 48 : i32
    %add3A_611 = arith.addi %mul3A_2, %add3A_610 : i32
    %multiple_of3A_612 = tpu.assume_multiple %add3A_611, 8 : i32
    %dma_start3A_613 = arith.constant 0 : i32
    %dma_start3A_614 = arith.constant 0 : i32
    %dma_start3A_615 = arith.constant 0 : i32
    %dma_start3A_616 = tpu.memref_slice %arg8[%dma_start3A_613, %dma_start3A_614, %dma_start3A_615] : memref<2x8x2048xf32, #tpu.memory_space<vmem>> -> memref<1x8x2048xf32, #tpu.memory_space<vmem>>
    %dma_start3A_617 = tpu.memref_squeeze %dma_start3A_616 : memref<1x8x2048xf32, #tpu.memory_space<vmem>> -> memref<8x2048xf32, #tpu.memory_space<vmem>>
    %dma_start3A_618 = arith.constant 0 : i32
    %dma_start3A_619 = tpu.memref_slice %arg4[%multiple_of3A_612, %dma_start3A_618] : memref<4096x2048xf32, #tpu.memory_space<hbm>> -> memref<8x2048xf32, #tpu.memory_space<hbm>>
    %dma_start3A_620 = arith.constant 0 : i32
    %dma_start3A_621 = tpu.memref_slice %arg4[%multiple_of3A_612, %dma_start3A_620] : memref<4096x2048xf32, #tpu.memory_space<hbm>> -> memref<8x2048xf32, #tpu.memory_space<hbm>>
    %dma_start3A_622 = arith.constant 0 : i32
    %dma_start3A_623 = arith.constant 0 : i32
    %dma_start3A_624 = tpu.memref_slice %arg8[%dma_start3A_613, %dma_start3A_622, %dma_start3A_623] : memref<2x8x2048xf32, #tpu.memory_space<vmem>> -> memref<1x8x2048xf32, #tpu.memory_space<vmem>>
    %dma_start3A_625 = tpu.memref_squeeze %dma_start3A_624 : memref<1x8x2048xf32, #tpu.memory_space<vmem>> -> memref<8x2048xf32, #tpu.memory_space<vmem>>
    tpu.enqueue_dma source(%dma_start3A_625 : memref<8x2048xf32, #tpu.memory_space<vmem>>) target(%dma_start3A_621 : memref<8x2048xf32, #tpu.memory_space<hbm>>) target_semaphore(%arg10 : memref<!tpu.dma_semaphore, #tpu.memory_space<semaphore_mem>>)
    %add3A_626 = arith.constant 64 : i32
    %add3A_627 = arith.addi %mul3A_2, %add3A_626 : i32
    %multiple_of3A_628 = tpu.assume_multiple %add3A_627, 8 : i32
    %dma_start3A_629 = arith.constant 8 : i32
    %dma_start3A_630 = arith.constant 0 : i32
    %dma_start3A_631 = arith.constant 0 : i32
    %dma_start3A_632 = arith.constant 0 : i32
    %dma_start3A_633 = tpu.memref_slice %arg6[%dma_start3A_630, %dma_start3A_631, %dma_start3A_632] : memref<2x8x2048xf32, #tpu.memory_space<vmem>> -> memref<1x8x2048xf32, #tpu.memory_space<vmem>>
    %dma_start3A_634 = tpu.memref_squeeze %dma_start3A_633 : memref<1x8x2048xf32, #tpu.memory_space<vmem>> -> memref<8x2048xf32, #tpu.memory_space<vmem>>
    %dma_start3A_635 = arith.constant 0 : i32
    %dma_start3A_636 = tpu.memref_slice %arg5[%dma_start3A_629, %dma_start3A_635] : memref<16x8xi32, #tpu.memory_space<vmem>> -> memref<1x8xi32, #tpu.memory_space<vmem>>
    %dma_start3A_637 = tpu.memref_squeeze %dma_start3A_636 : memref<1x8xi32, #tpu.memory_space<vmem>> -> memref<8xi32, #tpu.memory_space<vmem>>
    %dma_start3A_638 = arith.constant 0 : i32
    %dma_start3A_639 = arith.constant 0 : i32
    %dma_start3A_640 = tpu.memref_slice %arg2[%dma_start3A_638, %dma_start3A_639] : memref<4096x2048xf32, #tpu.memory_space<hbm>> -> memref<4096x2048xf32, #tpu.memory_space<hbm>>
    tpu.enqueue_indirect_dma source(%dma_start3A_640 : memref<4096x2048xf32, #tpu.memory_space<hbm>>) target(%dma_start3A_634 : memref<8x2048xf32, #tpu.memory_space<vmem>>) offsets(%dma_start3A_637 : memref<8xi32, #tpu.memory_space<vmem>>) semaphore(%arg9 : memref<!tpu.dma_semaphore, #tpu.memory_space<semaphore_mem>>)
    %dma_start3A_641 = arith.constant 0 : i32
    %dma_start3A_642 = arith.constant 0 : i32
    %dma_start3A_643 = arith.constant 0 : i32
    %dma_start3A_644 = tpu.memref_slice %arg7[%dma_start3A_641, %dma_start3A_642, %dma_start3A_643] : memref<2x8x2048xf32, #tpu.memory_space<vmem>> -> memref<1x8x2048xf32, #tpu.memory_space<vmem>>
    %dma_start3A_645 = tpu.memref_squeeze %dma_start3A_644 : memref<1x8x2048xf32, #tpu.memory_space<vmem>> -> memref<8x2048xf32, #tpu.memory_space<vmem>>
    %dma_start3A_646 = arith.constant 0 : i32
    %dma_start3A_647 = tpu.memref_slice %arg2[%multiple_of3A_628, %dma_start3A_646] : memref<4096x2048xf32, #tpu.memory_space<hbm>> -> memref<8x2048xf32, #tpu.memory_space<hbm>>
    %dma_start3A_648 = arith.constant 0 : i32
    %dma_start3A_649 = arith.constant 0 : i32
    %dma_start3A_650 = tpu.memref_slice %arg7[%dma_start3A_641, %dma_start3A_648, %dma_start3A_649] : memref<2x8x2048xf32, #tpu.memory_space<vmem>> -> memref<1x8x2048xf32, #tpu.memory_space<vmem>>
    %dma_start3A_651 = tpu.memref_squeeze %dma_start3A_650 : memref<1x8x2048xf32, #tpu.memory_space<vmem>> -> memref<8x2048xf32, #tpu.memory_space<vmem>>
    %dma_start3A_652 = arith.constant 0 : i32
    %dma_start3A_653 = tpu.memref_slice %arg2[%multiple_of3A_628, %dma_start3A_652] : memref<4096x2048xf32, #tpu.memory_space<hbm>> -> memref<8x2048xf32, #tpu.memory_space<hbm>>
    tpu.enqueue_dma source(%dma_start3A_653 : memref<8x2048xf32, #tpu.memory_space<hbm>>) target(%dma_start3A_651 : memref<8x2048xf32, #tpu.memory_space<vmem>>) target_semaphore(%arg9 : memref<!tpu.dma_semaphore, #tpu.memory_space<semaphore_mem>>)
    %dma_wait3A_654 = arith.constant 7 : i32
    %dma_wait3A_655 = arith.constant 1 : i32
    %dma_wait3A_656 = arith.constant 0 : i32
    %dma_wait3A_657 = arith.constant 0 : i32
    %dma_wait3A_658 = tpu.memref_slice %arg6[%dma_wait3A_655, %dma_wait3A_656, %dma_wait3A_657] : memref<2x8x2048xf32, #tpu.memory_space<vmem>> -> memref<1x8x2048xf32, #tpu.memory_space<vmem>>
    %dma_wait3A_659 = tpu.memref_squeeze %dma_wait3A_658 : memref<1x8x2048xf32, #tpu.memory_space<vmem>> -> memref<8x2048xf32, #tpu.memory_space<vmem>>
    %dma_wait3A_660 = arith.constant 0 : i32
    %dma_wait3A_661 = tpu.memref_slice %arg5[%dma_wait3A_654, %dma_wait3A_660] : memref<16x8xi32, #tpu.memory_space<vmem>> -> memref<1x8xi32, #tpu.memory_space<vmem>>
    %dma_wait3A_662 = tpu.memref_squeeze %dma_wait3A_661 : memref<1x8xi32, #tpu.memory_space<vmem>> -> memref<8xi32, #tpu.memory_space<vmem>>
    %dma_wait3A_663 = arith.constant 0 : i32
    %dma_wait3A_664 = arith.constant 0 : i32
    %dma_wait3A_665 = tpu.memref_slice %arg2[%dma_wait3A_663, %dma_wait3A_664] : memref<4096x2048xf32, #tpu.memory_space<hbm>> -> memref<4096x2048xf32, #tpu.memory_space<hbm>>
    tpu.wait_indirect_dma semaphore(%arg9 : memref<!tpu.dma_semaphore, #tpu.memory_space<semaphore_mem>>) src(%dma_wait3A_665 : memref<4096x2048xf32, #tpu.memory_space<hbm>>) dst(%dma_wait3A_659 : memref<8x2048xf32, #tpu.memory_space<vmem>>)
    %dma_wait3A_666 = arith.constant 1 : i32
    %dma_wait3A_667 = arith.constant 0 : i32
    %dma_wait3A_668 = arith.constant 0 : i32
    %dma_wait3A_669 = tpu.memref_slice %arg7[%dma_wait3A_666, %dma_wait3A_667, %dma_wait3A_668] : memref<2x8x2048xf32, #tpu.memory_space<vmem>> -> memref<1x8x2048xf32, #tpu.memory_space<vmem>>
    %dma_wait3A_670 = tpu.memref_squeeze %dma_wait3A_669 : memref<1x8x2048xf32, #tpu.memory_space<vmem>> -> memref<8x2048xf32, #tpu.memory_space<vmem>>
    %dma_wait3A_671 = arith.constant 0 : i32
    %dma_wait3A_672 = tpu.memref_slice %arg2[%multiple_of3A_539, %dma_wait3A_671] : memref<4096x2048xf32, #tpu.memory_space<hbm>> -> memref<8x2048xf32, #tpu.memory_space<hbm>>
    %dma_wait3A_673 = arith.constant 0 : i32
    %dma_wait3A_674 = arith.constant 0 : i32
    %dma_wait3A_675 = tpu.memref_slice %arg7[%dma_wait3A_666, %dma_wait3A_673, %dma_wait3A_674] : memref<2x8x2048xf32, #tpu.memory_space<vmem>> -> memref<1x8x2048xf32, #tpu.memory_space<vmem>>
    %dma_wait3A_676 = tpu.memref_squeeze %dma_wait3A_675 : memref<1x8x2048xf32, #tpu.memory_space<vmem>> -> memref<8x2048xf32, #tpu.memory_space<vmem>>
    %dma_wait3A_677 = arith.constant 0 : i32
    %dma_wait3A_678 = tpu.memref_slice %arg2[%multiple_of3A_539, %dma_wait3A_677] : memref<4096x2048xf32, #tpu.memory_space<hbm>> -> memref<8x2048xf32, #tpu.memory_space<hbm>>
    tpu.wait_dma2 semaphore(%arg9 : memref<!tpu.dma_semaphore, #tpu.memory_space<semaphore_mem>>) src(%dma_wait3A_678 : memref<8x2048xf32, #tpu.memory_space<hbm>>) dst(%dma_wait3A_676 : memref<8x2048xf32, #tpu.memory_space<vmem>>)
    %dma_wait3A_679 = arith.constant 1 : i32
    %dma_wait3A_680 = arith.constant 0 : i32
    %dma_wait3A_681 = arith.constant 0 : i32
    %dma_wait3A_682 = tpu.memref_slice %arg8[%dma_wait3A_679, %dma_wait3A_680, %dma_wait3A_681] : memref<2x8x2048xf32, #tpu.memory_space<vmem>> -> memref<1x8x2048xf32, #tpu.memory_space<vmem>>
    %dma_wait3A_683 = tpu.memref_squeeze %dma_wait3A_682 : memref<1x8x2048xf32, #tpu.memory_space<vmem>> -> memref<8x2048xf32, #tpu.memory_space<vmem>>
    %dma_wait3A_684 = arith.constant 0 : i32
    %dma_wait3A_685 = tpu.memref_slice %arg4[%multiple_of3A_523, %dma_wait3A_684] : memref<4096x2048xf32, #tpu.memory_space<hbm>> -> memref<8x2048xf32, #tpu.memory_space<hbm>>
    %dma_wait3A_686 = arith.constant 0 : i32
    %dma_wait3A_687 = tpu.memref_slice %arg4[%multiple_of3A_523, %dma_wait3A_686] : memref<4096x2048xf32, #tpu.memory_space<hbm>> -> memref<8x2048xf32, #tpu.memory_space<hbm>>
    %dma_wait3A_688 = arith.constant 0 : i32
    %dma_wait3A_689 = arith.constant 0 : i32
    %dma_wait3A_690 = tpu.memref_slice %arg8[%dma_wait3A_679, %dma_wait3A_688, %dma_wait3A_689] : memref<2x8x2048xf32, #tpu.memory_space<vmem>> -> memref<1x8x2048xf32, #tpu.memory_space<vmem>>
    %dma_wait3A_691 = tpu.memref_squeeze %dma_wait3A_690 : memref<1x8x2048xf32, #tpu.memory_space<vmem>> -> memref<8x2048xf32, #tpu.memory_space<vmem>>
    tpu.wait_dma2 semaphore(%arg10 : memref<!tpu.dma_semaphore, #tpu.memory_space<semaphore_mem>>) src(%dma_wait3A_691 : memref<8x2048xf32, #tpu.memory_space<vmem>>) dst(%dma_wait3A_687 : memref<8x2048xf32, #tpu.memory_space<hbm>>)
    %scan3A_692 = arith.constant 0 : i32
    %scan3A_693 = arith.constant 0 : i32
    %scan3A_694 = arith.constant 8 : i32
    %scan3A_695 = arith.addi %scan3A_693, %scan3A_694 : i32
    %scan3A_696 = arith.constant 1 : i32
    %scan3A_697 = scf.for %scan3A_1425 = %scan3A_693 to %scan3A_695 step %scan3A_696 iter_args(%scan3A_1426 = %scan3A_692) -> (i32)  : i32 {
      %scan3A_1427 = arith.constant 0 : i32
      %scan3A_1428 = arith.constant 0 : i32
      %scan3A_1429 = arith.constant 128 : i32
      %scan3A_1430 = arith.addi %scan3A_1428, %scan3A_1429 : i32
      %scan3A_1431 = arith.constant 1 : i32
      %scan3A_1432 = scf.for %scan3A_1434 = %scan3A_1428 to %scan3A_1430 step %scan3A_1431 iter_args(%scan3A_1435 = %scan3A_1427) -> (i32)  : i32 {
        %mul3A_1436 = arith.constant 16 : i32
        %mul3A_1437 = arith.muli %scan3A_1434, %mul3A_1436 : i32
        %get3A = arith.constant 1 : i32
        %get3A_1438 = arith.index_cast %get3A : i32 to index
        %get3A_1439 = arith.index_cast %scan3A_1425 : i32 to index
        %get3A_1440 = arith.index_cast %mul3A_1437 : i32 to index
        %get3A_1441 = tpu.vector_load %arg7[%get3A_1438, %get3A_1439, %get3A_1440] {strides = array<i32>} : memref<2x8x2048xf32, #tpu.memory_space<vmem>>, vector<1x1x16xf32>,
        %get3A_1442 = vector.shape_cast %get3A_1441 : vector<1x1x16xf32> to vector<16xf32>
        %mul3A_1443 = arith.constant 8.000000e-01 : f32
        %mul3A_1444 = vector.broadcast %mul3A_1443 : f32 to vector<16xf32>
        %mul3A_1445 = arith.mulf %mul3A_1444, %get3A_1442 : vector<16xf32>
        %get3A_1446 = arith.constant 1 : i32
        %get3A_1447 = arith.index_cast %get3A_1446 : i32 to index
        %get3A_1448 = arith.index_cast %scan3A_1425 : i32 to index
        %get3A_1449 = arith.index_cast %mul3A_1437 : i32 to index
        %get3A_1450 = tpu.vector_load %arg6[%get3A_1447, %get3A_1448, %get3A_1449] {strides = array<i32>} : memref<2x8x2048xf32, #tpu.memory_space<vmem>>, vector<1x1x16xf32>,
        %get3A_1451 = vector.shape_cast %get3A_1450 : vector<1x1x16xf32> to vector<16xf32>
        %mul3A_1452 = arith.constant 2.000000e-01 : f32
        %mul3A_1453 = vector.broadcast %mul3A_1452 : f32 to vector<16xf32>
        %mul3A_1454 = arith.mulf %mul3A_1453, %get3A_1451 : vector<16xf32>
        %add3A_1455 = arith.addf %mul3A_1445, %mul3A_1454 : vector<16xf32>
        %swap3A = arith.constant 1 : i32
        %swap3A_1456 = arith.index_cast %swap3A : i32 to index
        %swap3A_1457 = arith.index_cast %scan3A_1425 : i32 to index
        %swap3A_1458 = arith.index_cast %mul3A_1437 : i32 to index
        %swap3A_1459 = tpu.vector_load %arg8[%swap3A_1456, %swap3A_1457, %swap3A_1458] {strides = array<i32>} : memref<2x8x2048xf32, #tpu.memory_space<vmem>>, vector<1x1x16xf32>,
        %swap3A_1460 = vector.shape_cast %swap3A_1459 : vector<1x1x16xf32> to vector<16xf32>
        %swap3A_1461 = vector.shape_cast %add3A_1455 : vector<16xf32> to vector<1x1x16xf32>
        tpu.vector_store %arg8[%swap3A_1456, %swap3A_1457, %swap3A_1458], %swap3A_1461 {strides = array<i32>} : memref<2x8x2048xf32, #tpu.memory_space<vmem>>, vector<1x1x16xf32>,
        %scan3A_1462 = arith.constant 0 : i32
        scf.yield %scan3A_1462 : i32
      }
      %scan3A_1433 = arith.constant 128 : i32
      scf.yield %scan3A_1432 : i32
    }
    %scan3A_698 = arith.constant 8 : i32
    %add3A_699 = arith.constant 56 : i32
    %add3A_700 = arith.addi %mul3A_2, %add3A_699 : i32
    %multiple_of3A_701 = tpu.assume_multiple %add3A_700, 8 : i32
    %dma_start3A_702 = arith.constant 1 : i32
    %dma_start3A_703 = arith.constant 0 : i32
    %dma_start3A_704 = arith.constant 0 : i32
    %dma_start3A_705 = tpu.memref_slice %arg8[%dma_start3A_702, %dma_start3A_703, %dma_start3A_704] : memref<2x8x2048xf32, #tpu.memory_space<vmem>> -> memref<1x8x2048xf32, #tpu.memory_space<vmem>>
    %dma_start3A_706 = tpu.memref_squeeze %dma_start3A_705 : memref<1x8x2048xf32, #tpu.memory_space<vmem>> -> memref<8x2048xf32, #tpu.memory_space<vmem>>
    %dma_start3A_707 = arith.constant 0 : i32
    %dma_start3A_708 = tpu.memref_slice %arg4[%multiple_of3A_701, %dma_start3A_707] : memref<4096x2048xf32, #tpu.memory_space<hbm>> -> memref<8x2048xf32, #tpu.memory_space<hbm>>
    %dma_start3A_709 = arith.constant 0 : i32
    %dma_start3A_710 = tpu.memref_slice %arg4[%multiple_of3A_701, %dma_start3A_709] : memref<4096x2048xf32, #tpu.memory_space<hbm>> -> memref<8x2048xf32, #tpu.memory_space<hbm>>
    %dma_start3A_711 = arith.constant 0 : i32
    %dma_start3A_712 = arith.constant 0 : i32
    %dma_start3A_713 = tpu.memref_slice %arg8[%dma_start3A_702, %dma_start3A_711, %dma_start3A_712] : memref<2x8x2048xf32, #tpu.memory_space<vmem>> -> memref<1x8x2048xf32, #tpu.memory_space<vmem>>
    %dma_start3A_714 = tpu.memref_squeeze %dma_start3A_713 : memref<1x8x2048xf32, #tpu.memory_space<vmem>> -> memref<8x2048xf32, #tpu.memory_space<vmem>>
    tpu.enqueue_dma source(%dma_start3A_714 : memref<8x2048xf32, #tpu.memory_space<vmem>>) target(%dma_start3A_710 : memref<8x2048xf32, #tpu.memory_space<hbm>>) target_semaphore(%arg10 : memref<!tpu.dma_semaphore, #tpu.memory_space<semaphore_mem>>)
    %add3A_715 = arith.constant 72 : i32
    %add3A_716 = arith.addi %mul3A_2, %add3A_715 : i32
    %multiple_of3A_717 = tpu.assume_multiple %add3A_716, 8 : i32
    %dma_start3A_718 = arith.constant 9 : i32
    %dma_start3A_719 = arith.constant 1 : i32
    %dma_start3A_720 = arith.constant 0 : i32
    %dma_start3A_721 = arith.constant 0 : i32
    %dma_start3A_722 = tpu.memref_slice %arg6[%dma_start3A_719, %dma_start3A_720, %dma_start3A_721] : memref<2x8x2048xf32, #tpu.memory_space<vmem>> -> memref<1x8x2048xf32, #tpu.memory_space<vmem>>
    %dma_start3A_723 = tpu.memref_squeeze %dma_start3A_722 : memref<1x8x2048xf32, #tpu.memory_space<vmem>> -> memref<8x2048xf32, #tpu.memory_space<vmem>>
    %dma_start3A_724 = arith.constant 0 : i32
    %dma_start3A_725 = tpu.memref_slice %arg5[%dma_start3A_718, %dma_start3A_724] : memref<16x8xi32, #tpu.memory_space<vmem>> -> memref<1x8xi32, #tpu.memory_space<vmem>>
    %dma_start3A_726 = tpu.memref_squeeze %dma_start3A_725 : memref<1x8xi32, #tpu.memory_space<vmem>> -> memref<8xi32, #tpu.memory_space<vmem>>
    %dma_start3A_727 = arith.constant 0 : i32
    %dma_start3A_728 = arith.constant 0 : i32
    %dma_start3A_729 = tpu.memref_slice %arg2[%dma_start3A_727, %dma_start3A_728] : memref<4096x2048xf32, #tpu.memory_space<hbm>> -> memref<4096x2048xf32, #tpu.memory_space<hbm>>
    tpu.enqueue_indirect_dma source(%dma_start3A_729 : memref<4096x2048xf32, #tpu.memory_space<hbm>>) target(%dma_start3A_723 : memref<8x2048xf32, #tpu.memory_space<vmem>>) offsets(%dma_start3A_726 : memref<8xi32, #tpu.memory_space<vmem>>) semaphore(%arg9 : memref<!tpu.dma_semaphore, #tpu.memory_space<semaphore_mem>>)
    %dma_start3A_730 = arith.constant 1 : i32
    %dma_start3A_731 = arith.constant 0 : i32
    %dma_start3A_732 = arith.constant 0 : i32
    %dma_start3A_733 = tpu.memref_slice %arg7[%dma_start3A_730, %dma_start3A_731, %dma_start3A_732] : memref<2x8x2048xf32, #tpu.memory_space<vmem>> -> memref<1x8x2048xf32, #tpu.memory_space<vmem>>
    %dma_start3A_734 = tpu.memref_squeeze %dma_start3A_733 : memref<1x8x2048xf32, #tpu.memory_space<vmem>> -> memref<8x2048xf32, #tpu.memory_space<vmem>>
    %dma_start3A_735 = arith.constant 0 : i32
    %dma_start3A_736 = tpu.memref_slice %arg2[%multiple_of3A_717, %dma_start3A_735] : memref<4096x2048xf32, #tpu.memory_space<hbm>> -> memref<8x2048xf32, #tpu.memory_space<hbm>>
    %dma_start3A_737 = arith.constant 0 : i32
    %dma_start3A_738 = arith.constant 0 : i32
    %dma_start3A_739 = tpu.memref_slice %arg7[%dma_start3A_730, %dma_start3A_737, %dma_start3A_738] : memref<2x8x2048xf32, #tpu.memory_space<vmem>> -> memref<1x8x2048xf32, #tpu.memory_space<vmem>>
    %dma_start3A_740 = tpu.memref_squeeze %dma_start3A_739 : memref<1x8x2048xf32, #tpu.memory_space<vmem>> -> memref<8x2048xf32, #tpu.memory_space<vmem>>
    %dma_start3A_741 = arith.constant 0 : i32
    %dma_start3A_742 = tpu.memref_slice %arg2[%multiple_of3A_717, %dma_start3A_741] : memref<4096x2048xf32, #tpu.memory_space<hbm>> -> memref<8x2048xf32, #tpu.memory_space<hbm>>
    tpu.enqueue_dma source(%dma_start3A_742 : memref<8x2048xf32, #tpu.memory_space<hbm>>) target(%dma_start3A_740 : memref<8x2048xf32, #tpu.memory_space<vmem>>) target_semaphore(%arg9 : memref<!tpu.dma_semaphore, #tpu.memory_space<semaphore_mem>>)
    %dma_wait3A_743 = arith.constant 8 : i32
    %dma_wait3A_744 = arith.constant 0 : i32
    %dma_wait3A_745 = arith.constant 0 : i32
    %dma_wait3A_746 = arith.constant 0 : i32
    %dma_wait3A_747 = tpu.memref_slice %arg6[%dma_wait3A_744, %dma_wait3A_745, %dma_wait3A_746] : memref<2x8x2048xf32, #tpu.memory_space<vmem>> -> memref<1x8x2048xf32, #tpu.memory_space<vmem>>
    %dma_wait3A_748 = tpu.memref_squeeze %dma_wait3A_747 : memref<1x8x2048xf32, #tpu.memory_space<vmem>> -> memref<8x2048xf32, #tpu.memory_space<vmem>>
    %dma_wait3A_749 = arith.constant 0 : i32
    %dma_wait3A_750 = tpu.memref_slice %arg5[%dma_wait3A_743, %dma_wait3A_749] : memref<16x8xi32, #tpu.memory_space<vmem>> -> memref<1x8xi32, #tpu.memory_space<vmem>>
    %dma_wait3A_751 = tpu.memref_squeeze %dma_wait3A_750 : memref<1x8xi32, #tpu.memory_space<vmem>> -> memref<8xi32, #tpu.memory_space<vmem>>
    %dma_wait3A_752 = arith.constant 0 : i32
    %dma_wait3A_753 = arith.constant 0 : i32
    %dma_wait3A_754 = tpu.memref_slice %arg2[%dma_wait3A_752, %dma_wait3A_753] : memref<4096x2048xf32, #tpu.memory_space<hbm>> -> memref<4096x2048xf32, #tpu.memory_space<hbm>>
    tpu.wait_indirect_dma semaphore(%arg9 : memref<!tpu.dma_semaphore, #tpu.memory_space<semaphore_mem>>) src(%dma_wait3A_754 : memref<4096x2048xf32, #tpu.memory_space<hbm>>) dst(%dma_wait3A_748 : memref<8x2048xf32, #tpu.memory_space<vmem>>)
    %dma_wait3A_755 = arith.constant 0 : i32
    %dma_wait3A_756 = arith.constant 0 : i32
    %dma_wait3A_757 = arith.constant 0 : i32
    %dma_wait3A_758 = tpu.memref_slice %arg7[%dma_wait3A_755, %dma_wait3A_756, %dma_wait3A_757] : memref<2x8x2048xf32, #tpu.memory_space<vmem>> -> memref<1x8x2048xf32, #tpu.memory_space<vmem>>
    %dma_wait3A_759 = tpu.memref_squeeze %dma_wait3A_758 : memref<1x8x2048xf32, #tpu.memory_space<vmem>> -> memref<8x2048xf32, #tpu.memory_space<vmem>>
    %dma_wait3A_760 = arith.constant 0 : i32
    %dma_wait3A_761 = tpu.memref_slice %arg2[%multiple_of3A_628, %dma_wait3A_760] : memref<4096x2048xf32, #tpu.memory_space<hbm>> -> memref<8x2048xf32, #tpu.memory_space<hbm>>
    %dma_wait3A_762 = arith.constant 0 : i32
    %dma_wait3A_763 = arith.constant 0 : i32
    %dma_wait3A_764 = tpu.memref_slice %arg7[%dma_wait3A_755, %dma_wait3A_762, %dma_wait3A_763] : memref<2x8x2048xf32, #tpu.memory_space<vmem>> -> memref<1x8x2048xf32, #tpu.memory_space<vmem>>
    %dma_wait3A_765 = tpu.memref_squeeze %dma_wait3A_764 : memref<1x8x2048xf32, #tpu.memory_space<vmem>> -> memref<8x2048xf32, #tpu.memory_space<vmem>>
    %dma_wait3A_766 = arith.constant 0 : i32
    %dma_wait3A_767 = tpu.memref_slice %arg2[%multiple_of3A_628, %dma_wait3A_766] : memref<4096x2048xf32, #tpu.memory_space<hbm>> -> memref<8x2048xf32, #tpu.memory_space<hbm>>
    tpu.wait_dma2 semaphore(%arg9 : memref<!tpu.dma_semaphore, #tpu.memory_space<semaphore_mem>>) src(%dma_wait3A_767 : memref<8x2048xf32, #tpu.memory_space<hbm>>) dst(%dma_wait3A_765 : memref<8x2048xf32, #tpu.memory_space<vmem>>)
    %dma_wait3A_768 = arith.constant 0 : i32
    %dma_wait3A_769 = arith.constant 0 : i32
    %dma_wait3A_770 = arith.constant 0 : i32
    %dma_wait3A_771 = tpu.memref_slice %arg8[%dma_wait3A_768, %dma_wait3A_769, %dma_wait3A_770] : memref<2x8x2048xf32, #tpu.memory_space<vmem>> -> memref<1x8x2048xf32, #tpu.memory_space<vmem>>
    %dma_wait3A_772 = tpu.memref_squeeze %dma_wait3A_771 : memref<1x8x2048xf32, #tpu.memory_space<vmem>> -> memref<8x2048xf32, #tpu.memory_space<vmem>>
    %dma_wait3A_773 = arith.constant 0 : i32
    %dma_wait3A_774 = tpu.memref_slice %arg4[%multiple_of3A_612, %dma_wait3A_773] : memref<4096x2048xf32, #tpu.memory_space<hbm>> -> memref<8x2048xf32, #tpu.memory_space<hbm>>
    %dma_wait3A_775 = arith.constant 0 : i32
    %dma_wait3A_776 = tpu.memref_slice %arg4[%multiple_of3A_612, %dma_wait3A_775] : memref<4096x2048xf32, #tpu.memory_space<hbm>> -> memref<8x2048xf32, #tpu.memory_space<hbm>>
    %dma_wait3A_777 = arith.constant 0 : i32
    %dma_wait3A_778 = arith.constant 0 : i32
    %dma_wait3A_779 = tpu.memref_slice %arg8[%dma_wait3A_768, %dma_wait3A_777, %dma_wait3A_778] : memref<2x8x2048xf32, #tpu.memory_space<vmem>> -> memref<1x8x2048xf32, #tpu.memory_space<vmem>>
    %dma_wait3A_780 = tpu.memref_squeeze %dma_wait3A_779 : memref<1x8x2048xf32, #tpu.memory_space<vmem>> -> memref<8x2048xf32, #tpu.memory_space<vmem>>
    tpu.wait_dma2 semaphore(%arg10 : memref<!tpu.dma_semaphore, #tpu.memory_space<semaphore_mem>>) src(%dma_wait3A_780 : memref<8x2048xf32, #tpu.memory_space<vmem>>) dst(%dma_wait3A_776 : memref<8x2048xf32, #tpu.memory_space<hbm>>)
    %scan3A_781 = arith.constant 0 : i32
    %scan3A_782 = arith.constant 0 : i32
    %scan3A_783 = arith.constant 8 : i32
    %scan3A_784 = arith.addi %scan3A_782, %scan3A_783 : i32
    %scan3A_785 = arith.constant 1 : i32
    %scan3A_786 = scf.for %scan3A_1425 = %scan3A_782 to %scan3A_784 step %scan3A_785 iter_args(%scan3A_1426 = %scan3A_781) -> (i32)  : i32 {
      %scan3A_1427 = arith.constant 0 : i32
      %scan3A_1428 = arith.constant 0 : i32
      %scan3A_1429 = arith.constant 128 : i32
      %scan3A_1430 = arith.addi %scan3A_1428, %scan3A_1429 : i32
      %scan3A_1431 = arith.constant 1 : i32
      %scan3A_1432 = scf.for %scan3A_1434 = %scan3A_1428 to %scan3A_1430 step %scan3A_1431 iter_args(%scan3A_1435 = %scan3A_1427) -> (i32)  : i32 {
        %mul3A_1436 = arith.constant 16 : i32
        %mul3A_1437 = arith.muli %scan3A_1434, %mul3A_1436 : i32
        %get3A = arith.constant 0 : i32
        %get3A_1438 = arith.index_cast %get3A : i32 to index
        %get3A_1439 = arith.index_cast %scan3A_1425 : i32 to index
        %get3A_1440 = arith.index_cast %mul3A_1437 : i32 to index
        %get3A_1441 = tpu.vector_load %arg7[%get3A_1438, %get3A_1439, %get3A_1440] {strides = array<i32>} : memref<2x8x2048xf32, #tpu.memory_space<vmem>>, vector<1x1x16xf32>,
        %get3A_1442 = vector.shape_cast %get3A_1441 : vector<1x1x16xf32> to vector<16xf32>
        %mul3A_1443 = arith.constant 8.000000e-01 : f32
        %mul3A_1444 = vector.broadcast %mul3A_1443 : f32 to vector<16xf32>
        %mul3A_1445 = arith.mulf %mul3A_1444, %get3A_1442 : vector<16xf32>
        %get3A_1446 = arith.constant 0 : i32
        %get3A_1447 = arith.index_cast %get3A_1446 : i32 to index
        %get3A_1448 = arith.index_cast %scan3A_1425 : i32 to index
        %get3A_1449 = arith.index_cast %mul3A_1437 : i32 to index
        %get3A_1450 = tpu.vector_load %arg6[%get3A_1447, %get3A_1448, %get3A_1449] {strides = array<i32>} : memref<2x8x2048xf32, #tpu.memory_space<vmem>>, vector<1x1x16xf32>,
        %get3A_1451 = vector.shape_cast %get3A_1450 : vector<1x1x16xf32> to vector<16xf32>
        %mul3A_1452 = arith.constant 2.000000e-01 : f32
        %mul3A_1453 = vector.broadcast %mul3A_1452 : f32 to vector<16xf32>
        %mul3A_1454 = arith.mulf %mul3A_1453, %get3A_1451 : vector<16xf32>
        %add3A_1455 = arith.addf %mul3A_1445, %mul3A_1454 : vector<16xf32>
        %swap3A = arith.constant 0 : i32
        %swap3A_1456 = arith.index_cast %swap3A : i32 to index
        %swap3A_1457 = arith.index_cast %scan3A_1425 : i32 to index
        %swap3A_1458 = arith.index_cast %mul3A_1437 : i32 to index
        %swap3A_1459 = tpu.vector_load %arg8[%swap3A_1456, %swap3A_1457, %swap3A_1458] {strides = array<i32>} : memref<2x8x2048xf32, #tpu.memory_space<vmem>>, vector<1x1x16xf32>,
        %swap3A_1460 = vector.shape_cast %swap3A_1459 : vector<1x1x16xf32> to vector<16xf32>
        %swap3A_1461 = vector.shape_cast %add3A_1455 : vector<16xf32> to vector<1x1x16xf32>
        tpu.vector_store %arg8[%swap3A_1456, %swap3A_1457, %swap3A_1458], %swap3A_1461 {strides = array<i32>} : memref<2x8x2048xf32, #tpu.memory_space<vmem>>, vector<1x1x16xf32>,
        %scan3A_1462 = arith.constant 0 : i32
        scf.yield %scan3A_1462 : i32
      }
      %scan3A_1433 = arith.constant 128 : i32
      scf.yield %scan3A_1432 : i32
    }
    %scan3A_787 = arith.constant 8 : i32
    %add3A_788 = arith.constant 64 : i32
    %add3A_789 = arith.addi %mul3A_2, %add3A_788 : i32
    %multiple_of3A_790 = tpu.assume_multiple %add3A_789, 8 : i32
    %dma_start3A_791 = arith.constant 0 : i32
    %dma_start3A_792 = arith.constant 0 : i32
    %dma_start3A_793 = arith.constant 0 : i32
    %dma_start3A_794 = tpu.memref_slice %arg8[%dma_start3A_791, %dma_start3A_792, %dma_start3A_793] : memref<2x8x2048xf32, #tpu.memory_space<vmem>> -> memref<1x8x2048xf32, #tpu.memory_space<vmem>>
    %dma_start3A_795 = tpu.memref_squeeze %dma_start3A_794 : memref<1x8x2048xf32, #tpu.memory_space<vmem>> -> memref<8x2048xf32, #tpu.memory_space<vmem>>
    %dma_start3A_796 = arith.constant 0 : i32
    %dma_start3A_797 = tpu.memref_slice %arg4[%multiple_of3A_790, %dma_start3A_796] : memref<4096x2048xf32, #tpu.memory_space<hbm>> -> memref<8x2048xf32, #tpu.memory_space<hbm>>
    %dma_start3A_798 = arith.constant 0 : i32
    %dma_start3A_799 = tpu.memref_slice %arg4[%multiple_of3A_790, %dma_start3A_798] : memref<4096x2048xf32, #tpu.memory_space<hbm>> -> memref<8x2048xf32, #tpu.memory_space<hbm>>
    %dma_start3A_800 = arith.constant 0 : i32
    %dma_start3A_801 = arith.constant 0 : i32
    %dma_start3A_802 = tpu.memref_slice %arg8[%dma_start3A_791, %dma_start3A_800, %dma_start3A_801] : memref<2x8x2048xf32, #tpu.memory_space<vmem>> -> memref<1x8x2048xf32, #tpu.memory_space<vmem>>
    %dma_start3A_803 = tpu.memref_squeeze %dma_start3A_802 : memref<1x8x2048xf32, #tpu.memory_space<vmem>> -> memref<8x2048xf32, #tpu.memory_space<vmem>>
    tpu.enqueue_dma source(%dma_start3A_803 : memref<8x2048xf32, #tpu.memory_space<vmem>>) target(%dma_start3A_799 : memref<8x2048xf32, #tpu.memory_space<hbm>>) target_semaphore(%arg10 : memref<!tpu.dma_semaphore, #tpu.memory_space<semaphore_mem>>)
    %add3A_804 = arith.constant 80 : i32
    %add3A_805 = arith.addi %mul3A_2, %add3A_804 : i32
    %multiple_of3A_806 = tpu.assume_multiple %add3A_805, 8 : i32
    %dma_start3A_807 = arith.constant 10 : i32
    %dma_start3A_808 = arith.constant 0 : i32
    %dma_start3A_809 = arith.constant 0 : i32
    %dma_start3A_810 = arith.constant 0 : i32
    %dma_start3A_811 = tpu.memref_slice %arg6[%dma_start3A_808, %dma_start3A_809, %dma_start3A_810] : memref<2x8x2048xf32, #tpu.memory_space<vmem>> -> memref<1x8x2048xf32, #tpu.memory_space<vmem>>
    %dma_start3A_812 = tpu.memref_squeeze %dma_start3A_811 : memref<1x8x2048xf32, #tpu.memory_space<vmem>> -> memref<8x2048xf32, #tpu.memory_space<vmem>>
    %dma_start3A_813 = arith.constant 0 : i32
    %dma_start3A_814 = tpu.memref_slice %arg5[%dma_start3A_807, %dma_start3A_813] : memref<16x8xi32, #tpu.memory_space<vmem>> -> memref<1x8xi32, #tpu.memory_space<vmem>>
    %dma_start3A_815 = tpu.memref_squeeze %dma_start3A_814 : memref<1x8xi32, #tpu.memory_space<vmem>> -> memref<8xi32, #tpu.memory_space<vmem>>
    %dma_start3A_816 = arith.constant 0 : i32
    %dma_start3A_817 = arith.constant 0 : i32
    %dma_start3A_818 = tpu.memref_slice %arg2[%dma_start3A_816, %dma_start3A_817] : memref<4096x2048xf32, #tpu.memory_space<hbm>> -> memref<4096x2048xf32, #tpu.memory_space<hbm>>
    tpu.enqueue_indirect_dma source(%dma_start3A_818 : memref<4096x2048xf32, #tpu.memory_space<hbm>>) target(%dma_start3A_812 : memref<8x2048xf32, #tpu.memory_space<vmem>>) offsets(%dma_start3A_815 : memref<8xi32, #tpu.memory_space<vmem>>) semaphore(%arg9 : memref<!tpu.dma_semaphore, #tpu.memory_space<semaphore_mem>>)
    %dma_start3A_819 = arith.constant 0 : i32
    %dma_start3A_820 = arith.constant 0 : i32
    %dma_start3A_821 = arith.constant 0 : i32
    %dma_start3A_822 = tpu.memref_slice %arg7[%dma_start3A_819, %dma_start3A_820, %dma_start3A_821] : memref<2x8x2048xf32, #tpu.memory_space<vmem>> -> memref<1x8x2048xf32, #tpu.memory_space<vmem>>
    %dma_start3A_823 = tpu.memref_squeeze %dma_start3A_822 : memref<1x8x2048xf32, #tpu.memory_space<vmem>> -> memref<8x2048xf32, #tpu.memory_space<vmem>>
    %dma_start3A_824 = arith.constant 0 : i32
    %dma_start3A_825 = tpu.memref_slice %arg2[%multiple_of3A_806, %dma_start3A_824] : memref<4096x2048xf32, #tpu.memory_space<hbm>> -> memref<8x2048xf32, #tpu.memory_space<hbm>>
    %dma_start3A_826 = arith.constant 0 : i32
    %dma_start3A_827 = arith.constant 0 : i32
    %dma_start3A_828 = tpu.memref_slice %arg7[%dma_start3A_819, %dma_start3A_826, %dma_start3A_827] : memref<2x8x2048xf32, #tpu.memory_space<vmem>> -> memref<1x8x2048xf32, #tpu.memory_space<vmem>>
    %dma_start3A_829 = tpu.memref_squeeze %dma_start3A_828 : memref<1x8x2048xf32, #tpu.memory_space<vmem>> -> memref<8x2048xf32, #tpu.memory_space<vmem>>
    %dma_start3A_830 = arith.constant 0 : i32
    %dma_start3A_831 = tpu.memref_slice %arg2[%multiple_of3A_806, %dma_start3A_830] : memref<4096x2048xf32, #tpu.memory_space<hbm>> -> memref<8x2048xf32, #tpu.memory_space<hbm>>
    tpu.enqueue_dma source(%dma_start3A_831 : memref<8x2048xf32, #tpu.memory_space<hbm>>) target(%dma_start3A_829 : memref<8x2048xf32, #tpu.memory_space<vmem>>) target_semaphore(%arg9 : memref<!tpu.dma_semaphore, #tpu.memory_space<semaphore_mem>>)
    %dma_wait3A_832 = arith.constant 9 : i32
    %dma_wait3A_833 = arith.constant 1 : i32
    %dma_wait3A_834 = arith.constant 0 : i32
    %dma_wait3A_835 = arith.constant 0 : i32
    %dma_wait3A_836 = tpu.memref_slice %arg6[%dma_wait3A_833, %dma_wait3A_834, %dma_wait3A_835] : memref<2x8x2048xf32, #tpu.memory_space<vmem>> -> memref<1x8x2048xf32, #tpu.memory_space<vmem>>
    %dma_wait3A_837 = tpu.memref_squeeze %dma_wait3A_836 : memref<1x8x2048xf32, #tpu.memory_space<vmem>> -> memref<8x2048xf32, #tpu.memory_space<vmem>>
    %dma_wait3A_838 = arith.constant 0 : i32
    %dma_wait3A_839 = tpu.memref_slice %arg5[%dma_wait3A_832, %dma_wait3A_838] : memref<16x8xi32, #tpu.memory_space<vmem>> -> memref<1x8xi32, #tpu.memory_space<vmem>>
    %dma_wait3A_840 = tpu.memref_squeeze %dma_wait3A_839 : memref<1x8xi32, #tpu.memory_space<vmem>> -> memref<8xi32, #tpu.memory_space<vmem>>
    %dma_wait3A_841 = arith.constant 0 : i32
    %dma_wait3A_842 = arith.constant 0 : i32
    %dma_wait3A_843 = tpu.memref_slice %arg2[%dma_wait3A_841, %dma_wait3A_842] : memref<4096x2048xf32, #tpu.memory_space<hbm>> -> memref<4096x2048xf32, #tpu.memory_space<hbm>>
    tpu.wait_indirect_dma semaphore(%arg9 : memref<!tpu.dma_semaphore, #tpu.memory_space<semaphore_mem>>) src(%dma_wait3A_843 : memref<4096x2048xf32, #tpu.memory_space<hbm>>) dst(%dma_wait3A_837 : memref<8x2048xf32, #tpu.memory_space<vmem>>)
    %dma_wait3A_844 = arith.constant 1 : i32
    %dma_wait3A_845 = arith.constant 0 : i32
    %dma_wait3A_846 = arith.constant 0 : i32
    %dma_wait3A_847 = tpu.memref_slice %arg7[%dma_wait3A_844, %dma_wait3A_845, %dma_wait3A_846] : memref<2x8x2048xf32, #tpu.memory_space<vmem>> -> memref<1x8x2048xf32, #tpu.memory_space<vmem>>
    %dma_wait3A_848 = tpu.memref_squeeze %dma_wait3A_847 : memref<1x8x2048xf32, #tpu.memory_space<vmem>> -> memref<8x2048xf32, #tpu.memory_space<vmem>>
    %dma_wait3A_849 = arith.constant 0 : i32
    %dma_wait3A_850 = tpu.memref_slice %arg2[%multiple_of3A_717, %dma_wait3A_849] : memref<4096x2048xf32, #tpu.memory_space<hbm>> -> memref<8x2048xf32, #tpu.memory_space<hbm>>
    %dma_wait3A_851 = arith.constant 0 : i32
    %dma_wait3A_852 = arith.constant 0 : i32
    %dma_wait3A_853 = tpu.memref_slice %arg7[%dma_wait3A_844, %dma_wait3A_851, %dma_wait3A_852] : memref<2x8x2048xf32, #tpu.memory_space<vmem>> -> memref<1x8x2048xf32, #tpu.memory_space<vmem>>
    %dma_wait3A_854 = tpu.memref_squeeze %dma_wait3A_853 : memref<1x8x2048xf32, #tpu.memory_space<vmem>> -> memref<8x2048xf32, #tpu.memory_space<vmem>>
    %dma_wait3A_855 = arith.constant 0 : i32
    %dma_wait3A_856 = tpu.memref_slice %arg2[%multiple_of3A_717, %dma_wait3A_855] : memref<4096x2048xf32, #tpu.memory_space<hbm>> -> memref<8x2048xf32, #tpu.memory_space<hbm>>
    tpu.wait_dma2 semaphore(%arg9 : memref<!tpu.dma_semaphore, #tpu.memory_space<semaphore_mem>>) src(%dma_wait3A_856 : memref<8x2048xf32, #tpu.memory_space<hbm>>) dst(%dma_wait3A_854 : memref<8x2048xf32, #tpu.memory_space<vmem>>)
    %dma_wait3A_857 = arith.constant 1 : i32
    %dma_wait3A_858 = arith.constant 0 : i32
    %dma_wait3A_859 = arith.constant 0 : i32
    %dma_wait3A_860 = tpu.memref_slice %arg8[%dma_wait3A_857, %dma_wait3A_858, %dma_wait3A_859] : memref<2x8x2048xf32, #tpu.memory_space<vmem>> -> memref<1x8x2048xf32, #tpu.memory_space<vmem>>
    %dma_wait3A_861 = tpu.memref_squeeze %dma_wait3A_860 : memref<1x8x2048xf32, #tpu.memory_space<vmem>> -> memref<8x2048xf32, #tpu.memory_space<vmem>>
    %dma_wait3A_862 = arith.constant 0 : i32
    %dma_wait3A_863 = tpu.memref_slice %arg4[%multiple_of3A_701, %dma_wait3A_862] : memref<4096x2048xf32, #tpu.memory_space<hbm>> -> memref<8x2048xf32, #tpu.memory_space<hbm>>
    %dma_wait3A_864 = arith.constant 0 : i32
    %dma_wait3A_865 = tpu.memref_slice %arg4[%multiple_of3A_701, %dma_wait3A_864] : memref<4096x2048xf32, #tpu.memory_space<hbm>> -> memref<8x2048xf32, #tpu.memory_space<hbm>>
    %dma_wait3A_866 = arith.constant 0 : i32
    %dma_wait3A_867 = arith.constant 0 : i32
    %dma_wait3A_868 = tpu.memref_slice %arg8[%dma_wait3A_857, %dma_wait3A_866, %dma_wait3A_867] : memref<2x8x2048xf32, #tpu.memory_space<vmem>> -> memref<1x8x2048xf32, #tpu.memory_space<vmem>>
    %dma_wait3A_869 = tpu.memref_squeeze %dma_wait3A_868 : memref<1x8x2048xf32, #tpu.memory_space<vmem>> -> memref<8x2048xf32, #tpu.memory_space<vmem>>
    tpu.wait_dma2 semaphore(%arg10 : memref<!tpu.dma_semaphore, #tpu.memory_space<semaphore_mem>>) src(%dma_wait3A_869 : memref<8x2048xf32, #tpu.memory_space<vmem>>) dst(%dma_wait3A_865 : memref<8x2048xf32, #tpu.memory_space<hbm>>)
    %scan3A_870 = arith.constant 0 : i32
    %scan3A_871 = arith.constant 0 : i32
    %scan3A_872 = arith.constant 8 : i32
    %scan3A_873 = arith.addi %scan3A_871, %scan3A_872 : i32
    %scan3A_874 = arith.constant 1 : i32
    %scan3A_875 = scf.for %scan3A_1425 = %scan3A_871 to %scan3A_873 step %scan3A_874 iter_args(%scan3A_1426 = %scan3A_870) -> (i32)  : i32 {
      %scan3A_1427 = arith.constant 0 : i32
      %scan3A_1428 = arith.constant 0 : i32
      %scan3A_1429 = arith.constant 128 : i32
      %scan3A_1430 = arith.addi %scan3A_1428, %scan3A_1429 : i32
      %scan3A_1431 = arith.constant 1 : i32
      %scan3A_1432 = scf.for %scan3A_1434 = %scan3A_1428 to %scan3A_1430 step %scan3A_1431 iter_args(%scan3A_1435 = %scan3A_1427) -> (i32)  : i32 {
        %mul3A_1436 = arith.constant 16 : i32
        %mul3A_1437 = arith.muli %scan3A_1434, %mul3A_1436 : i32
        %get3A = arith.constant 1 : i32
        %get3A_1438 = arith.index_cast %get3A : i32 to index
        %get3A_1439 = arith.index_cast %scan3A_1425 : i32 to index
        %get3A_1440 = arith.index_cast %mul3A_1437 : i32 to index
        %get3A_1441 = tpu.vector_load %arg7[%get3A_1438, %get3A_1439, %get3A_1440] {strides = array<i32>} : memref<2x8x2048xf32, #tpu.memory_space<vmem>>, vector<1x1x16xf32>,
        %get3A_1442 = vector.shape_cast %get3A_1441 : vector<1x1x16xf32> to vector<16xf32>
        %mul3A_1443 = arith.constant 8.000000e-01 : f32
        %mul3A_1444 = vector.broadcast %mul3A_1443 : f32 to vector<16xf32>
        %mul3A_1445 = arith.mulf %mul3A_1444, %get3A_1442 : vector<16xf32>
        %get3A_1446 = arith.constant 1 : i32
        %get3A_1447 = arith.index_cast %get3A_1446 : i32 to index
        %get3A_1448 = arith.index_cast %scan3A_1425 : i32 to index
        %get3A_1449 = arith.index_cast %mul3A_1437 : i32 to index
        %get3A_1450 = tpu.vector_load %arg6[%get3A_1447, %get3A_1448, %get3A_1449] {strides = array<i32>} : memref<2x8x2048xf32, #tpu.memory_space<vmem>>, vector<1x1x16xf32>,
        %get3A_1451 = vector.shape_cast %get3A_1450 : vector<1x1x16xf32> to vector<16xf32>
        %mul3A_1452 = arith.constant 2.000000e-01 : f32
        %mul3A_1453 = vector.broadcast %mul3A_1452 : f32 to vector<16xf32>
        %mul3A_1454 = arith.mulf %mul3A_1453, %get3A_1451 : vector<16xf32>
        %add3A_1455 = arith.addf %mul3A_1445, %mul3A_1454 : vector<16xf32>
        %swap3A = arith.constant 1 : i32
        %swap3A_1456 = arith.index_cast %swap3A : i32 to index
        %swap3A_1457 = arith.index_cast %scan3A_1425 : i32 to index
        %swap3A_1458 = arith.index_cast %mul3A_1437 : i32 to index
        %swap3A_1459 = tpu.vector_load %arg8[%swap3A_1456, %swap3A_1457, %swap3A_1458] {strides = array<i32>} : memref<2x8x2048xf32, #tpu.memory_space<vmem>>, vector<1x1x16xf32>,
        %swap3A_1460 = vector.shape_cast %swap3A_1459 : vector<1x1x16xf32> to vector<16xf32>
        %swap3A_1461 = vector.shape_cast %add3A_1455 : vector<16xf32> to vector<1x1x16xf32>
        tpu.vector_store %arg8[%swap3A_1456, %swap3A_1457, %swap3A_1458], %swap3A_1461 {strides = array<i32>} : memref<2x8x2048xf32, #tpu.memory_space<vmem>>, vector<1x1x16xf32>,
        %scan3A_1462 = arith.constant 0 : i32
        scf.yield %scan3A_1462 : i32
      }
      %scan3A_1433 = arith.constant 128 : i32
      scf.yield %scan3A_1432 : i32
    }
    %scan3A_876 = arith.constant 8 : i32
    %add3A_877 = arith.constant 72 : i32
    %add3A_878 = arith.addi %mul3A_2, %add3A_877 : i32
    %multiple_of3A_879 = tpu.assume_multiple %add3A_878, 8 : i32
    %dma_start3A_880 = arith.constant 1 : i32
    %dma_start3A_881 = arith.constant 0 : i32
    %dma_start3A_882 = arith.constant 0 : i32
    %dma_start3A_883 = tpu.memref_slice %arg8[%dma_start3A_880, %dma_start3A_881, %dma_start3A_882] : memref<2x8x2048xf32, #tpu.memory_space<vmem>> -> memref<1x8x2048xf32, #tpu.memory_space<vmem>>
    %dma_start3A_884 = tpu.memref_squeeze %dma_start3A_883 : memref<1x8x2048xf32, #tpu.memory_space<vmem>> -> memref<8x2048xf32, #tpu.memory_space<vmem>>
    %dma_start3A_885 = arith.constant 0 : i32
    %dma_start3A_886 = tpu.memref_slice %arg4[%multiple_of3A_879, %dma_start3A_885] : memref<4096x2048xf32, #tpu.memory_space<hbm>> -> memref<8x2048xf32, #tpu.memory_space<hbm>>
    %dma_start3A_887 = arith.constant 0 : i32
    %dma_start3A_888 = tpu.memref_slice %arg4[%multiple_of3A_879, %dma_start3A_887] : memref<4096x2048xf32, #tpu.memory_space<hbm>> -> memref<8x2048xf32, #tpu.memory_space<hbm>>
    %dma_start3A_889 = arith.constant 0 : i32
    %dma_start3A_890 = arith.constant 0 : i32
    %dma_start3A_891 = tpu.memref_slice %arg8[%dma_start3A_880, %dma_start3A_889, %dma_start3A_890] : memref<2x8x2048xf32, #tpu.memory_space<vmem>> -> memref<1x8x2048xf32, #tpu.memory_space<vmem>>
    %dma_start3A_892 = tpu.memref_squeeze %dma_start3A_891 : memref<1x8x2048xf32, #tpu.memory_space<vmem>> -> memref<8x2048xf32, #tpu.memory_space<vmem>>
    tpu.enqueue_dma source(%dma_start3A_892 : memref<8x2048xf32, #tpu.memory_space<vmem>>) target(%dma_start3A_888 : memref<8x2048xf32, #tpu.memory_space<hbm>>) target_semaphore(%arg10 : memref<!tpu.dma_semaphore, #tpu.memory_space<semaphore_mem>>)
    %add3A_893 = arith.constant 88 : i32
    %add3A_894 = arith.addi %mul3A_2, %add3A_893 : i32
    %multiple_of3A_895 = tpu.assume_multiple %add3A_894, 8 : i32
    %dma_start3A_896 = arith.constant 11 : i32
    %dma_start3A_897 = arith.constant 1 : i32
    %dma_start3A_898 = arith.constant 0 : i32
    %dma_start3A_899 = arith.constant 0 : i32
    %dma_start3A_900 = tpu.memref_slice %arg6[%dma_start3A_897, %dma_start3A_898, %dma_start3A_899] : memref<2x8x2048xf32, #tpu.memory_space<vmem>> -> memref<1x8x2048xf32, #tpu.memory_space<vmem>>
    %dma_start3A_901 = tpu.memref_squeeze %dma_start3A_900 : memref<1x8x2048xf32, #tpu.memory_space<vmem>> -> memref<8x2048xf32, #tpu.memory_space<vmem>>
    %dma_start3A_902 = arith.constant 0 : i32
    %dma_start3A_903 = tpu.memref_slice %arg5[%dma_start3A_896, %dma_start3A_902] : memref<16x8xi32, #tpu.memory_space<vmem>> -> memref<1x8xi32, #tpu.memory_space<vmem>>
    %dma_start3A_904 = tpu.memref_squeeze %dma_start3A_903 : memref<1x8xi32, #tpu.memory_space<vmem>> -> memref<8xi32, #tpu.memory_space<vmem>>
    %dma_start3A_905 = arith.constant 0 : i32
    %dma_start3A_906 = arith.constant 0 : i32
    %dma_start3A_907 = tpu.memref_slice %arg2[%dma_start3A_905, %dma_start3A_906] : memref<4096x2048xf32, #tpu.memory_space<hbm>> -> memref<4096x2048xf32, #tpu.memory_space<hbm>>
    tpu.enqueue_indirect_dma source(%dma_start3A_907 : memref<4096x2048xf32, #tpu.memory_space<hbm>>) target(%dma_start3A_901 : memref<8x2048xf32, #tpu.memory_space<vmem>>) offsets(%dma_start3A_904 : memref<8xi32, #tpu.memory_space<vmem>>) semaphore(%arg9 : memref<!tpu.dma_semaphore, #tpu.memory_space<semaphore_mem>>)
    %dma_start3A_908 = arith.constant 1 : i32
    %dma_start3A_909 = arith.constant 0 : i32
    %dma_start3A_910 = arith.constant 0 : i32
    %dma_start3A_911 = tpu.memref_slice %arg7[%dma_start3A_908, %dma_start3A_909, %dma_start3A_910] : memref<2x8x2048xf32, #tpu.memory_space<vmem>> -> memref<1x8x2048xf32, #tpu.memory_space<vmem>>
    %dma_start3A_912 = tpu.memref_squeeze %dma_start3A_911 : memref<1x8x2048xf32, #tpu.memory_space<vmem>> -> memref<8x2048xf32, #tpu.memory_space<vmem>>
    %dma_start3A_913 = arith.constant 0 : i32
    %dma_start3A_914 = tpu.memref_slice %arg2[%multiple_of3A_895, %dma_start3A_913] : memref<4096x2048xf32, #tpu.memory_space<hbm>> -> memref<8x2048xf32, #tpu.memory_space<hbm>>
    %dma_start3A_915 = arith.constant 0 : i32
    %dma_start3A_916 = arith.constant 0 : i32
    %dma_start3A_917 = tpu.memref_slice %arg7[%dma_start3A_908, %dma_start3A_915, %dma_start3A_916] : memref<2x8x2048xf32, #tpu.memory_space<vmem>> -> memref<1x8x2048xf32, #tpu.memory_space<vmem>>
    %dma_start3A_918 = tpu.memref_squeeze %dma_start3A_917 : memref<1x8x2048xf32, #tpu.memory_space<vmem>> -> memref<8x2048xf32, #tpu.memory_space<vmem>>
    %dma_start3A_919 = arith.constant 0 : i32
    %dma_start3A_920 = tpu.memref_slice %arg2[%multiple_of3A_895, %dma_start3A_919] : memref<4096x2048xf32, #tpu.memory_space<hbm>> -> memref<8x2048xf32, #tpu.memory_space<hbm>>
    tpu.enqueue_dma source(%dma_start3A_920 : memref<8x2048xf32, #tpu.memory_space<hbm>>) target(%dma_start3A_918 : memref<8x2048xf32, #tpu.memory_space<vmem>>) target_semaphore(%arg9 : memref<!tpu.dma_semaphore, #tpu.memory_space<semaphore_mem>>)
    %dma_wait3A_921 = arith.constant 10 : i32
    %dma_wait3A_922 = arith.constant 0 : i32
    %dma_wait3A_923 = arith.constant 0 : i32
    %dma_wait3A_924 = arith.constant 0 : i32
    %dma_wait3A_925 = tpu.memref_slice %arg6[%dma_wait3A_922, %dma_wait3A_923, %dma_wait3A_924] : memref<2x8x2048xf32, #tpu.memory_space<vmem>> -> memref<1x8x2048xf32, #tpu.memory_space<vmem>>
    %dma_wait3A_926 = tpu.memref_squeeze %dma_wait3A_925 : memref<1x8x2048xf32, #tpu.memory_space<vmem>> -> memref<8x2048xf32, #tpu.memory_space<vmem>>
    %dma_wait3A_927 = arith.constant 0 : i32
    %dma_wait3A_928 = tpu.memref_slice %arg5[%dma_wait3A_921, %dma_wait3A_927] : memref<16x8xi32, #tpu.memory_space<vmem>> -> memref<1x8xi32, #tpu.memory_space<vmem>>
    %dma_wait3A_929 = tpu.memref_squeeze %dma_wait3A_928 : memref<1x8xi32, #tpu.memory_space<vmem>> -> memref<8xi32, #tpu.memory_space<vmem>>
    %dma_wait3A_930 = arith.constant 0 : i32
    %dma_wait3A_931 = arith.constant 0 : i32
    %dma_wait3A_932 = tpu.memref_slice %arg2[%dma_wait3A_930, %dma_wait3A_931] : memref<4096x2048xf32, #tpu.memory_space<hbm>> -> memref<4096x2048xf32, #tpu.memory_space<hbm>>
    tpu.wait_indirect_dma semaphore(%arg9 : memref<!tpu.dma_semaphore, #tpu.memory_space<semaphore_mem>>) src(%dma_wait3A_932 : memref<4096x2048xf32, #tpu.memory_space<hbm>>) dst(%dma_wait3A_926 : memref<8x2048xf32, #tpu.memory_space<vmem>>)
    %dma_wait3A_933 = arith.constant 0 : i32
    %dma_wait3A_934 = arith.constant 0 : i32
    %dma_wait3A_935 = arith.constant 0 : i32
    %dma_wait3A_936 = tpu.memref_slice %arg7[%dma_wait3A_933, %dma_wait3A_934, %dma_wait3A_935] : memref<2x8x2048xf32, #tpu.memory_space<vmem>> -> memref<1x8x2048xf32, #tpu.memory_space<vmem>>
    %dma_wait3A_937 = tpu.memref_squeeze %dma_wait3A_936 : memref<1x8x2048xf32, #tpu.memory_space<vmem>> -> memref<8x2048xf32, #tpu.memory_space<vmem>>
    %dma_wait3A_938 = arith.constant 0 : i32
    %dma_wait3A_939 = tpu.memref_slice %arg2[%multiple_of3A_806, %dma_wait3A_938] : memref<4096x2048xf32, #tpu.memory_space<hbm>> -> memref<8x2048xf32, #tpu.memory_space<hbm>>
    %dma_wait3A_940 = arith.constant 0 : i32
    %dma_wait3A_941 = arith.constant 0 : i32
    %dma_wait3A_942 = tpu.memref_slice %arg7[%dma_wait3A_933, %dma_wait3A_940, %dma_wait3A_941] : memref<2x8x2048xf32, #tpu.memory_space<vmem>> -> memref<1x8x2048xf32, #tpu.memory_space<vmem>>
    %dma_wait3A_943 = tpu.memref_squeeze %dma_wait3A_942 : memref<1x8x2048xf32, #tpu.memory_space<vmem>> -> memref<8x2048xf32, #tpu.memory_space<vmem>>
    %dma_wait3A_944 = arith.constant 0 : i32
    %dma_wait3A_945 = tpu.memref_slice %arg2[%multiple_of3A_806, %dma_wait3A_944] : memref<4096x2048xf32, #tpu.memory_space<hbm>> -> memref<8x2048xf32, #tpu.memory_space<hbm>>
    tpu.wait_dma2 semaphore(%arg9 : memref<!tpu.dma_semaphore, #tpu.memory_space<semaphore_mem>>) src(%dma_wait3A_945 : memref<8x2048xf32, #tpu.memory_space<hbm>>) dst(%dma_wait3A_943 : memref<8x2048xf32, #tpu.memory_space<vmem>>)
    %dma_wait3A_946 = arith.constant 0 : i32
    %dma_wait3A_947 = arith.constant 0 : i32
    %dma_wait3A_948 = arith.constant 0 : i32
    %dma_wait3A_949 = tpu.memref_slice %arg8[%dma_wait3A_946, %dma_wait3A_947, %dma_wait3A_948] : memref<2x8x2048xf32, #tpu.memory_space<vmem>> -> memref<1x8x2048xf32, #tpu.memory_space<vmem>>
    %dma_wait3A_950 = tpu.memref_squeeze %dma_wait3A_949 : memref<1x8x2048xf32, #tpu.memory_space<vmem>> -> memref<8x2048xf32, #tpu.memory_space<vmem>>
    %dma_wait3A_951 = arith.constant 0 : i32
    %dma_wait3A_952 = tpu.memref_slice %arg4[%multiple_of3A_790, %dma_wait3A_951] : memref<4096x2048xf32, #tpu.memory_space<hbm>> -> memref<8x2048xf32, #tpu.memory_space<hbm>>
    %dma_wait3A_953 = arith.constant 0 : i32
    %dma_wait3A_954 = tpu.memref_slice %arg4[%multiple_of3A_790, %dma_wait3A_953] : memref<4096x2048xf32, #tpu.memory_space<hbm>> -> memref<8x2048xf32, #tpu.memory_space<hbm>>
    %dma_wait3A_955 = arith.constant 0 : i32
    %dma_wait3A_956 = arith.constant 0 : i32
    %dma_wait3A_957 = tpu.memref_slice %arg8[%dma_wait3A_946, %dma_wait3A_955, %dma_wait3A_956] : memref<2x8x2048xf32, #tpu.memory_space<vmem>> -> memref<1x8x2048xf32, #tpu.memory_space<vmem>>
    %dma_wait3A_958 = tpu.memref_squeeze %dma_wait3A_957 : memref<1x8x2048xf32, #tpu.memory_space<vmem>> -> memref<8x2048xf32, #tpu.memory_space<vmem>>
    tpu.wait_dma2 semaphore(%arg10 : memref<!tpu.dma_semaphore, #tpu.memory_space<semaphore_mem>>) src(%dma_wait3A_958 : memref<8x2048xf32, #tpu.memory_space<vmem>>) dst(%dma_wait3A_954 : memref<8x2048xf32, #tpu.memory_space<hbm>>)
    %scan3A_959 = arith.constant 0 : i32
    %scan3A_960 = arith.constant 0 : i32
    %scan3A_961 = arith.constant 8 : i32
    %scan3A_962 = arith.addi %scan3A_960, %scan3A_961 : i32
    %scan3A_963 = arith.constant 1 : i32
    %scan3A_964 = scf.for %scan3A_1425 = %scan3A_960 to %scan3A_962 step %scan3A_963 iter_args(%scan3A_1426 = %scan3A_959) -> (i32)  : i32 {
      %scan3A_1427 = arith.constant 0 : i32
      %scan3A_1428 = arith.constant 0 : i32
      %scan3A_1429 = arith.constant 128 : i32
      %scan3A_1430 = arith.addi %scan3A_1428, %scan3A_1429 : i32
      %scan3A_1431 = arith.constant 1 : i32
      %scan3A_1432 = scf.for %scan3A_1434 = %scan3A_1428 to %scan3A_1430 step %scan3A_1431 iter_args(%scan3A_1435 = %scan3A_1427) -> (i32)  : i32 {
        %mul3A_1436 = arith.constant 16 : i32
        %mul3A_1437 = arith.muli %scan3A_1434, %mul3A_1436 : i32
        %get3A = arith.constant 0 : i32
        %get3A_1438 = arith.index_cast %get3A : i32 to index
        %get3A_1439 = arith.index_cast %scan3A_1425 : i32 to index
        %get3A_1440 = arith.index_cast %mul3A_1437 : i32 to index
        %get3A_1441 = tpu.vector_load %arg7[%get3A_1438, %get3A_1439, %get3A_1440] {strides = array<i32>} : memref<2x8x2048xf32, #tpu.memory_space<vmem>>, vector<1x1x16xf32>,
        %get3A_1442 = vector.shape_cast %get3A_1441 : vector<1x1x16xf32> to vector<16xf32>
        %mul3A_1443 = arith.constant 8.000000e-01 : f32
        %mul3A_1444 = vector.broadcast %mul3A_1443 : f32 to vector<16xf32>
        %mul3A_1445 = arith.mulf %mul3A_1444, %get3A_1442 : vector<16xf32>
        %get3A_1446 = arith.constant 0 : i32
        %get3A_1447 = arith.index_cast %get3A_1446 : i32 to index
        %get3A_1448 = arith.index_cast %scan3A_1425 : i32 to index
        %get3A_1449 = arith.index_cast %mul3A_1437 : i32 to index
        %get3A_1450 = tpu.vector_load %arg6[%get3A_1447, %get3A_1448, %get3A_1449] {strides = array<i32>} : memref<2x8x2048xf32, #tpu.memory_space<vmem>>, vector<1x1x16xf32>,
        %get3A_1451 = vector.shape_cast %get3A_1450 : vector<1x1x16xf32> to vector<16xf32>
        %mul3A_1452 = arith.constant 2.000000e-01 : f32
        %mul3A_1453 = vector.broadcast %mul3A_1452 : f32 to vector<16xf32>
        %mul3A_1454 = arith.mulf %mul3A_1453, %get3A_1451 : vector<16xf32>
        %add3A_1455 = arith.addf %mul3A_1445, %mul3A_1454 : vector<16xf32>
        %swap3A = arith.constant 0 : i32
        %swap3A_1456 = arith.index_cast %swap3A : i32 to index
        %swap3A_1457 = arith.index_cast %scan3A_1425 : i32 to index
        %swap3A_1458 = arith.index_cast %mul3A_1437 : i32 to index
        %swap3A_1459 = tpu.vector_load %arg8[%swap3A_1456, %swap3A_1457, %swap3A_1458] {strides = array<i32>} : memref<2x8x2048xf32, #tpu.memory_space<vmem>>, vector<1x1x16xf32>,
        %swap3A_1460 = vector.shape_cast %swap3A_1459 : vector<1x1x16xf32> to vector<16xf32>
        %swap3A_1461 = vector.shape_cast %add3A_1455 : vector<16xf32> to vector<1x1x16xf32>
        tpu.vector_store %arg8[%swap3A_1456, %swap3A_1457, %swap3A_1458], %swap3A_1461 {strides = array<i32>} : memref<2x8x2048xf32, #tpu.memory_space<vmem>>, vector<1x1x16xf32>,
        %scan3A_1462 = arith.constant 0 : i32
        scf.yield %scan3A_1462 : i32
      }
      %scan3A_1433 = arith.constant 128 : i32
      scf.yield %scan3A_1432 : i32
    }
    %scan3A_965 = arith.constant 8 : i32
    %add3A_966 = arith.constant 80 : i32
    %add3A_967 = arith.addi %mul3A_2, %add3A_966 : i32
    %multiple_of3A_968 = tpu.assume_multiple %add3A_967, 8 : i32
    %dma_start3A_969 = arith.constant 0 : i32
    %dma_start3A_970 = arith.constant 0 : i32
    %dma_start3A_971 = arith.constant 0 : i32
    %dma_start3A_972 = tpu.memref_slice %arg8[%dma_start3A_969, %dma_start3A_970, %dma_start3A_971] : memref<2x8x2048xf32, #tpu.memory_space<vmem>> -> memref<1x8x2048xf32, #tpu.memory_space<vmem>>
    %dma_start3A_973 = tpu.memref_squeeze %dma_start3A_972 : memref<1x8x2048xf32, #tpu.memory_space<vmem>> -> memref<8x2048xf32, #tpu.memory_space<vmem>>
    %dma_start3A_974 = arith.constant 0 : i32
    %dma_start3A_975 = tpu.memref_slice %arg4[%multiple_of3A_968, %dma_start3A_974] : memref<4096x2048xf32, #tpu.memory_space<hbm>> -> memref<8x2048xf32, #tpu.memory_space<hbm>>
    %dma_start3A_976 = arith.constant 0 : i32
    %dma_start3A_977 = tpu.memref_slice %arg4[%multiple_of3A_968, %dma_start3A_976] : memref<4096x2048xf32, #tpu.memory_space<hbm>> -> memref<8x2048xf32, #tpu.memory_space<hbm>>
    %dma_start3A_978 = arith.constant 0 : i32
    %dma_start3A_979 = arith.constant 0 : i32
    %dma_start3A_980 = tpu.memref_slice %arg8[%dma_start3A_969, %dma_start3A_978, %dma_start3A_979] : memref<2x8x2048xf32, #tpu.memory_space<vmem>> -> memref<1x8x2048xf32, #tpu.memory_space<vmem>>
    %dma_start3A_981 = tpu.memref_squeeze %dma_start3A_980 : memref<1x8x2048xf32, #tpu.memory_space<vmem>> -> memref<8x2048xf32, #tpu.memory_space<vmem>>
    tpu.enqueue_dma source(%dma_start3A_981 : memref<8x2048xf32, #tpu.memory_space<vmem>>) target(%dma_start3A_977 : memref<8x2048xf32, #tpu.memory_space<hbm>>) target_semaphore(%arg10 : memref<!tpu.dma_semaphore, #tpu.memory_space<semaphore_mem>>)
    %add3A_982 = arith.constant 96 : i32
    %add3A_983 = arith.addi %mul3A_2, %add3A_982 : i32
    %multiple_of3A_984 = tpu.assume_multiple %add3A_983, 8 : i32
    %dma_start3A_985 = arith.constant 12 : i32
    %dma_start3A_986 = arith.constant 0 : i32
    %dma_start3A_987 = arith.constant 0 : i32
    %dma_start3A_988 = arith.constant 0 : i32
    %dma_start3A_989 = tpu.memref_slice %arg6[%dma_start3A_986, %dma_start3A_987, %dma_start3A_988] : memref<2x8x2048xf32, #tpu.memory_space<vmem>> -> memref<1x8x2048xf32, #tpu.memory_space<vmem>>
    %dma_start3A_990 = tpu.memref_squeeze %dma_start3A_989 : memref<1x8x2048xf32, #tpu.memory_space<vmem>> -> memref<8x2048xf32, #tpu.memory_space<vmem>>
    %dma_start3A_991 = arith.constant 0 : i32
    %dma_start3A_992 = tpu.memref_slice %arg5[%dma_start3A_985, %dma_start3A_991] : memref<16x8xi32, #tpu.memory_space<vmem>> -> memref<1x8xi32, #tpu.memory_space<vmem>>
    %dma_start3A_993 = tpu.memref_squeeze %dma_start3A_992 : memref<1x8xi32, #tpu.memory_space<vmem>> -> memref<8xi32, #tpu.memory_space<vmem>>
    %dma_start3A_994 = arith.constant 0 : i32
    %dma_start3A_995 = arith.constant 0 : i32
    %dma_start3A_996 = tpu.memref_slice %arg2[%dma_start3A_994, %dma_start3A_995] : memref<4096x2048xf32, #tpu.memory_space<hbm>> -> memref<4096x2048xf32, #tpu.memory_space<hbm>>
    tpu.enqueue_indirect_dma source(%dma_start3A_996 : memref<4096x2048xf32, #tpu.memory_space<hbm>>) target(%dma_start3A_990 : memref<8x2048xf32, #tpu.memory_space<vmem>>) offsets(%dma_start3A_993 : memref<8xi32, #tpu.memory_space<vmem>>) semaphore(%arg9 : memref<!tpu.dma_semaphore, #tpu.memory_space<semaphore_mem>>)
    %dma_start3A_997 = arith.constant 0 : i32
    %dma_start3A_998 = arith.constant 0 : i32
    %dma_start3A_999 = arith.constant 0 : i32
    %dma_start3A_1000 = tpu.memref_slice %arg7[%dma_start3A_997, %dma_start3A_998, %dma_start3A_999] : memref<2x8x2048xf32, #tpu.memory_space<vmem>> -> memref<1x8x2048xf32, #tpu.memory_space<vmem>>
    %dma_start3A_1001 = tpu.memref_squeeze %dma_start3A_1000 : memref<1x8x2048xf32, #tpu.memory_space<vmem>> -> memref<8x2048xf32, #tpu.memory_space<vmem>>
    %dma_start3A_1002 = arith.constant 0 : i32
    %dma_start3A_1003 = tpu.memref_slice %arg2[%multiple_of3A_984, %dma_start3A_1002] : memref<4096x2048xf32, #tpu.memory_space<hbm>> -> memref<8x2048xf32, #tpu.memory_space<hbm>>
    %dma_start3A_1004 = arith.constant 0 : i32
    %dma_start3A_1005 = arith.constant 0 : i32
    %dma_start3A_1006 = tpu.memref_slice %arg7[%dma_start3A_997, %dma_start3A_1004, %dma_start3A_1005] : memref<2x8x2048xf32, #tpu.memory_space<vmem>> -> memref<1x8x2048xf32, #tpu.memory_space<vmem>>
    %dma_start3A_1007 = tpu.memref_squeeze %dma_start3A_1006 : memref<1x8x2048xf32, #tpu.memory_space<vmem>> -> memref<8x2048xf32, #tpu.memory_space<vmem>>
    %dma_start3A_1008 = arith.constant 0 : i32
    %dma_start3A_1009 = tpu.memref_slice %arg2[%multiple_of3A_984, %dma_start3A_1008] : memref<4096x2048xf32, #tpu.memory_space<hbm>> -> memref<8x2048xf32, #tpu.memory_space<hbm>>
    tpu.enqueue_dma source(%dma_start3A_1009 : memref<8x2048xf32, #tpu.memory_space<hbm>>) target(%dma_start3A_1007 : memref<8x2048xf32, #tpu.memory_space<vmem>>) target_semaphore(%arg9 : memref<!tpu.dma_semaphore, #tpu.memory_space<semaphore_mem>>)
    %dma_wait3A_1010 = arith.constant 11 : i32
    %dma_wait3A_1011 = arith.constant 1 : i32
    %dma_wait3A_1012 = arith.constant 0 : i32
    %dma_wait3A_1013 = arith.constant 0 : i32
    %dma_wait3A_1014 = tpu.memref_slice %arg6[%dma_wait3A_1011, %dma_wait3A_1012, %dma_wait3A_1013] : memref<2x8x2048xf32, #tpu.memory_space<vmem>> -> memref<1x8x2048xf32, #tpu.memory_space<vmem>>
    %dma_wait3A_1015 = tpu.memref_squeeze %dma_wait3A_1014 : memref<1x8x2048xf32, #tpu.memory_space<vmem>> -> memref<8x2048xf32, #tpu.memory_space<vmem>>
    %dma_wait3A_1016 = arith.constant 0 : i32
    %dma_wait3A_1017 = tpu.memref_slice %arg5[%dma_wait3A_1010, %dma_wait3A_1016] : memref<16x8xi32, #tpu.memory_space<vmem>> -> memref<1x8xi32, #tpu.memory_space<vmem>>
    %dma_wait3A_1018 = tpu.memref_squeeze %dma_wait3A_1017 : memref<1x8xi32, #tpu.memory_space<vmem>> -> memref<8xi32, #tpu.memory_space<vmem>>
    %dma_wait3A_1019 = arith.constant 0 : i32
    %dma_wait3A_1020 = arith.constant 0 : i32
    %dma_wait3A_1021 = tpu.memref_slice %arg2[%dma_wait3A_1019, %dma_wait3A_1020] : memref<4096x2048xf32, #tpu.memory_space<hbm>> -> memref<4096x2048xf32, #tpu.memory_space<hbm>>
    tpu.wait_indirect_dma semaphore(%arg9 : memref<!tpu.dma_semaphore, #tpu.memory_space<semaphore_mem>>) src(%dma_wait3A_1021 : memref<4096x2048xf32, #tpu.memory_space<hbm>>) dst(%dma_wait3A_1015 : memref<8x2048xf32, #tpu.memory_space<vmem>>)
    %dma_wait3A_1022 = arith.constant 1 : i32
    %dma_wait3A_1023 = arith.constant 0 : i32
    %dma_wait3A_1024 = arith.constant 0 : i32
    %dma_wait3A_1025 = tpu.memref_slice %arg7[%dma_wait3A_1022, %dma_wait3A_1023, %dma_wait3A_1024] : memref<2x8x2048xf32, #tpu.memory_space<vmem>> -> memref<1x8x2048xf32, #tpu.memory_space<vmem>>
    %dma_wait3A_1026 = tpu.memref_squeeze %dma_wait3A_1025 : memref<1x8x2048xf32, #tpu.memory_space<vmem>> -> memref<8x2048xf32, #tpu.memory_space<vmem>>
    %dma_wait3A_1027 = arith.constant 0 : i32
    %dma_wait3A_1028 = tpu.memref_slice %arg2[%multiple_of3A_895, %dma_wait3A_1027] : memref<4096x2048xf32, #tpu.memory_space<hbm>> -> memref<8x2048xf32, #tpu.memory_space<hbm>>
    %dma_wait3A_1029 = arith.constant 0 : i32
    %dma_wait3A_1030 = arith.constant 0 : i32
    %dma_wait3A_1031 = tpu.memref_slice %arg7[%dma_wait3A_1022, %dma_wait3A_1029, %dma_wait3A_1030] : memref<2x8x2048xf32, #tpu.memory_space<vmem>> -> memref<1x8x2048xf32, #tpu.memory_space<vmem>>
    %dma_wait3A_1032 = tpu.memref_squeeze %dma_wait3A_1031 : memref<1x8x2048xf32, #tpu.memory_space<vmem>> -> memref<8x2048xf32, #tpu.memory_space<vmem>>
    %dma_wait3A_1033 = arith.constant 0 : i32
    %dma_wait3A_1034 = tpu.memref_slice %arg2[%multiple_of3A_895, %dma_wait3A_1033] : memref<4096x2048xf32, #tpu.memory_space<hbm>> -> memref<8x2048xf32, #tpu.memory_space<hbm>>
    tpu.wait_dma2 semaphore(%arg9 : memref<!tpu.dma_semaphore, #tpu.memory_space<semaphore_mem>>) src(%dma_wait3A_1034 : memref<8x2048xf32, #tpu.memory_space<hbm>>) dst(%dma_wait3A_1032 : memref<8x2048xf32, #tpu.memory_space<vmem>>)
    %dma_wait3A_1035 = arith.constant 1 : i32
    %dma_wait3A_1036 = arith.constant 0 : i32
    %dma_wait3A_1037 = arith.constant 0 : i32
    %dma_wait3A_1038 = tpu.memref_slice %arg8[%dma_wait3A_1035, %dma_wait3A_1036, %dma_wait3A_1037] : memref<2x8x2048xf32, #tpu.memory_space<vmem>> -> memref<1x8x2048xf32, #tpu.memory_space<vmem>>
    %dma_wait3A_1039 = tpu.memref_squeeze %dma_wait3A_1038 : memref<1x8x2048xf32, #tpu.memory_space<vmem>> -> memref<8x2048xf32, #tpu.memory_space<vmem>>
    %dma_wait3A_1040 = arith.constant 0 : i32
    %dma_wait3A_1041 = tpu.memref_slice %arg4[%multiple_of3A_879, %dma_wait3A_1040] : memref<4096x2048xf32, #tpu.memory_space<hbm>> -> memref<8x2048xf32, #tpu.memory_space<hbm>>
    %dma_wait3A_1042 = arith.constant 0 : i32
    %dma_wait3A_1043 = tpu.memref_slice %arg4[%multiple_of3A_879, %dma_wait3A_1042] : memref<4096x2048xf32, #tpu.memory_space<hbm>> -> memref<8x2048xf32, #tpu.memory_space<hbm>>
    %dma_wait3A_1044 = arith.constant 0 : i32
    %dma_wait3A_1045 = arith.constant 0 : i32
    %dma_wait3A_1046 = tpu.memref_slice %arg8[%dma_wait3A_1035, %dma_wait3A_1044, %dma_wait3A_1045] : memref<2x8x2048xf32, #tpu.memory_space<vmem>> -> memref<1x8x2048xf32, #tpu.memory_space<vmem>>
    %dma_wait3A_1047 = tpu.memref_squeeze %dma_wait3A_1046 : memref<1x8x2048xf32, #tpu.memory_space<vmem>> -> memref<8x2048xf32, #tpu.memory_space<vmem>>
    tpu.wait_dma2 semaphore(%arg10 : memref<!tpu.dma_semaphore, #tpu.memory_space<semaphore_mem>>) src(%dma_wait3A_1047 : memref<8x2048xf32, #tpu.memory_space<vmem>>) dst(%dma_wait3A_1043 : memref<8x2048xf32, #tpu.memory_space<hbm>>)
    %scan3A_1048 = arith.constant 0 : i32
    %scan3A_1049 = arith.constant 0 : i32
    %scan3A_1050 = arith.constant 8 : i32
    %scan3A_1051 = arith.addi %scan3A_1049, %scan3A_1050 : i32
    %scan3A_1052 = arith.constant 1 : i32
    %scan3A_1053 = scf.for %scan3A_1425 = %scan3A_1049 to %scan3A_1051 step %scan3A_1052 iter_args(%scan3A_1426 = %scan3A_1048) -> (i32)  : i32 {
      %scan3A_1427 = arith.constant 0 : i32
      %scan3A_1428 = arith.constant 0 : i32
      %scan3A_1429 = arith.constant 128 : i32
      %scan3A_1430 = arith.addi %scan3A_1428, %scan3A_1429 : i32
      %scan3A_1431 = arith.constant 1 : i32
      %scan3A_1432 = scf.for %scan3A_1434 = %scan3A_1428 to %scan3A_1430 step %scan3A_1431 iter_args(%scan3A_1435 = %scan3A_1427) -> (i32)  : i32 {
        %mul3A_1436 = arith.constant 16 : i32
        %mul3A_1437 = arith.muli %scan3A_1434, %mul3A_1436 : i32
        %get3A = arith.constant 1 : i32
        %get3A_1438 = arith.index_cast %get3A : i32 to index
        %get3A_1439 = arith.index_cast %scan3A_1425 : i32 to index
        %get3A_1440 = arith.index_cast %mul3A_1437 : i32 to index
        %get3A_1441 = tpu.vector_load %arg7[%get3A_1438, %get3A_1439, %get3A_1440] {strides = array<i32>} : memref<2x8x2048xf32, #tpu.memory_space<vmem>>, vector<1x1x16xf32>,
        %get3A_1442 = vector.shape_cast %get3A_1441 : vector<1x1x16xf32> to vector<16xf32>
        %mul3A_1443 = arith.constant 8.000000e-01 : f32
        %mul3A_1444 = vector.broadcast %mul3A_1443 : f32 to vector<16xf32>
        %mul3A_1445 = arith.mulf %mul3A_1444, %get3A_1442 : vector<16xf32>
        %get3A_1446 = arith.constant 1 : i32
        %get3A_1447 = arith.index_cast %get3A_1446 : i32 to index
        %get3A_1448 = arith.index_cast %scan3A_1425 : i32 to index
        %get3A_1449 = arith.index_cast %mul3A_1437 : i32 to index
        %get3A_1450 = tpu.vector_load %arg6[%get3A_1447, %get3A_1448, %get3A_1449] {strides = array<i32>} : memref<2x8x2048xf32, #tpu.memory_space<vmem>>, vector<1x1x16xf32>,
        %get3A_1451 = vector.shape_cast %get3A_1450 : vector<1x1x16xf32> to vector<16xf32>
        %mul3A_1452 = arith.constant 2.000000e-01 : f32
        %mul3A_1453 = vector.broadcast %mul3A_1452 : f32 to vector<16xf32>
        %mul3A_1454 = arith.mulf %mul3A_1453, %get3A_1451 : vector<16xf32>
        %add3A_1455 = arith.addf %mul3A_1445, %mul3A_1454 : vector<16xf32>
        %swap3A = arith.constant 1 : i32
        %swap3A_1456 = arith.index_cast %swap3A : i32 to index
        %swap3A_1457 = arith.index_cast %scan3A_1425 : i32 to index
        %swap3A_1458 = arith.index_cast %mul3A_1437 : i32 to index
        %swap3A_1459 = tpu.vector_load %arg8[%swap3A_1456, %swap3A_1457, %swap3A_1458] {strides = array<i32>} : memref<2x8x2048xf32, #tpu.memory_space<vmem>>, vector<1x1x16xf32>,
        %swap3A_1460 = vector.shape_cast %swap3A_1459 : vector<1x1x16xf32> to vector<16xf32>
        %swap3A_1461 = vector.shape_cast %add3A_1455 : vector<16xf32> to vector<1x1x16xf32>
        tpu.vector_store %arg8[%swap3A_1456, %swap3A_1457, %swap3A_1458], %swap3A_1461 {strides = array<i32>} : memref<2x8x2048xf32, #tpu.memory_space<vmem>>, vector<1x1x16xf32>,
        %scan3A_1462 = arith.constant 0 : i32
        scf.yield %scan3A_1462 : i32
      }
      %scan3A_1433 = arith.constant 128 : i32
      scf.yield %scan3A_1432 : i32
    }
    %scan3A_1054 = arith.constant 8 : i32
    %add3A_1055 = arith.constant 88 : i32
    %add3A_1056 = arith.addi %mul3A_2, %add3A_1055 : i32
    %multiple_of3A_1057 = tpu.assume_multiple %add3A_1056, 8 : i32
    %dma_start3A_1058 = arith.constant 1 : i32
    %dma_start3A_1059 = arith.constant 0 : i32
    %dma_start3A_1060 = arith.constant 0 : i32
    %dma_start3A_1061 = tpu.memref_slice %arg8[%dma_start3A_1058, %dma_start3A_1059, %dma_start3A_1060] : memref<2x8x2048xf32, #tpu.memory_space<vmem>> -> memref<1x8x2048xf32, #tpu.memory_space<vmem>>
    %dma_start3A_1062 = tpu.memref_squeeze %dma_start3A_1061 : memref<1x8x2048xf32, #tpu.memory_space<vmem>> -> memref<8x2048xf32, #tpu.memory_space<vmem>>
    %dma_start3A_1063 = arith.constant 0 : i32
    %dma_start3A_1064 = tpu.memref_slice %arg4[%multiple_of3A_1057, %dma_start3A_1063] : memref<4096x2048xf32, #tpu.memory_space<hbm>> -> memref<8x2048xf32, #tpu.memory_space<hbm>>
    %dma_start3A_1065 = arith.constant 0 : i32
    %dma_start3A_1066 = tpu.memref_slice %arg4[%multiple_of3A_1057, %dma_start3A_1065] : memref<4096x2048xf32, #tpu.memory_space<hbm>> -> memref<8x2048xf32, #tpu.memory_space<hbm>>
    %dma_start3A_1067 = arith.constant 0 : i32
    %dma_start3A_1068 = arith.constant 0 : i32
    %dma_start3A_1069 = tpu.memref_slice %arg8[%dma_start3A_1058, %dma_start3A_1067, %dma_start3A_1068] : memref<2x8x2048xf32, #tpu.memory_space<vmem>> -> memref<1x8x2048xf32, #tpu.memory_space<vmem>>
    %dma_start3A_1070 = tpu.memref_squeeze %dma_start3A_1069 : memref<1x8x2048xf32, #tpu.memory_space<vmem>> -> memref<8x2048xf32, #tpu.memory_space<vmem>>
    tpu.enqueue_dma source(%dma_start3A_1070 : memref<8x2048xf32, #tpu.memory_space<vmem>>) target(%dma_start3A_1066 : memref<8x2048xf32, #tpu.memory_space<hbm>>) target_semaphore(%arg10 : memref<!tpu.dma_semaphore, #tpu.memory_space<semaphore_mem>>)
    %add3A_1071 = arith.constant 104 : i32
    %add3A_1072 = arith.addi %mul3A_2, %add3A_1071 : i32
    %multiple_of3A_1073 = tpu.assume_multiple %add3A_1072, 8 : i32
    %dma_start3A_1074 = arith.constant 13 : i32
    %dma_start3A_1075 = arith.constant 1 : i32
    %dma_start3A_1076 = arith.constant 0 : i32
    %dma_start3A_1077 = arith.constant 0 : i32
    %dma_start3A_1078 = tpu.memref_slice %arg6[%dma_start3A_1075, %dma_start3A_1076, %dma_start3A_1077] : memref<2x8x2048xf32, #tpu.memory_space<vmem>> -> memref<1x8x2048xf32, #tpu.memory_space<vmem>>
    %dma_start3A_1079 = tpu.memref_squeeze %dma_start3A_1078 : memref<1x8x2048xf32, #tpu.memory_space<vmem>> -> memref<8x2048xf32, #tpu.memory_space<vmem>>
    %dma_start3A_1080 = arith.constant 0 : i32
    %dma_start3A_1081 = tpu.memref_slice %arg5[%dma_start3A_1074, %dma_start3A_1080] : memref<16x8xi32, #tpu.memory_space<vmem>> -> memref<1x8xi32, #tpu.memory_space<vmem>>
    %dma_start3A_1082 = tpu.memref_squeeze %dma_start3A_1081 : memref<1x8xi32, #tpu.memory_space<vmem>> -> memref<8xi32, #tpu.memory_space<vmem>>
    %dma_start3A_1083 = arith.constant 0 : i32
    %dma_start3A_1084 = arith.constant 0 : i32
    %dma_start3A_1085 = tpu.memref_slice %arg2[%dma_start3A_1083, %dma_start3A_1084] : memref<4096x2048xf32, #tpu.memory_space<hbm>> -> memref<4096x2048xf32, #tpu.memory_space<hbm>>
    tpu.enqueue_indirect_dma source(%dma_start3A_1085 : memref<4096x2048xf32, #tpu.memory_space<hbm>>) target(%dma_start3A_1079 : memref<8x2048xf32, #tpu.memory_space<vmem>>) offsets(%dma_start3A_1082 : memref<8xi32, #tpu.memory_space<vmem>>) semaphore(%arg9 : memref<!tpu.dma_semaphore, #tpu.memory_space<semaphore_mem>>)
    %dma_start3A_1086 = arith.constant 1 : i32
    %dma_start3A_1087 = arith.constant 0 : i32
    %dma_start3A_1088 = arith.constant 0 : i32
    %dma_start3A_1089 = tpu.memref_slice %arg7[%dma_start3A_1086, %dma_start3A_1087, %dma_start3A_1088] : memref<2x8x2048xf32, #tpu.memory_space<vmem>> -> memref<1x8x2048xf32, #tpu.memory_space<vmem>>
    %dma_start3A_1090 = tpu.memref_squeeze %dma_start3A_1089 : memref<1x8x2048xf32, #tpu.memory_space<vmem>> -> memref<8x2048xf32, #tpu.memory_space<vmem>>
    %dma_start3A_1091 = arith.constant 0 : i32
    %dma_start3A_1092 = tpu.memref_slice %arg2[%multiple_of3A_1073, %dma_start3A_1091] : memref<4096x2048xf32, #tpu.memory_space<hbm>> -> memref<8x2048xf32, #tpu.memory_space<hbm>>
    %dma_start3A_1093 = arith.constant 0 : i32
    %dma_start3A_1094 = arith.constant 0 : i32
    %dma_start3A_1095 = tpu.memref_slice %arg7[%dma_start3A_1086, %dma_start3A_1093, %dma_start3A_1094] : memref<2x8x2048xf32, #tpu.memory_space<vmem>> -> memref<1x8x2048xf32, #tpu.memory_space<vmem>>
    %dma_start3A_1096 = tpu.memref_squeeze %dma_start3A_1095 : memref<1x8x2048xf32, #tpu.memory_space<vmem>> -> memref<8x2048xf32, #tpu.memory_space<vmem>>
    %dma_start3A_1097 = arith.constant 0 : i32
    %dma_start3A_1098 = tpu.memref_slice %arg2[%multiple_of3A_1073, %dma_start3A_1097] : memref<4096x2048xf32, #tpu.memory_space<hbm>> -> memref<8x2048xf32, #tpu.memory_space<hbm>>
    tpu.enqueue_dma source(%dma_start3A_1098 : memref<8x2048xf32, #tpu.memory_space<hbm>>) target(%dma_start3A_1096 : memref<8x2048xf32, #tpu.memory_space<vmem>>) target_semaphore(%arg9 : memref<!tpu.dma_semaphore, #tpu.memory_space<semaphore_mem>>)
    %dma_wait3A_1099 = arith.constant 12 : i32
    %dma_wait3A_1100 = arith.constant 0 : i32
    %dma_wait3A_1101 = arith.constant 0 : i32
    %dma_wait3A_1102 = arith.constant 0 : i32
    %dma_wait3A_1103 = tpu.memref_slice %arg6[%dma_wait3A_1100, %dma_wait3A_1101, %dma_wait3A_1102] : memref<2x8x2048xf32, #tpu.memory_space<vmem>> -> memref<1x8x2048xf32, #tpu.memory_space<vmem>>
    %dma_wait3A_1104 = tpu.memref_squeeze %dma_wait3A_1103 : memref<1x8x2048xf32, #tpu.memory_space<vmem>> -> memref<8x2048xf32, #tpu.memory_space<vmem>>
    %dma_wait3A_1105 = arith.constant 0 : i32
    %dma_wait3A_1106 = tpu.memref_slice %arg5[%dma_wait3A_1099, %dma_wait3A_1105] : memref<16x8xi32, #tpu.memory_space<vmem>> -> memref<1x8xi32, #tpu.memory_space<vmem>>
    %dma_wait3A_1107 = tpu.memref_squeeze %dma_wait3A_1106 : memref<1x8xi32, #tpu.memory_space<vmem>> -> memref<8xi32, #tpu.memory_space<vmem>>
    %dma_wait3A_1108 = arith.constant 0 : i32
    %dma_wait3A_1109 = arith.constant 0 : i32
    %dma_wait3A_1110 = tpu.memref_slice %arg2[%dma_wait3A_1108, %dma_wait3A_1109] : memref<4096x2048xf32, #tpu.memory_space<hbm>> -> memref<4096x2048xf32, #tpu.memory_space<hbm>>
    tpu.wait_indirect_dma semaphore(%arg9 : memref<!tpu.dma_semaphore, #tpu.memory_space<semaphore_mem>>) src(%dma_wait3A_1110 : memref<4096x2048xf32, #tpu.memory_space<hbm>>) dst(%dma_wait3A_1104 : memref<8x2048xf32, #tpu.memory_space<vmem>>)
    %dma_wait3A_1111 = arith.constant 0 : i32
    %dma_wait3A_1112 = arith.constant 0 : i32
    %dma_wait3A_1113 = arith.constant 0 : i32
    %dma_wait3A_1114 = tpu.memref_slice %arg7[%dma_wait3A_1111, %dma_wait3A_1112, %dma_wait3A_1113] : memref<2x8x2048xf32, #tpu.memory_space<vmem>> -> memref<1x8x2048xf32, #tpu.memory_space<vmem>>
    %dma_wait3A_1115 = tpu.memref_squeeze %dma_wait3A_1114 : memref<1x8x2048xf32, #tpu.memory_space<vmem>> -> memref<8x2048xf32, #tpu.memory_space<vmem>>
    %dma_wait3A_1116 = arith.constant 0 : i32
    %dma_wait3A_1117 = tpu.memref_slice %arg2[%multiple_of3A_984, %dma_wait3A_1116] : memref<4096x2048xf32, #tpu.memory_space<hbm>> -> memref<8x2048xf32, #tpu.memory_space<hbm>>
    %dma_wait3A_1118 = arith.constant 0 : i32
    %dma_wait3A_1119 = arith.constant 0 : i32
    %dma_wait3A_1120 = tpu.memref_slice %arg7[%dma_wait3A_1111, %dma_wait3A_1118, %dma_wait3A_1119] : memref<2x8x2048xf32, #tpu.memory_space<vmem>> -> memref<1x8x2048xf32, #tpu.memory_space<vmem>>
    %dma_wait3A_1121 = tpu.memref_squeeze %dma_wait3A_1120 : memref<1x8x2048xf32, #tpu.memory_space<vmem>> -> memref<8x2048xf32, #tpu.memory_space<vmem>>
    %dma_wait3A_1122 = arith.constant 0 : i32
    %dma_wait3A_1123 = tpu.memref_slice %arg2[%multiple_of3A_984, %dma_wait3A_1122] : memref<4096x2048xf32, #tpu.memory_space<hbm>> -> memref<8x2048xf32, #tpu.memory_space<hbm>>
    tpu.wait_dma2 semaphore(%arg9 : memref<!tpu.dma_semaphore, #tpu.memory_space<semaphore_mem>>) src(%dma_wait3A_1123 : memref<8x2048xf32, #tpu.memory_space<hbm>>) dst(%dma_wait3A_1121 : memref<8x2048xf32, #tpu.memory_space<vmem>>)
    %dma_wait3A_1124 = arith.constant 0 : i32
    %dma_wait3A_1125 = arith.constant 0 : i32
    %dma_wait3A_1126 = arith.constant 0 : i32
    %dma_wait3A_1127 = tpu.memref_slice %arg8[%dma_wait3A_1124, %dma_wait3A_1125, %dma_wait3A_1126] : memref<2x8x2048xf32, #tpu.memory_space<vmem>> -> memref<1x8x2048xf32, #tpu.memory_space<vmem>>
    %dma_wait3A_1128 = tpu.memref_squeeze %dma_wait3A_1127 : memref<1x8x2048xf32, #tpu.memory_space<vmem>> -> memref<8x2048xf32, #tpu.memory_space<vmem>>
    %dma_wait3A_1129 = arith.constant 0 : i32
    %dma_wait3A_1130 = tpu.memref_slice %arg4[%multiple_of3A_968, %dma_wait3A_1129] : memref<4096x2048xf32, #tpu.memory_space<hbm>> -> memref<8x2048xf32, #tpu.memory_space<hbm>>
    %dma_wait3A_1131 = arith.constant 0 : i32
    %dma_wait3A_1132 = tpu.memref_slice %arg4[%multiple_of3A_968, %dma_wait3A_1131] : memref<4096x2048xf32, #tpu.memory_space<hbm>> -> memref<8x2048xf32, #tpu.memory_space<hbm>>
    %dma_wait3A_1133 = arith.constant 0 : i32
    %dma_wait3A_1134 = arith.constant 0 : i32
    %dma_wait3A_1135 = tpu.memref_slice %arg8[%dma_wait3A_1124, %dma_wait3A_1133, %dma_wait3A_1134] : memref<2x8x2048xf32, #tpu.memory_space<vmem>> -> memref<1x8x2048xf32, #tpu.memory_space<vmem>>
    %dma_wait3A_1136 = tpu.memref_squeeze %dma_wait3A_1135 : memref<1x8x2048xf32, #tpu.memory_space<vmem>> -> memref<8x2048xf32, #tpu.memory_space<vmem>>
    tpu.wait_dma2 semaphore(%arg10 : memref<!tpu.dma_semaphore, #tpu.memory_space<semaphore_mem>>) src(%dma_wait3A_1136 : memref<8x2048xf32, #tpu.memory_space<vmem>>) dst(%dma_wait3A_1132 : memref<8x2048xf32, #tpu.memory_space<hbm>>)
    %scan3A_1137 = arith.constant 0 : i32
    %scan3A_1138 = arith.constant 0 : i32
    %scan3A_1139 = arith.constant 8 : i32
    %scan3A_1140 = arith.addi %scan3A_1138, %scan3A_1139 : i32
    %scan3A_1141 = arith.constant 1 : i32
    %scan3A_1142 = scf.for %scan3A_1425 = %scan3A_1138 to %scan3A_1140 step %scan3A_1141 iter_args(%scan3A_1426 = %scan3A_1137) -> (i32)  : i32 {
      %scan3A_1427 = arith.constant 0 : i32
      %scan3A_1428 = arith.constant 0 : i32
      %scan3A_1429 = arith.constant 128 : i32
      %scan3A_1430 = arith.addi %scan3A_1428, %scan3A_1429 : i32
      %scan3A_1431 = arith.constant 1 : i32
      %scan3A_1432 = scf.for %scan3A_1434 = %scan3A_1428 to %scan3A_1430 step %scan3A_1431 iter_args(%scan3A_1435 = %scan3A_1427) -> (i32)  : i32 {
        %mul3A_1436 = arith.constant 16 : i32
        %mul3A_1437 = arith.muli %scan3A_1434, %mul3A_1436 : i32
        %get3A = arith.constant 0 : i32
        %get3A_1438 = arith.index_cast %get3A : i32 to index
        %get3A_1439 = arith.index_cast %scan3A_1425 : i32 to index
        %get3A_1440 = arith.index_cast %mul3A_1437 : i32 to index
        %get3A_1441 = tpu.vector_load %arg7[%get3A_1438, %get3A_1439, %get3A_1440] {strides = array<i32>} : memref<2x8x2048xf32, #tpu.memory_space<vmem>>, vector<1x1x16xf32>,
        %get3A_1442 = vector.shape_cast %get3A_1441 : vector<1x1x16xf32> to vector<16xf32>
        %mul3A_1443 = arith.constant 8.000000e-01 : f32
        %mul3A_1444 = vector.broadcast %mul3A_1443 : f32 to vector<16xf32>
        %mul3A_1445 = arith.mulf %mul3A_1444, %get3A_1442 : vector<16xf32>
        %get3A_1446 = arith.constant 0 : i32
        %get3A_1447 = arith.index_cast %get3A_1446 : i32 to index
        %get3A_1448 = arith.index_cast %scan3A_1425 : i32 to index
        %get3A_1449 = arith.index_cast %mul3A_1437 : i32 to index
        %get3A_1450 = tpu.vector_load %arg6[%get3A_1447, %get3A_1448, %get3A_1449] {strides = array<i32>} : memref<2x8x2048xf32, #tpu.memory_space<vmem>>, vector<1x1x16xf32>,
        %get3A_1451 = vector.shape_cast %get3A_1450 : vector<1x1x16xf32> to vector<16xf32>
        %mul3A_1452 = arith.constant 2.000000e-01 : f32
        %mul3A_1453 = vector.broadcast %mul3A_1452 : f32 to vector<16xf32>
        %mul3A_1454 = arith.mulf %mul3A_1453, %get3A_1451 : vector<16xf32>
        %add3A_1455 = arith.addf %mul3A_1445, %mul3A_1454 : vector<16xf32>
        %swap3A = arith.constant 0 : i32
        %swap3A_1456 = arith.index_cast %swap3A : i32 to index
        %swap3A_1457 = arith.index_cast %scan3A_1425 : i32 to index
        %swap3A_1458 = arith.index_cast %mul3A_1437 : i32 to index
        %swap3A_1459 = tpu.vector_load %arg8[%swap3A_1456, %swap3A_1457, %swap3A_1458] {strides = array<i32>} : memref<2x8x2048xf32, #tpu.memory_space<vmem>>, vector<1x1x16xf32>,
        %swap3A_1460 = vector.shape_cast %swap3A_1459 : vector<1x1x16xf32> to vector<16xf32>
        %swap3A_1461 = vector.shape_cast %add3A_1455 : vector<16xf32> to vector<1x1x16xf32>
        tpu.vector_store %arg8[%swap3A_1456, %swap3A_1457, %swap3A_1458], %swap3A_1461 {strides = array<i32>} : memref<2x8x2048xf32, #tpu.memory_space<vmem>>, vector<1x1x16xf32>,
        %scan3A_1462 = arith.constant 0 : i32
        scf.yield %scan3A_1462 : i32
      }
      %scan3A_1433 = arith.constant 128 : i32
      scf.yield %scan3A_1432 : i32
    }
    %scan3A_1143 = arith.constant 8 : i32
    %add3A_1144 = arith.constant 96 : i32
    %add3A_1145 = arith.addi %mul3A_2, %add3A_1144 : i32
    %multiple_of3A_1146 = tpu.assume_multiple %add3A_1145, 8 : i32
    %dma_start3A_1147 = arith.constant 0 : i32
    %dma_start3A_1148 = arith.constant 0 : i32
    %dma_start3A_1149 = arith.constant 0 : i32
    %dma_start3A_1150 = tpu.memref_slice %arg8[%dma_start3A_1147, %dma_start3A_1148, %dma_start3A_1149] : memref<2x8x2048xf32, #tpu.memory_space<vmem>> -> memref<1x8x2048xf32, #tpu.memory_space<vmem>>
    %dma_start3A_1151 = tpu.memref_squeeze %dma_start3A_1150 : memref<1x8x2048xf32, #tpu.memory_space<vmem>> -> memref<8x2048xf32, #tpu.memory_space<vmem>>
    %dma_start3A_1152 = arith.constant 0 : i32
    %dma_start3A_1153 = tpu.memref_slice %arg4[%multiple_of3A_1146, %dma_start3A_1152] : memref<4096x2048xf32, #tpu.memory_space<hbm>> -> memref<8x2048xf32, #tpu.memory_space<hbm>>
    %dma_start3A_1154 = arith.constant 0 : i32
    %dma_start3A_1155 = tpu.memref_slice %arg4[%multiple_of3A_1146, %dma_start3A_1154] : memref<4096x2048xf32, #tpu.memory_space<hbm>> -> memref<8x2048xf32, #tpu.memory_space<hbm>>
    %dma_start3A_1156 = arith.constant 0 : i32
    %dma_start3A_1157 = arith.constant 0 : i32
    %dma_start3A_1158 = tpu.memref_slice %arg8[%dma_start3A_1147, %dma_start3A_1156, %dma_start3A_1157] : memref<2x8x2048xf32, #tpu.memory_space<vmem>> -> memref<1x8x2048xf32, #tpu.memory_space<vmem>>
    %dma_start3A_1159 = tpu.memref_squeeze %dma_start3A_1158 : memref<1x8x2048xf32, #tpu.memory_space<vmem>> -> memref<8x2048xf32, #tpu.memory_space<vmem>>
    tpu.enqueue_dma source(%dma_start3A_1159 : memref<8x2048xf32, #tpu.memory_space<vmem>>) target(%dma_start3A_1155 : memref<8x2048xf32, #tpu.memory_space<hbm>>) target_semaphore(%arg10 : memref<!tpu.dma_semaphore, #tpu.memory_space<semaphore_mem>>)
    %add3A_1160 = arith.constant 112 : i32
    %add3A_1161 = arith.addi %mul3A_2, %add3A_1160 : i32
    %multiple_of3A_1162 = tpu.assume_multiple %add3A_1161, 8 : i32
    %dma_start3A_1163 = arith.constant 14 : i32
    %dma_start3A_1164 = arith.constant 0 : i32
    %dma_start3A_1165 = arith.constant 0 : i32
    %dma_start3A_1166 = arith.constant 0 : i32
    %dma_start3A_1167 = tpu.memref_slice %arg6[%dma_start3A_1164, %dma_start3A_1165, %dma_start3A_1166] : memref<2x8x2048xf32, #tpu.memory_space<vmem>> -> memref<1x8x2048xf32, #tpu.memory_space<vmem>>
    %dma_start3A_1168 = tpu.memref_squeeze %dma_start3A_1167 : memref<1x8x2048xf32, #tpu.memory_space<vmem>> -> memref<8x2048xf32, #tpu.memory_space<vmem>>
    %dma_start3A_1169 = arith.constant 0 : i32
    %dma_start3A_1170 = tpu.memref_slice %arg5[%dma_start3A_1163, %dma_start3A_1169] : memref<16x8xi32, #tpu.memory_space<vmem>> -> memref<1x8xi32, #tpu.memory_space<vmem>>
    %dma_start3A_1171 = tpu.memref_squeeze %dma_start3A_1170 : memref<1x8xi32, #tpu.memory_space<vmem>> -> memref<8xi32, #tpu.memory_space<vmem>>
    %dma_start3A_1172 = arith.constant 0 : i32
    %dma_start3A_1173 = arith.constant 0 : i32
    %dma_start3A_1174 = tpu.memref_slice %arg2[%dma_start3A_1172, %dma_start3A_1173] : memref<4096x2048xf32, #tpu.memory_space<hbm>> -> memref<4096x2048xf32, #tpu.memory_space<hbm>>
    tpu.enqueue_indirect_dma source(%dma_start3A_1174 : memref<4096x2048xf32, #tpu.memory_space<hbm>>) target(%dma_start3A_1168 : memref<8x2048xf32, #tpu.memory_space<vmem>>) offsets(%dma_start3A_1171 : memref<8xi32, #tpu.memory_space<vmem>>) semaphore(%arg9 : memref<!tpu.dma_semaphore, #tpu.memory_space<semaphore_mem>>)
    %dma_start3A_1175 = arith.constant 0 : i32
    %dma_start3A_1176 = arith.constant 0 : i32
    %dma_start3A_1177 = arith.constant 0 : i32
    %dma_start3A_1178 = tpu.memref_slice %arg7[%dma_start3A_1175, %dma_start3A_1176, %dma_start3A_1177] : memref<2x8x2048xf32, #tpu.memory_space<vmem>> -> memref<1x8x2048xf32, #tpu.memory_space<vmem>>
    %dma_start3A_1179 = tpu.memref_squeeze %dma_start3A_1178 : memref<1x8x2048xf32, #tpu.memory_space<vmem>> -> memref<8x2048xf32, #tpu.memory_space<vmem>>
    %dma_start3A_1180 = arith.constant 0 : i32
    %dma_start3A_1181 = tpu.memref_slice %arg2[%multiple_of3A_1162, %dma_start3A_1180] : memref<4096x2048xf32, #tpu.memory_space<hbm>> -> memref<8x2048xf32, #tpu.memory_space<hbm>>
    %dma_start3A_1182 = arith.constant 0 : i32
    %dma_start3A_1183 = arith.constant 0 : i32
    %dma_start3A_1184 = tpu.memref_slice %arg7[%dma_start3A_1175, %dma_start3A_1182, %dma_start3A_1183] : memref<2x8x2048xf32, #tpu.memory_space<vmem>> -> memref<1x8x2048xf32, #tpu.memory_space<vmem>>
    %dma_start3A_1185 = tpu.memref_squeeze %dma_start3A_1184 : memref<1x8x2048xf32, #tpu.memory_space<vmem>> -> memref<8x2048xf32, #tpu.memory_space<vmem>>
    %dma_start3A_1186 = arith.constant 0 : i32
    %dma_start3A_1187 = tpu.memref_slice %arg2[%multiple_of3A_1162, %dma_start3A_1186] : memref<4096x2048xf32, #tpu.memory_space<hbm>> -> memref<8x2048xf32, #tpu.memory_space<hbm>>
    tpu.enqueue_dma source(%dma_start3A_1187 : memref<8x2048xf32, #tpu.memory_space<hbm>>) target(%dma_start3A_1185 : memref<8x2048xf32, #tpu.memory_space<vmem>>) target_semaphore(%arg9 : memref<!tpu.dma_semaphore, #tpu.memory_space<semaphore_mem>>)
    %dma_wait3A_1188 = arith.constant 13 : i32
    %dma_wait3A_1189 = arith.constant 1 : i32
    %dma_wait3A_1190 = arith.constant 0 : i32
    %dma_wait3A_1191 = arith.constant 0 : i32
    %dma_wait3A_1192 = tpu.memref_slice %arg6[%dma_wait3A_1189, %dma_wait3A_1190, %dma_wait3A_1191] : memref<2x8x2048xf32, #tpu.memory_space<vmem>> -> memref<1x8x2048xf32, #tpu.memory_space<vmem>>
    %dma_wait3A_1193 = tpu.memref_squeeze %dma_wait3A_1192 : memref<1x8x2048xf32, #tpu.memory_space<vmem>> -> memref<8x2048xf32, #tpu.memory_space<vmem>>
    %dma_wait3A_1194 = arith.constant 0 : i32
    %dma_wait3A_1195 = tpu.memref_slice %arg5[%dma_wait3A_1188, %dma_wait3A_1194] : memref<16x8xi32, #tpu.memory_space<vmem>> -> memref<1x8xi32, #tpu.memory_space<vmem>>
    %dma_wait3A_1196 = tpu.memref_squeeze %dma_wait3A_1195 : memref<1x8xi32, #tpu.memory_space<vmem>> -> memref<8xi32, #tpu.memory_space<vmem>>
    %dma_wait3A_1197 = arith.constant 0 : i32
    %dma_wait3A_1198 = arith.constant 0 : i32
    %dma_wait3A_1199 = tpu.memref_slice %arg2[%dma_wait3A_1197, %dma_wait3A_1198] : memref<4096x2048xf32, #tpu.memory_space<hbm>> -> memref<4096x2048xf32, #tpu.memory_space<hbm>>
    tpu.wait_indirect_dma semaphore(%arg9 : memref<!tpu.dma_semaphore, #tpu.memory_space<semaphore_mem>>) src(%dma_wait3A_1199 : memref<4096x2048xf32, #tpu.memory_space<hbm>>) dst(%dma_wait3A_1193 : memref<8x2048xf32, #tpu.memory_space<vmem>>)
    %dma_wait3A_1200 = arith.constant 1 : i32
    %dma_wait3A_1201 = arith.constant 0 : i32
    %dma_wait3A_1202 = arith.constant 0 : i32
    %dma_wait3A_1203 = tpu.memref_slice %arg7[%dma_wait3A_1200, %dma_wait3A_1201, %dma_wait3A_1202] : memref<2x8x2048xf32, #tpu.memory_space<vmem>> -> memref<1x8x2048xf32, #tpu.memory_space<vmem>>
    %dma_wait3A_1204 = tpu.memref_squeeze %dma_wait3A_1203 : memref<1x8x2048xf32, #tpu.memory_space<vmem>> -> memref<8x2048xf32, #tpu.memory_space<vmem>>
    %dma_wait3A_1205 = arith.constant 0 : i32
    %dma_wait3A_1206 = tpu.memref_slice %arg2[%multiple_of3A_1073, %dma_wait3A_1205] : memref<4096x2048xf32, #tpu.memory_space<hbm>> -> memref<8x2048xf32, #tpu.memory_space<hbm>>
    %dma_wait3A_1207 = arith.constant 0 : i32
    %dma_wait3A_1208 = arith.constant 0 : i32
    %dma_wait3A_1209 = tpu.memref_slice %arg7[%dma_wait3A_1200, %dma_wait3A_1207, %dma_wait3A_1208] : memref<2x8x2048xf32, #tpu.memory_space<vmem>> -> memref<1x8x2048xf32, #tpu.memory_space<vmem>>
    %dma_wait3A_1210 = tpu.memref_squeeze %dma_wait3A_1209 : memref<1x8x2048xf32, #tpu.memory_space<vmem>> -> memref<8x2048xf32, #tpu.memory_space<vmem>>
    %dma_wait3A_1211 = arith.constant 0 : i32
    %dma_wait3A_1212 = tpu.memref_slice %arg2[%multiple_of3A_1073, %dma_wait3A_1211] : memref<4096x2048xf32, #tpu.memory_space<hbm>> -> memref<8x2048xf32, #tpu.memory_space<hbm>>
    tpu.wait_dma2 semaphore(%arg9 : memref<!tpu.dma_semaphore, #tpu.memory_space<semaphore_mem>>) src(%dma_wait3A_1212 : memref<8x2048xf32, #tpu.memory_space<hbm>>) dst(%dma_wait3A_1210 : memref<8x2048xf32, #tpu.memory_space<vmem>>)
    %dma_wait3A_1213 = arith.constant 1 : i32
    %dma_wait3A_1214 = arith.constant 0 : i32
    %dma_wait3A_1215 = arith.constant 0 : i32
    %dma_wait3A_1216 = tpu.memref_slice %arg8[%dma_wait3A_1213, %dma_wait3A_1214, %dma_wait3A_1215] : memref<2x8x2048xf32, #tpu.memory_space<vmem>> -> memref<1x8x2048xf32, #tpu.memory_space<vmem>>
    %dma_wait3A_1217 = tpu.memref_squeeze %dma_wait3A_1216 : memref<1x8x2048xf32, #tpu.memory_space<vmem>> -> memref<8x2048xf32, #tpu.memory_space<vmem>>
    %dma_wait3A_1218 = arith.constant 0 : i32
    %dma_wait3A_1219 = tpu.memref_slice %arg4[%multiple_of3A_1057, %dma_wait3A_1218] : memref<4096x2048xf32, #tpu.memory_space<hbm>> -> memref<8x2048xf32, #tpu.memory_space<hbm>>
    %dma_wait3A_1220 = arith.constant 0 : i32
    %dma_wait3A_1221 = tpu.memref_slice %arg4[%multiple_of3A_1057, %dma_wait3A_1220] : memref<4096x2048xf32, #tpu.memory_space<hbm>> -> memref<8x2048xf32, #tpu.memory_space<hbm>>
    %dma_wait3A_1222 = arith.constant 0 : i32
    %dma_wait3A_1223 = arith.constant 0 : i32
    %dma_wait3A_1224 = tpu.memref_slice %arg8[%dma_wait3A_1213, %dma_wait3A_1222, %dma_wait3A_1223] : memref<2x8x2048xf32, #tpu.memory_space<vmem>> -> memref<1x8x2048xf32, #tpu.memory_space<vmem>>
    %dma_wait3A_1225 = tpu.memref_squeeze %dma_wait3A_1224 : memref<1x8x2048xf32, #tpu.memory_space<vmem>> -> memref<8x2048xf32, #tpu.memory_space<vmem>>
    tpu.wait_dma2 semaphore(%arg10 : memref<!tpu.dma_semaphore, #tpu.memory_space<semaphore_mem>>) src(%dma_wait3A_1225 : memref<8x2048xf32, #tpu.memory_space<vmem>>) dst(%dma_wait3A_1221 : memref<8x2048xf32, #tpu.memory_space<hbm>>)
    %scan3A_1226 = arith.constant 0 : i32
    %scan3A_1227 = arith.constant 0 : i32
    %scan3A_1228 = arith.constant 8 : i32
    %scan3A_1229 = arith.addi %scan3A_1227, %scan3A_1228 : i32
    %scan3A_1230 = arith.constant 1 : i32
    %scan3A_1231 = scf.for %scan3A_1425 = %scan3A_1227 to %scan3A_1229 step %scan3A_1230 iter_args(%scan3A_1426 = %scan3A_1226) -> (i32)  : i32 {
      %scan3A_1427 = arith.constant 0 : i32
      %scan3A_1428 = arith.constant 0 : i32
      %scan3A_1429 = arith.constant 128 : i32
      %scan3A_1430 = arith.addi %scan3A_1428, %scan3A_1429 : i32
      %scan3A_1431 = arith.constant 1 : i32
      %scan3A_1432 = scf.for %scan3A_1434 = %scan3A_1428 to %scan3A_1430 step %scan3A_1431 iter_args(%scan3A_1435 = %scan3A_1427) -> (i32)  : i32 {
        %mul3A_1436 = arith.constant 16 : i32
        %mul3A_1437 = arith.muli %scan3A_1434, %mul3A_1436 : i32
        %get3A = arith.constant 1 : i32
        %get3A_1438 = arith.index_cast %get3A : i32 to index
        %get3A_1439 = arith.index_cast %scan3A_1425 : i32 to index
        %get3A_1440 = arith.index_cast %mul3A_1437 : i32 to index
        %get3A_1441 = tpu.vector_load %arg7[%get3A_1438, %get3A_1439, %get3A_1440] {strides = array<i32>} : memref<2x8x2048xf32, #tpu.memory_space<vmem>>, vector<1x1x16xf32>,
        %get3A_1442 = vector.shape_cast %get3A_1441 : vector<1x1x16xf32> to vector<16xf32>
        %mul3A_1443 = arith.constant 8.000000e-01 : f32
        %mul3A_1444 = vector.broadcast %mul3A_1443 : f32 to vector<16xf32>
        %mul3A_1445 = arith.mulf %mul3A_1444, %get3A_1442 : vector<16xf32>
        %get3A_1446 = arith.constant 1 : i32
        %get3A_1447 = arith.index_cast %get3A_1446 : i32 to index
        %get3A_1448 = arith.index_cast %scan3A_1425 : i32 to index
        %get3A_1449 = arith.index_cast %mul3A_1437 : i32 to index
        %get3A_1450 = tpu.vector_load %arg6[%get3A_1447, %get3A_1448, %get3A_1449] {strides = array<i32>} : memref<2x8x2048xf32, #tpu.memory_space<vmem>>, vector<1x1x16xf32>,
        %get3A_1451 = vector.shape_cast %get3A_1450 : vector<1x1x16xf32> to vector<16xf32>
        %mul3A_1452 = arith.constant 2.000000e-01 : f32
        %mul3A_1453 = vector.broadcast %mul3A_1452 : f32 to vector<16xf32>
        %mul3A_1454 = arith.mulf %mul3A_1453, %get3A_1451 : vector<16xf32>
        %add3A_1455 = arith.addf %mul3A_1445, %mul3A_1454 : vector<16xf32>
        %swap3A = arith.constant 1 : i32
        %swap3A_1456 = arith.index_cast %swap3A : i32 to index
        %swap3A_1457 = arith.index_cast %scan3A_1425 : i32 to index
        %swap3A_1458 = arith.index_cast %mul3A_1437 : i32 to index
        %swap3A_1459 = tpu.vector_load %arg8[%swap3A_1456, %swap3A_1457, %swap3A_1458] {strides = array<i32>} : memref<2x8x2048xf32, #tpu.memory_space<vmem>>, vector<1x1x16xf32>,
        %swap3A_1460 = vector.shape_cast %swap3A_1459 : vector<1x1x16xf32> to vector<16xf32>
        %swap3A_1461 = vector.shape_cast %add3A_1455 : vector<16xf32> to vector<1x1x16xf32>
        tpu.vector_store %arg8[%swap3A_1456, %swap3A_1457, %swap3A_1458], %swap3A_1461 {strides = array<i32>} : memref<2x8x2048xf32, #tpu.memory_space<vmem>>, vector<1x1x16xf32>,
        %scan3A_1462 = arith.constant 0 : i32
        scf.yield %scan3A_1462 : i32
      }
      %scan3A_1433 = arith.constant 128 : i32
      scf.yield %scan3A_1432 : i32
    }
    %scan3A_1232 = arith.constant 8 : i32
    %add3A_1233 = arith.constant 104 : i32
    %add3A_1234 = arith.addi %mul3A_2, %add3A_1233 : i32
    %multiple_of3A_1235 = tpu.assume_multiple %add3A_1234, 8 : i32
    %dma_start3A_1236 = arith.constant 1 : i32
    %dma_start3A_1237 = arith.constant 0 : i32
    %dma_start3A_1238 = arith.constant 0 : i32
    %dma_start3A_1239 = tpu.memref_slice %arg8[%dma_start3A_1236, %dma_start3A_1237, %dma_start3A_1238] : memref<2x8x2048xf32, #tpu.memory_space<vmem>> -> memref<1x8x2048xf32, #tpu.memory_space<vmem>>
    %dma_start3A_1240 = tpu.memref_squeeze %dma_start3A_1239 : memref<1x8x2048xf32, #tpu.memory_space<vmem>> -> memref<8x2048xf32, #tpu.memory_space<vmem>>
    %dma_start3A_1241 = arith.constant 0 : i32
    %dma_start3A_1242 = tpu.memref_slice %arg4[%multiple_of3A_1235, %dma_start3A_1241] : memref<4096x2048xf32, #tpu.memory_space<hbm>> -> memref<8x2048xf32, #tpu.memory_space<hbm>>
    %dma_start3A_1243 = arith.constant 0 : i32
    %dma_start3A_1244 = tpu.memref_slice %arg4[%multiple_of3A_1235, %dma_start3A_1243] : memref<4096x2048xf32, #tpu.memory_space<hbm>> -> memref<8x2048xf32, #tpu.memory_space<hbm>>
    %dma_start3A_1245 = arith.constant 0 : i32
    %dma_start3A_1246 = arith.constant 0 : i32
    %dma_start3A_1247 = tpu.memref_slice %arg8[%dma_start3A_1236, %dma_start3A_1245, %dma_start3A_1246] : memref<2x8x2048xf32, #tpu.memory_space<vmem>> -> memref<1x8x2048xf32, #tpu.memory_space<vmem>>
    %dma_start3A_1248 = tpu.memref_squeeze %dma_start3A_1247 : memref<1x8x2048xf32, #tpu.memory_space<vmem>> -> memref<8x2048xf32, #tpu.memory_space<vmem>>
    tpu.enqueue_dma source(%dma_start3A_1248 : memref<8x2048xf32, #tpu.memory_space<vmem>>) target(%dma_start3A_1244 : memref<8x2048xf32, #tpu.memory_space<hbm>>) target_semaphore(%arg10 : memref<!tpu.dma_semaphore, #tpu.memory_space<semaphore_mem>>)
    %add3A_1249 = arith.constant 120 : i32
    %add3A_1250 = arith.addi %mul3A_2, %add3A_1249 : i32
    %multiple_of3A_1251 = tpu.assume_multiple %add3A_1250, 8 : i32
    %dma_start3A_1252 = arith.constant 15 : i32
    %dma_start3A_1253 = arith.constant 1 : i32
    %dma_start3A_1254 = arith.constant 0 : i32
    %dma_start3A_1255 = arith.constant 0 : i32
    %dma_start3A_1256 = tpu.memref_slice %arg6[%dma_start3A_1253, %dma_start3A_1254, %dma_start3A_1255] : memref<2x8x2048xf32, #tpu.memory_space<vmem>> -> memref<1x8x2048xf32, #tpu.memory_space<vmem>>
    %dma_start3A_1257 = tpu.memref_squeeze %dma_start3A_1256 : memref<1x8x2048xf32, #tpu.memory_space<vmem>> -> memref<8x2048xf32, #tpu.memory_space<vmem>>
    %dma_start3A_1258 = arith.constant 0 : i32
    %dma_start3A_1259 = tpu.memref_slice %arg5[%dma_start3A_1252, %dma_start3A_1258] : memref<16x8xi32, #tpu.memory_space<vmem>> -> memref<1x8xi32, #tpu.memory_space<vmem>>
    %dma_start3A_1260 = tpu.memref_squeeze %dma_start3A_1259 : memref<1x8xi32, #tpu.memory_space<vmem>> -> memref<8xi32, #tpu.memory_space<vmem>>
    %dma_start3A_1261 = arith.constant 0 : i32
    %dma_start3A_1262 = arith.constant 0 : i32
    %dma_start3A_1263 = tpu.memref_slice %arg2[%dma_start3A_1261, %dma_start3A_1262] : memref<4096x2048xf32, #tpu.memory_space<hbm>> -> memref<4096x2048xf32, #tpu.memory_space<hbm>>
    tpu.enqueue_indirect_dma source(%dma_start3A_1263 : memref<4096x2048xf32, #tpu.memory_space<hbm>>) target(%dma_start3A_1257 : memref<8x2048xf32, #tpu.memory_space<vmem>>) offsets(%dma_start3A_1260 : memref<8xi32, #tpu.memory_space<vmem>>) semaphore(%arg9 : memref<!tpu.dma_semaphore, #tpu.memory_space<semaphore_mem>>)
    %dma_start3A_1264 = arith.constant 1 : i32
    %dma_start3A_1265 = arith.constant 0 : i32
    %dma_start3A_1266 = arith.constant 0 : i32
    %dma_start3A_1267 = tpu.memref_slice %arg7[%dma_start3A_1264, %dma_start3A_1265, %dma_start3A_1266] : memref<2x8x2048xf32, #tpu.memory_space<vmem>> -> memref<1x8x2048xf32, #tpu.memory_space<vmem>>
    %dma_start3A_1268 = tpu.memref_squeeze %dma_start3A_1267 : memref<1x8x2048xf32, #tpu.memory_space<vmem>> -> memref<8x2048xf32, #tpu.memory_space<vmem>>
    %dma_start3A_1269 = arith.constant 0 : i32
    %dma_start3A_1270 = tpu.memref_slice %arg2[%multiple_of3A_1251, %dma_start3A_1269] : memref<4096x2048xf32, #tpu.memory_space<hbm>> -> memref<8x2048xf32, #tpu.memory_space<hbm>>
    %dma_start3A_1271 = arith.constant 0 : i32
    %dma_start3A_1272 = arith.constant 0 : i32
    %dma_start3A_1273 = tpu.memref_slice %arg7[%dma_start3A_1264, %dma_start3A_1271, %dma_start3A_1272] : memref<2x8x2048xf32, #tpu.memory_space<vmem>> -> memref<1x8x2048xf32, #tpu.memory_space<vmem>>
    %dma_start3A_1274 = tpu.memref_squeeze %dma_start3A_1273 : memref<1x8x2048xf32, #tpu.memory_space<vmem>> -> memref<8x2048xf32, #tpu.memory_space<vmem>>
    %dma_start3A_1275 = arith.constant 0 : i32
    %dma_start3A_1276 = tpu.memref_slice %arg2[%multiple_of3A_1251, %dma_start3A_1275] : memref<4096x2048xf32, #tpu.memory_space<hbm>> -> memref<8x2048xf32, #tpu.memory_space<hbm>>
    tpu.enqueue_dma source(%dma_start3A_1276 : memref<8x2048xf32, #tpu.memory_space<hbm>>) target(%dma_start3A_1274 : memref<8x2048xf32, #tpu.memory_space<vmem>>) target_semaphore(%arg9 : memref<!tpu.dma_semaphore, #tpu.memory_space<semaphore_mem>>)
    %dma_wait3A_1277 = arith.constant 14 : i32
    %dma_wait3A_1278 = arith.constant 0 : i32
    %dma_wait3A_1279 = arith.constant 0 : i32
    %dma_wait3A_1280 = arith.constant 0 : i32
    %dma_wait3A_1281 = tpu.memref_slice %arg6[%dma_wait3A_1278, %dma_wait3A_1279, %dma_wait3A_1280] : memref<2x8x2048xf32, #tpu.memory_space<vmem>> -> memref<1x8x2048xf32, #tpu.memory_space<vmem>>
    %dma_wait3A_1282 = tpu.memref_squeeze %dma_wait3A_1281 : memref<1x8x2048xf32, #tpu.memory_space<vmem>> -> memref<8x2048xf32, #tpu.memory_space<vmem>>
    %dma_wait3A_1283 = arith.constant 0 : i32
    %dma_wait3A_1284 = tpu.memref_slice %arg5[%dma_wait3A_1277, %dma_wait3A_1283] : memref<16x8xi32, #tpu.memory_space<vmem>> -> memref<1x8xi32, #tpu.memory_space<vmem>>
    %dma_wait3A_1285 = tpu.memref_squeeze %dma_wait3A_1284 : memref<1x8xi32, #tpu.memory_space<vmem>> -> memref<8xi32, #tpu.memory_space<vmem>>
    %dma_wait3A_1286 = arith.constant 0 : i32
    %dma_wait3A_1287 = arith.constant 0 : i32
    %dma_wait3A_1288 = tpu.memref_slice %arg2[%dma_wait3A_1286, %dma_wait3A_1287] : memref<4096x2048xf32, #tpu.memory_space<hbm>> -> memref<4096x2048xf32, #tpu.memory_space<hbm>>
    tpu.wait_indirect_dma semaphore(%arg9 : memref<!tpu.dma_semaphore, #tpu.memory_space<semaphore_mem>>) src(%dma_wait3A_1288 : memref<4096x2048xf32, #tpu.memory_space<hbm>>) dst(%dma_wait3A_1282 : memref<8x2048xf32, #tpu.memory_space<vmem>>)
    %dma_wait3A_1289 = arith.constant 0 : i32
    %dma_wait3A_1290 = arith.constant 0 : i32
    %dma_wait3A_1291 = arith.constant 0 : i32
    %dma_wait3A_1292 = tpu.memref_slice %arg7[%dma_wait3A_1289, %dma_wait3A_1290, %dma_wait3A_1291] : memref<2x8x2048xf32, #tpu.memory_space<vmem>> -> memref<1x8x2048xf32, #tpu.memory_space<vmem>>
    %dma_wait3A_1293 = tpu.memref_squeeze %dma_wait3A_1292 : memref<1x8x2048xf32, #tpu.memory_space<vmem>> -> memref<8x2048xf32, #tpu.memory_space<vmem>>
    %dma_wait3A_1294 = arith.constant 0 : i32
    %dma_wait3A_1295 = tpu.memref_slice %arg2[%multiple_of3A_1162, %dma_wait3A_1294] : memref<4096x2048xf32, #tpu.memory_space<hbm>> -> memref<8x2048xf32, #tpu.memory_space<hbm>>
    %dma_wait3A_1296 = arith.constant 0 : i32
    %dma_wait3A_1297 = arith.constant 0 : i32
    %dma_wait3A_1298 = tpu.memref_slice %arg7[%dma_wait3A_1289, %dma_wait3A_1296, %dma_wait3A_1297] : memref<2x8x2048xf32, #tpu.memory_space<vmem>> -> memref<1x8x2048xf32, #tpu.memory_space<vmem>>
    %dma_wait3A_1299 = tpu.memref_squeeze %dma_wait3A_1298 : memref<1x8x2048xf32, #tpu.memory_space<vmem>> -> memref<8x2048xf32, #tpu.memory_space<vmem>>
    %dma_wait3A_1300 = arith.constant 0 : i32
    %dma_wait3A_1301 = tpu.memref_slice %arg2[%multiple_of3A_1162, %dma_wait3A_1300] : memref<4096x2048xf32, #tpu.memory_space<hbm>> -> memref<8x2048xf32, #tpu.memory_space<hbm>>
    tpu.wait_dma2 semaphore(%arg9 : memref<!tpu.dma_semaphore, #tpu.memory_space<semaphore_mem>>) src(%dma_wait3A_1301 : memref<8x2048xf32, #tpu.memory_space<hbm>>) dst(%dma_wait3A_1299 : memref<8x2048xf32, #tpu.memory_space<vmem>>)
    %dma_wait3A_1302 = arith.constant 0 : i32
    %dma_wait3A_1303 = arith.constant 0 : i32
    %dma_wait3A_1304 = arith.constant 0 : i32
    %dma_wait3A_1305 = tpu.memref_slice %arg8[%dma_wait3A_1302, %dma_wait3A_1303, %dma_wait3A_1304] : memref<2x8x2048xf32, #tpu.memory_space<vmem>> -> memref<1x8x2048xf32, #tpu.memory_space<vmem>>
    %dma_wait3A_1306 = tpu.memref_squeeze %dma_wait3A_1305 : memref<1x8x2048xf32, #tpu.memory_space<vmem>> -> memref<8x2048xf32, #tpu.memory_space<vmem>>
    %dma_wait3A_1307 = arith.constant 0 : i32
    %dma_wait3A_1308 = tpu.memref_slice %arg4[%multiple_of3A_1146, %dma_wait3A_1307] : memref<4096x2048xf32, #tpu.memory_space<hbm>> -> memref<8x2048xf32, #tpu.memory_space<hbm>>
    %dma_wait3A_1309 = arith.constant 0 : i32
    %dma_wait3A_1310 = tpu.memref_slice %arg4[%multiple_of3A_1146, %dma_wait3A_1309] : memref<4096x2048xf32, #tpu.memory_space<hbm>> -> memref<8x2048xf32, #tpu.memory_space<hbm>>
    %dma_wait3A_1311 = arith.constant 0 : i32
    %dma_wait3A_1312 = arith.constant 0 : i32
    %dma_wait3A_1313 = tpu.memref_slice %arg8[%dma_wait3A_1302, %dma_wait3A_1311, %dma_wait3A_1312] : memref<2x8x2048xf32, #tpu.memory_space<vmem>> -> memref<1x8x2048xf32, #tpu.memory_space<vmem>>
    %dma_wait3A_1314 = tpu.memref_squeeze %dma_wait3A_1313 : memref<1x8x2048xf32, #tpu.memory_space<vmem>> -> memref<8x2048xf32, #tpu.memory_space<vmem>>
    tpu.wait_dma2 semaphore(%arg10 : memref<!tpu.dma_semaphore, #tpu.memory_space<semaphore_mem>>) src(%dma_wait3A_1314 : memref<8x2048xf32, #tpu.memory_space<vmem>>) dst(%dma_wait3A_1310 : memref<8x2048xf32, #tpu.memory_space<hbm>>)
    %scan3A_1315 = arith.constant 0 : i32
    %scan3A_1316 = arith.constant 0 : i32
    %scan3A_1317 = arith.constant 8 : i32
    %scan3A_1318 = arith.addi %scan3A_1316, %scan3A_1317 : i32
    %scan3A_1319 = arith.constant 1 : i32
    %scan3A_1320 = scf.for %scan3A_1425 = %scan3A_1316 to %scan3A_1318 step %scan3A_1319 iter_args(%scan3A_1426 = %scan3A_1315) -> (i32)  : i32 {
      %scan3A_1427 = arith.constant 0 : i32
      %scan3A_1428 = arith.constant 0 : i32
      %scan3A_1429 = arith.constant 128 : i32
      %scan3A_1430 = arith.addi %scan3A_1428, %scan3A_1429 : i32
      %scan3A_1431 = arith.constant 1 : i32
      %scan3A_1432 = scf.for %scan3A_1434 = %scan3A_1428 to %scan3A_1430 step %scan3A_1431 iter_args(%scan3A_1435 = %scan3A_1427) -> (i32)  : i32 {
        %mul3A_1436 = arith.constant 16 : i32
        %mul3A_1437 = arith.muli %scan3A_1434, %mul3A_1436 : i32
        %get3A = arith.constant 0 : i32
        %get3A_1438 = arith.index_cast %get3A : i32 to index
        %get3A_1439 = arith.index_cast %scan3A_1425 : i32 to index
        %get3A_1440 = arith.index_cast %mul3A_1437 : i32 to index
        %get3A_1441 = tpu.vector_load %arg7[%get3A_1438, %get3A_1439, %get3A_1440] {strides = array<i32>} : memref<2x8x2048xf32, #tpu.memory_space<vmem>>, vector<1x1x16xf32>,
        %get3A_1442 = vector.shape_cast %get3A_1441 : vector<1x1x16xf32> to vector<16xf32>
        %mul3A_1443 = arith.constant 8.000000e-01 : f32
        %mul3A_1444 = vector.broadcast %mul3A_1443 : f32 to vector<16xf32>
        %mul3A_1445 = arith.mulf %mul3A_1444, %get3A_1442 : vector<16xf32>
        %get3A_1446 = arith.constant 0 : i32
        %get3A_1447 = arith.index_cast %get3A_1446 : i32 to index
        %get3A_1448 = arith.index_cast %scan3A_1425 : i32 to index
        %get3A_1449 = arith.index_cast %mul3A_1437 : i32 to index
        %get3A_1450 = tpu.vector_load %arg6[%get3A_1447, %get3A_1448, %get3A_1449] {strides = array<i32>} : memref<2x8x2048xf32, #tpu.memory_space<vmem>>, vector<1x1x16xf32>,
        %get3A_1451 = vector.shape_cast %get3A_1450 : vector<1x1x16xf32> to vector<16xf32>
        %mul3A_1452 = arith.constant 2.000000e-01 : f32
        %mul3A_1453 = vector.broadcast %mul3A_1452 : f32 to vector<16xf32>
        %mul3A_1454 = arith.mulf %mul3A_1453, %get3A_1451 : vector<16xf32>
        %add3A_1455 = arith.addf %mul3A_1445, %mul3A_1454 : vector<16xf32>
        %swap3A = arith.constant 0 : i32
        %swap3A_1456 = arith.index_cast %swap3A : i32 to index
        %swap3A_1457 = arith.index_cast %scan3A_1425 : i32 to index
        %swap3A_1458 = arith.index_cast %mul3A_1437 : i32 to index
        %swap3A_1459 = tpu.vector_load %arg8[%swap3A_1456, %swap3A_1457, %swap3A_1458] {strides = array<i32>} : memref<2x8x2048xf32, #tpu.memory_space<vmem>>, vector<1x1x16xf32>,
        %swap3A_1460 = vector.shape_cast %swap3A_1459 : vector<1x1x16xf32> to vector<16xf32>
        %swap3A_1461 = vector.shape_cast %add3A_1455 : vector<16xf32> to vector<1x1x16xf32>
        tpu.vector_store %arg8[%swap3A_1456, %swap3A_1457, %swap3A_1458], %swap3A_1461 {strides = array<i32>} : memref<2x8x2048xf32, #tpu.memory_space<vmem>>, vector<1x1x16xf32>,
        %scan3A_1462 = arith.constant 0 : i32
        scf.yield %scan3A_1462 : i32
      }
      %scan3A_1433 = arith.constant 128 : i32
      scf.yield %scan3A_1432 : i32
    }
    %scan3A_1321 = arith.constant 8 : i32
    %add3A_1322 = arith.constant 112 : i32
    %add3A_1323 = arith.addi %mul3A_2, %add3A_1322 : i32
    %multiple_of3A_1324 = tpu.assume_multiple %add3A_1323, 8 : i32
    %dma_start3A_1325 = arith.constant 0 : i32
    %dma_start3A_1326 = arith.constant 0 : i32
    %dma_start3A_1327 = arith.constant 0 : i32
    %dma_start3A_1328 = tpu.memref_slice %arg8[%dma_start3A_1325, %dma_start3A_1326, %dma_start3A_1327] : memref<2x8x2048xf32, #tpu.memory_space<vmem>> -> memref<1x8x2048xf32, #tpu.memory_space<vmem>>
    %dma_start3A_1329 = tpu.memref_squeeze %dma_start3A_1328 : memref<1x8x2048xf32, #tpu.memory_space<vmem>> -> memref<8x2048xf32, #tpu.memory_space<vmem>>
    %dma_start3A_1330 = arith.constant 0 : i32
    %dma_start3A_1331 = tpu.memref_slice %arg4[%multiple_of3A_1324, %dma_start3A_1330] : memref<4096x2048xf32, #tpu.memory_space<hbm>> -> memref<8x2048xf32, #tpu.memory_space<hbm>>
    %dma_start3A_1332 = arith.constant 0 : i32
    %dma_start3A_1333 = tpu.memref_slice %arg4[%multiple_of3A_1324, %dma_start3A_1332] : memref<4096x2048xf32, #tpu.memory_space<hbm>> -> memref<8x2048xf32, #tpu.memory_space<hbm>>
    %dma_start3A_1334 = arith.constant 0 : i32
    %dma_start3A_1335 = arith.constant 0 : i32
    %dma_start3A_1336 = tpu.memref_slice %arg8[%dma_start3A_1325, %dma_start3A_1334, %dma_start3A_1335] : memref<2x8x2048xf32, #tpu.memory_space<vmem>> -> memref<1x8x2048xf32, #tpu.memory_space<vmem>>
    %dma_start3A_1337 = tpu.memref_squeeze %dma_start3A_1336 : memref<1x8x2048xf32, #tpu.memory_space<vmem>> -> memref<8x2048xf32, #tpu.memory_space<vmem>>
    tpu.enqueue_dma source(%dma_start3A_1337 : memref<8x2048xf32, #tpu.memory_space<vmem>>) target(%dma_start3A_1333 : memref<8x2048xf32, #tpu.memory_space<hbm>>) target_semaphore(%arg10 : memref<!tpu.dma_semaphore, #tpu.memory_space<semaphore_mem>>)
    %dma_wait3A_1338 = arith.constant 15 : i32
    %dma_wait3A_1339 = arith.constant 1 : i32
    %dma_wait3A_1340 = arith.constant 0 : i32
    %dma_wait3A_1341 = arith.constant 0 : i32
    %dma_wait3A_1342 = tpu.memref_slice %arg6[%dma_wait3A_1339, %dma_wait3A_1340, %dma_wait3A_1341] : memref<2x8x2048xf32, #tpu.memory_space<vmem>> -> memref<1x8x2048xf32, #tpu.memory_space<vmem>>
    %dma_wait3A_1343 = tpu.memref_squeeze %dma_wait3A_1342 : memref<1x8x2048xf32, #tpu.memory_space<vmem>> -> memref<8x2048xf32, #tpu.memory_space<vmem>>
    %dma_wait3A_1344 = arith.constant 0 : i32
    %dma_wait3A_1345 = tpu.memref_slice %arg5[%dma_wait3A_1338, %dma_wait3A_1344] : memref<16x8xi32, #tpu.memory_space<vmem>> -> memref<1x8xi32, #tpu.memory_space<vmem>>
    %dma_wait3A_1346 = tpu.memref_squeeze %dma_wait3A_1345 : memref<1x8xi32, #tpu.memory_space<vmem>> -> memref<8xi32, #tpu.memory_space<vmem>>
    %dma_wait3A_1347 = arith.constant 0 : i32
    %dma_wait3A_1348 = arith.constant 0 : i32
    %dma_wait3A_1349 = tpu.memref_slice %arg2[%dma_wait3A_1347, %dma_wait3A_1348] : memref<4096x2048xf32, #tpu.memory_space<hbm>> -> memref<4096x2048xf32, #tpu.memory_space<hbm>>
    tpu.wait_indirect_dma semaphore(%arg9 : memref<!tpu.dma_semaphore, #tpu.memory_space<semaphore_mem>>) src(%dma_wait3A_1349 : memref<4096x2048xf32, #tpu.memory_space<hbm>>) dst(%dma_wait3A_1343 : memref<8x2048xf32, #tpu.memory_space<vmem>>)
    %dma_wait3A_1350 = arith.constant 1 : i32
    %dma_wait3A_1351 = arith.constant 0 : i32
    %dma_wait3A_1352 = arith.constant 0 : i32
    %dma_wait3A_1353 = tpu.memref_slice %arg7[%dma_wait3A_1350, %dma_wait3A_1351, %dma_wait3A_1352] : memref<2x8x2048xf32, #tpu.memory_space<vmem>> -> memref<1x8x2048xf32, #tpu.memory_space<vmem>>
    %dma_wait3A_1354 = tpu.memref_squeeze %dma_wait3A_1353 : memref<1x8x2048xf32, #tpu.memory_space<vmem>> -> memref<8x2048xf32, #tpu.memory_space<vmem>>
    %dma_wait3A_1355 = arith.constant 0 : i32
    %dma_wait3A_1356 = tpu.memref_slice %arg2[%multiple_of3A_1251, %dma_wait3A_1355] : memref<4096x2048xf32, #tpu.memory_space<hbm>> -> memref<8x2048xf32, #tpu.memory_space<hbm>>
    %dma_wait3A_1357 = arith.constant 0 : i32
    %dma_wait3A_1358 = arith.constant 0 : i32
    %dma_wait3A_1359 = tpu.memref_slice %arg7[%dma_wait3A_1350, %dma_wait3A_1357, %dma_wait3A_1358] : memref<2x8x2048xf32, #tpu.memory_space<vmem>> -> memref<1x8x2048xf32, #tpu.memory_space<vmem>>
    %dma_wait3A_1360 = tpu.memref_squeeze %dma_wait3A_1359 : memref<1x8x2048xf32, #tpu.memory_space<vmem>> -> memref<8x2048xf32, #tpu.memory_space<vmem>>
    %dma_wait3A_1361 = arith.constant 0 : i32
    %dma_wait3A_1362 = tpu.memref_slice %arg2[%multiple_of3A_1251, %dma_wait3A_1361] : memref<4096x2048xf32, #tpu.memory_space<hbm>> -> memref<8x2048xf32, #tpu.memory_space<hbm>>
    tpu.wait_dma2 semaphore(%arg9 : memref<!tpu.dma_semaphore, #tpu.memory_space<semaphore_mem>>) src(%dma_wait3A_1362 : memref<8x2048xf32, #tpu.memory_space<hbm>>) dst(%dma_wait3A_1360 : memref<8x2048xf32, #tpu.memory_space<vmem>>)
    %dma_wait3A_1363 = arith.constant 1 : i32
    %dma_wait3A_1364 = arith.constant 0 : i32
    %dma_wait3A_1365 = arith.constant 0 : i32
    %dma_wait3A_1366 = tpu.memref_slice %arg8[%dma_wait3A_1363, %dma_wait3A_1364, %dma_wait3A_1365] : memref<2x8x2048xf32, #tpu.memory_space<vmem>> -> memref<1x8x2048xf32, #tpu.memory_space<vmem>>
    %dma_wait3A_1367 = tpu.memref_squeeze %dma_wait3A_1366 : memref<1x8x2048xf32, #tpu.memory_space<vmem>> -> memref<8x2048xf32, #tpu.memory_space<vmem>>
    %dma_wait3A_1368 = arith.constant 0 : i32
    %dma_wait3A_1369 = tpu.memref_slice %arg4[%multiple_of3A_1235, %dma_wait3A_1368] : memref<4096x2048xf32, #tpu.memory_space<hbm>> -> memref<8x2048xf32, #tpu.memory_space<hbm>>
    %dma_wait3A_1370 = arith.constant 0 : i32
    %dma_wait3A_1371 = tpu.memref_slice %arg4[%multiple_of3A_1235, %dma_wait3A_1370] : memref<4096x2048xf32, #tpu.memory_space<hbm>> -> memref<8x2048xf32, #tpu.memory_space<hbm>>
    %dma_wait3A_1372 = arith.constant 0 : i32
    %dma_wait3A_1373 = arith.constant 0 : i32
    %dma_wait3A_1374 = tpu.memref_slice %arg8[%dma_wait3A_1363, %dma_wait3A_1372, %dma_wait3A_1373] : memref<2x8x2048xf32, #tpu.memory_space<vmem>> -> memref<1x8x2048xf32, #tpu.memory_space<vmem>>
    %dma_wait3A_1375 = tpu.memref_squeeze %dma_wait3A_1374 : memref<1x8x2048xf32, #tpu.memory_space<vmem>> -> memref<8x2048xf32, #tpu.memory_space<vmem>>
    tpu.wait_dma2 semaphore(%arg10 : memref<!tpu.dma_semaphore, #tpu.memory_space<semaphore_mem>>) src(%dma_wait3A_1375 : memref<8x2048xf32, #tpu.memory_space<vmem>>) dst(%dma_wait3A_1371 : memref<8x2048xf32, #tpu.memory_space<hbm>>)
    %scan3A_1376 = arith.constant 0 : i32
    %scan3A_1377 = arith.constant 0 : i32
    %scan3A_1378 = arith.constant 8 : i32
    %scan3A_1379 = arith.addi %scan3A_1377, %scan3A_1378 : i32
    %scan3A_1380 = arith.constant 1 : i32
    %scan3A_1381 = scf.for %scan3A_1425 = %scan3A_1377 to %scan3A_1379 step %scan3A_1380 iter_args(%scan3A_1426 = %scan3A_1376) -> (i32)  : i32 {
      %scan3A_1427 = arith.constant 0 : i32
      %scan3A_1428 = arith.constant 0 : i32
      %scan3A_1429 = arith.constant 128 : i32
      %scan3A_1430 = arith.addi %scan3A_1428, %scan3A_1429 : i32
      %scan3A_1431 = arith.constant 1 : i32
      %scan3A_1432 = scf.for %scan3A_1434 = %scan3A_1428 to %scan3A_1430 step %scan3A_1431 iter_args(%scan3A_1435 = %scan3A_1427) -> (i32)  : i32 {
        %mul3A_1436 = arith.constant 16 : i32
        %mul3A_1437 = arith.muli %scan3A_1434, %mul3A_1436 : i32
        %get3A = arith.constant 1 : i32
        %get3A_1438 = arith.index_cast %get3A : i32 to index
        %get3A_1439 = arith.index_cast %scan3A_1425 : i32 to index
        %get3A_1440 = arith.index_cast %mul3A_1437 : i32 to index
        %get3A_1441 = tpu.vector_load %arg7[%get3A_1438, %get3A_1439, %get3A_1440] {strides = array<i32>} : memref<2x8x2048xf32, #tpu.memory_space<vmem>>, vector<1x1x16xf32>,
        %get3A_1442 = vector.shape_cast %get3A_1441 : vector<1x1x16xf32> to vector<16xf32>
        %mul3A_1443 = arith.constant 8.000000e-01 : f32
        %mul3A_1444 = vector.broadcast %mul3A_1443 : f32 to vector<16xf32>
        %mul3A_1445 = arith.mulf %mul3A_1444, %get3A_1442 : vector<16xf32>
        %get3A_1446 = arith.constant 1 : i32
        %get3A_1447 = arith.index_cast %get3A_1446 : i32 to index
        %get3A_1448 = arith.index_cast %scan3A_1425 : i32 to index
        %get3A_1449 = arith.index_cast %mul3A_1437 : i32 to index
        %get3A_1450 = tpu.vector_load %arg6[%get3A_1447, %get3A_1448, %get3A_1449] {strides = array<i32>} : memref<2x8x2048xf32, #tpu.memory_space<vmem>>, vector<1x1x16xf32>,
        %get3A_1451 = vector.shape_cast %get3A_1450 : vector<1x1x16xf32> to vector<16xf32>
        %mul3A_1452 = arith.constant 2.000000e-01 : f32
        %mul3A_1453 = vector.broadcast %mul3A_1452 : f32 to vector<16xf32>
        %mul3A_1454 = arith.mulf %mul3A_1453, %get3A_1451 : vector<16xf32>
        %add3A_1455 = arith.addf %mul3A_1445, %mul3A_1454 : vector<16xf32>
        %swap3A = arith.constant 1 : i32
        %swap3A_1456 = arith.index_cast %swap3A : i32 to index
        %swap3A_1457 = arith.index_cast %scan3A_1425 : i32 to index
        %swap3A_1458 = arith.index_cast %mul3A_1437 : i32 to index
        %swap3A_1459 = tpu.vector_load %arg8[%swap3A_1456, %swap3A_1457, %swap3A_1458] {strides = array<i32>} : memref<2x8x2048xf32, #tpu.memory_space<vmem>>, vector<1x1x16xf32>,
        %swap3A_1460 = vector.shape_cast %swap3A_1459 : vector<1x1x16xf32> to vector<16xf32>
        %swap3A_1461 = vector.shape_cast %add3A_1455 : vector<16xf32> to vector<1x1x16xf32>
        tpu.vector_store %arg8[%swap3A_1456, %swap3A_1457, %swap3A_1458], %swap3A_1461 {strides = array<i32>} : memref<2x8x2048xf32, #tpu.memory_space<vmem>>, vector<1x1x16xf32>,
        %scan3A_1462 = arith.constant 0 : i32
        scf.yield %scan3A_1462 : i32
      }
      %scan3A_1433 = arith.constant 128 : i32
      scf.yield %scan3A_1432 : i32
    }
    %scan3A_1382 = arith.constant 8 : i32
    %add3A_1383 = arith.constant 120 : i32
    %add3A_1384 = arith.addi %mul3A_2, %add3A_1383 : i32
    %multiple_of3A_1385 = tpu.assume_multiple %add3A_1384, 8 : i32
    %dma_start3A_1386 = arith.constant 1 : i32
    %dma_start3A_1387 = arith.constant 0 : i32
    %dma_start3A_1388 = arith.constant 0 : i32
    %dma_start3A_1389 = tpu.memref_slice %arg8[%dma_start3A_1386, %dma_start3A_1387, %dma_start3A_1388] : memref<2x8x2048xf32, #tpu.memory_space<vmem>> -> memref<1x8x2048xf32, #tpu.memory_space<vmem>>
    %dma_start3A_1390 = tpu.memref_squeeze %dma_start3A_1389 : memref<1x8x2048xf32, #tpu.memory_space<vmem>> -> memref<8x2048xf32, #tpu.memory_space<vmem>>
    %dma_start3A_1391 = arith.constant 0 : i32
    %dma_start3A_1392 = tpu.memref_slice %arg4[%multiple_of3A_1385, %dma_start3A_1391] : memref<4096x2048xf32, #tpu.memory_space<hbm>> -> memref<8x2048xf32, #tpu.memory_space<hbm>>
    %dma_start3A_1393 = arith.constant 0 : i32
    %dma_start3A_1394 = tpu.memref_slice %arg4[%multiple_of3A_1385, %dma_start3A_1393] : memref<4096x2048xf32, #tpu.memory_space<hbm>> -> memref<8x2048xf32, #tpu.memory_space<hbm>>
    %dma_start3A_1395 = arith.constant 0 : i32
    %dma_start3A_1396 = arith.constant 0 : i32
    %dma_start3A_1397 = tpu.memref_slice %arg8[%dma_start3A_1386, %dma_start3A_1395, %dma_start3A_1396] : memref<2x8x2048xf32, #tpu.memory_space<vmem>> -> memref<1x8x2048xf32, #tpu.memory_space<vmem>>
    %dma_start3A_1398 = tpu.memref_squeeze %dma_start3A_1397 : memref<1x8x2048xf32, #tpu.memory_space<vmem>> -> memref<8x2048xf32, #tpu.memory_space<vmem>>
    tpu.enqueue_dma source(%dma_start3A_1398 : memref<8x2048xf32, #tpu.memory_space<vmem>>) target(%dma_start3A_1394 : memref<8x2048xf32, #tpu.memory_space<hbm>>) target_semaphore(%arg10 : memref<!tpu.dma_semaphore, #tpu.memory_space<semaphore_mem>>)
    %dma_wait3A_1399 = arith.constant 0 : i32
    %dma_wait3A_1400 = arith.constant 0 : i32
    %dma_wait3A_1401 = arith.constant 0 : i32
    %dma_wait3A_1402 = tpu.memref_slice %arg8[%dma_wait3A_1399, %dma_wait3A_1400, %dma_wait3A_1401] : memref<2x8x2048xf32, #tpu.memory_space<vmem>> -> memref<1x8x2048xf32, #tpu.memory_space<vmem>>
    %dma_wait3A_1403 = tpu.memref_squeeze %dma_wait3A_1402 : memref<1x8x2048xf32, #tpu.memory_space<vmem>> -> memref<8x2048xf32, #tpu.memory_space<vmem>>
    %dma_wait3A_1404 = arith.constant 0 : i32
    %dma_wait3A_1405 = tpu.memref_slice %arg4[%multiple_of3A_1324, %dma_wait3A_1404] : memref<4096x2048xf32, #tpu.memory_space<hbm>> -> memref<8x2048xf32, #tpu.memory_space<hbm>>
    %dma_wait3A_1406 = arith.constant 0 : i32
    %dma_wait3A_1407 = tpu.memref_slice %arg4[%multiple_of3A_1324, %dma_wait3A_1406] : memref<4096x2048xf32, #tpu.memory_space<hbm>> -> memref<8x2048xf32, #tpu.memory_space<hbm>>
    %dma_wait3A_1408 = arith.constant 0 : i32
    %dma_wait3A_1409 = arith.constant 0 : i32
    %dma_wait3A_1410 = tpu.memref_slice %arg8[%dma_wait3A_1399, %dma_wait3A_1408, %dma_wait3A_1409] : memref<2x8x2048xf32, #tpu.memory_space<vmem>> -> memref<1x8x2048xf32, #tpu.memory_space<vmem>>
    %dma_wait3A_1411 = tpu.memref_squeeze %dma_wait3A_1410 : memref<1x8x2048xf32, #tpu.memory_space<vmem>> -> memref<8x2048xf32, #tpu.memory_space<vmem>>
    tpu.wait_dma2 semaphore(%arg10 : memref<!tpu.dma_semaphore, #tpu.memory_space<semaphore_mem>>) src(%dma_wait3A_1411 : memref<8x2048xf32, #tpu.memory_space<vmem>>) dst(%dma_wait3A_1407 : memref<8x2048xf32, #tpu.memory_space<hbm>>)
    %dma_wait3A_1412 = arith.constant 1 : i32
    %dma_wait3A_1413 = arith.constant 0 : i32
    %dma_wait3A_1414 = arith.constant 0 : i32
    %dma_wait3A_1415 = tpu.memref_slice %arg8[%dma_wait3A_1412, %dma_wait3A_1413, %dma_wait3A_1414] : memref<2x8x2048xf32, #tpu.memory_space<vmem>> -> memref<1x8x2048xf32, #tpu.memory_space<vmem>>
    %dma_wait3A_1416 = tpu.memref_squeeze %dma_wait3A_1415 : memref<1x8x2048xf32, #tpu.memory_space<vmem>> -> memref<8x2048xf32, #tpu.memory_space<vmem>>
    %dma_wait3A_1417 = arith.constant 0 : i32
    %dma_wait3A_1418 = tpu.memref_slice %arg4[%multiple_of3A_1385, %dma_wait3A_1417] : memref<4096x2048xf32, #tpu.memory_space<hbm>> -> memref<8x2048xf32, #tpu.memory_space<hbm>>
    %dma_wait3A_1419 = arith.constant 0 : i32
    %dma_wait3A_1420 = tpu.memref_slice %arg4[%multiple_of3A_1385, %dma_wait3A_1419] : memref<4096x2048xf32, #tpu.memory_space<hbm>> -> memref<8x2048xf32, #tpu.memory_space<hbm>>
    %dma_wait3A_1421 = arith.constant 0 : i32
    %dma_wait3A_1422 = arith.constant 0 : i32
    %dma_wait3A_1423 = tpu.memref_slice %arg8[%dma_wait3A_1412, %dma_wait3A_1421, %dma_wait3A_1422] : memref<2x8x2048xf32, #tpu.memory_space<vmem>> -> memref<1x8x2048xf32, #tpu.memory_space<vmem>>
    %dma_wait3A_1424 = tpu.memref_squeeze %dma_wait3A_1423 : memref<1x8x2048xf32, #tpu.memory_space<vmem>> -> memref<8x2048xf32, #tpu.memory_space<vmem>>
    tpu.wait_dma2 semaphore(%arg10 : memref<!tpu.dma_semaphore, #tpu.memory_space<semaphore_mem>>) src(%dma_wait3A_1424 : memref<8x2048xf32, #tpu.memory_space<vmem>>) dst(%dma_wait3A_1420 : memref<8x2048xf32, #tpu.memory_space<hbm>>)
    return
  }
}

module attributes {stable_mosaic.version = 14 : i64} {
  func.func @_simtopk_body(%arg0: i32, %arg1: memref<4096x256xf32, #tpu.memory_space<vmem>>, %arg2: memref<512x1xi32, #tpu.memory_space<vmem>>, %arg3: memref<512x1xi32, #tpu.memory_space<vmem>>, %arg4: memref<4096x256xf32, #tpu.memory_space<vmem>>) attributes {dimension_semantics = [#tpu.dimension_semantics<arbitrary>], iteration_bounds = array<i64: 8>, scalar_prefetch = 0 : i64, scratch_operands = 1 : i64, tpu.core_type = #tpu.core_type<tc>, window_params = [{pipeline_mode = #tpu.pipeline_mode<synchronous>, transform_indices = @transform_0, window_bounds = array<i64: 4096, 256>}, {transform_indices = @transform_1, window_bounds = array<i64: 512, 1>}, {transform_indices = @transform_2, window_bounds = array<i64: 512, 1>}]} {
    %eq3A = arith.constant 0 : i32
    %eq3A_0 = arith.cmpi eq, %arg0, %eq3A : i32
    %convert_element_type3A = arith.extui %eq3A_0 : i1 to i32
    %cond3A = arith.constant 0 : i32
    %cond3A_1 = arith.cmpi ne, %convert_element_type3A, %cond3A : i32
    scf.if %cond3A_1 {
      %get3A_238 = arith.constant 0 : index
      %get3A_239 = arith.constant 0 : index
      %get3A_240 = vector.load %arg1[%get3A_238, %get3A_239] : memref<4096x256xf32, #tpu.memory_space<vmem>>, vector<4096x256xf32>
      %mul3A_241 = arith.mulf %get3A_240, %get3A_240 : vector<4096x256xf32>
      %reduce_sum3A = arith.constant dense<0.000000e+00> : vector<4096xf32>
      %reduce_sum3A_242 = vector.multi_reduction <add>, %mul3A_241, %reduce_sum3A [1] : vector<4096x256xf32> to vector<4096xf32>
      %broadcast_in_dim3A_243 = vector.shape_cast %reduce_sum3A_242 : vector<4096xf32> to vector<4096x1xf32>
      %sqrt3A = math.sqrt %broadcast_in_dim3A_243 : vector<4096x1xf32>
      %max3A_244 = arith.constant 9.99999996E-13 : f32
      %max3A_245 = vector.broadcast %max3A_244 : f32 to vector<4096x1xf32>
      %max3A_246 = arith.maximumf %sqrt3A, %max3A_245 : vector<4096x1xf32>
      %div3A = vector.broadcast %max3A_246 : vector<4096x1xf32> to vector<4096x256xf32>
      %div3A_247 = arith.divf %get3A_240, %div3A : vector<4096x256xf32>
      %swap3A_248 = arith.constant 0 : index
      %swap3A_249 = arith.constant 0 : index
      %swap3A_250 = vector.load %arg4[%swap3A_248, %swap3A_249] : memref<4096x256xf32, #tpu.memory_space<vmem>>, vector<4096x256xf32>
      tpu.vector_store %arg4[%swap3A_248, %swap3A_249], %div3A_247 {strides = array<i32>} : memref<4096x256xf32, #tpu.memory_space<vmem>>, vector<4096x256xf32>,
    } else {
    }
    %mul3A = arith.constant 512 : i32
    %mul3A_2 = arith.muli %arg0, %mul3A : i32
    %get3A = arith.index_cast %mul3A_2 : i32 to index
    %get3A_3 = arith.constant 0 : index
    %get3A_4 = vector.load %arg4[%get3A, %get3A_3] : memref<4096x256xf32, #tpu.memory_space<vmem>>, vector<512x256xf32>
    %get3A_5 = arith.constant 0 : index
    %get3A_6 = arith.constant 0 : index
    %get3A_7 = vector.load %arg4[%get3A_5, %get3A_6] : memref<4096x256xf32, #tpu.memory_space<vmem>>, vector<4096x256xf32>
    %dot_general3A = arith.constant dense<0.000000e+00> : vector<512x4096xf32>
    %dot_general3A_8 = tpu.matmul %get3A_4, %get3A_7, %dot_general3A {dimension_numbers = #tpu.dot_dimension_numbers<[1], [1], [0], [0], [0, 0, 1, 0], [], []>, transpose_lhs_hint = false} : vector<512x256xf32>, vector<4096x256xf32>, vector<512x4096xf32> -> vector<512x4096xf32>
    %mul3A_9 = arith.constant 512 : i32
    %mul3A_10 = arith.muli %arg0, %mul3A_9 : i32
    %iota3A = tpu.iota {dimensions = array<i32: 0>} : vector<512x4096xi32>
    %add3A = vector.broadcast %mul3A_10 : i32 to vector<512x4096xi32>
    %add3A_11 = arith.addi %add3A, %iota3A : vector<512x4096xi32>
    %iota3A_12 = tpu.iota {dimensions = array<i32: 1>} : vector<512x4096xi32>
    %eq3A_13 = arith.cmpi eq, %add3A_11, %iota3A_12 : vector<512x4096xi32>
    %jit3A = arith.constant -9.000000e+15 : f32
    %broadcast_in_dim3A = vector.broadcast %jit3A : f32 to vector<512x4096xf32>
    %select_n3A = arith.select %eq3A_13, %broadcast_in_dim3A, %dot_general3A_8 : vector<512x4096xi1>, vector<512x4096xf32>
    %slice3A = vector.extract_strided_slice %select_n3A {offsets = [0, 0], sizes = [512, 128], strides = [1, 1]} : vector<512x4096xf32> to vector<512x128xf32>
    %broadcast_in_dim3A_14 = arith.constant 0xFF800000 : f32
    %broadcast_in_dim3A_15 = vector.broadcast %broadcast_in_dim3A_14 : f32 to vector<512x128xf32>
    %slice3A_16 = vector.extract_strided_slice %select_n3A {offsets = [0, 128], sizes = [512, 128], strides = [1, 1]} : vector<512x4096xf32> to vector<512x128xf32>
    %min3A = arith.minimumf %slice3A, %slice3A_16 : vector<512x128xf32>
    %max3A = arith.maximumf %slice3A, %slice3A_16 : vector<512x128xf32>
    %min3A_17 = arith.minimumf %broadcast_in_dim3A_15, %min3A : vector<512x128xf32>
    %max3A_18 = arith.maximumf %broadcast_in_dim3A_15, %min3A : vector<512x128xf32>
    %max3A_19 = arith.maximumf %broadcast_in_dim3A_15, %min3A_17 : vector<512x128xf32>
    %slice3A_20 = vector.extract_strided_slice %select_n3A {offsets = [0, 256], sizes = [512, 128], strides = [1, 1]} : vector<512x4096xf32> to vector<512x128xf32>
    %min3A_21 = arith.minimumf %max3A, %slice3A_20 : vector<512x128xf32>
    %max3A_22 = arith.maximumf %max3A, %slice3A_20 : vector<512x128xf32>
    %min3A_23 = arith.minimumf %max3A_18, %min3A_21 : vector<512x128xf32>
    %max3A_24 = arith.maximumf %max3A_18, %min3A_21 : vector<512x128xf32>
    %max3A_25 = arith.maximumf %max3A_19, %min3A_23 : vector<512x128xf32>
    %slice3A_26 = vector.extract_strided_slice %select_n3A {offsets = [0, 384], sizes = [512, 128], strides = [1, 1]} : vector<512x4096xf32> to vector<512x128xf32>
    %min3A_27 = arith.minimumf %max3A_22, %slice3A_26 : vector<512x128xf32>
    %max3A_28 = arith.maximumf %max3A_22, %slice3A_26 : vector<512x128xf32>
    %min3A_29 = arith.minimumf %max3A_24, %min3A_27 : vector<512x128xf32>
    %max3A_30 = arith.maximumf %max3A_24, %min3A_27 : vector<512x128xf32>
    %max3A_31 = arith.maximumf %max3A_25, %min3A_29 : vector<512x128xf32>
    %slice3A_32 = vector.extract_strided_slice %select_n3A {offsets = [0, 512], sizes = [512, 128], strides = [1, 1]} : vector<512x4096xf32> to vector<512x128xf32>
    %min3A_33 = arith.minimumf %max3A_28, %slice3A_32 : vector<512x128xf32>
    %max3A_34 = arith.maximumf %max3A_28, %slice3A_32 : vector<512x128xf32>
    %min3A_35 = arith.minimumf %max3A_30, %min3A_33 : vector<512x128xf32>
    %max3A_36 = arith.maximumf %max3A_30, %min3A_33 : vector<512x128xf32>
    %max3A_37 = arith.maximumf %max3A_31, %min3A_35 : vector<512x128xf32>
    %slice3A_38 = vector.extract_strided_slice %select_n3A {offsets = [0, 640], sizes = [512, 128], strides = [1, 1]} : vector<512x4096xf32> to vector<512x128xf32>
    %min3A_39 = arith.minimumf %max3A_34, %slice3A_38 : vector<512x128xf32>
    %max3A_40 = arith.maximumf %max3A_34, %slice3A_38 : vector<512x128xf32>
    %min3A_41 = arith.minimumf %max3A_36, %min3A_39 : vector<512x128xf32>
    %max3A_42 = arith.maximumf %max3A_36, %min3A_39 : vector<512x128xf32>
    %max3A_43 = arith.maximumf %max3A_37, %min3A_41 : vector<512x128xf32>
    %slice3A_44 = vector.extract_strided_slice %select_n3A {offsets = [0, 768], sizes = [512, 128], strides = [1, 1]} : vector<512x4096xf32> to vector<512x128xf32>
    %min3A_45 = arith.minimumf %max3A_40, %slice3A_44 : vector<512x128xf32>
    %max3A_46 = arith.maximumf %max3A_40, %slice3A_44 : vector<512x128xf32>
    %min3A_47 = arith.minimumf %max3A_42, %min3A_45 : vector<512x128xf32>
    %max3A_48 = arith.maximumf %max3A_42, %min3A_45 : vector<512x128xf32>
    %max3A_49 = arith.maximumf %max3A_43, %min3A_47 : vector<512x128xf32>
    %slice3A_50 = vector.extract_strided_slice %select_n3A {offsets = [0, 896], sizes = [512, 128], strides = [1, 1]} : vector<512x4096xf32> to vector<512x128xf32>
    %min3A_51 = arith.minimumf %max3A_46, %slice3A_50 : vector<512x128xf32>
    %max3A_52 = arith.maximumf %max3A_46, %slice3A_50 : vector<512x128xf32>
    %min3A_53 = arith.minimumf %max3A_48, %min3A_51 : vector<512x128xf32>
    %max3A_54 = arith.maximumf %max3A_48, %min3A_51 : vector<512x128xf32>
    %max3A_55 = arith.maximumf %max3A_49, %min3A_53 : vector<512x128xf32>
    %slice3A_56 = vector.extract_strided_slice %select_n3A {offsets = [0, 1024], sizes = [512, 128], strides = [1, 1]} : vector<512x4096xf32> to vector<512x128xf32>
    %min3A_57 = arith.minimumf %max3A_52, %slice3A_56 : vector<512x128xf32>
    %max3A_58 = arith.maximumf %max3A_52, %slice3A_56 : vector<512x128xf32>
    %min3A_59 = arith.minimumf %max3A_54, %min3A_57 : vector<512x128xf32>
    %max3A_60 = arith.maximumf %max3A_54, %min3A_57 : vector<512x128xf32>
    %max3A_61 = arith.maximumf %max3A_55, %min3A_59 : vector<512x128xf32>
    %slice3A_62 = vector.extract_strided_slice %select_n3A {offsets = [0, 1152], sizes = [512, 128], strides = [1, 1]} : vector<512x4096xf32> to vector<512x128xf32>
    %min3A_63 = arith.minimumf %max3A_58, %slice3A_62 : vector<512x128xf32>
    %max3A_64 = arith.maximumf %max3A_58, %slice3A_62 : vector<512x128xf32>
    %min3A_65 = arith.minimumf %max3A_60, %min3A_63 : vector<512x128xf32>
    %max3A_66 = arith.maximumf %max3A_60, %min3A_63 : vector<512x128xf32>
    %max3A_67 = arith.maximumf %max3A_61, %min3A_65 : vector<512x128xf32>
    %slice3A_68 = vector.extract_strided_slice %select_n3A {offsets = [0, 1280], sizes = [512, 128], strides = [1, 1]} : vector<512x4096xf32> to vector<512x128xf32>
    %min3A_69 = arith.minimumf %max3A_64, %slice3A_68 : vector<512x128xf32>
    %max3A_70 = arith.maximumf %max3A_64, %slice3A_68 : vector<512x128xf32>
    %min3A_71 = arith.minimumf %max3A_66, %min3A_69 : vector<512x128xf32>
    %max3A_72 = arith.maximumf %max3A_66, %min3A_69 : vector<512x128xf32>
    %max3A_73 = arith.maximumf %max3A_67, %min3A_71 : vector<512x128xf32>
    %slice3A_74 = vector.extract_strided_slice %select_n3A {offsets = [0, 1408], sizes = [512, 128], strides = [1, 1]} : vector<512x4096xf32> to vector<512x128xf32>
    %min3A_75 = arith.minimumf %max3A_70, %slice3A_74 : vector<512x128xf32>
    %max3A_76 = arith.maximumf %max3A_70, %slice3A_74 : vector<512x128xf32>
    %min3A_77 = arith.minimumf %max3A_72, %min3A_75 : vector<512x128xf32>
    %max3A_78 = arith.maximumf %max3A_72, %min3A_75 : vector<512x128xf32>
    %max3A_79 = arith.maximumf %max3A_73, %min3A_77 : vector<512x128xf32>
    %slice3A_80 = vector.extract_strided_slice %select_n3A {offsets = [0, 1536], sizes = [512, 128], strides = [1, 1]} : vector<512x4096xf32> to vector<512x128xf32>
    %min3A_81 = arith.minimumf %max3A_76, %slice3A_80 : vector<512x128xf32>
    %max3A_82 = arith.maximumf %max3A_76, %slice3A_80 : vector<512x128xf32>
    %min3A_83 = arith.minimumf %max3A_78, %min3A_81 : vector<512x128xf32>
    %max3A_84 = arith.maximumf %max3A_78, %min3A_81 : vector<512x128xf32>
    %max3A_85 = arith.maximumf %max3A_79, %min3A_83 : vector<512x128xf32>
    %slice3A_86 = vector.extract_strided_slice %select_n3A {offsets = [0, 1664], sizes = [512, 128], strides = [1, 1]} : vector<512x4096xf32> to vector<512x128xf32>
    %min3A_87 = arith.minimumf %max3A_82, %slice3A_86 : vector<512x128xf32>
    %max3A_88 = arith.maximumf %max3A_82, %slice3A_86 : vector<512x128xf32>
    %min3A_89 = arith.minimumf %max3A_84, %min3A_87 : vector<512x128xf32>
    %max3A_90 = arith.maximumf %max3A_84, %min3A_87 : vector<512x128xf32>
    %max3A_91 = arith.maximumf %max3A_85, %min3A_89 : vector<512x128xf32>
    %slice3A_92 = vector.extract_strided_slice %select_n3A {offsets = [0, 1792], sizes = [512, 128], strides = [1, 1]} : vector<512x4096xf32> to vector<512x128xf32>
    %min3A_93 = arith.minimumf %max3A_88, %slice3A_92 : vector<512x128xf32>
    %max3A_94 = arith.maximumf %max3A_88, %slice3A_92 : vector<512x128xf32>
    %min3A_95 = arith.minimumf %max3A_90, %min3A_93 : vector<512x128xf32>
    %max3A_96 = arith.maximumf %max3A_90, %min3A_93 : vector<512x128xf32>
    %max3A_97 = arith.maximumf %max3A_91, %min3A_95 : vector<512x128xf32>
    %slice3A_98 = vector.extract_strided_slice %select_n3A {offsets = [0, 1920], sizes = [512, 128], strides = [1, 1]} : vector<512x4096xf32> to vector<512x128xf32>
    %min3A_99 = arith.minimumf %max3A_94, %slice3A_98 : vector<512x128xf32>
    %max3A_100 = arith.maximumf %max3A_94, %slice3A_98 : vector<512x128xf32>
    %min3A_101 = arith.minimumf %max3A_96, %min3A_99 : vector<512x128xf32>
    %max3A_102 = arith.maximumf %max3A_96, %min3A_99 : vector<512x128xf32>
    %max3A_103 = arith.maximumf %max3A_97, %min3A_101 : vector<512x128xf32>
    %slice3A_104 = vector.extract_strided_slice %select_n3A {offsets = [0, 2048], sizes = [512, 128], strides = [1, 1]} : vector<512x4096xf32> to vector<512x128xf32>
    %min3A_105 = arith.minimumf %max3A_100, %slice3A_104 : vector<512x128xf32>
    %max3A_106 = arith.maximumf %max3A_100, %slice3A_104 : vector<512x128xf32>
    %min3A_107 = arith.minimumf %max3A_102, %min3A_105 : vector<512x128xf32>
    %max3A_108 = arith.maximumf %max3A_102, %min3A_105 : vector<512x128xf32>
    %max3A_109 = arith.maximumf %max3A_103, %min3A_107 : vector<512x128xf32>
    %slice3A_110 = vector.extract_strided_slice %select_n3A {offsets = [0, 2176], sizes = [512, 128], strides = [1, 1]} : vector<512x4096xf32> to vector<512x128xf32>
    %min3A_111 = arith.minimumf %max3A_106, %slice3A_110 : vector<512x128xf32>
    %max3A_112 = arith.maximumf %max3A_106, %slice3A_110 : vector<512x128xf32>
    %min3A_113 = arith.minimumf %max3A_108, %min3A_111 : vector<512x128xf32>
    %max3A_114 = arith.maximumf %max3A_108, %min3A_111 : vector<512x128xf32>
    %max3A_115 = arith.maximumf %max3A_109, %min3A_113 : vector<512x128xf32>
    %slice3A_116 = vector.extract_strided_slice %select_n3A {offsets = [0, 2304], sizes = [512, 128], strides = [1, 1]} : vector<512x4096xf32> to vector<512x128xf32>
    %min3A_117 = arith.minimumf %max3A_112, %slice3A_116 : vector<512x128xf32>
    %max3A_118 = arith.maximumf %max3A_112, %slice3A_116 : vector<512x128xf32>
    %min3A_119 = arith.minimumf %max3A_114, %min3A_117 : vector<512x128xf32>
    %max3A_120 = arith.maximumf %max3A_114, %min3A_117 : vector<512x128xf32>
    %max3A_121 = arith.maximumf %max3A_115, %min3A_119 : vector<512x128xf32>
    %slice3A_122 = vector.extract_strided_slice %select_n3A {offsets = [0, 2432], sizes = [512, 128], strides = [1, 1]} : vector<512x4096xf32> to vector<512x128xf32>
    %min3A_123 = arith.minimumf %max3A_118, %slice3A_122 : vector<512x128xf32>
    %max3A_124 = arith.maximumf %max3A_118, %slice3A_122 : vector<512x128xf32>
    %min3A_125 = arith.minimumf %max3A_120, %min3A_123 : vector<512x128xf32>
    %max3A_126 = arith.maximumf %max3A_120, %min3A_123 : vector<512x128xf32>
    %max3A_127 = arith.maximumf %max3A_121, %min3A_125 : vector<512x128xf32>
    %slice3A_128 = vector.extract_strided_slice %select_n3A {offsets = [0, 2560], sizes = [512, 128], strides = [1, 1]} : vector<512x4096xf32> to vector<512x128xf32>
    %min3A_129 = arith.minimumf %max3A_124, %slice3A_128 : vector<512x128xf32>
    %max3A_130 = arith.maximumf %max3A_124, %slice3A_128 : vector<512x128xf32>
    %min3A_131 = arith.minimumf %max3A_126, %min3A_129 : vector<512x128xf32>
    %max3A_132 = arith.maximumf %max3A_126, %min3A_129 : vector<512x128xf32>
    %max3A_133 = arith.maximumf %max3A_127, %min3A_131 : vector<512x128xf32>
    %slice3A_134 = vector.extract_strided_slice %select_n3A {offsets = [0, 2688], sizes = [512, 128], strides = [1, 1]} : vector<512x4096xf32> to vector<512x128xf32>
    %min3A_135 = arith.minimumf %max3A_130, %slice3A_134 : vector<512x128xf32>
    %max3A_136 = arith.maximumf %max3A_130, %slice3A_134 : vector<512x128xf32>
    %min3A_137 = arith.minimumf %max3A_132, %min3A_135 : vector<512x128xf32>
    %max3A_138 = arith.maximumf %max3A_132, %min3A_135 : vector<512x128xf32>
    %max3A_139 = arith.maximumf %max3A_133, %min3A_137 : vector<512x128xf32>
    %slice3A_140 = vector.extract_strided_slice %select_n3A {offsets = [0, 2816], sizes = [512, 128], strides = [1, 1]} : vector<512x4096xf32> to vector<512x128xf32>
    %min3A_141 = arith.minimumf %max3A_136, %slice3A_140 : vector<512x128xf32>
    %max3A_142 = arith.maximumf %max3A_136, %slice3A_140 : vector<512x128xf32>
    %min3A_143 = arith.minimumf %max3A_138, %min3A_141 : vector<512x128xf32>
    %max3A_144 = arith.maximumf %max3A_138, %min3A_141 : vector<512x128xf32>
    %max3A_145 = arith.maximumf %max3A_139, %min3A_143 : vector<512x128xf32>
    %slice3A_146 = vector.extract_strided_slice %select_n3A {offsets = [0, 2944], sizes = [512, 128], strides = [1, 1]} : vector<512x4096xf32> to vector<512x128xf32>
    %min3A_147 = arith.minimumf %max3A_142, %slice3A_146 : vector<512x128xf32>
    %max3A_148 = arith.maximumf %max3A_142, %slice3A_146 : vector<512x128xf32>
    %min3A_149 = arith.minimumf %max3A_144, %min3A_147 : vector<512x128xf32>
    %max3A_150 = arith.maximumf %max3A_144, %min3A_147 : vector<512x128xf32>
    %max3A_151 = arith.maximumf %max3A_145, %min3A_149 : vector<512x128xf32>
    %slice3A_152 = vector.extract_strided_slice %select_n3A {offsets = [0, 3072], sizes = [512, 128], strides = [1, 1]} : vector<512x4096xf32> to vector<512x128xf32>
    %min3A_153 = arith.minimumf %max3A_148, %slice3A_152 : vector<512x128xf32>
    %max3A_154 = arith.maximumf %max3A_148, %slice3A_152 : vector<512x128xf32>
    %min3A_155 = arith.minimumf %max3A_150, %min3A_153 : vector<512x128xf32>
    %max3A_156 = arith.maximumf %max3A_150, %min3A_153 : vector<512x128xf32>
    %max3A_157 = arith.maximumf %max3A_151, %min3A_155 : vector<512x128xf32>
    %slice3A_158 = vector.extract_strided_slice %select_n3A {offsets = [0, 3200], sizes = [512, 128], strides = [1, 1]} : vector<512x4096xf32> to vector<512x128xf32>
    %min3A_159 = arith.minimumf %max3A_154, %slice3A_158 : vector<512x128xf32>
    %max3A_160 = arith.maximumf %max3A_154, %slice3A_158 : vector<512x128xf32>
    %min3A_161 = arith.minimumf %max3A_156, %min3A_159 : vector<512x128xf32>
    %max3A_162 = arith.maximumf %max3A_156, %min3A_159 : vector<512x128xf32>
    %max3A_163 = arith.maximumf %max3A_157, %min3A_161 : vector<512x128xf32>
    %slice3A_164 = vector.extract_strided_slice %select_n3A {offsets = [0, 3328], sizes = [512, 128], strides = [1, 1]} : vector<512x4096xf32> to vector<512x128xf32>
    %min3A_165 = arith.minimumf %max3A_160, %slice3A_164 : vector<512x128xf32>
    %max3A_166 = arith.maximumf %max3A_160, %slice3A_164 : vector<512x128xf32>
    %min3A_167 = arith.minimumf %max3A_162, %min3A_165 : vector<512x128xf32>
    %max3A_168 = arith.maximumf %max3A_162, %min3A_165 : vector<512x128xf32>
    %max3A_169 = arith.maximumf %max3A_163, %min3A_167 : vector<512x128xf32>
    %slice3A_170 = vector.extract_strided_slice %select_n3A {offsets = [0, 3456], sizes = [512, 128], strides = [1, 1]} : vector<512x4096xf32> to vector<512x128xf32>
    %min3A_171 = arith.minimumf %max3A_166, %slice3A_170 : vector<512x128xf32>
    %max3A_172 = arith.maximumf %max3A_166, %slice3A_170 : vector<512x128xf32>
    %min3A_173 = arith.minimumf %max3A_168, %min3A_171 : vector<512x128xf32>
    %max3A_174 = arith.maximumf %max3A_168, %min3A_171 : vector<512x128xf32>
    %max3A_175 = arith.maximumf %max3A_169, %min3A_173 : vector<512x128xf32>
    %slice3A_176 = vector.extract_strided_slice %select_n3A {offsets = [0, 3584], sizes = [512, 128], strides = [1, 1]} : vector<512x4096xf32> to vector<512x128xf32>
    %min3A_177 = arith.minimumf %max3A_172, %slice3A_176 : vector<512x128xf32>
    %max3A_178 = arith.maximumf %max3A_172, %slice3A_176 : vector<512x128xf32>
    %min3A_179 = arith.minimumf %max3A_174, %min3A_177 : vector<512x128xf32>
    %max3A_180 = arith.maximumf %max3A_174, %min3A_177 : vector<512x128xf32>
    %max3A_181 = arith.maximumf %max3A_175, %min3A_179 : vector<512x128xf32>
    %slice3A_182 = vector.extract_strided_slice %select_n3A {offsets = [0, 3712], sizes = [512, 128], strides = [1, 1]} : vector<512x4096xf32> to vector<512x128xf32>
    %min3A_183 = arith.minimumf %max3A_178, %slice3A_182 : vector<512x128xf32>
    %max3A_184 = arith.maximumf %max3A_178, %slice3A_182 : vector<512x128xf32>
    %min3A_185 = arith.minimumf %max3A_180, %min3A_183 : vector<512x128xf32>
    %max3A_186 = arith.maximumf %max3A_180, %min3A_183 : vector<512x128xf32>
    %max3A_187 = arith.maximumf %max3A_181, %min3A_185 : vector<512x128xf32>
    %slice3A_188 = vector.extract_strided_slice %select_n3A {offsets = [0, 3840], sizes = [512, 128], strides = [1, 1]} : vector<512x4096xf32> to vector<512x128xf32>
    %min3A_189 = arith.minimumf %max3A_184, %slice3A_188 : vector<512x128xf32>
    %max3A_190 = arith.maximumf %max3A_184, %slice3A_188 : vector<512x128xf32>
    %min3A_191 = arith.minimumf %max3A_186, %min3A_189 : vector<512x128xf32>
    %max3A_192 = arith.maximumf %max3A_186, %min3A_189 : vector<512x128xf32>
    %max3A_193 = arith.maximumf %max3A_187, %min3A_191 : vector<512x128xf32>
    %slice3A_194 = vector.extract_strided_slice %select_n3A {offsets = [0, 3968], sizes = [512, 128], strides = [1, 1]} : vector<512x4096xf32> to vector<512x128xf32>
    %min3A_195 = arith.minimumf %max3A_190, %slice3A_194 : vector<512x128xf32>
    %max3A_196 = arith.maximumf %max3A_190, %slice3A_194 : vector<512x128xf32>
    %min3A_197 = arith.minimumf %max3A_192, %min3A_195 : vector<512x128xf32>
    %max3A_198 = arith.maximumf %max3A_192, %min3A_195 : vector<512x128xf32>
    %max3A_199 = arith.maximumf %max3A_193, %min3A_197 : vector<512x128xf32>
    %concatenate3A = tpu.concatenate %max3A_196, %max3A_198, %max3A_199 in 1 : vector<512x128xf32>, vector<512x128xf32>, vector<512x128xf32> -> vector<512x384xf32>
    %reduce_max3A = arith.constant dense<0xFF800000> : vector<512xf32>
    %reduce_max3A_200 = vector.multi_reduction <maximumf>, %concatenate3A, %reduce_max3A [1] : vector<512x384xf32> to vector<512xf32>
    %broadcast_in_dim3A_201 = vector.shape_cast %reduce_max3A_200 : vector<512xf32> to vector<512x1xf32>
    %eq3A_202 = vector.broadcast %broadcast_in_dim3A_201 : vector<512x1xf32> to vector<512x384xf32>
    %eq3A_203 = arith.cmpf oeq, %concatenate3A, %eq3A_202 : vector<512x384xf32>
    %jit3A_204 = arith.constant 0xFF800000 : f32
    %broadcast_in_dim3A_205 = vector.broadcast %jit3A_204 : f32 to vector<512x384xf32>
    %select_n3A_206 = arith.select %eq3A_203, %broadcast_in_dim3A_205, %concatenate3A : vector<512x384xi1>, vector<512x384xf32>
    %reduce_max3A_207 = arith.constant dense<0xFF800000> : vector<512xf32>
    %reduce_max3A_208 = vector.multi_reduction <maximumf>, %select_n3A_206, %reduce_max3A_207 [1] : vector<512x384xf32> to vector<512xf32>
    %broadcast_in_dim3A_209 = vector.shape_cast %reduce_max3A_208 : vector<512xf32> to vector<512x1xf32>
    %eq3A_210 = vector.broadcast %broadcast_in_dim3A_209 : vector<512x1xf32> to vector<512x384xf32>
    %eq3A_211 = arith.cmpf oeq, %select_n3A_206, %eq3A_210 : vector<512x384xf32>
    %jit3A_212 = arith.constant 0xFF800000 : f32
    %broadcast_in_dim3A_213 = vector.broadcast %jit3A_212 : f32 to vector<512x384xf32>
    %select_n3A_214 = arith.select %eq3A_211, %broadcast_in_dim3A_213, %select_n3A_206 : vector<512x384xi1>, vector<512x384xf32>
    %reduce_max3A_215 = arith.constant dense<0xFF800000> : vector<512xf32>
    %reduce_max3A_216 = vector.multi_reduction <maximumf>, %select_n3A_214, %reduce_max3A_215 [1] : vector<512x384xf32> to vector<512xf32>
    %broadcast_in_dim3A_217 = vector.shape_cast %reduce_max3A_216 : vector<512xf32> to vector<512x1xf32>
    %get3A_218 = arith.constant 0 : index
    %get3A_219 = arith.constant 0 : index
    %get3A_220 = vector.load %arg2[%get3A_218, %get3A_219] : memref<512x1xi32, #tpu.memory_space<vmem>>, vector<512x1xi32>
    %eq3A_221 = arith.constant 0 : i32
    %eq3A_222 = vector.broadcast %eq3A_221 : i32 to vector<512x1xi32>
    %eq3A_223 = arith.cmpi eq, %get3A_220, %eq3A_222 : vector<512x1xi32>
    %eq3A_224 = arith.constant 1 : i32
    %eq3A_225 = vector.broadcast %eq3A_224 : i32 to vector<512x1xi32>
    %eq3A_226 = arith.cmpi eq, %get3A_220, %eq3A_225 : vector<512x1xi32>
    %select_n3A_227 = arith.select %eq3A_226, %broadcast_in_dim3A_209, %broadcast_in_dim3A_217 : vector<512x1xi1>, vector<512x1xf32>
    %select_n3A_228 = arith.select %eq3A_223, %broadcast_in_dim3A_201, %select_n3A_227 : vector<512x1xi1>, vector<512x1xf32>
    %eq3A_229 = vector.broadcast %select_n3A_228 : vector<512x1xf32> to vector<512x4096xf32>
    %eq3A_230 = arith.cmpf oeq, %select_n3A, %eq3A_229 : vector<512x4096xf32>
    %jit3A_231 = arith.constant 4096 : i32
    %broadcast_in_dim3A_232 = vector.broadcast %jit3A_231 : i32 to vector<512x4096xi32>
    %select_n3A_233 = arith.select %eq3A_230, %iota3A_12, %broadcast_in_dim3A_232 : vector<512x4096xi1>, vector<512x4096xi32>
    %reduce_min3A = arith.constant dense<2147483647> : vector<512xi32>
    %reduce_min3A_234 = vector.multi_reduction <minsi>, %select_n3A_233, %reduce_min3A [1] : vector<512x4096xi32> to vector<512xi32>
    %broadcast_in_dim3A_235 = vector.shape_cast %reduce_min3A_234 : vector<512xi32> to vector<512x1xi32>
    %swap3A = arith.constant 0 : index
    %swap3A_236 = arith.constant 0 : index
    %swap3A_237 = vector.load %arg3[%swap3A, %swap3A_236] : memref<512x1xi32, #tpu.memory_space<vmem>>, vector<512x1xi32>
    tpu.vector_store %arg3[%swap3A, %swap3A_236], %broadcast_in_dim3A_235 {strides = array<i32>} : memref<512x1xi32, #tpu.memory_space<vmem>>, vector<512x1xi32>,
    return
  }
  func.func @transform_0(%arg0: i32) -> (i32, i32) {
    %c0_i32 = arith.constant 0 : i32
    %c0_i32_0 = arith.constant 0 : i32
    %c0_i32_1 = arith.constant 0 : i32
    return %c0_i32, %c0_i32_0 : i32, i32
  }
  func.func @transform_1(%arg0: i32) -> (i32, i32) {
    %c0_i32 = arith.constant 0 : i32
    %c0_i32_0 = arith.constant 0 : i32
    return %arg0, %c0_i32 : i32, i32
  }
  func.func @transform_2(%arg0: i32) -> (i32, i32) {
    %c0_i32 = arith.constant 0 : i32
    %c0_i32_0 = arith.constant 0 : i32
    return %arg0, %c0_i32 : i32, i32
  }
}

</mosaic_0001>

<sc_bundles>
// kernel: kernel.6.cloned.1.call-start
scs
__scs_entry_jumppad:
0x0: {  	(pc) =	sbr.rel $0x88, $3  }
0x1: {  	(tag) =	ssettag $0x0;
	lr =	simm.s32 $0x1  }
0x2: {  	[smem:$0x3F9F] =	sst lr;
	_ =	strace $0xD0000000  }
0x3: {  	_ = 	snop  }
0x4: {  	_ = 	snop  }
0x5: {  	_ = 	snop  }
0x6: {  	_ = 	snop  }
0x7: {  	_ = 	snop  }
__scs_overlays_trampoline_lowered:
0x8: {  	[smem:$0x3FAE] =	sst s0  }
0x9: {  	[smem:$0x3FAF] =	sst s1  }
0xa: {  	[smem:$0x3FB0] =	sst s2  }
0xb: {  	[smem:$0x3FB1] =	sst s3  }
0xc: {  	[smem:$0x3FB2] =	sst s4  }
0xd: {  	[smem:$0x3FB3] =	sst s5  }
0xe: {  	[smem:$0x3FB4] =	sst s6  }
0xf: {  	[smem:$0x3FB5] =	sst s7  }
0x10: {  	[smem:$0x3FB6] =	sst s8  }
0x11: {  	[smem:$0x3FB7] =	sst s9;
	s0 =	simm.s32 @!p0 $0x0  }
0x12: {  	s1 =	sld [smem:$0x3F9D];
	s0 =	simm.s32 @p0 $0x1  }
0x13: {  	[smem:$0x3FB8] =	sst s0;
	s0 =	simm.s32 @!p1 $0x0  }
0x14: {  	s2 =	sld [smem:$0x3F9C];
	s0 =	simm.s32 @p1 $0x1  }
0x15: {  	[smem:$0x3FB9] =	sst s0;
	s0 =	simm.s32 @!p2 $0x0  }
0x16: {  	s3 =	sld [smem:$0x3FDB];
	s0 =	simm.s32 @p2 $0x1  }
0x17: {  	s4 =	simm.s32 $0x1BF5;
	[smem:$0x3FBB] =	sst s0  }
0x18: {  	s0 =	sld [smem:$0x3F9E];
	_ =	swait.ge [sflag:s4], $0x0  }
0x19: {  	s7 =	sld [smem:$0x3F9F]  }
0x1a: {  	s8 =	sadd.s32 $0xFFFFE003, lr  }
0x1b: {  	s9 =	sadd.s32 $0xFFFFFEF7, lr;
	s5 =	simm.s32 $0xFFFFFFFF;
	p2 =	slt.u32 s8, $0xFFFFF086  }
0x1c: {  	p1 =	slt.u32 s9, $0xF7A;
	s5 =	simm.s32 @!p2 $0x0  }
0x1d: {  	s5 =	simm.s32 @p1 $0x1;
	p0 =	seq.s32 s7, s2  }
0x1e: {  	s7 =	smul.u32 @!p0 $0xF7A, s2;
	p2 =	seq.s32 @!p0 s5, $0x0  }
0x1f: {  	s9 =	smul.u32 $0xF7A, s1;
	s8 =	simm.s32 @!p0 $0x1BF5;
	p2 =	por !p2, p0  }
0x20: {  	[sflag:s8] =	ssyncset.s32 @!p0 $0xFFFFF086;
	s6 =	sadd.s32 @!p0 s3, s7;
	s7 =	simm.s32 @!p0 $0x108  }
0x21: {  	s3 =	sadd.s32 s3, s9;
	s6 =	sadd.s32 @!p0 $0x88, s6;
	s7 =	simm.s32 @p2 $0x1082  }
0x22: {  	[simem:s7], [sflag:s8] =	dma.local @!p0 [hbm:s6], $0xF7A  }
0x23: {  	s9 =	sor.u32 $0xD0000000, s2;
	s6 =	simm.s32 $0x108;
	_ =	swait.ge @!p0 [sflag:s8], $0x0  }
0x24: {  	s3 =	sadd.s32 $0x88, s3;
	s6 =	simm.s32 @!p1 $0x1082;
	[sflag:s4] =	ssyncset.s32 $0xFFFFF086  }
0x25: {  	[simem:s6], [sflag:s4] =	dma.local [hbm:s3], $0xF7A  }
0x26: {  	[smem:$0x3F9F] =	sst s1;
	(tag) =	ssettag s2;
	_ =	strace s9  }
0x27: {  	s1 =	sld [smem:$0x3FAF]  }
0x28: {  	s2 =	sld [smem:$0x3FB0]  }
0x29: {  	s4 =	sld [smem:$0x3FB2]  }
0x2a: {  	p0 =	seq.s32 s5, $0x0;
	s5 =	sld [smem:$0x3FB3]  }
0x2b: {  	s6 =	sld [smem:$0x3FB4]  }
0x2c: {  	s7 =	sld [smem:$0x3FB5]  }
0x2d: {  	s3 =	simm.s32 $0x108;
	s8 =	sld [smem:$0x3FB6]  }
0x2e: {  	s3 =	simm.s32 @!p0 $0x1082;
	s9 =	sld [smem:$0x3FB7]  }
0x2f: {  	lr =	sadd.s32 s0, s3;
	s0 =	sld [smem:$0x3FAE]  }
0x30: {  	s3 =	sld [smem:$0x3FB1]  }
0x31: {  	[smem:$0x3FBA] =	sst s10  }
0x32: {  	s10 =	sld [smem:$0x3FB8];
	_ =	sdelay $0x3  }
0x33: {  	p0 =	seq.s32 s10, $0x1;
	s10 =	sld [smem:$0x3FBA];
	_ =	sdelay $0x3  }
0x34: {  	[smem:$0x3FBA] =	sst s10  }
0x35: {  	s10 =	sld [smem:$0x3FB9];
	_ =	sdelay $0x3  }
0x36: {  	p1 =	seq.s32 s10, $0x1;
	s10 =	sld [smem:$0x3FBA];
	_ =	sdelay $0x3  }
0x37: {  	[smem:$0x3FBA] =	sst s10  }
0x38: {  	s10 =	sld [smem:$0x3FBB]  }
0x39: {  	_ = 	snop;
	(pc) =	sbr.ind lr, $3  }
0x3a: {  	_ = 	snop  }
0x3b: {  	_ = 	snop  }
0x3c: {  	p2 =	seq.s32 s10, $0x1;
	s10 =	sld [smem:$0x3FBA]  }
0x3d: {  	_ =	shalt  }
0x3e: {  	_ =	shalt  }
0x3f: {  	_ =	shalt  }
0x40: {  	_ =	shalt  }
0x41: {  	_ =	shalt  }
0x42: {  	_ =	shalt  }
0x43: {  	_ =	shalt  }
0x44: {  	_ =	shalt  }
0x45: {  	_ =	shalt  }
0x46: {  	_ =	shalt  }
0x47: {  	_ =	shalt  }
0x48: {  	_ =	shalt  }
0x49: {  	_ =	shalt  }
0x4a: {  	_ =	shalt  }
0x4b: {  	_ =	shalt  }
0x4c: {  	_ =	shalt  }
0x4d: {  	_ =	shalt  }
0x4e: {  	_ =	shalt  }
0x4f: {  	_ =	shalt  }
0x50: {  	_ =	shalt  }
0x51: {  	_ =	shalt  }
0x52: {  	_ =	shalt  }
0x53: {  	_ =	shalt  }
0x54: {  	_ =	shalt  }
0x55: {  	_ =	shalt  }
0x56: {  	_ =	shalt  }
0x57: {  	_ =	shalt  }
0x58: {  	_ =	shalt  }
0x59: {  	_ =	shalt  }
0x5a: {  	_ =	shalt  }
0x5b: {  	_ =	shalt  }
0x5c: {  	_ =	shalt  }
0x5d: {  	_ =	shalt  }
0x5e: {  	_ =	shalt  }
0x5f: {  	_ =	shalt  }
0x60: {  	_ =	shalt  }
0x61: {  	_ =	shalt  }
0x62: {  	_ =	shalt  }
0x63: {  	_ =	shalt  }
0x64: {  	_ =	shalt  }
0x65: {  	_ =	shalt  }
0x66: {  	_ =	shalt  }
0x67: {  	_ =	shalt  }
0x68: {  	_ =	shalt  }
0x69: {  	_ =	shalt  }
0x6a: {  	_ =	shalt  }
0x6b: {  	_ =	shalt  }
0x6c: {  	_ =	shalt  }
0x6d: {  	_ =	shalt  }
0x6e: {  	_ =	shalt  }
0x6f: {  	_ =	shalt  }
0x70: {  	_ =	shalt  }
0x71: {  	_ =	shalt  }
0x72: {  	_ =	shalt  }
0x73: {  	_ =	shalt  }
0x74: {  	_ =	shalt  }
0x75: {  	_ =	shalt  }
0x76: {  	_ =	shalt  }
0x77: {  	_ =	shalt  }
0x78: {  	_ =	shalt  }
0x79: {  	_ =	shalt  }
0x7a: {  	_ =	shalt  }
0x7b: {  	_ =	shalt  }
0x7c: {  	_ =	shalt  }
0x7d: {  	_ =	shalt  }
0x7e: {  	_ =	shalt  }
0x7f: {  	_ =	shalt  }
0x80: {  	_ =	shalt  }
0x81: {  	_ =	shalt  }
0x82: {  	_ =	shalt  }
0x83: {  	_ =	shalt  }
0x84: {  	_ =	shalt  }
0x85: {  	_ =	shalt  }
0x86: {  	_ =	shalt  }
0x87: {  	_ =	shalt  }
.Lfunc_end0:
.L_simem_size_0:
called_computation_lowered:
.L_overlay_start_0:
0x88: {  	s2 =	sld [smem:$0x3FD9]  }
0x89: {  	s3 =	sld [smem:$0x3FFE];
	_ =	sdelay $0x1  }
0x8a: {  	s1 =	srdreg.scid  }
0x8b: {  	s0 =	sand.u32 $0x1, s1  }
0x8c: {  	s17 =	sshll.u32 s0, $0xA;
	s2 =	sadd.s32 s3, s2  }
0x8d: {  	s2 =	sadd.s32 s2, s17  }
0x8e: {  	[smem:$0x3FC6] =	sst s2  }
0x8f: {  	_ = 	snop  }
0x90: {  	s2 =	sld [smem:$0x3FC9]  }
0x91: {  	s18 =	sld [smem:$0x3FD0];
	(tm) =	ssettm $0x1  }
0x92: {  	s4 =	sld [smem:$0x3FFB];
	_ =	sdelay $0x3  }
0x93: {  	_ =	strace s4  }
0x94: {  	s4 =	sld [smem:$0x3FFC];
	_ =	sdelay $0x3  }
0x95: {  	_ =	strace s4  }
0x96: {  	s4 =	sld [smem:$0x3FFD];
	_ =	sdelay $0x3  }
0x97: {  	_ =	strace s4  }
0x98: {  	_ =	strace $0x8FFFFFFF  }
0x99: {  	s19 =	sld [smem:$0x3FDB];
	_ =	sdelay $0x1  }
0x9a: {  	s5 =	simm.s32 $_scs_section_size  }
0x9b: {  	s6 =	simm.s32 $_size__tile_overlayer_lowered;
	s7 =	simm.s32 $_tile_overlayer_lowered  }
0x9c: {  	s22 =	simm.s32 $0x1BFF;
	s21 =	sshll.u32 s7, $0x1;
	s4 =	sadd.s32 s5, s19  }
0x9d: {  	s8 =	simm.s32 $0x0;
	s20 =	sshll.u32 s6, $0x1;
	s6 =	sadd.s32 s21, s4  }
0x9e: {  	[timem:s8], [sflag:s22] =	dma.local [hbm:s6], s20  }
0x9f: {  	_ =	swait.ge [sflag:s22], s20  }
0xa0: {  	s5 =	ssub.s32 $0x0, s20;
	[sflag:s22] =	ssyncset.done $0x0  }
0xa1: {  	[sflag:s22] =	ssyncadd.s32 s5;
	_ =	sdelay $0x1  }
0xa2: {  	s23 =	simm.s32 $0x1B8B  }
0xa3: {  	_ =	swait.ge [sflag:s23], $0x1  }
0xa4: {  	[sflag:s23] =	ssyncset.done $0x0  }
0xa5: {  	s25 =	simm.s32 $0x1B8E;
	s24 =	sld [smem:$0x3FFE];
	[sflag:s23] =	ssyncadd.s32 $0xFFFFFFFF  }
0xa6: {  	s26 =	simm.s32 $execute0_lowered;
	[smem:$0x3FD2] =	sst s25  }
0xa7: {  	s6 =	sshll.u32 s26, $0x1;
	_ =	strace $0x80000046;
	[dreg:$0x1] =	wrdreg $0xFFFFFFFF  }
0xa8: {  	s28 =	simm.s32 $_size_execute0_lowered;
	s4 =	sadd.s32 s4, s6;
	[dreg:$0x0] =	wrdreg $0x0  }
0xa9: {  	s6 =	sshll.u32 s28, $0x1;
	[dreg:$0x2] =	wrdreg s4  }
0xaa: {  	[dreg:$0x3] =	wrdreg s6  }
0xab: {  	[dreg:$0x4] =	wrdreg $0xC0  }
0xac: {  	_ =	task [dreg:s8], $0x5FFFF  }
0xad: {  	[dreg:$0x1] =	wrdreg $0xFFFFFFFF  }
0xae: {  	[dreg:$0x0] =	wrdreg $0x60  }
0xaf: {  	[dreg:$0x2] =	wrdreg s2  }
0xb0: {  	[dreg:$0x3] =	wrdreg s24  }
0xb1: {  	[dreg:$0x4] =	wrdreg s18  }
0xb2: {  	[dreg:$0x5] =	wrdreg $0x9  }
0xb3: {  	_ =	task.clear_ibuf [dreg:s8], $0x6FFFF;
	_ =	strace $0x90000046  }
0xb4: {  	s29 =	simm.s32 $0x9;
	_ =	strace $0x80000048  }
0xb5: {  	_ =	swait.ge [sflag:s29], $0x1  }
0xb6: {  	[sflag:s29] =	ssyncadd.s32 $0xFFFFFFFF  }
0xb7: {  	_ =	strace $0x90000048  }
0xb8: {  	_ =	sfence  }
0xb9: {  	s30 =	sld [smem:$0x0];
	_ =	sdelay $0x2  }
0xba: {  	s31 =	sshll.u32 s1, $0xD;
	s1 =	sshrl.u32 s1, $0x2  }
0xbb: {  	s3 =	sand.u32 $0x4000, s31;
	s1 =	sadd.s32 s1, s30  }
0xbc: {  	s0 =	sor.u32 s3, s0;
	s1 =	sshll.u32 s1, $0x11  }
0xbd: {  	s0 =	sor.u32 s1, s0  }
0xbe: {  	s0 =	sadd.s32 $0x8F2B, s0  }
0xbf: {  	[sflag:s0] =	ssyncadd.remote.s32 $0x1  }
0xc0: {  	_ =	sfence.sel $0xFFFF  }
0xc1: {  	[dreg:$0x0] =	wrdreg $0xFFFFFFFF;
	(pc) =	sbr.abs _section_cstart, $3  }
0xc2: {  	[dreg:$0x1] =	wrdreg $0xFFFFFFFF  }
0xc3: {  	_ =	task.clear_ibuf [dreg:s8], $0x2FFFF;
	_ =	strace $0x9FFFFFFF  }
0xc4: {  	(tm) =	ssettm $0x7FFFFFFF  }
0xc5: {  	_ =	shalt  }
tec
execute0_lowered:
.L_overlay_start_1:
0x0: {  	(tag) =	ssettag $0x1  }
0x1: {  	s1 =	rddreg [dreg:$0x0]  }
0x2: {  	s0 =	rddreg [dreg:$0x1]  }
0x3: {  	s4 =	srdreg.scid;
	s5 =	stileid.u32  }
0x4: {  	s2 =	rddreg [dreg:$0x2];
	s4 =	sand.u32 $0x1, s4;
	s5 =	sshll.u32 s5, $0x1  }
0x5: {  	s3 =	simm.s32 $0x0;
	s28 =	simm.s32 $0x5000;
	s5 =	sor.u32 s4, s5  }
0x6: {  	s29 =	simm.s32 $0x5800;
	s30 =	simm.s32 $0x6000;
	s6 =	sshll.u32 s5, $0x8  }
0x7: {  	[smem:$0x7FF] =	sst s3;
	s5 =	sshll.u32 s5, $0xF;
	s0 =	sadd.s32 s6, s0  }
0x8: {  	_ =	strace $0x80000047;
	s12 =	sor.u32 $0x800, s5;
	s0 =	sadd.s32 $0x800, s0  }
0x9: {  	s14 =	sor.u32 $0x1000, s5;
	s13 =	sadd.s32 s1, s12;
	[dreg:$0x4] =	wrdreg s0  }
0xa: {  	s7 =	sor.u32 $0x1800, s5;
	s8 =	sadd.s32 s1, s14;
	[dreg:$0x5] =	wrdreg s13  }
0xb: {  	s31 =	simm.s32 $0x6800;
	s15 =	sadd.s32 s1, s7;
	[dreg:$0x6] =	wrdreg s8  }
0xc: {  	s17 =	sor.u32 $0x2000, s5;
	s16 =	sadd.s32 s2, s14;
	[dreg:$0x8] =	wrdreg s15  }
0xd: {  	s4 =	ssub.s32 $0x2, s4;
	s19 =	sadd.s32 s1, s17;
	[dreg:$0x9] =	wrdreg s16  }
0xe: {  	s18 =	sor.u32 $0x2800, s5;
	s7 =	sadd.s32 s2, s7;
	[dreg:$0xa] =	wrdreg s19  }
0xf: {  	s21 =	sor.u32 $0x3000, s5;
	s20 =	sadd.s32 s1, s18;
	[dreg:$0xb] =	wrdreg s7  }
0x10: {  	s11 =	sshrl.u32 s4, $0x1;
	s23 =	sadd.s32 s1, s21;
	[dreg:$0xc] =	wrdreg s20  }
0x11: {  	s22 =	sor.u32 $0x3800, s5;
	s6 =	sadd.s32 s2, s18;
	[dreg:$0xe] =	wrdreg s23  }
0x12: {  	s25 =	sor.u32 $0x4000, s5;
	s24 =	sadd.s32 s1, s22;
	[dreg:$0xf] =	wrdreg s6  }
0x13: {  	s26 =	sor.u32 $0x4800, s5;
	s9 =	sadd.s32 s1, s25;
	[dreg:$0x10] =	wrdreg s24  }
0x14: {  	s4 =	ssub.s32 s4, s11;
	s10 =	sadd.s32 s1, s26;
	[dreg:$0x12] =	wrdreg s9  }
0x15: {  	s11 =	sadd.s32 s2, s26;
	s14 =	sor.u32 $0x5800, s5;
	[dreg:$0x14] =	wrdreg s10  }
0x16: {  	s18 =	sor.u32 $0x6800, s5;
	s26 =	smax.u32 s4, $0x1;
	[dreg:$0x16] =	wrdreg s11  }
0x17: {  	s4 =	simm.s32 $0x8000;
	s0 =	sadd.s32 s2, s12;
	[smem:$0x7FD] =	sst s26  }
0x18: {  	s7 =	sadd.s32 s2, s22;
	s12 =	sor.u32 $0x5000, s5;
	[dreg:$0x7] =	wrdreg s0  }
0x19: {  	s15 =	sadd.s32 s1, s14;
	s16 =	sor.u32 $0x6000, s5;
	[dreg:$0x13] =	wrdreg s7  }
0x1a: {  	s19 =	sadd.s32 s1, s18;
	s20 =	sadd.s32 s1, s5;
	[dreg:$0x19] =	wrdreg s15  }
0x1b: {  	s22 =	sor.u32 $0x7000, s5;
	s9 =	sadd.s32 $0x100, s1;
	[dreg:$0x1d] =	wrdreg s19  }
0x1c: {  	s10 =	sadd.s32 $0x200, s1;
	s0 =	sadd.s32 s2, s17;
	[dreg:$0x1f] =	wrdreg s20  }
0x1d: {  	s11 =	sadd.s32 $0x300, s1;
	s13 =	sadd.s32 s1, s12;
	[dreg:$0xd] =	wrdreg s0  }
0x1e: {  	s26 =	simm.s32 $0x4800;
	s17 =	sadd.s32 s1, s16;
	[dreg:$0x17] =	wrdreg s13  }
0x1f: {  	s6 =	simm.s32 $0x1;
	s23 =	sadd.s32 s1, s22;
	[dreg:$0x1b] =	wrdreg s17  }
0x20: {  	s8 =	simm.s32 $0x14800;
	s0 =	sadd.s32 s2, s21;
	[smem:$0x7F9] =	sst s23  }
0x21: {  	s15 =	sadd.s32 $0x700, s1;
	s21 =	sadd.s32 s2, s5;
	[dreg:$0x11] =	wrdreg s0  }
0x22: {  	s5 =	sor.u32 $0x7800, s5;
	s0 =	sadd.s32 s2, s25;
	[smem:$0x7F8] =	sst s21  }
0x23: {  	s7 =	simm.s32 $0x10800;
	s24 =	sadd.s32 s2, s5;
	[dreg:$0x15] =	wrdreg s0  }
0x24: {  	s13 =	sadd.s32 $0x500, s1;
	s25 =	sadd.s32 s1, s5;
	[smem:$0x7FB] =	sst s24  }
0x25: {  	s17 =	simm.s32 $0x0;
	s0 =	sadd.s32 s2, s12;
	[smem:$0x7FC] =	sst s25  }
0x26: {  	s5 =	simm.s32 $0xC800;
	[dreg:$0x18] =	wrdreg s0;
	s0 =	sadd.s32 s2, s14  }
0x27: {  	s12 =	sadd.s32 $0x400, s1;
	[dreg:$0x1a] =	wrdreg s0;
	s0 =	sadd.s32 s2, s16  }
0x28: {  	v0 =	vlaneseq.u32;
	s14 =	sadd.s32 $0x600, s1;
	[dreg:$0x1c] =	wrdreg s0;
	s0 =	sadd.s32 s2, s18  }
0x29: {  	v1 =	vshrl.u32 v0, $0x3;
	s16 =	simm.s32 $0x2;
	[dreg:$0x1e] =	wrdreg s0;
	s0 =	sadd.s32 s2, s22  }
0x2a: {  	vm0 =	vmmov $0xffff;
	v0 =	vand.u32 $0x7, v0;
	v1 =	vmul.u32 $0x8, v1;
	s2 =	simm.s32 $0x7800;
	[smem:$0x7FA] =	sst s0;
	s0 =	simm.s32 $0x7000  }
.LBB2_1:
0x2b: {  	s18 =	rddreg [dreg:$0x4];
	s22 =	simm.s32 $0x3  }
0x2c: {  	[tilespmem:s3], [sflag:$0x3] =	stream.linear.gather [hbm4b:s18+s3], $0x800, $0x38;
	[tilespmem:$0x18800] =	vst v63  }
0x2d: {  	_ =	swait.ge [sflag:s22], $0x800  }
0x2e: {  	[sflag:s22] =	ssyncset.done $0x0  }
0x2f: {  	[sflag:s22] =	ssyncadd.s32 $0xFFFFF800  }
0x30: {  	v2 =	vld.msk [tilespmem:$0x0], $0xff;
	_ =	sdelay $0x4  }
0x31: {  	v3 =	vshll.u32 v2, $0x4  }
0x32: {  	v2 =	vand.u32 $0x7, v2;
	v3 =	vand.u32 $0xFFFFFF80, v3  }
0x33: {  	v2 =	vor.u32 v2, v3  }
0x34: {  	v2 =	vperm.xlane v2, v0;
	_ =	sdelay $0x1  }
0x35: {  	v2 =	vadd.s32 v1, v2;
	_ =	sdelay $0x3  }
0x36: {  	s23 =	simm.s32 $0x800  }
0x37: {  	[tilespmem:s23], [sflag:$0x1] =	stream.indirect_vreg.gather [hbm4b:s1+s3], $0x80, v2, vm0, $0xb8;
	[tilespmem:$0x18800] =	vst v63  }
0x38: {  	s24 =	simm.s32 $0x1000  }
0x39: {  	[tilespmem:s24], [sflag:$0x1] =	stream.indirect_vreg.gather [hbm4b:s9+s3], $0x80, v2, vm0, $0xb8;
	[tilespmem:$0x18800] =	vst v63  }
0x3a: {  	s25 =	simm.s32 $0x1800  }
0x3b: {  	[tilespmem:s25], [sflag:$0x1] =	stream.indirect_vreg.gather [hbm4b:s10+s3], $0x80, v2, vm0, $0xb8;
	[tilespmem:$0x18800] =	vst v63  }
0x3c: {  	s19 =	simm.s32 $0x2000  }
0x3d: {  	[tilespmem:s19], [sflag:$0x1] =	stream.indirect_vreg.gather [hbm4b:s11+s3], $0x80, v2, vm0, $0xb8;
	[tilespmem:$0x18800] =	vst v63  }
0x3e: {  	s20 =	simm.s32 $0x2800  }
0x3f: {  	[tilespmem:s20], [sflag:$0x1] =	stream.indirect_vreg.gather [hbm4b:s12+s3], $0x80, v2, vm0, $0xb8;
	[tilespmem:$0x18800] =	vst v63  }
0x40: {  	s21 =	simm.s32 $0x3000  }
0x41: {  	[tilespmem:s21], [sflag:$0x1] =	stream.indirect_vreg.gather [hbm4b:s13+s3], $0x80, v2, vm0, $0xb8;
	[tilespmem:$0x18800] =	vst v63  }
0x42: {  	s22 =	simm.s32 $0x3800  }
0x43: {  	[tilespmem:s22], [sflag:$0x1] =	stream.indirect_vreg.gather [hbm4b:s14+s3], $0x80, v2, vm0, $0xb8;
	[tilespmem:$0x18800] =	vst v63  }
0x44: {  	s23 =	simm.s32 $0x4000  }
0x45: {  	[tilespmem:s23], [sflag:$0x1] =	stream.indirect_vreg.gather [hbm4b:s15+s3], $0x80, v2, vm0, $0xb8;
	[tilespmem:$0x18800] =	vst v63  }
0x46: {  	s24 =	rddreg [dreg:$0x1f];
	s19 =	simm.s32 $0x8800  }
0x47: {  	[tilespmem:s19], [sflag:$0x1] =	stream.linear.gather [hbm4b:s24+s3], $0x4000, $0x38;
	[tilespmem:$0x18800] =	vst v63  }
0x48: {  	v2 =	vld.msk [tilespmem:$0x80], $0xff;
	_ =	sdelay $0x4  }
0x49: {  	v3 =	vshll.u32 v2, $0x4  }
0x4a: {  	v2 =	vand.u32 $0x7, v2;
	v3 =	vand.u32 $0xFFFFFF80, v3  }
0x4b: {  	v2 =	vor.u32 v2, v3  }
0x4c: {  	v2 =	vperm.xlane v2, v0;
	_ =	sdelay $0x1  }
0x4d: {  	v2 =	vadd.s32 v1, v2;
	_ =	sdelay $0x4  }
0x4e: {  	[tilespmem:s26], [sflag:$0x1] =	stream.indirect_vreg.gather [hbm4b:s1+s3], $0x80, v2, vm0, $0xb8;
	[tilespmem:$0x18800] =	vst v63  }
0x4f: {  	_ = 	snop  }
0x50: {  	[tilespmem:s28], [sflag:$0x1] =	stream.indirect_vreg.gather [hbm4b:s9+s3], $0x80, v2, vm0, $0xb8;
	[tilespmem:$0x18800] =	vst v63  }
0x51: {  	_ = 	snop  }
0x52: {  	[tilespmem:s29], [sflag:$0x1] =	stream.indirect_vreg.gather [hbm4b:s10+s3], $0x80, v2, vm0, $0xb8;
	[tilespmem:$0x18800] =	vst v63  }
0x53: {  	_ = 	snop  }
0x54: {  	[tilespmem:s30], [sflag:$0x1] =	stream.indirect_vreg.gather [hbm4b:s11+s3], $0x80, v2, vm0, $0xb8;
	[tilespmem:$0x18800] =	vst v63  }
0x55: {  	_ = 	snop  }
0x56: {  	[tilespmem:s31], [sflag:$0x1] =	stream.indirect_vreg.gather [hbm4b:s12+s3], $0x80, v2, vm0, $0xb8;
	[tilespmem:$0x18800] =	vst v63  }
0x57: {  	_ = 	snop  }
0x58: {  	[tilespmem:s0], [sflag:$0x1] =	stream.indirect_vreg.gather [hbm4b:s13+s3], $0x80, v2, vm0, $0xb8;
	[tilespmem:$0x18800] =	vst v63  }
0x59: {  	_ = 	snop  }
0x5a: {  	[tilespmem:s2], [sflag:$0x1] =	stream.indirect_vreg.gather [hbm4b:s14+s3], $0x80, v2, vm0, $0xb8;
	[tilespmem:$0x18800] =	vst v63  }
0x5b: {  	_ = 	snop  }
0x5c: {  	[tilespmem:s4], [sflag:$0x1] =	stream.indirect_vreg.gather [hbm4b:s15+s3], $0x80, v2, vm0, $0xb8;
	[tilespmem:$0x18800] =	vst v63  }
0x5d: {  	s25 =	rddreg [dreg:$0x5]  }
0x5e: {  	[tilespmem:s5], [sflag:$0x1] =	stream.linear.gather [hbm4b:s25+s3], $0x4000, $0x38;
	[tilespmem:$0x18800] =	vst v63  }
0x5f: {  	_ =	swait.ge [sflag:s6], $0x4000  }
0x60: {  	[sflag:s6] =	ssyncset.done $0x0  }
0x61: {  	[sflag:s6] =	ssyncadd.s32 $0xFFFFC000  }
0x62: {  	_ =	swait.ge [sflag:s6], $0x4000  }
0x63: {  	[sflag:s6] =	ssyncset.done $0x0  }
0x64: {  	s18 =	simm.s32 $0x0;
	[sflag:s6] =	ssyncadd.s32 $0xFFFFC000  }
.LBB2_2:
0x65: {  	s19 =	simm.s32 $0x0  }
0x66: {  	s20 =	sand.u32 $0x78, s19  }
0x67: {  	s20 =	sadd.s32 s18, s20  }
0x68: {  	s19 =	sand.u32 $0x70, s19;
	s20 =	sshll.u32 s20, $0x7  }
0x69: {  	s19 =	sor.u32 s19, s20  }
0x6a: {  	v3 =	vld [tilespmem:s19+$0x8800]  }
0x6b: {  	s25 =	simm.s32 $0x1;
	v5 =	vld [tilespmem:s19+$0x800]  }
0x6c: {  	s20 =	sand.u32 $0x78, s25  }
0x6d: {  	s21 =	simm.s32 $0x10;
	s20 =	sadd.s32 s18, s20  }
0x6e: {  	s22 =	sand.u32 $0x70, s21;
	s20 =	sshll.u32 s20, $0x7  }
0x6f: {  	s20 =	sor.u32 s22, s20  }
0x70: {  	v2 =	vld [tilespmem:s20+$0x8800];
	v4 =	vmul.f32 $8.000000110e-01, v3;
	v5 =	vmul.f32 $2.000000030e-01, v5  }
0x71: {  	s22 =	simm.s32 $0x2;
	v3 =	vld [tilespmem:s20+$0x800]  }
.LBB2_3:
0x72: {  	s23 =	sand.u32 $0x78, s22;
	s21 =	sadd.s32 $0x10, s21;
	v4 =	vadd.f32 v5, v4;
	p0 =	sne.s32 s22, $0x7F  }
.Ltmp0:
0x73: {  	s22 =	sadd.s32 $0x1, s22;
	s23 =	sadd.s32 s18, s23;
	(pc) =	sbr.rel @p0 .LBB2_3-.Ltmp0, $4  }
0x74: {  	s24 =	sand.u32 $0x70, s21;
	s23 =	sshll.u32 s23, $0x7;
	[tilespmem:s19+$0x10800] =	vst v4;
	s19 =	smov.u32 s20  }
0x75: {  	s20 =	sor.u32 s24, s23  }
0x76: {  	v4 =	vmul.f32 $8.000000110e-01, v2;
	v2 =	vld [tilespmem:s20+$0x8800];
	v5 =	vmul.f32 $2.000000030e-01, v3  }
0x77: {  	v3 =	vld [tilespmem:s20+$0x800]  }
0x78: {  	_ =	sdelay $0x1  }
0x79: {  	s18 =	sadd.s32 $0x1, s18  }
0x7a: {  	p0 =	sne.s32 s18, $0x8  }
.Ltmp1:
0x7b: {  	v2 =	vmul.f32 $8.000000110e-01, v2;
	v3 =	vmul.f32 $2.000000030e-01, v3;
	(pc) =	sbr.rel @p0 .LBB2_2-.Ltmp1, $4  }
0x7c: {  	v4 =	vadd.f32 v5, v4  }
0x7d: {  	v2 =	vadd.f32 v3, v2  }
0x7e: {  	[tilespmem:s19+$0x10800] =	vst v4  }
0x7f: {  	[tilespmem:s20+$0x10800] =	vst v2  }
0x80: {  	s19 =	sld [smem:$0x7F8];
	_ =	sdelay $0x1  }
0x81: {  	s18 =	simm.s32 $0x0  }
0x82: {  	[hbm4b:s19+s18] =	stream.linear.scatter [tilespmem:s7], [sflag:$0x2], $0x4000, $0x38;
	[tilespmem:$0x18800] =	vst v63  }
0x83: {  	v2 =	vld.msk [tilespmem:$0x100], $0xff;
	_ =	sdelay $0x4  }
0x84: {  	v3 =	vshll.u32 v2, $0x4  }
0x85: {  	v2 =	vand.u32 $0x7, v2;
	v3 =	vand.u32 $0xFFFFFF80, v3  }
0x86: {  	v2 =	vor.u32 v2, v3  }
0x87: {  	v2 =	vperm.xlane v2, v0;
	_ =	sdelay $0x1  }
0x88: {  	v2 =	vadd.s32 v1, v2;
	_ =	sdelay $0x3  }
0x89: {  	s23 =	simm.s32 $0x800  }
0x8a: {  	[tilespmem:s23], [sflag:$0x1] =	stream.indirect_vreg.gather [hbm4b:s1+s18], $0x80, v2, vm0, $0xb8;
	[tilespmem:$0x18800] =	vst v63  }
0x8b: {  	s24 =	simm.s32 $0x1000  }
0x8c: {  	[tilespmem:s24], [sflag:$0x1] =	stream.indirect_vreg.gather [hbm4b:s9+s18], $0x80, v2, vm0, $0xb8;
	[tilespmem:$0x18800] =	vst v63  }
0x8d: {  	s25 =	simm.s32 $0x1800  }
0x8e: {  	[tilespmem:s25], [sflag:$0x1] =	stream.indirect_vreg.gather [hbm4b:s10+s18], $0x80, v2, vm0, $0xb8;
	[tilespmem:$0x18800] =	vst v63  }
0x8f: {  	s20 =	simm.s32 $0x2000  }
0x90: {  	[tilespmem:s20], [sflag:$0x1] =	stream.indirect_vreg.gather [hbm4b:s11+s18], $0x80, v2, vm0, $0xb8;
	[tilespmem:$0x18800] =	vst v63  }
0x91: {  	s21 =	simm.s32 $0x2800  }
0x92: {  	[tilespmem:s21], [sflag:$0x1] =	stream.indirect_vreg.gather [hbm4b:s12+s18], $0x80, v2, vm0, $0xb8;
	[tilespmem:$0x18800] =	vst v63  }
0x93: {  	s22 =	simm.s32 $0x3000  }
0x94: {  	[tilespmem:s22], [sflag:$0x1] =	stream.indirect_vreg.gather [hbm4b:s13+s18], $0x80, v2, vm0, $0xb8;
	[tilespmem:$0x18800] =	vst v63  }
0x95: {  	s23 =	simm.s32 $0x3800  }
0x96: {  	[tilespmem:s23], [sflag:$0x1] =	stream.indirect_vreg.gather [hbm4b:s14+s18], $0x80, v2, vm0, $0xb8;
	[tilespmem:$0x18800] =	vst v63  }
0x97: {  	s24 =	simm.s32 $0x4000  }
0x98: {  	[tilespmem:s24], [sflag:$0x1] =	stream.indirect_vreg.gather [hbm4b:s15+s18], $0x80, v2, vm0, $0xb8;
	[tilespmem:$0x18800] =	vst v63  }
0x99: {  	s25 =	rddreg [dreg:$0x6];
	s20 =	simm.s32 $0x8800  }
0x9a: {  	[tilespmem:s20], [sflag:$0x1] =	stream.linear.gather [hbm4b:s25+s18], $0x4000, $0x38;
	[tilespmem:$0x18800] =	vst v63  }
0x9b: {  	_ =	swait.ge [sflag:s6], $0x4000  }
0x9c: {  	[sflag:s6] =	ssyncset.done $0x0  }
0x9d: {  	[sflag:s6] =	ssyncadd.s32 $0xFFFFC000  }
0x9e: {  	_ =	swait.ge [sflag:s6], $0x4000  }
0x9f: {  	[sflag:s6] =	ssyncset.done $0x0  }
0xa0: {  	s19 =	simm.s32 $0x0;
	[sflag:s6] =	ssyncadd.s32 $0xFFFFC000  }
.LBB2_6:
0xa1: {  	s20 =	sand.u32 $0x78, s18  }
0xa2: {  	s20 =	sadd.s32 s19, s20  }
0xa3: {  	s21 =	sand.u32 $0x70, s18;
	s20 =	sshll.u32 s20, $0x7  }
0xa4: {  	s20 =	sor.u32 s21, s20  }
0xa5: {  	v3 =	vld [tilespmem:s20+$0xC800]  }
0xa6: {  	s25 =	simm.s32 $0x1;
	v5 =	vld [tilespmem:s20+$0x4800]  }
0xa7: {  	s21 =	sand.u32 $0x78, s25  }
0xa8: {  	s22 =	simm.s32 $0x10;
	s21 =	sadd.s32 s19, s21  }
0xa9: {  	s23 =	sand.u32 $0x70, s22;
	s21 =	sshll.u32 s21, $0x7  }
0xaa: {  	s21 =	sor.u32 s23, s21  }
0xab: {  	v2 =	vld [tilespmem:s21+$0xC800];
	v4 =	vmul.f32 $8.000000110e-01, v3;
	v5 =	vmul.f32 $2.000000030e-01, v5  }
0xac: {  	s23 =	simm.s32 $0x2;
	v3 =	vld [tilespmem:s21+$0x4800]  }
.LBB2_7:
0xad: {  	s24 =	sand.u32 $0x78, s23;
	s22 =	sadd.s32 $0x10, s22;
	v4 =	vadd.f32 v5, v4;
	p0 =	sne.s32 s23, $0x7F  }
.Ltmp2:
0xae: {  	s23 =	sadd.s32 $0x1, s23;
	s24 =	sadd.s32 s19, s24;
	(pc) =	sbr.rel @p0 .LBB2_7-.Ltmp2, $4  }
0xaf: {  	s25 =	sand.u32 $0x70, s22;
	s24 =	sshll.u32 s24, $0x7;
	[tilespmem:s20+$0x14800] =	vst v4;
	s20 =	smov.u32 s21  }
0xb0: {  	s21 =	sor.u32 s25, s24  }
0xb1: {  	v4 =	vmul.f32 $8.000000110e-01, v2;
	v2 =	vld [tilespmem:s21+$0xC800];
	v5 =	vmul.f32 $2.000000030e-01, v3  }
0xb2: {  	v3 =	vld [tilespmem:s21+$0x4800]  }
0xb3: {  	_ =	sdelay $0x1  }
0xb4: {  	s19 =	sadd.s32 $0x1, s19  }
0xb5: {  	p0 =	sne.s32 s19, $0x8  }
.Ltmp3:
0xb6: {  	v2 =	vmul.f32 $8.000000110e-01, v2;
	v3 =	vmul.f32 $2.000000030e-01, v3;
	(pc) =	sbr.rel @p0 .LBB2_6-.Ltmp3, $4  }
0xb7: {  	v4 =	vadd.f32 v5, v4  }
0xb8: {  	v2 =	vadd.f32 v3, v2  }
0xb9: {  	[tilespmem:s20+$0x14800] =	vst v4  }
0xba: {  	[tilespmem:s21+$0x14800] =	vst v2  }
0xbb: {  	s18 =	simm.s32 $0x0;
	s19 =	rddreg [dreg:$0x7]  }
0xbc: {  	[hbm4b:s19+s18] =	stream.linear.scatter [tilespmem:s8], [sflag:$0x2], $0x4000, $0x38;
	[tilespmem:$0x18800] =	vst v63  }
0xbd: {  	v2 =	vld.msk [tilespmem:$0x180], $0xff;
	_ =	sdelay $0x4  }
0xbe: {  	v3 =	vshll.u32 v2, $0x4  }
0xbf: {  	v2 =	vand.u32 $0x7, v2;
	v3 =	vand.u32 $0xFFFFFF80, v3  }
0xc0: {  	v2 =	vor.u32 v2, v3  }
0xc1: {  	v2 =	vperm.xlane v2, v0;
	_ =	sdelay $0x1  }
0xc2: {  	v2 =	vadd.s32 v1, v2;
	_ =	sdelay $0x4  }
0xc3: {  	[tilespmem:s26], [sflag:$0x1] =	stream.indirect_vreg.gather [hbm4b:s1+s18], $0x80, v2, vm0, $0xb8;
	[tilespmem:$0x18800] =	vst v63  }
0xc4: {  	_ = 	snop  }
0xc5: {  	[tilespmem:s28], [sflag:$0x1] =	stream.indirect_vreg.gather [hbm4b:s9+s18], $0x80, v2, vm0, $0xb8;
	[tilespmem:$0x18800] =	vst v63  }
0xc6: {  	_ = 	snop  }
0xc7: {  	[tilespmem:s29], [sflag:$0x1] =	stream.indirect_vreg.gather [hbm4b:s10+s18], $0x80, v2, vm0, $0xb8;
	[tilespmem:$0x18800] =	vst v63  }
0xc8: {  	_ = 	snop  }
0xc9: {  	[tilespmem:s30], [sflag:$0x1] =	stream.indirect_vreg.gather [hbm4b:s11+s18], $0x80, v2, vm0, $0xb8;
	[tilespmem:$0x18800] =	vst v63  }
0xca: {  	_ = 	snop  }
0xcb: {  	[tilespmem:s31], [sflag:$0x1] =	stream.indirect_vreg.gather [hbm4b:s12+s18], $0x80, v2, vm0, $0xb8;
	[tilespmem:$0x18800] =	vst v63  }
0xcc: {  	_ = 	snop  }
0xcd: {  	[tilespmem:s0], [sflag:$0x1] =	stream.indirect_vreg.gather [hbm4b:s13+s18], $0x80, v2, vm0, $0xb8;
	[tilespmem:$0x18800] =	vst v63  }
0xce: {  	_ = 	snop  }
0xcf: {  	[tilespmem:s2], [sflag:$0x1] =	stream.indirect_vreg.gather [hbm4b:s14+s18], $0x80, v2, vm0, $0xb8;
	[tilespmem:$0x18800] =	vst v63  }
0xd0: {  	_ = 	snop  }
0xd1: {  	[tilespmem:s4], [sflag:$0x1] =	stream.indirect_vreg.gather [hbm4b:s15+s18], $0x80, v2, vm0, $0xb8;
	[tilespmem:$0x18800] =	vst v63  }
0xd2: {  	s25 =	rddreg [dreg:$0x8]  }
0xd3: {  	[tilespmem:s5], [sflag:$0x1] =	stream.linear.gather [hbm4b:s25+s18], $0x4000, $0x38;
	[tilespmem:$0x18800] =	vst v63  }
0xd4: {  	_ =	swait.ge [sflag:s6], $0x4000  }
0xd5: {  	[sflag:s6] =	ssyncset.done $0x0  }
0xd6: {  	[sflag:s6] =	ssyncadd.s32 $0xFFFFC000  }
0xd7: {  	_ =	swait.ge [sflag:s6], $0x4000  }
0xd8: {  	[sflag:s6] =	ssyncset.done $0x0  }
0xd9: {  	[sflag:s6] =	ssyncadd.s32 $0xFFFFC000  }
0xda: {  	_ =	swait.ge [sflag:s16], $0x4000  }
0xdb: {  	[sflag:s16] =	ssyncset.done $0x0  }
0xdc: {  	s19 =	simm.s32 $0x0;
	[sflag:s16] =	ssyncadd.s32 $0xFFFFC000  }
.LBB2_10:
0xdd: {  	s20 =	sand.u32 $0x78, s18  }
0xde: {  	s20 =	sadd.s32 s19, s20  }
0xdf: {  	s21 =	sand.u32 $0x70, s18;
	s20 =	sshll.u32 s20, $0x7  }
0xe0: {  	s20 =	sor.u32 s21, s20  }
0xe1: {  	v3 =	vld [tilespmem:s20+$0x8800]  }
0xe2: {  	s25 =	simm.s32 $0x1;
	v5 =	vld [tilespmem:s20+$0x800]  }
0xe3: {  	s21 =	sand.u32 $0x78, s25  }
0xe4: {  	s22 =	simm.s32 $0x10;
	s21 =	sadd.s32 s19, s21  }
0xe5: {  	s23 =	sand.u32 $0x70, s22;
	s21 =	sshll.u32 s21, $0x7  }
0xe6: {  	s21 =	sor.u32 s23, s21  }
0xe7: {  	v2 =	vld [tilespmem:s21+$0x8800];
	v4 =	vmul.f32 $8.000000110e-01, v3;
	v5 =	vmul.f32 $2.000000030e-01, v5  }
0xe8: {  	s23 =	simm.s32 $0x2;
	v3 =	vld [tilespmem:s21+$0x800]  }
.LBB2_11:
0xe9: {  	s24 =	sand.u32 $0x78, s23;
	s22 =	sadd.s32 $0x10, s22;
	v4 =	vadd.f32 v5, v4;
	p0 =	sne.s32 s23, $0x7F  }
.Ltmp4:
0xea: {  	s23 =	sadd.s32 $0x1, s23;
	s24 =	sadd.s32 s19, s24;
	(pc) =	sbr.rel @p0 .LBB2_11-.Ltmp4, $4  }
0xeb: {  	s25 =	sand.u32 $0x70, s22;
	s24 =	sshll.u32 s24, $0x7;
	[tilespmem:s20+$0x10800] =	vst v4;
	s20 =	smov.u32 s21  }
0xec: {  	s21 =	sor.u32 s25, s24  }
0xed: {  	v4 =	vmul.f32 $8.000000110e-01, v2;
	v2 =	vld [tilespmem:s21+$0x8800];
	v5 =	vmul.f32 $2.000000030e-01, v3  }
0xee: {  	v3 =	vld [tilespmem:s21+$0x800]  }
0xef: {  	_ =	sdelay $0x1  }
0xf0: {  	s19 =	sadd.s32 $0x1, s19  }
0xf1: {  	p0 =	sne.s32 s19, $0x8  }
.Ltmp5:
0xf2: {  	v2 =	vmul.f32 $8.000000110e-01, v2;
	v3 =	vmul.f32 $2.000000030e-01, v3;
	(pc) =	sbr.rel @p0 .LBB2_10-.Ltmp5, $4  }
0xf3: {  	v4 =	vadd.f32 v5, v4  }
0xf4: {  	v2 =	vadd.f32 v3, v2  }
0xf5: {  	[tilespmem:s20+$0x10800] =	vst v4  }
0xf6: {  	[tilespmem:s21+$0x10800] =	vst v2  }
0xf7: {  	s18 =	simm.s32 $0x0;
	s19 =	rddreg [dreg:$0x9]  }
0xf8: {  	[hbm4b:s19+s18] =	stream.linear.scatter [tilespmem:s7], [sflag:$0x2], $0x4000, $0x38;
	[tilespmem:$0x18800] =	vst v63  }
0xf9: {  	v2 =	vld.msk [tilespmem:$0x200], $0xff;
	_ =	sdelay $0x4  }
0xfa: {  	v3 =	vshll.u32 v2, $0x4  }
0xfb: {  	v2 =	vand.u32 $0x7, v2;
	v3 =	vand.u32 $0xFFFFFF80, v3  }
0xfc: {  	v2 =	vor.u32 v2, v3  }
0xfd: {  	v2 =	vperm.xlane v2, v0;
	_ =	sdelay $0x1  }
0xfe: {  	v2 =	vadd.s32 v1, v2;
	_ =	sdelay $0x3  }
0xff: {  	s23 =	simm.s32 $0x800  }
0x100: {  	[tilespmem:s23], [sflag:$0x1] =	stream.indirect_vreg.gather [hbm4b:s1+s18], $0x80, v2, vm0, $0xb8;
	[tilespmem:$0x18800] =	vst v63  }
0x101: {  	s24 =	simm.s32 $0x1000  }
0x102: {  	[tilespmem:s24], [sflag:$0x1] =	stream.indirect_vreg.gather [hbm4b:s9+s18], $0x80, v2, vm0, $0xb8;
	[tilespmem:$0x18800] =	vst v63  }
0x103: {  	s25 =	simm.s32 $0x1800  }
0x104: {  	[tilespmem:s25], [sflag:$0x1] =	stream.indirect_vreg.gather [hbm4b:s10+s18], $0x80, v2, vm0, $0xb8;
	[tilespmem:$0x18800] =	vst v63  }
0x105: {  	s20 =	simm.s32 $0x2000  }
0x106: {  	[tilespmem:s20], [sflag:$0x1] =	stream.indirect_vreg.gather [hbm4b:s11+s18], $0x80, v2, vm0, $0xb8;
	[tilespmem:$0x18800] =	vst v63  }
0x107: {  	s21 =	simm.s32 $0x2800  }
0x108: {  	[tilespmem:s21], [sflag:$0x1] =	stream.indirect_vreg.gather [hbm4b:s12+s18], $0x80, v2, vm0, $0xb8;
	[tilespmem:$0x18800] =	vst v63  }
0x109: {  	s22 =	simm.s32 $0x3000  }
0x10a: {  	[tilespmem:s22], [sflag:$0x1] =	stream.indirect_vreg.gather [hbm4b:s13+s18], $0x80, v2, vm0, $0xb8;
	[tilespmem:$0x18800] =	vst v63  }
0x10b: {  	s23 =	simm.s32 $0x3800  }
0x10c: {  	[tilespmem:s23], [sflag:$0x1] =	stream.indirect_vreg.gather [hbm4b:s14+s18], $0x80, v2, vm0, $0xb8;
	[tilespmem:$0x18800] =	vst v63  }
0x10d: {  	s24 =	simm.s32 $0x4000  }
0x10e: {  	[tilespmem:s24], [sflag:$0x1] =	stream.indirect_vreg.gather [hbm4b:s15+s18], $0x80, v2, vm0, $0xb8;
	[tilespmem:$0x18800] =	vst v63  }
0x10f: {  	s25 =	rddreg [dreg:$0xa];
	s20 =	simm.s32 $0x8800  }
0x110: {  	[tilespmem:s20], [sflag:$0x1] =	stream.linear.gather [hbm4b:s25+s18], $0x4000, $0x38;
	[tilespmem:$0x18800] =	vst v63  }
0x111: {  	_ =	swait.ge [sflag:s6], $0x4000  }
0x112: {  	[sflag:s6] =	ssyncset.done $0x0  }
0x113: {  	[sflag:s6] =	ssyncadd.s32 $0xFFFFC000  }
0x114: {  	_ =	swait.ge [sflag:s6], $0x4000  }
0x115: {  	[sflag:s6] =	ssyncset.done $0x0  }
0x116: {  	[sflag:s6] =	ssyncadd.s32 $0xFFFFC000  }
0x117: {  	_ =	swait.ge [sflag:s16], $0x4000  }
0x118: {  	[sflag:s16] =	ssyncset.done $0x0  }
0x119: {  	s19 =	simm.s32 $0x0;
	[sflag:s16] =	ssyncadd.s32 $0xFFFFC000  }
.LBB2_14:
0x11a: {  	s20 =	sand.u32 $0x78, s18  }
0x11b: {  	s20 =	sadd.s32 s19, s20  }
0x11c: {  	s21 =	sand.u32 $0x70, s18;
	s20 =	sshll.u32 s20, $0x7  }
0x11d: {  	s20 =	sor.u32 s21, s20  }
0x11e: {  	v3 =	vld [tilespmem:s20+$0xC800]  }
0x11f: {  	s25 =	simm.s32 $0x1;
	v5 =	vld [tilespmem:s20+$0x4800]  }
0x120: {  	s21 =	sand.u32 $0x78, s25  }
0x121: {  	s22 =	simm.s32 $0x10;
	s21 =	sadd.s32 s19, s21  }
0x122: {  	s23 =	sand.u32 $0x70, s22;
	s21 =	sshll.u32 s21, $0x7  }
0x123: {  	s21 =	sor.u32 s23, s21  }
0x124: {  	v2 =	vld [tilespmem:s21+$0xC800];
	v4 =	vmul.f32 $8.000000110e-01, v3;
	v5 =	vmul.f32 $2.000000030e-01, v5  }
0x125: {  	s23 =	simm.s32 $0x2;
	v3 =	vld [tilespmem:s21+$0x4800]  }
.LBB2_15:
0x126: {  	s24 =	sand.u32 $0x78, s23;
	s22 =	sadd.s32 $0x10, s22;
	v4 =	vadd.f32 v5, v4;
	p0 =	sne.s32 s23, $0x7F  }
.Ltmp6:
0x127: {  	s23 =	sadd.s32 $0x1, s23;
	s24 =	sadd.s32 s19, s24;
	(pc) =	sbr.rel @p0 .LBB2_15-.Ltmp6, $4  }
0x128: {  	s25 =	sand.u32 $0x70, s22;
	s24 =	sshll.u32 s24, $0x7;
	[tilespmem:s20+$0x14800] =	vst v4;
	s20 =	smov.u32 s21  }
0x129: {  	s21 =	sor.u32 s25, s24  }
0x12a: {  	v4 =	vmul.f32 $8.000000110e-01, v2;
	v2 =	vld [tilespmem:s21+$0xC800];
	v5 =	vmul.f32 $2.000000030e-01, v3  }
0x12b: {  	v3 =	vld [tilespmem:s21+$0x4800]  }
0x12c: {  	_ =	sdelay $0x1  }
0x12d: {  	s19 =	sadd.s32 $0x1, s19  }
0x12e: {  	p0 =	sne.s32 s19, $0x8  }
.Ltmp7:
0x12f: {  	v2 =	vmul.f32 $8.000000110e-01, v2;
	v3 =	vmul.f32 $2.000000030e-01, v3;
	(pc) =	sbr.rel @p0 .LBB2_14-.Ltmp7, $4  }
0x130: {  	v4 =	vadd.f32 v5, v4  }
0x131: {  	v2 =	vadd.f32 v3, v2  }
0x132: {  	[tilespmem:s20+$0x14800] =	vst v4  }
0x133: {  	[tilespmem:s21+$0x14800] =	vst v2  }
0x134: {  	s18 =	simm.s32 $0x0;
	s19 =	rddreg [dreg:$0xb]  }
0x135: {  	[hbm4b:s19+s18] =	stream.linear.scatter [tilespmem:s8], [sflag:$0x2], $0x4000, $0x38;
	[tilespmem:$0x18800] =	vst v63  }
0x136: {  	v2 =	vld.msk [tilespmem:$0x280], $0xff;
	_ =	sdelay $0x4  }
0x137: {  	v3 =	vshll.u32 v2, $0x4  }
0x138: {  	v2 =	vand.u32 $0x7, v2;
	v3 =	vand.u32 $0xFFFFFF80, v3  }
0x139: {  	v2 =	vor.u32 v2, v3  }
0x13a: {  	v2 =	vperm.xlane v2, v0;
	_ =	sdelay $0x1  }
0x13b: {  	v2 =	vadd.s32 v1, v2;
	_ =	sdelay $0x4  }
0x13c: {  	[tilespmem:s26], [sflag:$0x1] =	stream.indirect_vreg.gather [hbm4b:s1+s18], $0x80, v2, vm0, $0xb8;
	[tilespmem:$0x18800] =	vst v63  }
0x13d: {  	_ = 	snop  }
0x13e: {  	[tilespmem:s28], [sflag:$0x1] =	stream.indirect_vreg.gather [hbm4b:s9+s18], $0x80, v2, vm0, $0xb8;
	[tilespmem:$0x18800] =	vst v63  }
0x13f: {  	_ = 	snop  }
0x140: {  	[tilespmem:s29], [sflag:$0x1] =	stream.indirect_vreg.gather [hbm4b:s10+s18], $0x80, v2, vm0, $0xb8;
	[tilespmem:$0x18800] =	vst v63  }
0x141: {  	_ = 	snop  }
0x142: {  	[tilespmem:s30], [sflag:$0x1] =	stream.indirect_vreg.gather [hbm4b:s11+s18], $0x80, v2, vm0, $0xb8;
	[tilespmem:$0x18800] =	vst v63  }
0x143: {  	_ = 	snop  }
0x144: {  	[tilespmem:s31], [sflag:$0x1] =	stream.indirect_vreg.gather [hbm4b:s12+s18], $0x80, v2, vm0, $0xb8;
	[tilespmem:$0x18800] =	vst v63  }
0x145: {  	_ = 	snop  }
0x146: {  	[tilespmem:s0], [sflag:$0x1] =	stream.indirect_vreg.gather [hbm4b:s13+s18], $0x80, v2, vm0, $0xb8;
	[tilespmem:$0x18800] =	vst v63  }
0x147: {  	_ = 	snop  }
0x148: {  	[tilespmem:s2], [sflag:$0x1] =	stream.indirect_vreg.gather [hbm4b:s14+s18], $0x80, v2, vm0, $0xb8;
	[tilespmem:$0x18800] =	vst v63  }
0x149: {  	_ = 	snop  }
0x14a: {  	[tilespmem:s4], [sflag:$0x1] =	stream.indirect_vreg.gather [hbm4b:s15+s18], $0x80, v2, vm0, $0xb8;
	[tilespmem:$0x18800] =	vst v63  }
0x14b: {  	s25 =	rddreg [dreg:$0xc]  }
0x14c: {  	[tilespmem:s5], [sflag:$0x1] =	stream.linear.gather [hbm4b:s25+s18], $0x4000, $0x38;
	[tilespmem:$0x18800] =	vst v63  }
0x14d: {  	_ =	swait.ge [sflag:s6], $0x4000  }
0x14e: {  	[sflag:s6] =	ssyncset.done $0x0  }
0x14f: {  	[sflag:s6] =	ssyncadd.s32 $0xFFFFC000  }
0x150: {  	_ =	swait.ge [sflag:s6], $0x4000  }
0x151: {  	[sflag:s6] =	ssyncset.done $0x0  }
0x152: {  	[sflag:s6] =	ssyncadd.s32 $0xFFFFC000  }
0x153: {  	_ =	swait.ge [sflag:s16], $0x4000  }
0x154: {  	[sflag:s16] =	ssyncset.done $0x0  }
0x155: {  	s19 =	simm.s32 $0x0;
	[sflag:s16] =	ssyncadd.s32 $0xFFFFC000  }
.LBB2_18:
0x156: {  	s20 =	sand.u32 $0x78, s18  }
0x157: {  	s20 =	sadd.s32 s19, s20  }
0x158: {  	s21 =	sand.u32 $0x70, s18;
	s20 =	sshll.u32 s20, $0x7  }
0x159: {  	s20 =	sor.u32 s21, s20  }
0x15a: {  	v3 =	vld [tilespmem:s20+$0x8800]  }
0x15b: {  	s25 =	simm.s32 $0x1;
	v5 =	vld [tilespmem:s20+$0x800]  }
0x15c: {  	s21 =	sand.u32 $0x78, s25  }
0x15d: {  	s22 =	simm.s32 $0x10;
	s21 =	sadd.s32 s19, s21  }
0x15e: {  	s23 =	sand.u32 $0x70, s22;
	s21 =	sshll.u32 s21, $0x7  }
0x15f: {  	s21 =	sor.u32 s23, s21  }
0x160: {  	v2 =	vld [tilespmem:s21+$0x8800];
	v4 =	vmul.f32 $8.000000110e-01, v3;
	v5 =	vmul.f32 $2.000000030e-01, v5  }
0x161: {  	s23 =	simm.s32 $0x2;
	v3 =	vld [tilespmem:s21+$0x800]  }
.LBB2_19:
0x162: {  	s24 =	sand.u32 $0x78, s23;
	s22 =	sadd.s32 $0x10, s22;
	v4 =	vadd.f32 v5, v4;
	p0 =	sne.s32 s23, $0x7F  }
.Ltmp8:
0x163: {  	s23 =	sadd.s32 $0x1, s23;
	s24 =	sadd.s32 s19, s24;
	(pc) =	sbr.rel @p0 .LBB2_19-.Ltmp8, $4  }
0x164: {  	s25 =	sand.u32 $0x70, s22;
	s24 =	sshll.u32 s24, $0x7;
	[tilespmem:s20+$0x10800] =	vst v4;
	s20 =	smov.u32 s21  }
0x165: {  	s21 =	sor.u32 s25, s24  }
0x166: {  	v4 =	vmul.f32 $8.000000110e-01, v2;
	v2 =	vld [tilespmem:s21+$0x8800];
	v5 =	vmul.f32 $2.000000030e-01, v3  }
0x167: {  	v3 =	vld [tilespmem:s21+$0x800]  }
0x168: {  	_ =	sdelay $0x1  }
0x169: {  	s19 =	sadd.s32 $0x1, s19  }
0x16a: {  	p0 =	sne.s32 s19, $0x8  }
.Ltmp9:
0x16b: {  	v2 =	vmul.f32 $8.000000110e-01, v2;
	v3 =	vmul.f32 $2.000000030e-01, v3;
	(pc) =	sbr.rel @p0 .LBB2_18-.Ltmp9, $4  }
0x16c: {  	v4 =	vadd.f32 v5, v4  }
0x16d: {  	v2 =	vadd.f32 v3, v2  }
0x16e: {  	[tilespmem:s20+$0x10800] =	vst v4  }
0x16f: {  	[tilespmem:s21+$0x10800] =	vst v2  }
0x170: {  	s18 =	simm.s32 $0x0;
	s19 =	rddreg [dreg:$0xd]  }
0x171: {  	[hbm4b:s19+s18] =	stream.linear.scatter [tilespmem:s7], [sflag:$0x2], $0x4000, $0x38;
	[tilespmem:$0x18800] =	vst v63  }
0x172: {  	v2 =	vld.msk [tilespmem:$0x300], $0xff;
	_ =	sdelay $0x4  }
0x173: {  	v3 =	vshll.u32 v2, $0x4  }
0x174: {  	v2 =	vand.u32 $0x7, v2;
	v3 =	vand.u32 $0xFFFFFF80, v3  }
0x175: {  	v2 =	vor.u32 v2, v3  }
0x176: {  	v2 =	vperm.xlane v2, v0;
	_ =	sdelay $0x1  }
0x177: {  	v2 =	vadd.s32 v1, v2;
	_ =	sdelay $0x3  }
0x178: {  	s23 =	simm.s32 $0x800  }
0x179: {  	[tilespmem:s23], [sflag:$0x1] =	stream.indirect_vreg.gather [hbm4b:s1+s18], $0x80, v2, vm0, $0xb8;
	[tilespmem:$0x18800] =	vst v63  }
0x17a: {  	s24 =	simm.s32 $0x1000  }
0x17b: {  	[tilespmem:s24], [sflag:$0x1] =	stream.indirect_vreg.gather [hbm4b:s9+s18], $0x80, v2, vm0, $0xb8;
	[tilespmem:$0x18800] =	vst v63  }
0x17c: {  	s25 =	simm.s32 $0x1800  }
0x17d: {  	[tilespmem:s25], [sflag:$0x1] =	stream.indirect_vreg.gather [hbm4b:s10+s18], $0x80, v2, vm0, $0xb8;
	[tilespmem:$0x18800] =	vst v63  }
0x17e: {  	s20 =	simm.s32 $0x2000  }
0x17f: {  	[tilespmem:s20], [sflag:$0x1] =	stream.indirect_vreg.gather [hbm4b:s11+s18], $0x80, v2, vm0, $0xb8;
	[tilespmem:$0x18800] =	vst v63  }
0x180: {  	s21 =	simm.s32 $0x2800  }
0x181: {  	[tilespmem:s21], [sflag:$0x1] =	stream.indirect_vreg.gather [hbm4b:s12+s18], $0x80, v2, vm0, $0xb8;
	[tilespmem:$0x18800] =	vst v63  }
0x182: {  	s22 =	simm.s32 $0x3000  }
0x183: {  	[tilespmem:s22], [sflag:$0x1] =	stream.indirect_vreg.gather [hbm4b:s13+s18], $0x80, v2, vm0, $0xb8;
	[tilespmem:$0x18800] =	vst v63  }
0x184: {  	s23 =	simm.s32 $0x3800  }
0x185: {  	[tilespmem:s23], [sflag:$0x1] =	stream.indirect_vreg.gather [hbm4b:s14+s18], $0x80, v2, vm0, $0xb8;
	[tilespmem:$0x18800] =	vst v63  }
0x186: {  	s24 =	simm.s32 $0x4000  }
0x187: {  	[tilespmem:s24], [sflag:$0x1] =	stream.indirect_vreg.gather [hbm4b:s15+s18], $0x80, v2, vm0, $0xb8;
	[tilespmem:$0x18800] =	vst v63  }
0x188: {  	s25 =	rddreg [dreg:$0xe];
	s20 =	simm.s32 $0x8800  }
0x189: {  	[tilespmem:s20], [sflag:$0x1] =	stream.linear.gather [hbm4b:s25+s18], $0x4000, $0x38;
	[tilespmem:$0x18800] =	vst v63  }
0x18a: {  	_ =	swait.ge [sflag:s6], $0x4000  }
0x18b: {  	[sflag:s6] =	ssyncset.done $0x0  }
0x18c: {  	[sflag:s6] =	ssyncadd.s32 $0xFFFFC000  }
0x18d: {  	_ =	swait.ge [sflag:s6], $0x4000  }
0x18e: {  	[sflag:s6] =	ssyncset.done $0x0  }
0x18f: {  	[sflag:s6] =	ssyncadd.s32 $0xFFFFC000  }
0x190: {  	_ =	swait.ge [sflag:s16], $0x4000  }
0x191: {  	[sflag:s16] =	ssyncset.done $0x0  }
0x192: {  	s19 =	simm.s32 $0x0;
	[sflag:s16] =	ssyncadd.s32 $0xFFFFC000  }
.LBB2_22:
0x193: {  	s20 =	sand.u32 $0x78, s18  }
0x194: {  	s20 =	sadd.s32 s19, s20  }
0x195: {  	s21 =	sand.u32 $0x70, s18;
	s20 =	sshll.u32 s20, $0x7  }
0x196: {  	s20 =	sor.u32 s21, s20  }
0x197: {  	v3 =	vld [tilespmem:s20+$0xC800]  }
0x198: {  	s25 =	simm.s32 $0x1;
	v5 =	vld [tilespmem:s20+$0x4800]  }
0x199: {  	s21 =	sand.u32 $0x78, s25  }
0x19a: {  	s22 =	simm.s32 $0x10;
	s21 =	sadd.s32 s19, s21  }
0x19b: {  	s23 =	sand.u32 $0x70, s22;
	s21 =	sshll.u32 s21, $0x7  }
0x19c: {  	s21 =	sor.u32 s23, s21  }
0x19d: {  	v2 =	vld [tilespmem:s21+$0xC800];
	v4 =	vmul.f32 $8.000000110e-01, v3;
	v5 =	vmul.f32 $2.000000030e-01, v5  }
0x19e: {  	s23 =	simm.s32 $0x2;
	v3 =	vld [tilespmem:s21+$0x4800]  }
.LBB2_23:
0x19f: {  	s24 =	sand.u32 $0x78, s23;
	s22 =	sadd.s32 $0x10, s22;
	v4 =	vadd.f32 v5, v4;
	p0 =	sne.s32 s23, $0x7F  }
.Ltmp10:
0x1a0: {  	s23 =	sadd.s32 $0x1, s23;
	s24 =	sadd.s32 s19, s24;
	(pc) =	sbr.rel @p0 .LBB2_23-.Ltmp10, $4  }
0x1a1: {  	s25 =	sand.u32 $0x70, s22;
	s24 =	sshll.u32 s24, $0x7;
	[tilespmem:s20+$0x14800] =	vst v4;
	s20 =	smov.u32 s21  }
0x1a2: {  	s21 =	sor.u32 s25, s24  }
0x1a3: {  	v4 =	vmul.f32 $8.000000110e-01, v2;
	v2 =	vld [tilespmem:s21+$0xC800];
	v5 =	vmul.f32 $2.000000030e-01, v3  }
0x1a4: {  	v3 =	vld [tilespmem:s21+$0x4800]  }
0x1a5: {  	_ =	sdelay $0x1  }
0x1a6: {  	s19 =	sadd.s32 $0x1, s19  }
0x1a7: {  	p0 =	sne.s32 s19, $0x8  }
.Ltmp11:
0x1a8: {  	v2 =	vmul.f32 $8.000000110e-01, v2;
	v3 =	vmul.f32 $2.000000030e-01, v3;
	(pc) =	sbr.rel @p0 .LBB2_22-.Ltmp11, $4  }
0x1a9: {  	v4 =	vadd.f32 v5, v4  }
0x1aa: {  	v2 =	vadd.f32 v3, v2  }
0x1ab: {  	[tilespmem:s20+$0x14800] =	vst v4  }
0x1ac: {  	[tilespmem:s21+$0x14800] =	vst v2  }
0x1ad: {  	s18 =	simm.s32 $0x0;
	s19 =	rddreg [dreg:$0xf]  }
0x1ae: {  	[hbm4b:s19+s18] =	stream.linear.scatter [tilespmem:s8], [sflag:$0x2], $0x4000, $0x38;
	[tilespmem:$0x18800] =	vst v63  }
0x1af: {  	v2 =	vld.msk [tilespmem:$0x380], $0xff;
	_ =	sdelay $0x4  }
0x1b0: {  	v3 =	vshll.u32 v2, $0x4  }
0x1b1: {  	v2 =	vand.u32 $0x7, v2;
	v3 =	vand.u32 $0xFFFFFF80, v3  }
0x1b2: {  	v2 =	vor.u32 v2, v3  }
0x1b3: {  	v2 =	vperm.xlane v2, v0;
	_ =	sdelay $0x1  }
0x1b4: {  	v2 =	vadd.s32 v1, v2;
	_ =	sdelay $0x4  }
0x1b5: {  	[tilespmem:s26], [sflag:$0x1] =	stream.indirect_vreg.gather [hbm4b:s1+s18], $0x80, v2, vm0, $0xb8;
	[tilespmem:$0x18800] =	vst v63  }
0x1b6: {  	_ = 	snop  }
0x1b7: {  	[tilespmem:s28], [sflag:$0x1] =	stream.indirect_vreg.gather [hbm4b:s9+s18], $0x80, v2, vm0, $0xb8;
	[tilespmem:$0x18800] =	vst v63  }
0x1b8: {  	_ = 	snop  }
0x1b9: {  	[tilespmem:s29], [sflag:$0x1] =	stream.indirect_vreg.gather [hbm4b:s10+s18], $0x80, v2, vm0, $0xb8;
	[tilespmem:$0x18800] =	vst v63  }
0x1ba: {  	_ = 	snop  }
0x1bb: {  	[tilespmem:s30], [sflag:$0x1] =	stream.indirect_vreg.gather [hbm4b:s11+s18], $0x80, v2, vm0, $0xb8;
	[tilespmem:$0x18800] =	vst v63  }
0x1bc: {  	_ = 	snop  }
0x1bd: {  	[tilespmem:s31], [sflag:$0x1] =	stream.indirect_vreg.gather [hbm4b:s12+s18], $0x80, v2, vm0, $0xb8;
	[tilespmem:$0x18800] =	vst v63  }
0x1be: {  	_ = 	snop  }
0x1bf: {  	[tilespmem:s0], [sflag:$0x1] =	stream.indirect_vreg.gather [hbm4b:s13+s18], $0x80, v2, vm0, $0xb8;
	[tilespmem:$0x18800] =	vst v63  }
0x1c0: {  	_ = 	snop  }
0x1c1: {  	[tilespmem:s2], [sflag:$0x1] =	stream.indirect_vreg.gather [hbm4b:s14+s18], $0x80, v2, vm0, $0xb8;
	[tilespmem:$0x18800] =	vst v63  }
0x1c2: {  	_ = 	snop  }
0x1c3: {  	[tilespmem:s4], [sflag:$0x1] =	stream.indirect_vreg.gather [hbm4b:s15+s18], $0x80, v2, vm0, $0xb8;
	[tilespmem:$0x18800] =	vst v63  }
0x1c4: {  	s25 =	rddreg [dreg:$0x10]  }
0x1c5: {  	[tilespmem:s5], [sflag:$0x1] =	stream.linear.gather [hbm4b:s25+s18], $0x4000, $0x38;
	[tilespmem:$0x18800] =	vst v63  }
0x1c6: {  	_ =	swait.ge [sflag:s6], $0x4000  }
0x1c7: {  	[sflag:s6] =	ssyncset.done $0x0  }
0x1c8: {  	[sflag:s6] =	ssyncadd.s32 $0xFFFFC000  }
0x1c9: {  	_ =	swait.ge [sflag:s6], $0x4000  }
0x1ca: {  	[sflag:s6] =	ssyncset.done $0x0  }
0x1cb: {  	[sflag:s6] =	ssyncadd.s32 $0xFFFFC000  }
0x1cc: {  	_ =	swait.ge [sflag:s16], $0x4000  }
0x1cd: {  	[sflag:s16] =	ssyncset.done $0x0  }
0x1ce: {  	s19 =	simm.s32 $0x0;
	[sflag:s16] =	ssyncadd.s32 $0xFFFFC000  }
.LBB2_26:
0x1cf: {  	s20 =	sand.u32 $0x78, s18  }
0x1d0: {  	s20 =	sadd.s32 s19, s20  }
0x1d1: {  	s21 =	sand.u32 $0x70, s18;
	s20 =	sshll.u32 s20, $0x7  }
0x1d2: {  	s20 =	sor.u32 s21, s20  }
0x1d3: {  	v3 =	vld [tilespmem:s20+$0x8800]  }
0x1d4: {  	s25 =	simm.s32 $0x1;
	v5 =	vld [tilespmem:s20+$0x800]  }
0x1d5: {  	s21 =	sand.u32 $0x78, s25  }
0x1d6: {  	s22 =	simm.s32 $0x10;
	s21 =	sadd.s32 s19, s21  }
0x1d7: {  	s23 =	sand.u32 $0x70, s22;
	s21 =	sshll.u32 s21, $0x7  }
0x1d8: {  	s21 =	sor.u32 s23, s21  }
0x1d9: {  	v2 =	vld [tilespmem:s21+$0x8800];
	v4 =	vmul.f32 $8.000000110e-01, v3;
	v5 =	vmul.f32 $2.000000030e-01, v5  }
0x1da: {  	s23 =	simm.s32 $0x2;
	v3 =	vld [tilespmem:s21+$0x800]  }
.LBB2_27:
0x1db: {  	s24 =	sand.u32 $0x78, s23;
	s22 =	sadd.s32 $0x10, s22;
	v4 =	vadd.f32 v5, v4;
	p0 =	sne.s32 s23, $0x7F  }
.Ltmp12:
0x1dc: {  	s23 =	sadd.s32 $0x1, s23;
	s24 =	sadd.s32 s19, s24;
	(pc) =	sbr.rel @p0 .LBB2_27-.Ltmp12, $4  }
0x1dd: {  	s25 =	sand.u32 $0x70, s22;
	s24 =	sshll.u32 s24, $0x7;
	[tilespmem:s20+$0x10800] =	vst v4;
	s20 =	smov.u32 s21  }
0x1de: {  	s21 =	sor.u32 s25, s24  }
0x1df: {  	v4 =	vmul.f32 $8.000000110e-01, v2;
	v2 =	vld [tilespmem:s21+$0x8800];
	v5 =	vmul.f32 $2.000000030e-01, v3  }
0x1e0: {  	v3 =	vld [tilespmem:s21+$0x800]  }
0x1e1: {  	_ =	sdelay $0x1  }
0x1e2: {  	s19 =	sadd.s32 $0x1, s19  }
0x1e3: {  	p0 =	sne.s32 s19, $0x8  }
.Ltmp13:
0x1e4: {  	v2 =	vmul.f32 $8.000000110e-01, v2;
	v3 =	vmul.f32 $2.000000030e-01, v3;
	(pc) =	sbr.rel @p0 .LBB2_26-.Ltmp13, $4  }
0x1e5: {  	v4 =	vadd.f32 v5, v4  }
0x1e6: {  	v2 =	vadd.f32 v3, v2  }
0x1e7: {  	[tilespmem:s20+$0x10800] =	vst v4  }
0x1e8: {  	[tilespmem:s21+$0x10800] =	vst v2  }
0x1e9: {  	s18 =	simm.s32 $0x0;
	s19 =	rddreg [dreg:$0x11]  }
0x1ea: {  	[hbm4b:s19+s18] =	stream.linear.scatter [tilespmem:s7], [sflag:$0x2], $0x4000, $0x38;
	[tilespmem:$0x18800] =	vst v63  }
0x1eb: {  	v2 =	vld.msk [tilespmem:$0x400], $0xff;
	_ =	sdelay $0x4  }
0x1ec: {  	v3 =	vshll.u32 v2, $0x4  }
0x1ed: {  	v2 =	vand.u32 $0x7, v2;
	v3 =	vand.u32 $0xFFFFFF80, v3  }
0x1ee: {  	v2 =	vor.u32 v2, v3  }
0x1ef: {  	v2 =	vperm.xlane v2, v0;
	_ =	sdelay $0x1  }
0x1f0: {  	v2 =	vadd.s32 v1, v2;
	_ =	sdelay $0x3  }
0x1f1: {  	s23 =	simm.s32 $0x800  }
0x1f2: {  	[tilespmem:s23], [sflag:$0x1] =	stream.indirect_vreg.gather [hbm4b:s1+s18], $0x80, v2, vm0, $0xb8;
	[tilespmem:$0x18800] =	vst v63  }
0x1f3: {  	s24 =	simm.s32 $0x1000  }
0x1f4: {  	[tilespmem:s24], [sflag:$0x1] =	stream.indirect_vreg.gather [hbm4b:s9+s18], $0x80, v2, vm0, $0xb8;
	[tilespmem:$0x18800] =	vst v63  }
0x1f5: {  	s25 =	simm.s32 $0x1800  }
0x1f6: {  	[tilespmem:s25], [sflag:$0x1] =	stream.indirect_vreg.gather [hbm4b:s10+s18], $0x80, v2, vm0, $0xb8;
	[tilespmem:$0x18800] =	vst v63  }
0x1f7: {  	s20 =	simm.s32 $0x2000  }
0x1f8: {  	[tilespmem:s20], [sflag:$0x1] =	stream.indirect_vreg.gather [hbm4b:s11+s18], $0x80, v2, vm0, $0xb8;
	[tilespmem:$0x18800] =	vst v63  }
0x1f9: {  	s21 =	simm.s32 $0x2800  }
0x1fa: {  	[tilespmem:s21], [sflag:$0x1] =	stream.indirect_vreg.gather [hbm4b:s12+s18], $0x80, v2, vm0, $0xb8;
	[tilespmem:$0x18800] =	vst v63  }
0x1fb: {  	s22 =	simm.s32 $0x3000  }
0x1fc: {  	[tilespmem:s22], [sflag:$0x1] =	stream.indirect_vreg.gather [hbm4b:s13+s18], $0x80, v2, vm0, $0xb8;
	[tilespmem:$0x18800] =	vst v63  }
0x1fd: {  	s23 =	simm.s32 $0x3800  }
0x1fe: {  	[tilespmem:s23], [sflag:$0x1] =	stream.indirect_vreg.gather [hbm4b:s14+s18], $0x80, v2, vm0, $0xb8;
	[tilespmem:$0x18800] =	vst v63  }
0x1ff: {  	s24 =	simm.s32 $0x4000  }
0x200: {  	[tilespmem:s24], [sflag:$0x1] =	stream.indirect_vreg.gather [hbm4b:s15+s18], $0x80, v2, vm0, $0xb8;
	[tilespmem:$0x18800] =	vst v63  }
0x201: {  	s25 =	rddreg [dreg:$0x12];
	s20 =	simm.s32 $0x8800  }
0x202: {  	[tilespmem:s20], [sflag:$0x1] =	stream.linear.gather [hbm4b:s25+s18], $0x4000, $0x38;
	[tilespmem:$0x18800] =	vst v63  }
0x203: {  	_ =	swait.ge [sflag:s6], $0x4000  }
0x204: {  	[sflag:s6] =	ssyncset.done $0x0  }
0x205: {  	[sflag:s6] =	ssyncadd.s32 $0xFFFFC000  }
0x206: {  	_ =	swait.ge [sflag:s6], $0x4000  }
0x207: {  	[sflag:s6] =	ssyncset.done $0x0  }
0x208: {  	[sflag:s6] =	ssyncadd.s32 $0xFFFFC000  }
0x209: {  	_ =	swait.ge [sflag:s16], $0x4000  }
0x20a: {  	[sflag:s16] =	ssyncset.done $0x0  }
0x20b: {  	s19 =	simm.s32 $0x0;
	[sflag:s16] =	ssyncadd.s32 $0xFFFFC000  }
.LBB2_30:
0x20c: {  	s20 =	sand.u32 $0x78, s18  }
0x20d: {  	s20 =	sadd.s32 s19, s20  }
0x20e: {  	s21 =	sand.u32 $0x70, s18;
	s20 =	sshll.u32 s20, $0x7  }
0x20f: {  	s20 =	sor.u32 s21, s20  }
0x210: {  	v3 =	vld [tilespmem:s20+$0xC800]  }
0x211: {  	s25 =	simm.s32 $0x1;
	v5 =	vld [tilespmem:s20+$0x4800]  }
0x212: {  	s21 =	sand.u32 $0x78, s25  }
0x213: {  	s22 =	simm.s32 $0x10;
	s21 =	sadd.s32 s19, s21  }
0x214: {  	s23 =	sand.u32 $0x70, s22;
	s21 =	sshll.u32 s21, $0x7  }
0x215: {  	s21 =	sor.u32 s23, s21  }
0x216: {  	v2 =	vld [tilespmem:s21+$0xC800];
	v4 =	vmul.f32 $8.000000110e-01, v3;
	v5 =	vmul.f32 $2.000000030e-01, v5  }
0x217: {  	s23 =	simm.s32 $0x2;
	v3 =	vld [tilespmem:s21+$0x4800]  }
.LBB2_31:
0x218: {  	s24 =	sand.u32 $0x78, s23;
	s22 =	sadd.s32 $0x10, s22;
	v4 =	vadd.f32 v5, v4;
	p0 =	sne.s32 s23, $0x7F  }
.Ltmp14:
0x219: {  	s23 =	sadd.s32 $0x1, s23;
	s24 =	sadd.s32 s19, s24;
	(pc) =	sbr.rel @p0 .LBB2_31-.Ltmp14, $4  }
0x21a: {  	s25 =	sand.u32 $0x70, s22;
	s24 =	sshll.u32 s24, $0x7;
	[tilespmem:s20+$0x14800] =	vst v4;
	s20 =	smov.u32 s21  }
0x21b: {  	s21 =	sor.u32 s25, s24  }
0x21c: {  	v4 =	vmul.f32 $8.000000110e-01, v2;
	v2 =	vld [tilespmem:s21+$0xC800];
	v5 =	vmul.f32 $2.000000030e-01, v3  }
0x21d: {  	v3 =	vld [tilespmem:s21+$0x4800]  }
0x21e: {  	_ =	sdelay $0x1  }
0x21f: {  	s19 =	sadd.s32 $0x1, s19  }
0x220: {  	p0 =	sne.s32 s19, $0x8  }
.Ltmp15:
0x221: {  	v2 =	vmul.f32 $8.000000110e-01, v2;
	v3 =	vmul.f32 $2.000000030e-01, v3;
	(pc) =	sbr.rel @p0 .LBB2_30-.Ltmp15, $4  }
0x222: {  	v4 =	vadd.f32 v5, v4  }
0x223: {  	v2 =	vadd.f32 v3, v2  }
0x224: {  	[tilespmem:s20+$0x14800] =	vst v4  }
0x225: {  	[tilespmem:s21+$0x14800] =	vst v2  }
0x226: {  	s18 =	simm.s32 $0x0;
	s19 =	rddreg [dreg:$0x13]  }
0x227: {  	[hbm4b:s19+s18] =	stream.linear.scatter [tilespmem:s8], [sflag:$0x2], $0x4000, $0x38;
	[tilespmem:$0x18800] =	vst v63  }
0x228: {  	v2 =	vld.msk [tilespmem:$0x480], $0xff;
	_ =	sdelay $0x4  }
0x229: {  	v3 =	vshll.u32 v2, $0x4  }
0x22a: {  	v2 =	vand.u32 $0x7, v2;
	v3 =	vand.u32 $0xFFFFFF80, v3  }
0x22b: {  	v2 =	vor.u32 v2, v3  }
0x22c: {  	v2 =	vperm.xlane v2, v0;
	_ =	sdelay $0x1  }
0x22d: {  	v2 =	vadd.s32 v1, v2;
	_ =	sdelay $0x4  }
0x22e: {  	[tilespmem:s26], [sflag:$0x1] =	stream.indirect_vreg.gather [hbm4b:s1+s18], $0x80, v2, vm0, $0xb8;
	[tilespmem:$0x18800] =	vst v63  }
0x22f: {  	_ = 	snop  }
0x230: {  	[tilespmem:s28], [sflag:$0x1] =	stream.indirect_vreg.gather [hbm4b:s9+s18], $0x80, v2, vm0, $0xb8;
	[tilespmem:$0x18800] =	vst v63  }
0x231: {  	_ = 	snop  }
0x232: {  	[tilespmem:s29], [sflag:$0x1] =	stream.indirect_vreg.gather [hbm4b:s10+s18], $0x80, v2, vm0, $0xb8;
	[tilespmem:$0x18800] =	vst v63  }
0x233: {  	_ = 	snop  }
0x234: {  	[tilespmem:s30], [sflag:$0x1] =	stream.indirect_vreg.gather [hbm4b:s11+s18], $0x80, v2, vm0, $0xb8;
	[tilespmem:$0x18800] =	vst v63  }
0x235: {  	_ = 	snop  }
0x236: {  	[tilespmem:s31], [sflag:$0x1] =	stream.indirect_vreg.gather [hbm4b:s12+s18], $0x80, v2, vm0, $0xb8;
	[tilespmem:$0x18800] =	vst v63  }
0x237: {  	_ = 	snop  }
0x238: {  	[tilespmem:s0], [sflag:$0x1] =	stream.indirect_vreg.gather [hbm4b:s13+s18], $0x80, v2, vm0, $0xb8;
	[tilespmem:$0x18800] =	vst v63  }
0x239: {  	_ = 	snop  }
0x23a: {  	[tilespmem:s2], [sflag:$0x1] =	stream.indirect_vreg.gather [hbm4b:s14+s18], $0x80, v2, vm0, $0xb8;
	[tilespmem:$0x18800] =	vst v63  }
0x23b: {  	_ = 	snop  }
0x23c: {  	[tilespmem:s4], [sflag:$0x1] =	stream.indirect_vreg.gather [hbm4b:s15+s18], $0x80, v2, vm0, $0xb8;
	[tilespmem:$0x18800] =	vst v63  }
0x23d: {  	s25 =	rddreg [dreg:$0x14]  }
0x23e: {  	[tilespmem:s5], [sflag:$0x1] =	stream.linear.gather [hbm4b:s25+s18], $0x4000, $0x38;
	[tilespmem:$0x18800] =	vst v63  }
0x23f: {  	_ =	swait.ge [sflag:s6], $0x4000  }
0x240: {  	[sflag:s6] =	ssyncset.done $0x0  }
0x241: {  	[sflag:s6] =	ssyncadd.s32 $0xFFFFC000  }
0x242: {  	_ =	swait.ge [sflag:s6], $0x4000  }
0x243: {  	[sflag:s6] =	ssyncset.done $0x0  }
0x244: {  	[sflag:s6] =	ssyncadd.s32 $0xFFFFC000  }
0x245: {  	_ =	swait.ge [sflag:s16], $0x4000  }
0x246: {  	[sflag:s16] =	ssyncset.done $0x0  }
0x247: {  	s19 =	simm.s32 $0x0;
	[sflag:s16] =	ssyncadd.s32 $0xFFFFC000  }
.LBB2_34:
0x248: {  	s20 =	sand.u32 $0x78, s18  }
0x249: {  	s20 =	sadd.s32 s19, s20  }
0x24a: {  	s21 =	sand.u32 $0x70, s18;
	s20 =	sshll.u32 s20, $0x7  }
0x24b: {  	s20 =	sor.u32 s21, s20  }
0x24c: {  	v3 =	vld [tilespmem:s20+$0x8800]  }
0x24d: {  	s25 =	simm.s32 $0x1;
	v5 =	vld [tilespmem:s20+$0x800]  }
0x24e: {  	s21 =	sand.u32 $0x78, s25  }
0x24f: {  	s22 =	simm.s32 $0x10;
	s21 =	sadd.s32 s19, s21  }
0x250: {  	s23 =	sand.u32 $0x70, s22;
	s21 =	sshll.u32 s21, $0x7  }
0x251: {  	s21 =	sor.u32 s23, s21  }
0x252: {  	v2 =	vld [tilespmem:s21+$0x8800];
	v4 =	vmul.f32 $8.000000110e-01, v3;
	v5 =	vmul.f32 $2.000000030e-01, v5  }
0x253: {  	s23 =	simm.s32 $0x2;
	v3 =	vld [tilespmem:s21+$0x800]  }
.LBB2_35:
0x254: {  	s24 =	sand.u32 $0x78, s23;
	s22 =	sadd.s32 $0x10, s22;
	v4 =	vadd.f32 v5, v4;
	p0 =	sne.s32 s23, $0x7F  }
.Ltmp16:
0x255: {  	s23 =	sadd.s32 $0x1, s23;
	s24 =	sadd.s32 s19, s24;
	(pc) =	sbr.rel @p0 .LBB2_35-.Ltmp16, $4  }
0x256: {  	s25 =	sand.u32 $0x70, s22;
	s24 =	sshll.u32 s24, $0x7;
	[tilespmem:s20+$0x10800] =	vst v4;
	s20 =	smov.u32 s21  }
0x257: {  	s21 =	sor.u32 s25, s24  }
0x258: {  	v4 =	vmul.f32 $8.000000110e-01, v2;
	v2 =	vld [tilespmem:s21+$0x8800];
	v5 =	vmul.f32 $2.000000030e-01, v3  }
0x259: {  	v3 =	vld [tilespmem:s21+$0x800]  }
0x25a: {  	_ =	sdelay $0x1  }
0x25b: {  	s19 =	sadd.s32 $0x1, s19  }
0x25c: {  	p0 =	sne.s32 s19, $0x8  }
.Ltmp17:
0x25d: {  	v2 =	vmul.f32 $8.000000110e-01, v2;
	v3 =	vmul.f32 $2.000000030e-01, v3;
	(pc) =	sbr.rel @p0 .LBB2_34-.Ltmp17, $4  }
0x25e: {  	v4 =	vadd.f32 v5, v4  }
0x25f: {  	v2 =	vadd.f32 v3, v2  }
0x260: {  	[tilespmem:s20+$0x10800] =	vst v4  }
0x261: {  	[tilespmem:s21+$0x10800] =	vst v2  }
0x262: {  	s18 =	simm.s32 $0x0;
	s19 =	rddreg [dreg:$0x15]  }
0x263: {  	[hbm4b:s19+s18] =	stream.linear.scatter [tilespmem:s7], [sflag:$0x2], $0x4000, $0x38;
	[tilespmem:$0x18800] =	vst v63  }
0x264: {  	v2 =	vld.msk [tilespmem:$0x500], $0xff;
	_ =	sdelay $0x4  }
0x265: {  	v3 =	vshll.u32 v2, $0x4  }
0x266: {  	v2 =	vand.u32 $0x7, v2;
	v3 =	vand.u32 $0xFFFFFF80, v3  }
0x267: {  	v2 =	vor.u32 v2, v3  }
0x268: {  	v2 =	vperm.xlane v2, v0;
	_ =	sdelay $0x1  }
0x269: {  	v2 =	vadd.s32 v1, v2;
	_ =	sdelay $0x3  }
0x26a: {  	s23 =	simm.s32 $0x800  }
0x26b: {  	[tilespmem:s23], [sflag:$0x1] =	stream.indirect_vreg.gather [hbm4b:s1+s18], $0x80, v2, vm0, $0xb8;
	[tilespmem:$0x18800] =	vst v63  }
0x26c: {  	s24 =	simm.s32 $0x1000  }
0x26d: {  	[tilespmem:s24], [sflag:$0x1] =	stream.indirect_vreg.gather [hbm4b:s9+s18], $0x80, v2, vm0, $0xb8;
	[tilespmem:$0x18800] =	vst v63  }
0x26e: {  	s25 =	simm.s32 $0x1800  }
0x26f: {  	[tilespmem:s25], [sflag:$0x1] =	stream.indirect_vreg.gather [hbm4b:s10+s18], $0x80, v2, vm0, $0xb8;
	[tilespmem:$0x18800] =	vst v63  }
0x270: {  	s20 =	simm.s32 $0x2000  }
0x271: {  	[tilespmem:s20], [sflag:$0x1] =	stream.indirect_vreg.gather [hbm4b:s11+s18], $0x80, v2, vm0, $0xb8;
	[tilespmem:$0x18800] =	vst v63  }
0x272: {  	s21 =	simm.s32 $0x2800  }
0x273: {  	[tilespmem:s21], [sflag:$0x1] =	stream.indirect_vreg.gather [hbm4b:s12+s18], $0x80, v2, vm0, $0xb8;
	[tilespmem:$0x18800] =	vst v63  }
0x274: {  	s22 =	simm.s32 $0x3000  }
0x275: {  	[tilespmem:s22], [sflag:$0x1] =	stream.indirect_vreg.gather [hbm4b:s13+s18], $0x80, v2, vm0, $0xb8;
	[tilespmem:$0x18800] =	vst v63  }
0x276: {  	s23 =	simm.s32 $0x3800  }
0x277: {  	[tilespmem:s23], [sflag:$0x1] =	stream.indirect_vreg.gather [hbm4b:s14+s18], $0x80, v2, vm0, $0xb8;
	[tilespmem:$0x18800] =	vst v63  }
0x278: {  	s24 =	simm.s32 $0x4000  }
0x279: {  	[tilespmem:s24], [sflag:$0x1] =	stream.indirect_vreg.gather [hbm4b:s15+s18], $0x80, v2, vm0, $0xb8;
	[tilespmem:$0x18800] =	vst v63  }
0x27a: {  	s25 =	rddreg [dreg:$0x17];
	s20 =	simm.s32 $0x8800  }
0x27b: {  	[tilespmem:s20], [sflag:$0x1] =	stream.linear.gather [hbm4b:s25+s18], $0x4000, $0x38;
	[tilespmem:$0x18800] =	vst v63  }
0x27c: {  	_ =	swait.ge [sflag:s6], $0x4000  }
0x27d: {  	[sflag:s6] =	ssyncset.done $0x0  }
0x27e: {  	[sflag:s6] =	ssyncadd.s32 $0xFFFFC000  }
0x27f: {  	_ =	swait.ge [sflag:s6], $0x4000  }
0x280: {  	[sflag:s6] =	ssyncset.done $0x0  }
0x281: {  	[sflag:s6] =	ssyncadd.s32 $0xFFFFC000  }
0x282: {  	_ =	swait.ge [sflag:s16], $0x4000  }
0x283: {  	[sflag:s16] =	ssyncset.done $0x0  }
0x284: {  	s19 =	simm.s32 $0x0;
	[sflag:s16] =	ssyncadd.s32 $0xFFFFC000  }
.LBB2_38:
0x285: {  	s20 =	sand.u32 $0x78, s18  }
0x286: {  	s20 =	sadd.s32 s19, s20  }
0x287: {  	s21 =	sand.u32 $0x70, s18;
	s20 =	sshll.u32 s20, $0x7  }
0x288: {  	s20 =	sor.u32 s21, s20  }
0x289: {  	v3 =	vld [tilespmem:s20+$0xC800]  }
0x28a: {  	s25 =	simm.s32 $0x1;
	v5 =	vld [tilespmem:s20+$0x4800]  }
0x28b: {  	s21 =	sand.u32 $0x78, s25  }
0x28c: {  	s22 =	simm.s32 $0x10;
	s21 =	sadd.s32 s19, s21  }
0x28d: {  	s23 =	sand.u32 $0x70, s22;
	s21 =	sshll.u32 s21, $0x7  }
0x28e: {  	s21 =	sor.u32 s23, s21  }
0x28f: {  	v2 =	vld [tilespmem:s21+$0xC800];
	v4 =	vmul.f32 $8.000000110e-01, v3;
	v5 =	vmul.f32 $2.000000030e-01, v5  }
0x290: {  	s23 =	simm.s32 $0x2;
	v3 =	vld [tilespmem:s21+$0x4800]  }
.LBB2_39:
0x291: {  	s24 =	sand.u32 $0x78, s23;
	s22 =	sadd.s32 $0x10, s22;
	v4 =	vadd.f32 v5, v4;
	p0 =	sne.s32 s23, $0x7F  }
.Ltmp18:
0x292: {  	s23 =	sadd.s32 $0x1, s23;
	s24 =	sadd.s32 s19, s24;
	(pc) =	sbr.rel @p0 .LBB2_39-.Ltmp18, $4  }
0x293: {  	s25 =	sand.u32 $0x70, s22;
	s24 =	sshll.u32 s24, $0x7;
	[tilespmem:s20+$0x14800] =	vst v4;
	s20 =	smov.u32 s21  }
0x294: {  	s21 =	sor.u32 s25, s24  }
0x295: {  	v4 =	vmul.f32 $8.000000110e-01, v2;
	v2 =	vld [tilespmem:s21+$0xC800];
	v5 =	vmul.f32 $2.000000030e-01, v3  }
0x296: {  	v3 =	vld [tilespmem:s21+$0x4800]  }
0x297: {  	_ =	sdelay $0x1  }
0x298: {  	s19 =	sadd.s32 $0x1, s19  }
0x299: {  	p0 =	sne.s32 s19, $0x8  }
.Ltmp19:
0x29a: {  	v2 =	vmul.f32 $8.000000110e-01, v2;
	v3 =	vmul.f32 $2.000000030e-01, v3;
	(pc) =	sbr.rel @p0 .LBB2_38-.Ltmp19, $4  }
0x29b: {  	v4 =	vadd.f32 v5, v4  }
0x29c: {  	v2 =	vadd.f32 v3, v2  }
0x29d: {  	[tilespmem:s20+$0x14800] =	vst v4  }
0x29e: {  	[tilespmem:s21+$0x14800] =	vst v2  }
0x29f: {  	s18 =	simm.s32 $0x0;
	s19 =	rddreg [dreg:$0x16]  }
0x2a0: {  	[hbm4b:s19+s18] =	stream.linear.scatter [tilespmem:s8], [sflag:$0x2], $0x4000, $0x38;
	[tilespmem:$0x18800] =	vst v63  }
0x2a1: {  	v2 =	vld.msk [tilespmem:$0x580], $0xff;
	_ =	sdelay $0x4  }
0x2a2: {  	v3 =	vshll.u32 v2, $0x4  }
0x2a3: {  	v2 =	vand.u32 $0x7, v2;
	v3 =	vand.u32 $0xFFFFFF80, v3  }
0x2a4: {  	v2 =	vor.u32 v2, v3  }
0x2a5: {  	v2 =	vperm.xlane v2, v0;
	_ =	sdelay $0x1  }
0x2a6: {  	v2 =	vadd.s32 v1, v2;
	_ =	sdelay $0x4  }
0x2a7: {  	[tilespmem:s26], [sflag:$0x1] =	stream.indirect_vreg.gather [hbm4b:s1+s18], $0x80, v2, vm0, $0xb8;
	[tilespmem:$0x18800] =	vst v63  }
0x2a8: {  	_ = 	snop  }
0x2a9: {  	[tilespmem:s28], [sflag:$0x1] =	stream.indirect_vreg.gather [hbm4b:s9+s18], $0x80, v2, vm0, $0xb8;
	[tilespmem:$0x18800] =	vst v63  }
0x2aa: {  	_ = 	snop  }
0x2ab: {  	[tilespmem:s29], [sflag:$0x1] =	stream.indirect_vreg.gather [hbm4b:s10+s18], $0x80, v2, vm0, $0xb8;
	[tilespmem:$0x18800] =	vst v63  }
0x2ac: {  	_ = 	snop  }
0x2ad: {  	[tilespmem:s30], [sflag:$0x1] =	stream.indirect_vreg.gather [hbm4b:s11+s18], $0x80, v2, vm0, $0xb8;
	[tilespmem:$0x18800] =	vst v63  }
0x2ae: {  	_ = 	snop  }
0x2af: {  	[tilespmem:s31], [sflag:$0x1] =	stream.indirect_vreg.gather [hbm4b:s12+s18], $0x80, v2, vm0, $0xb8;
	[tilespmem:$0x18800] =	vst v63  }
0x2b0: {  	_ = 	snop  }
0x2b1: {  	[tilespmem:s0], [sflag:$0x1] =	stream.indirect_vreg.gather [hbm4b:s13+s18], $0x80, v2, vm0, $0xb8;
	[tilespmem:$0x18800] =	vst v63  }
0x2b2: {  	_ = 	snop  }
0x2b3: {  	[tilespmem:s2], [sflag:$0x1] =	stream.indirect_vreg.gather [hbm4b:s14+s18], $0x80, v2, vm0, $0xb8;
	[tilespmem:$0x18800] =	vst v63  }
0x2b4: {  	_ = 	snop  }
0x2b5: {  	[tilespmem:s4], [sflag:$0x1] =	stream.indirect_vreg.gather [hbm4b:s15+s18], $0x80, v2, vm0, $0xb8;
	[tilespmem:$0x18800] =	vst v63  }
0x2b6: {  	s25 =	rddreg [dreg:$0x19]  }
0x2b7: {  	[tilespmem:s5], [sflag:$0x1] =	stream.linear.gather [hbm4b:s25+s18], $0x4000, $0x38;
	[tilespmem:$0x18800] =	vst v63  }
0x2b8: {  	_ =	swait.ge [sflag:s6], $0x4000  }
0x2b9: {  	[sflag:s6] =	ssyncset.done $0x0  }
0x2ba: {  	[sflag:s6] =	ssyncadd.s32 $0xFFFFC000  }
0x2bb: {  	_ =	swait.ge [sflag:s6], $0x4000  }
0x2bc: {  	[sflag:s6] =	ssyncset.done $0x0  }
0x2bd: {  	[sflag:s6] =	ssyncadd.s32 $0xFFFFC000  }
0x2be: {  	_ =	swait.ge [sflag:s16], $0x4000  }
0x2bf: {  	[sflag:s16] =	ssyncset.done $0x0  }
0x2c0: {  	s19 =	simm.s32 $0x0;
	[sflag:s16] =	ssyncadd.s32 $0xFFFFC000  }
.LBB2_42:
0x2c1: {  	s20 =	sand.u32 $0x78, s18  }
0x2c2: {  	s20 =	sadd.s32 s19, s20  }
0x2c3: {  	s21 =	sand.u32 $0x70, s18;
	s20 =	sshll.u32 s20, $0x7  }
0x2c4: {  	s20 =	sor.u32 s21, s20  }
0x2c5: {  	v3 =	vld [tilespmem:s20+$0x8800]  }
0x2c6: {  	s25 =	simm.s32 $0x1;
	v5 =	vld [tilespmem:s20+$0x800]  }
0x2c7: {  	s21 =	sand.u32 $0x78, s25  }
0x2c8: {  	s22 =	simm.s32 $0x10;
	s21 =	sadd.s32 s19, s21  }
0x2c9: {  	s23 =	sand.u32 $0x70, s22;
	s21 =	sshll.u32 s21, $0x7  }
0x2ca: {  	s21 =	sor.u32 s23, s21  }
0x2cb: {  	v2 =	vld [tilespmem:s21+$0x8800];
	v4 =	vmul.f32 $8.000000110e-01, v3;
	v5 =	vmul.f32 $2.000000030e-01, v5  }
0x2cc: {  	s23 =	simm.s32 $0x2;
	v3 =	vld [tilespmem:s21+$0x800]  }
.LBB2_43:
0x2cd: {  	s24 =	sand.u32 $0x78, s23;
	s22 =	sadd.s32 $0x10, s22;
	v4 =	vadd.f32 v5, v4;
	p0 =	sne.s32 s23, $0x7F  }
.Ltmp20:
0x2ce: {  	s23 =	sadd.s32 $0x1, s23;
	s24 =	sadd.s32 s19, s24;
	(pc) =	sbr.rel @p0 .LBB2_43-.Ltmp20, $4  }
0x2cf: {  	s25 =	sand.u32 $0x70, s22;
	s24 =	sshll.u32 s24, $0x7;
	[tilespmem:s20+$0x10800] =	vst v4;
	s20 =	smov.u32 s21  }
0x2d0: {  	s21 =	sor.u32 s25, s24  }
0x2d1: {  	v4 =	vmul.f32 $8.000000110e-01, v2;
	v2 =	vld [tilespmem:s21+$0x8800];
	v5 =	vmul.f32 $2.000000030e-01, v3  }
0x2d2: {  	v3 =	vld [tilespmem:s21+$0x800]  }
0x2d3: {  	_ =	sdelay $0x1  }
0x2d4: {  	s19 =	sadd.s32 $0x1, s19  }
0x2d5: {  	p0 =	sne.s32 s19, $0x8  }
.Ltmp21:
0x2d6: {  	v2 =	vmul.f32 $8.000000110e-01, v2;
	v3 =	vmul.f32 $2.000000030e-01, v3;
	(pc) =	sbr.rel @p0 .LBB2_42-.Ltmp21, $4  }
0x2d7: {  	v4 =	vadd.f32 v5, v4  }
0x2d8: {  	v2 =	vadd.f32 v3, v2  }
0x2d9: {  	[tilespmem:s20+$0x10800] =	vst v4  }
0x2da: {  	[tilespmem:s21+$0x10800] =	vst v2  }
0x2db: {  	s18 =	simm.s32 $0x0;
	s19 =	rddreg [dreg:$0x18]  }
0x2dc: {  	[hbm4b:s19+s18] =	stream.linear.scatter [tilespmem:s7], [sflag:$0x2], $0x4000, $0x38;
	[tilespmem:$0x18800] =	vst v63  }
0x2dd: {  	v2 =	vld.msk [tilespmem:$0x600], $0xff;
	_ =	sdelay $0x4  }
0x2de: {  	v3 =	vshll.u32 v2, $0x4  }
0x2df: {  	v2 =	vand.u32 $0x7, v2;
	v3 =	vand.u32 $0xFFFFFF80, v3  }
0x2e0: {  	v2 =	vor.u32 v2, v3  }
0x2e1: {  	v2 =	vperm.xlane v2, v0;
	_ =	sdelay $0x1  }
0x2e2: {  	v2 =	vadd.s32 v1, v2;
	_ =	sdelay $0x3  }
0x2e3: {  	s23 =	simm.s32 $0x800  }
0x2e4: {  	[tilespmem:s23], [sflag:$0x1] =	stream.indirect_vreg.gather [hbm4b:s1+s18], $0x80, v2, vm0, $0xb8;
	[tilespmem:$0x18800] =	vst v63  }
0x2e5: {  	s24 =	simm.s32 $0x1000  }
0x2e6: {  	[tilespmem:s24], [sflag:$0x1] =	stream.indirect_vreg.gather [hbm4b:s9+s18], $0x80, v2, vm0, $0xb8;
	[tilespmem:$0x18800] =	vst v63  }
0x2e7: {  	s25 =	simm.s32 $0x1800  }
0x2e8: {  	[tilespmem:s25], [sflag:$0x1] =	stream.indirect_vreg.gather [hbm4b:s10+s18], $0x80, v2, vm0, $0xb8;
	[tilespmem:$0x18800] =	vst v63  }
0x2e9: {  	s20 =	simm.s32 $0x2000  }
0x2ea: {  	[tilespmem:s20], [sflag:$0x1] =	stream.indirect_vreg.gather [hbm4b:s11+s18], $0x80, v2, vm0, $0xb8;
	[tilespmem:$0x18800] =	vst v63  }
0x2eb: {  	s21 =	simm.s32 $0x2800  }
0x2ec: {  	[tilespmem:s21], [sflag:$0x1] =	stream.indirect_vreg.gather [hbm4b:s12+s18], $0x80, v2, vm0, $0xb8;
	[tilespmem:$0x18800] =	vst v63  }
0x2ed: {  	s22 =	simm.s32 $0x3000  }
0x2ee: {  	[tilespmem:s22], [sflag:$0x1] =	stream.indirect_vreg.gather [hbm4b:s13+s18], $0x80, v2, vm0, $0xb8;
	[tilespmem:$0x18800] =	vst v63  }
0x2ef: {  	s23 =	simm.s32 $0x3800  }
0x2f0: {  	[tilespmem:s23], [sflag:$0x1] =	stream.indirect_vreg.gather [hbm4b:s14+s18], $0x80, v2, vm0, $0xb8;
	[tilespmem:$0x18800] =	vst v63  }
0x2f1: {  	s24 =	simm.s32 $0x4000  }
0x2f2: {  	[tilespmem:s24], [sflag:$0x1] =	stream.indirect_vreg.gather [hbm4b:s15+s18], $0x80, v2, vm0, $0xb8;
	[tilespmem:$0x18800] =	vst v63  }
0x2f3: {  	s25 =	rddreg [dreg:$0x1b];
	s20 =	simm.s32 $0x8800  }
0x2f4: {  	[tilespmem:s20], [sflag:$0x1] =	stream.linear.gather [hbm4b:s25+s18], $0x4000, $0x38;
	[tilespmem:$0x18800] =	vst v63  }
0x2f5: {  	_ =	swait.ge [sflag:s6], $0x4000  }
0x2f6: {  	[sflag:s6] =	ssyncset.done $0x0  }
0x2f7: {  	[sflag:s6] =	ssyncadd.s32 $0xFFFFC000  }
0x2f8: {  	_ =	swait.ge [sflag:s6], $0x4000  }
0x2f9: {  	[sflag:s6] =	ssyncset.done $0x0  }
0x2fa: {  	[sflag:s6] =	ssyncadd.s32 $0xFFFFC000  }
0x2fb: {  	_ =	swait.ge [sflag:s16], $0x4000  }
0x2fc: {  	[sflag:s16] =	ssyncset.done $0x0  }
0x2fd: {  	s19 =	simm.s32 $0x0;
	[sflag:s16] =	ssyncadd.s32 $0xFFFFC000  }
.LBB2_46:
0x2fe: {  	s20 =	sand.u32 $0x78, s18  }
0x2ff: {  	s20 =	sadd.s32 s19, s20  }
0x300: {  	s21 =	sand.u32 $0x70, s18;
	s20 =	sshll.u32 s20, $0x7  }
0x301: {  	s20 =	sor.u32 s21, s20  }
0x302: {  	v3 =	vld [tilespmem:s20+$0xC800]  }
0x303: {  	s25 =	simm.s32 $0x1;
	v5 =	vld [tilespmem:s20+$0x4800]  }
0x304: {  	s21 =	sand.u32 $0x78, s25  }
0x305: {  	s22 =	simm.s32 $0x10;
	s21 =	sadd.s32 s19, s21  }
0x306: {  	s23 =	sand.u32 $0x70, s22;
	s21 =	sshll.u32 s21, $0x7  }
0x307: {  	s21 =	sor.u32 s23, s21  }
0x308: {  	v2 =	vld [tilespmem:s21+$0xC800];
	v4 =	vmul.f32 $8.000000110e-01, v3;
	v5 =	vmul.f32 $2.000000030e-01, v5  }
0x309: {  	s23 =	simm.s32 $0x2;
	v3 =	vld [tilespmem:s21+$0x4800]  }
.LBB2_47:
0x30a: {  	s24 =	sand.u32 $0x78, s23;
	s22 =	sadd.s32 $0x10, s22;
	v4 =	vadd.f32 v5, v4;
	p0 =	sne.s32 s23, $0x7F  }
.Ltmp22:
0x30b: {  	s23 =	sadd.s32 $0x1, s23;
	s24 =	sadd.s32 s19, s24;
	(pc) =	sbr.rel @p0 .LBB2_47-.Ltmp22, $4  }
0x30c: {  	s25 =	sand.u32 $0x70, s22;
	s24 =	sshll.u32 s24, $0x7;
	[tilespmem:s20+$0x14800] =	vst v4;
	s20 =	smov.u32 s21  }
0x30d: {  	s21 =	sor.u32 s25, s24  }
0x30e: {  	v4 =	vmul.f32 $8.000000110e-01, v2;
	v2 =	vld [tilespmem:s21+$0xC800];
	v5 =	vmul.f32 $2.000000030e-01, v3  }
0x30f: {  	v3 =	vld [tilespmem:s21+$0x4800]  }
0x310: {  	_ =	sdelay $0x1  }
0x311: {  	s19 =	sadd.s32 $0x1, s19  }
0x312: {  	p0 =	sne.s32 s19, $0x8  }
.Ltmp23:
0x313: {  	v2 =	vmul.f32 $8.000000110e-01, v2;
	v3 =	vmul.f32 $2.000000030e-01, v3;
	(pc) =	sbr.rel @p0 .LBB2_46-.Ltmp23, $4  }
0x314: {  	v4 =	vadd.f32 v5, v4  }
0x315: {  	v2 =	vadd.f32 v3, v2  }
0x316: {  	[tilespmem:s20+$0x14800] =	vst v4  }
0x317: {  	[tilespmem:s21+$0x14800] =	vst v2  }
0x318: {  	s18 =	simm.s32 $0x0;
	s19 =	rddreg [dreg:$0x1a]  }
0x319: {  	[hbm4b:s19+s18] =	stream.linear.scatter [tilespmem:s8], [sflag:$0x2], $0x4000, $0x38;
	[tilespmem:$0x18800] =	vst v63  }
0x31a: {  	v2 =	vld.msk [tilespmem:$0x680], $0xff;
	_ =	sdelay $0x4  }
0x31b: {  	v3 =	vshll.u32 v2, $0x4  }
0x31c: {  	v2 =	vand.u32 $0x7, v2;
	v3 =	vand.u32 $0xFFFFFF80, v3  }
0x31d: {  	v2 =	vor.u32 v2, v3  }
0x31e: {  	v2 =	vperm.xlane v2, v0;
	_ =	sdelay $0x1  }
0x31f: {  	v2 =	vadd.s32 v1, v2;
	_ =	sdelay $0x4  }
0x320: {  	[tilespmem:s26], [sflag:$0x1] =	stream.indirect_vreg.gather [hbm4b:s1+s18], $0x80, v2, vm0, $0xb8;
	[tilespmem:$0x18800] =	vst v63  }
0x321: {  	_ = 	snop  }
0x322: {  	[tilespmem:s28], [sflag:$0x1] =	stream.indirect_vreg.gather [hbm4b:s9+s18], $0x80, v2, vm0, $0xb8;
	[tilespmem:$0x18800] =	vst v63  }
0x323: {  	_ = 	snop  }
0x324: {  	[tilespmem:s29], [sflag:$0x1] =	stream.indirect_vreg.gather [hbm4b:s10+s18], $0x80, v2, vm0, $0xb8;
	[tilespmem:$0x18800] =	vst v63  }
0x325: {  	_ = 	snop  }
0x326: {  	[tilespmem:s30], [sflag:$0x1] =	stream.indirect_vreg.gather [hbm4b:s11+s18], $0x80, v2, vm0, $0xb8;
	[tilespmem:$0x18800] =	vst v63  }
0x327: {  	_ = 	snop  }
0x328: {  	[tilespmem:s31], [sflag:$0x1] =	stream.indirect_vreg.gather [hbm4b:s12+s18], $0x80, v2, vm0, $0xb8;
	[tilespmem:$0x18800] =	vst v63  }
0x329: {  	_ = 	snop  }
0x32a: {  	[tilespmem:s0], [sflag:$0x1] =	stream.indirect_vreg.gather [hbm4b:s13+s18], $0x80, v2, vm0, $0xb8;
	[tilespmem:$0x18800] =	vst v63  }
0x32b: {  	_ = 	snop  }
0x32c: {  	[tilespmem:s2], [sflag:$0x1] =	stream.indirect_vreg.gather [hbm4b:s14+s18], $0x80, v2, vm0, $0xb8;
	[tilespmem:$0x18800] =	vst v63  }
0x32d: {  	_ = 	snop  }
0x32e: {  	[tilespmem:s4], [sflag:$0x1] =	stream.indirect_vreg.gather [hbm4b:s15+s18], $0x80, v2, vm0, $0xb8;
	[tilespmem:$0x18800] =	vst v63  }
0x32f: {  	s25 =	rddreg [dreg:$0x1d]  }
0x330: {  	[tilespmem:s5], [sflag:$0x1] =	stream.linear.gather [hbm4b:s25+s18], $0x4000, $0x38;
	[tilespmem:$0x18800] =	vst v63  }
0x331: {  	_ =	swait.ge [sflag:s6], $0x4000  }
0x332: {  	[sflag:s6] =	ssyncset.done $0x0  }
0x333: {  	[sflag:s6] =	ssyncadd.s32 $0xFFFFC000  }
0x334: {  	_ =	swait.ge [sflag:s6], $0x4000  }
0x335: {  	[sflag:s6] =	ssyncset.done $0x0  }
0x336: {  	[sflag:s6] =	ssyncadd.s32 $0xFFFFC000  }
0x337: {  	_ =	swait.ge [sflag:s16], $0x4000  }
0x338: {  	[sflag:s16] =	ssyncset.done $0x0  }
0x339: {  	s19 =	simm.s32 $0x0;
	[sflag:s16] =	ssyncadd.s32 $0xFFFFC000  }
.LBB2_50:
0x33a: {  	s20 =	sand.u32 $0x78, s18  }
0x33b: {  	s20 =	sadd.s32 s19, s20  }
0x33c: {  	s21 =	sand.u32 $0x70, s18;
	s20 =	sshll.u32 s20, $0x7  }
0x33d: {  	s20 =	sor.u32 s21, s20  }
0x33e: {  	v3 =	vld [tilespmem:s20+$0x8800]  }
0x33f: {  	s25 =	simm.s32 $0x1;
	v5 =	vld [tilespmem:s20+$0x800]  }
0x340: {  	s21 =	sand.u32 $0x78, s25  }
0x341: {  	s22 =	simm.s32 $0x10;
	s21 =	sadd.s32 s19, s21  }
0x342: {  	s23 =	sand.u32 $0x70, s22;
	s21 =	sshll.u32 s21, $0x7  }
0x343: {  	s21 =	sor.u32 s23, s21  }
0x344: {  	v2 =	vld [tilespmem:s21+$0x8800];
	v4 =	vmul.f32 $8.000000110e-01, v3;
	v5 =	vmul.f32 $2.000000030e-01, v5  }
0x345: {  	s23 =	simm.s32 $0x2;
	v3 =	vld [tilespmem:s21+$0x800]  }
.LBB2_51:
0x346: {  	s24 =	sand.u32 $0x78, s23;
	s22 =	sadd.s32 $0x10, s22;
	v4 =	vadd.f32 v5, v4;
	p0 =	sne.s32 s23, $0x7F  }
.Ltmp24:
0x347: {  	s23 =	sadd.s32 $0x1, s23;
	s24 =	sadd.s32 s19, s24;
	(pc) =	sbr.rel @p0 .LBB2_51-.Ltmp24, $4  }
0x348: {  	s25 =	sand.u32 $0x70, s22;
	s24 =	sshll.u32 s24, $0x7;
	[tilespmem:s20+$0x10800] =	vst v4;
	s20 =	smov.u32 s21  }
0x349: {  	s21 =	sor.u32 s25, s24  }
0x34a: {  	v4 =	vmul.f32 $8.000000110e-01, v2;
	v2 =	vld [tilespmem:s21+$0x8800];
	v5 =	vmul.f32 $2.000000030e-01, v3  }
0x34b: {  	v3 =	vld [tilespmem:s21+$0x800]  }
0x34c: {  	_ =	sdelay $0x1  }
0x34d: {  	s19 =	sadd.s32 $0x1, s19  }
0x34e: {  	p0 =	sne.s32 s19, $0x8  }
.Ltmp25:
0x34f: {  	v2 =	vmul.f32 $8.000000110e-01, v2;
	v3 =	vmul.f32 $2.000000030e-01, v3;
	(pc) =	sbr.rel @p0 .LBB2_50-.Ltmp25, $4  }
0x350: {  	v4 =	vadd.f32 v5, v4  }
0x351: {  	v2 =	vadd.f32 v3, v2  }
0x352: {  	[tilespmem:s20+$0x10800] =	vst v4  }
0x353: {  	[tilespmem:s21+$0x10800] =	vst v2  }
0x354: {  	s18 =	simm.s32 $0x0;
	s19 =	rddreg [dreg:$0x1c]  }
0x355: {  	[hbm4b:s19+s18] =	stream.linear.scatter [tilespmem:s7], [sflag:$0x2], $0x4000, $0x38;
	[tilespmem:$0x18800] =	vst v63  }
0x356: {  	v2 =	vld.msk [tilespmem:$0x700], $0xff;
	_ =	sdelay $0x4  }
0x357: {  	v3 =	vshll.u32 v2, $0x4  }
0x358: {  	v2 =	vand.u32 $0x7, v2;
	v3 =	vand.u32 $0xFFFFFF80, v3  }
0x359: {  	v2 =	vor.u32 v2, v3  }
0x35a: {  	v2 =	vperm.xlane v2, v0;
	_ =	sdelay $0x1  }
0x35b: {  	v2 =	vadd.s32 v1, v2;
	_ =	sdelay $0x3  }
0x35c: {  	s23 =	simm.s32 $0x800  }
0x35d: {  	[tilespmem:s23], [sflag:$0x1] =	stream.indirect_vreg.gather [hbm4b:s1+s18], $0x80, v2, vm0, $0xb8;
	[tilespmem:$0x18800] =	vst v63  }
0x35e: {  	s24 =	simm.s32 $0x1000  }
0x35f: {  	[tilespmem:s24], [sflag:$0x1] =	stream.indirect_vreg.gather [hbm4b:s9+s18], $0x80, v2, vm0, $0xb8;
	[tilespmem:$0x18800] =	vst v63  }
0x360: {  	s25 =	simm.s32 $0x1800  }
0x361: {  	[tilespmem:s25], [sflag:$0x1] =	stream.indirect_vreg.gather [hbm4b:s10+s18], $0x80, v2, vm0, $0xb8;
	[tilespmem:$0x18800] =	vst v63  }
0x362: {  	s20 =	simm.s32 $0x2000  }
0x363: {  	[tilespmem:s20], [sflag:$0x1] =	stream.indirect_vreg.gather [hbm4b:s11+s18], $0x80, v2, vm0, $0xb8;
	[tilespmem:$0x18800] =	vst v63  }
0x364: {  	s21 =	simm.s32 $0x2800  }
0x365: {  	[tilespmem:s21], [sflag:$0x1] =	stream.indirect_vreg.gather [hbm4b:s12+s18], $0x80, v2, vm0, $0xb8;
	[tilespmem:$0x18800] =	vst v63  }
0x366: {  	s22 =	simm.s32 $0x3000  }
0x367: {  	[tilespmem:s22], [sflag:$0x1] =	stream.indirect_vreg.gather [hbm4b:s13+s18], $0x80, v2, vm0, $0xb8;
	[tilespmem:$0x18800] =	vst v63  }
0x368: {  	s23 =	simm.s32 $0x3800  }
0x369: {  	[tilespmem:s23], [sflag:$0x1] =	stream.indirect_vreg.gather [hbm4b:s14+s18], $0x80, v2, vm0, $0xb8;
	[tilespmem:$0x18800] =	vst v63  }
0x36a: {  	s24 =	simm.s32 $0x4000;
	s25 =	sld [smem:$0x7F9]  }
0x36b: {  	[tilespmem:s24], [sflag:$0x1] =	stream.indirect_vreg.gather [hbm4b:s15+s18], $0x80, v2, vm0, $0xb8;
	[tilespmem:$0x18800] =	vst v63  }
0x36c: {  	s20 =	simm.s32 $0x8800  }
0x36d: {  	[tilespmem:s20], [sflag:$0x1] =	stream.linear.gather [hbm4b:s25+s18], $0x4000, $0x38;
	[tilespmem:$0x18800] =	vst v63  }
0x36e: {  	_ =	swait.ge [sflag:s6], $0x4000  }
0x36f: {  	[sflag:s6] =	ssyncset.done $0x0  }
0x370: {  	[sflag:s6] =	ssyncadd.s32 $0xFFFFC000  }
0x371: {  	_ =	swait.ge [sflag:s6], $0x4000  }
0x372: {  	[sflag:s6] =	ssyncset.done $0x0  }
0x373: {  	[sflag:s6] =	ssyncadd.s32 $0xFFFFC000  }
0x374: {  	_ =	swait.ge [sflag:s16], $0x4000  }
0x375: {  	[sflag:s16] =	ssyncset.done $0x0  }
0x376: {  	s19 =	simm.s32 $0x0;
	[sflag:s16] =	ssyncadd.s32 $0xFFFFC000  }
.LBB2_54:
0x377: {  	s20 =	sand.u32 $0x78, s18  }
0x378: {  	s20 =	sadd.s32 s19, s20  }
0x379: {  	s21 =	sand.u32 $0x70, s18;
	s20 =	sshll.u32 s20, $0x7  }
0x37a: {  	s20 =	sor.u32 s21, s20  }
0x37b: {  	v3 =	vld [tilespmem:s20+$0xC800]  }
0x37c: {  	s25 =	simm.s32 $0x1;
	v5 =	vld [tilespmem:s20+$0x4800]  }
0x37d: {  	s21 =	sand.u32 $0x78, s25  }
0x37e: {  	s22 =	simm.s32 $0x10;
	s21 =	sadd.s32 s19, s21  }
0x37f: {  	s23 =	sand.u32 $0x70, s22;
	s21 =	sshll.u32 s21, $0x7  }
0x380: {  	s21 =	sor.u32 s23, s21  }
0x381: {  	v2 =	vld [tilespmem:s21+$0xC800];
	v4 =	vmul.f32 $8.000000110e-01, v3;
	v5 =	vmul.f32 $2.000000030e-01, v5  }
0x382: {  	s23 =	simm.s32 $0x2;
	v3 =	vld [tilespmem:s21+$0x4800]  }
.LBB2_55:
0x383: {  	s24 =	sand.u32 $0x78, s23;
	s22 =	sadd.s32 $0x10, s22;
	v4 =	vadd.f32 v5, v4;
	p0 =	sne.s32 s23, $0x7F  }
.Ltmp26:
0x384: {  	s23 =	sadd.s32 $0x1, s23;
	s24 =	sadd.s32 s19, s24;
	(pc) =	sbr.rel @p0 .LBB2_55-.Ltmp26, $4  }
0x385: {  	s25 =	sand.u32 $0x70, s22;
	s24 =	sshll.u32 s24, $0x7;
	[tilespmem:s20+$0x14800] =	vst v4;
	s20 =	smov.u32 s21  }
0x386: {  	s21 =	sor.u32 s25, s24  }
0x387: {  	v4 =	vmul.f32 $8.000000110e-01, v2;
	v2 =	vld [tilespmem:s21+$0xC800];
	v5 =	vmul.f32 $2.000000030e-01, v3  }
0x388: {  	v3 =	vld [tilespmem:s21+$0x4800]  }
0x389: {  	_ =	sdelay $0x1  }
0x38a: {  	s19 =	sadd.s32 $0x1, s19  }
0x38b: {  	p0 =	sne.s32 s19, $0x8  }
.Ltmp27:
0x38c: {  	v2 =	vmul.f32 $8.000000110e-01, v2;
	v3 =	vmul.f32 $2.000000030e-01, v3;
	(pc) =	sbr.rel @p0 .LBB2_54-.Ltmp27, $4  }
0x38d: {  	v4 =	vadd.f32 v5, v4  }
0x38e: {  	v2 =	vadd.f32 v3, v2  }
0x38f: {  	[tilespmem:s20+$0x14800] =	vst v4  }
0x390: {  	[tilespmem:s21+$0x14800] =	vst v2  }
0x391: {  	s18 =	simm.s32 $0x0;
	s19 =	rddreg [dreg:$0x1e]  }
0x392: {  	[hbm4b:s19+s18] =	stream.linear.scatter [tilespmem:s8], [sflag:$0x2], $0x4000, $0x38;
	[tilespmem:$0x18800] =	vst v63  }
0x393: {  	v2 =	vld.msk [tilespmem:$0x780], $0xff;
	_ =	sdelay $0x4  }
0x394: {  	v3 =	vshll.u32 v2, $0x4  }
0x395: {  	v2 =	vand.u32 $0x7, v2;
	v3 =	vand.u32 $0xFFFFFF80, v3  }
0x396: {  	v2 =	vor.u32 v2, v3  }
0x397: {  	v2 =	vperm.xlane v2, v0;
	_ =	sdelay $0x1  }
0x398: {  	v2 =	vadd.s32 v1, v2;
	_ =	sdelay $0x4  }
0x399: {  	[tilespmem:s26], [sflag:$0x1] =	stream.indirect_vreg.gather [hbm4b:s1+s18], $0x80, v2, vm0, $0xb8;
	[tilespmem:$0x18800] =	vst v63  }
0x39a: {  	_ = 	snop  }
0x39b: {  	[tilespmem:s28], [sflag:$0x1] =	stream.indirect_vreg.gather [hbm4b:s9+s18], $0x80, v2, vm0, $0xb8;
	[tilespmem:$0x18800] =	vst v63  }
0x39c: {  	_ = 	snop  }
0x39d: {  	[tilespmem:s29], [sflag:$0x1] =	stream.indirect_vreg.gather [hbm4b:s10+s18], $0x80, v2, vm0, $0xb8;
	[tilespmem:$0x18800] =	vst v63  }
0x39e: {  	_ = 	snop  }
0x39f: {  	[tilespmem:s30], [sflag:$0x1] =	stream.indirect_vreg.gather [hbm4b:s11+s18], $0x80, v2, vm0, $0xb8;
	[tilespmem:$0x18800] =	vst v63  }
0x3a0: {  	_ = 	snop  }
0x3a1: {  	[tilespmem:s31], [sflag:$0x1] =	stream.indirect_vreg.gather [hbm4b:s12+s18], $0x80, v2, vm0, $0xb8;
	[tilespmem:$0x18800] =	vst v63  }
0x3a2: {  	_ = 	snop  }
0x3a3: {  	[tilespmem:s0], [sflag:$0x1] =	stream.indirect_vreg.gather [hbm4b:s13+s18], $0x80, v2, vm0, $0xb8;
	[tilespmem:$0x18800] =	vst v63  }
0x3a4: {  	_ = 	snop  }
0x3a5: {  	[tilespmem:s2], [sflag:$0x1] =	stream.indirect_vreg.gather [hbm4b:s14+s18], $0x80, v2, vm0, $0xb8;
	[tilespmem:$0x18800] =	vst v63  }
0x3a6: {  	s25 =	sld [smem:$0x7FC]  }
0x3a7: {  	[tilespmem:s4], [sflag:$0x1] =	stream.indirect_vreg.gather [hbm4b:s15+s18], $0x80, v2, vm0, $0xb8;
	[tilespmem:$0x18800] =	vst v63  }
0x3a8: {  	_ = 	snop  }
0x3a9: {  	[tilespmem:s5], [sflag:$0x1] =	stream.linear.gather [hbm4b:s25+s18], $0x4000, $0x38;
	[tilespmem:$0x18800] =	vst v63  }
0x3aa: {  	_ =	swait.ge [sflag:s6], $0x4000  }
0x3ab: {  	[sflag:s6] =	ssyncset.done $0x0  }
0x3ac: {  	[sflag:s6] =	ssyncadd.s32 $0xFFFFC000  }
0x3ad: {  	_ =	swait.ge [sflag:s6], $0x4000  }
0x3ae: {  	[sflag:s6] =	ssyncset.done $0x0  }
0x3af: {  	[sflag:s6] =	ssyncadd.s32 $0xFFFFC000  }
0x3b0: {  	_ =	swait.ge [sflag:s16], $0x4000  }
0x3b1: {  	[sflag:s16] =	ssyncset.done $0x0  }
0x3b2: {  	s19 =	simm.s32 $0x0;
	[sflag:s16] =	ssyncadd.s32 $0xFFFFC000  }
.LBB2_58:
0x3b3: {  	s20 =	sand.u32 $0x78, s18  }
0x3b4: {  	s20 =	sadd.s32 s19, s20  }
0x3b5: {  	s21 =	sand.u32 $0x70, s18;
	s20 =	sshll.u32 s20, $0x7  }
0x3b6: {  	s20 =	sor.u32 s21, s20  }
0x3b7: {  	v3 =	vld [tilespmem:s20+$0x8800]  }
0x3b8: {  	s25 =	simm.s32 $0x1;
	v5 =	vld [tilespmem:s20+$0x800]  }
0x3b9: {  	s21 =	sand.u32 $0x78, s25  }
0x3ba: {  	s22 =	simm.s32 $0x10;
	s21 =	sadd.s32 s19, s21  }
0x3bb: {  	s23 =	sand.u32 $0x70, s22;
	s21 =	sshll.u32 s21, $0x7  }
0x3bc: {  	s21 =	sor.u32 s23, s21  }
0x3bd: {  	v2 =	vld [tilespmem:s21+$0x8800];
	v4 =	vmul.f32 $8.000000110e-01, v3;
	v5 =	vmul.f32 $2.000000030e-01, v5  }
0x3be: {  	s23 =	simm.s32 $0x2;
	v3 =	vld [tilespmem:s21+$0x800]  }
.LBB2_59:
0x3bf: {  	s24 =	sand.u32 $0x78, s23;
	s22 =	sadd.s32 $0x10, s22;
	v4 =	vadd.f32 v5, v4;
	p0 =	sne.s32 s23, $0x7F  }
.Ltmp28:
0x3c0: {  	s23 =	sadd.s32 $0x1, s23;
	s24 =	sadd.s32 s19, s24;
	(pc) =	sbr.rel @p0 .LBB2_59-.Ltmp28, $4  }
0x3c1: {  	s25 =	sand.u32 $0x70, s22;
	s24 =	sshll.u32 s24, $0x7;
	[tilespmem:s20+$0x10800] =	vst v4;
	s20 =	smov.u32 s21  }
0x3c2: {  	s21 =	sor.u32 s25, s24  }
0x3c3: {  	v4 =	vmul.f32 $8.000000110e-01, v2;
	v2 =	vld [tilespmem:s21+$0x8800];
	v5 =	vmul.f32 $2.000000030e-01, v3  }
0x3c4: {  	v3 =	vld [tilespmem:s21+$0x800]  }
0x3c5: {  	_ =	sdelay $0x1  }
0x3c6: {  	s19 =	sadd.s32 $0x1, s19  }
0x3c7: {  	p0 =	sne.s32 s19, $0x8  }
.Ltmp29:
0x3c8: {  	v2 =	vmul.f32 $8.000000110e-01, v2;
	v3 =	vmul.f32 $2.000000030e-01, v3;
	(pc) =	sbr.rel @p0 .LBB2_58-.Ltmp29, $4  }
0x3c9: {  	v4 =	vadd.f32 v5, v4  }
0x3ca: {  	v2 =	vadd.f32 v3, v2  }
0x3cb: {  	[tilespmem:s20+$0x10800] =	vst v4  }
0x3cc: {  	[tilespmem:s21+$0x10800] =	vst v2  }
0x3cd: {  	s19 =	sld [smem:$0x7FA];
	_ =	sdelay $0x1  }
0x3ce: {  	s18 =	simm.s32 $0x0  }
0x3cf: {  	[hbm4b:s19+s18] =	stream.linear.scatter [tilespmem:s7], [sflag:$0x2], $0x4000, $0x38;
	[tilespmem:$0x18800] =	vst v63  }
0x3d0: {  	_ =	swait.ge [sflag:s6], $0x4000  }
0x3d1: {  	[sflag:s6] =	ssyncset.done $0x0  }
0x3d2: {  	[sflag:s6] =	ssyncadd.s32 $0xFFFFC000  }
0x3d3: {  	_ =	swait.ge [sflag:s6], $0x4000  }
0x3d4: {  	[sflag:s6] =	ssyncset.done $0x0  }
0x3d5: {  	[sflag:s6] =	ssyncadd.s32 $0xFFFFC000  }
0x3d6: {  	_ =	swait.ge [sflag:s16], $0x4000  }
0x3d7: {  	[sflag:s16] =	ssyncset.done $0x0  }
0x3d8: {  	s19 =	simm.s32 $0x0;
	[sflag:s16] =	ssyncadd.s32 $0xFFFFC000  }
.LBB2_62:
0x3d9: {  	s20 =	sand.u32 $0x78, s18  }
0x3da: {  	s20 =	sadd.s32 s19, s20  }
0x3db: {  	s21 =	sand.u32 $0x70, s18;
	s20 =	sshll.u32 s20, $0x7  }
0x3dc: {  	s20 =	sor.u32 s21, s20  }
0x3dd: {  	v3 =	vld [tilespmem:s20+$0xC800]  }
0x3de: {  	s25 =	simm.s32 $0x1;
	v5 =	vld [tilespmem:s20+$0x4800]  }
0x3df: {  	s21 =	sand.u32 $0x78, s25  }
0x3e0: {  	s22 =	simm.s32 $0x10;
	s21 =	sadd.s32 s19, s21  }
0x3e1: {  	s23 =	sand.u32 $0x70, s22;
	s21 =	sshll.u32 s21, $0x7  }
0x3e2: {  	s21 =	sor.u32 s23, s21  }
0x3e3: {  	v2 =	vld [tilespmem:s21+$0xC800];
	v4 =	vmul.f32 $8.000000110e-01, v3;
	v5 =	vmul.f32 $2.000000030e-01, v5  }
0x3e4: {  	s23 =	simm.s32 $0x2;
	v3 =	vld [tilespmem:s21+$0x4800]  }
.LBB2_63:
0x3e5: {  	s24 =	sand.u32 $0x78, s23;
	s22 =	sadd.s32 $0x10, s22;
	v4 =	vadd.f32 v5, v4;
	p0 =	sne.s32 s23, $0x7F  }
.Ltmp30:
0x3e6: {  	s23 =	sadd.s32 $0x1, s23;
	s24 =	sadd.s32 s19, s24;
	(pc) =	sbr.rel @p0 .LBB2_63-.Ltmp30, $4  }
0x3e7: {  	s25 =	sand.u32 $0x70, s22;
	s24 =	sshll.u32 s24, $0x7;
	[tilespmem:s20+$0x14800] =	vst v4;
	s20 =	smov.u32 s21  }
0x3e8: {  	s21 =	sor.u32 s25, s24  }
0x3e9: {  	v4 =	vmul.f32 $8.000000110e-01, v2;
	v2 =	vld [tilespmem:s21+$0xC800];
	v5 =	vmul.f32 $2.000000030e-01, v3  }
0x3ea: {  	v3 =	vld [tilespmem:s21+$0x4800]  }
0x3eb: {  	_ =	sdelay $0x1  }
0x3ec: {  	s19 =	sadd.s32 $0x1, s19  }
0x3ed: {  	p0 =	sne.s32 s19, $0x8  }
.Ltmp31:
0x3ee: {  	v2 =	vmul.f32 $8.000000110e-01, v2;
	v3 =	vmul.f32 $2.000000030e-01, v3;
	(pc) =	sbr.rel @p0 .LBB2_62-.Ltmp31, $4  }
0x3ef: {  	v4 =	vadd.f32 v5, v4  }
0x3f0: {  	v2 =	vadd.f32 v3, v2  }
0x3f1: {  	[tilespmem:s20+$0x14800] =	vst v4  }
0x3f2: {  	[tilespmem:s21+$0x14800] =	vst v2  }
0x3f3: {  	s18 =	sld [smem:$0x7FB];
	_ =	sdelay $0x2  }
0x3f4: {  	[hbm4b:s18+s3] =	stream.linear.scatter [tilespmem:s8], [sflag:$0x2], $0x4000, $0x38;
	[tilespmem:$0x18800] =	vst v63  }
0x3f5: {  	_ =	swait.ge [sflag:s16], $0x4000  }
0x3f6: {  	[sflag:s16] =	ssyncset.done $0x0  }
0x3f7: {  	[sflag:s16] =	ssyncadd.s32 $0xFFFFC000  }
0x3f8: {  	_ =	swait.ge [sflag:s16], $0x4000  }
0x3f9: {  	s25 =	sld [smem:$0x7FD];
	_ =	sdelay $0x1  }
0x3fa: {  	s17 =	sadd.s32 $0x1, s17  }
0x3fb: {  	p0 =	sne.s32 s17, s25  }
.Ltmp32:
0x3fc: {  	_ = 	snop;
	(pc) =	sbr.rel @p0 .LBB2_1-.Ltmp32, $3  }
0x3fd: {  	_ =	sdelay $0x1  }
0x3fe: {  	[sflag:s16] =	ssyncset.done $0x0  }
0x3ff: {  	[sflag:s16] =	ssyncadd.s32 $0xFFFFC000  }
0x400: {  	_ =	sfence.sel $0x180000  }
0x401: {  	[bflag:$0x0] =	sbarrier.arrive $0xFFFF  }
0x402: {  	_ =	strace $0x90000047  }
0x403: {  	s0 =	stileid.u32;
	[bflag:$0x2] =	sbarrier.arrive $0xFFFF  }
0x404: {  	p0 =	sne.s32 s0, $0x0;
	s0 =	rddreg [dreg:$0x3]  }
0x405: {  	s0 =	sadd.s32 @!p0 $0x100000, s0  }
0x406: {  	[sflag:s0] =	ssyncadd.tile.s32 @!p0 $0x1;
	_ =	shalt  }
.Lfunc_end2:
_tile_overlayer_lowered:
.L_overlay_start_2:
0x407: {  	(tag) =	ssettag $0x2  }
0x408: {  	s0 =	rddreg [dreg:$0x0];
	s2 =	stileid.u32  }
0x409: {  	s1 =	rddreg [dreg:$0x1];
	p0 =	sne.s32 s2, $0x0  }
0x40a: {  	s3 =	rddreg [dreg:$0x2];
	[bflag:$0x3] =	sbarrier.arrive $0xFFFF;
	s2 =	simm.s32 @!p0 $0x1C03  }
0x40b: {  	[timem:s3], [sflag:s2] =	dma.local @!p0 [hbm:s0], s1  }
0x40c: {  	s0 =	simm.s32 @!p0 $0x3  }
0x40d: {  	_ =	swait.ge @!p0 [sflag:s0], s1  }
0x40e: {  	s1 =	ssub.s32 @!p0 $0x0, s1;
	[sflag:s0] =	ssyncset.done @!p0 $0x0  }
0x40f: {  	[sflag:s0] =	ssyncadd.s32 @!p0 s1  }
0x410: {  	[bflag:$0x3] =	sbarrier.arrive $0xFFFF  }
0x411: {  	_ =	shalt  }

</sc_bundles>
